<compile_context>
chip_gen: v7x
topology: tpu7x:2x2x1
jax: 0.10.2.dev20260603
libtpu: 0.0.44.dev20260713+nightly
codegen_flags: <defaults>
</compile_context>

<pallas_src>
import jax
import jax.numpy as jnp
from jax import lax
from jax.experimental import pallas as pl
from jax.experimental.pallas import tpu as pltpu
from jax.experimental.pallas import tpu_sc as plsc

K = 8
B = 128
C = 768
P = 256
RROWS = B * P
NC, NS = 2, 16
NW = NC * NS
RPW = RROWS // NW
BPW = B // NW
NG = C // 16
GPT = NG // NS
CH = 16
NCHK = RPW // CH
GRC = RPW * NG


def _body(a2_hbm, w6_hbm, wg_hbm, o2_hbm, thr_hbm,
          in0, in1, ot0, ot1, thr_my, thr_v, wslab,
          is0, is1, os0, os1):
    cid = lax.axis_index("c")
    sid = lax.axis_index("s")
    wid = sid * NC + cid
    r0 = wid * RPW

    def in_slice(j):
        return a2_hbm.at[pl.ds(r0 + j * CH, CH), :]

    def out_slice(j):
        return o2_hbm.at[pl.ds(r0 + j * CH, CH), :]

    pltpu.make_async_copy(in_slice(0), in0, is0).start()
    pltpu.make_async_copy(in_slice(1), in1, is1).start()

    NEG = jnp.full((16,), -jnp.inf, jnp.float32)

    for gg in range(GPT):
        g = sid * GPT + gg
        pltpu.sync_copy(wg_hbm.at[g], wslab.at[pl.ds(0, B)])

        def ins(j, s):
            x = wslab[j]
            out = []
            for k in range(K):
                hi = jnp.maximum(s[k], x)
                x = jnp.minimum(s[k], x)
                out.append(hi)
            return tuple(out)
        s = lax.fori_loop(0, B, ins, (NEG,) * K)
        thr_my[...] = s[K - 1]
        pltpu.sync_copy(thr_my, thr_hbm.at[(cid * NS + sid) * 8 + gg])

    plsc.subcore_barrier()
    pltpu.sync_copy(thr_hbm.at[pl.ds(cid * NS * 8, NS * 8)], thr_v)

    pltpu.sync_copy(w6_hbm.at[pl.ds(wid * (BPW * NG), BPW * NG)], wslab)

    HG = NG // 2

    def compute(j, ibuf, obuf):
        i = lax.div(j, jnp.int32(NCHK // BPW))
        for half in range(2):
            masks = tuple(
                jnp.where(
                    wslab[i * NG + half * HG + gg]
                    >= thr_v[8 * ((half * HG + gg) // GPT)
                             + (half * HG + gg) % GPT],
                    1.0, 0.0)
                for gg in range(HG))

            def rows(r, ms):
                for gg in range(HG):
                    gcol = 16 * (half * HG + gg)
                    obuf[r, pl.ds(gcol, 16)] = (
                        ibuf[r, pl.ds(gcol, 16)] * ms[gg])
                return ms
            lax.fori_loop(0, CH, rows, masks)

    def step(t, c):
        j0 = 2 * t
        j1 = 2 * t + 1

        pltpu.make_async_copy(in_slice(j0), in0, is0).wait()

        @pl.when(t > 0)
        def _():
            pltpu.make_async_copy(ot0, out_slice(j0 - 2), os0).wait()
        compute(j0, in0, ot0)
        pltpu.make_async_copy(ot0, out_slice(j0), os0).start()

        @pl.when(j0 + 2 < NCHK)
        def _():
            pltpu.make_async_copy(in_slice(j0 + 2), in0, is0).start()

        pltpu.make_async_copy(in_slice(j1), in1, is1).wait()

        @pl.when(t > 0)
        def _():
            pltpu.make_async_copy(ot1, out_slice(j1 - 2), os1).wait()
        compute(j1, in1, ot1)
        pltpu.make_async_copy(ot1, out_slice(j1), os1).start()

        @pl.when(j1 + 2 < NCHK)
        def _():
            pltpu.make_async_copy(in_slice(j1 + 2), in1, is1).start()
        return c

    lax.fori_loop(0, NCHK // 2, step, 0)
    pltpu.make_async_copy(ot0, out_slice(NCHK - 2), os0).wait()
    pltpu.make_async_copy(ot1, out_slice(NCHK - 1), os1).wait()


def kernel(activations, winners):
    a2 = activations.transpose(0, 2, 3, 1).reshape(RROWS, C)
    w6 = winners.reshape(B * NG, 16)
    wg = winners.reshape(B, NG, 16).transpose(1, 0, 2)
    mesh = plsc.VectorSubcoreMesh(core_axis_name="c", subcore_axis_name="s")
    out = pl.kernel(
        _body,
        out_type=(jax.ShapeDtypeStruct((RROWS, C), jnp.float32),
                  jax.ShapeDtypeStruct((NW * 8, 16), jnp.float32)),
        mesh=mesh,
        compiler_params=pltpu.CompilerParams(
            needs_layout_passes=False, use_tc_tiling_on_sc=True),
        scratch_types=[
            pltpu.VMEM((CH, C), jnp.float32),
            pltpu.VMEM((CH, C), jnp.float32),
            pltpu.VMEM((CH, C), jnp.float32),
            pltpu.VMEM((CH, C), jnp.float32),
            pltpu.VMEM((16,), jnp.float32),
            pltpu.VMEM((NS * 8, 16), jnp.float32),
            pltpu.VMEM((BPW * NG, 16), jnp.float32),
            pltpu.SemaphoreType.DMA,
            pltpu.SemaphoreType.DMA,
            pltpu.SemaphoreType.DMA,
            pltpu.SemaphoreType.DMA,
        ],
    )(a2, w6, wg)
    o = out[0].reshape(B, 16, 16, C).transpose(0, 3, 1, 2)
    return o

# --- scband reference (transcript-rebuilt; emitter-appended) ---
"""Pipeline reference for scband-lifetime-sparsity-7413113552937 (READ-ONLY COPY).

The authoritative reference and input builder live on the scoring server;
editing this copy changes nothing except your own understanding.
"""

import jax, jax.numpy as jnp
import numpy as np

K = 8

def setup_inputs(seed: int = 0) -> dict:
    key = jax.random.key(seed)
    k1, k2 = jax.random.split(key)
    activations = jax.random.normal(k1, (128, 768, 16, 16), dtype=jnp.float32)
    winners = jax.random.normal(k2, (128, 768), dtype=jnp.float32)
    return {"activations": activations, "winners": winners}

def reference(activations, winners):
    # torch: winners = winners.transpose(1,0) -> [C, B]
    wT = jnp.transpose(winners, (1, 0))
    # torch: new_winners, _ = torch.topk(winners, k, dim=-1)
    new_winners, _ = jax.lax.top_k(wT, K)
    thresh = new_winners[:, K - 1:K]  # [C, 1], k-th largest per channel
    # torch: mask = where(winners < thresh, 0, 1)
    mask = jnp.where(wT < thresh, 0.0, 1.0)  # [C, B]
    mask = jnp.transpose(mask, (1, 0))  # [B, C]
    mask = mask[:, :, None, None]  # [B, C, 1, 1]
    return activations * mask

if __name__ == "__main__":
    import jax
    _d = setup_inputs()
    print(jax.jit(kernel)(*tuple(_d.values())))

</pallas_src>

<mosaic_0001>
#map = affine_map<(d0, d1) -> (0, 0)>
#map1 = affine_map<(d0, d1) -> (0, 0, 0)>
module attributes {stable_mosaic.version = 14 : i64} {
  func.func @_body(%arg0: i32, %arg1: i32, %arg2: memref<32768x768xf32, #tpu.memory_space<hbm>>, %arg3: memref<6144x16xf32, #tpu.memory_space<hbm>>, %arg4: memref<48x128x16xf32, #tpu.memory_space<hbm>>, %arg5: memref<32768x768xf32, #tpu.memory_space<hbm>>, %arg6: memref<256x16xf32, #tpu.memory_space<hbm>>, %arg7: memref<16x768xf32, #tpu.memory_space<vmem>>, %arg8: memref<16x768xf32, #tpu.memory_space<vmem>>, %arg9: memref<16x768xf32, #tpu.memory_space<vmem>>, %arg10: memref<16x768xf32, #tpu.memory_space<vmem>>, %arg11: memref<16xf32, #tpu.memory_space<vmem>>, %arg12: memref<128x16xf32, #tpu.memory_space<vmem>>, %arg13: memref<192x16xf32, #tpu.memory_space<vmem>>, %arg14: memref<!tpu.dma_semaphore, #tpu.memory_space<semaphore_mem>>, %arg15: memref<!tpu.dma_semaphore, #tpu.memory_space<semaphore_mem>>, %arg16: memref<!tpu.dma_semaphore, #tpu.memory_space<semaphore_mem>>, %arg17: memref<!tpu.dma_semaphore, #tpu.memory_space<semaphore_mem>>) attributes {dimension_semantics = [#tpu.dimension_semantics<core_parallel>, #tpu.dimension_semantics<subcore_parallel>], iteration_bounds = array<i64: 2, 16>, scalar_prefetch = 0 : i64, scratch_operands = 11 : i64, tpu.core_type = #tpu.core_type<sc_vector_subcore>, window_params = [{transform_indices = #map}, {transform_indices = #map}, {transform_indices = #map1}, {transform_indices = #map}, {transform_indices = #map}]} {
    %mul3A = arith.constant 2 : i32
    %mul3A_0 = arith.muli %arg1, %mul3A : i32
    %add3A = arith.addi %mul3A_0, %arg0 : i32
    %mul3A_1 = arith.constant 1024 : i32
    %mul3A_2 = arith.muli %add3A, %mul3A_1 : i32
    %add3A_3 = arith.constant 0 : i32
    %add3A_4 = arith.addi %mul3A_2, %add3A_3 : i32
    %dma_start3A = arith.constant 0 : i32
    %dma_start3A_5 = tpu.memref_slice %arg2[%add3A_4, %dma_start3A] : memref<32768x768xf32, #tpu.memory_space<hbm>> -> memref<16x768xf32, #tpu.memory_space<hbm>>
    %dma_start3A_6 = arith.constant 0 : i32
    %dma_start3A_7 = tpu.memref_slice %arg2[%add3A_4, %dma_start3A_6] : memref<32768x768xf32, #tpu.memory_space<hbm>> -> memref<16x768xf32, #tpu.memory_space<hbm>>
    tpu.enqueue_dma source(%dma_start3A_7 : memref<16x768xf32, #tpu.memory_space<hbm>>) target(%arg7 : memref<16x768xf32, #tpu.memory_space<vmem>>) target_semaphore(%arg14 : memref<!tpu.dma_semaphore, #tpu.memory_space<semaphore_mem>>)
    %add3A_8 = arith.constant 16 : i32
    %add3A_9 = arith.addi %mul3A_2, %add3A_8 : i32
    %dma_start3A_10 = arith.constant 0 : i32
    %dma_start3A_11 = tpu.memref_slice %arg2[%add3A_9, %dma_start3A_10] : memref<32768x768xf32, #tpu.memory_space<hbm>> -> memref<16x768xf32, #tpu.memory_space<hbm>>
    %dma_start3A_12 = arith.constant 0 : i32
    %dma_start3A_13 = tpu.memref_slice %arg2[%add3A_9, %dma_start3A_12] : memref<32768x768xf32, #tpu.memory_space<hbm>> -> memref<16x768xf32, #tpu.memory_space<hbm>>
    tpu.enqueue_dma source(%dma_start3A_13 : memref<16x768xf32, #tpu.memory_space<hbm>>) target(%arg8 : memref<16x768xf32, #tpu.memory_space<vmem>>) target_semaphore(%arg15 : memref<!tpu.dma_semaphore, #tpu.memory_space<semaphore_mem>>)
    %broadcast_in_dim3A = arith.constant 0xFF800000 : f32
    %broadcast_in_dim3A_14 = vector.broadcast %broadcast_in_dim3A : f32 to vector<16xf32>
    %mul3A_15 = arith.constant 3 : i32
    %mul3A_16 = arith.muli %arg1, %mul3A_15 : i32
    %add3A_17 = arith.constant 0 : i32
    %add3A_18 = arith.addi %mul3A_16, %add3A_17 : i32
    "tpu.region"() ({
      %run_scoped3A = tpu.sem_alloc : memref<!tpu.dma_semaphore, #tpu.memory_space<semaphore_mem>>
      %dma_start3A_93 = arith.constant 0 : i32
      %dma_start3A_94 = arith.constant 0 : i32
      %dma_start3A_95 = tpu.memref_slice %arg13[%dma_start3A_93, %dma_start3A_94] : memref<192x16xf32, #tpu.memory_space<vmem>> -> memref<128x16xf32, #tpu.memory_space<vmem>>
      %dma_start3A_96 = arith.constant 0 : i32
      %dma_start3A_97 = arith.constant 0 : i32
      %dma_start3A_98 = tpu.memref_slice %arg4[%add3A_18, %dma_start3A_96, %dma_start3A_97] : memref<48x128x16xf32, #tpu.memory_space<hbm>> -> memref<1x128x16xf32, #tpu.memory_space<hbm>>
      %dma_start3A_99 = tpu.memref_squeeze %dma_start3A_98 : memref<1x128x16xf32, #tpu.memory_space<hbm>> -> memref<128x16xf32, #tpu.memory_space<hbm>>
      %dma_start3A_100 = arith.constant 0 : i32
      %dma_start3A_101 = arith.constant 0 : i32
      %dma_start3A_102 = tpu.memref_slice %arg13[%dma_start3A_100, %dma_start3A_101] : memref<192x16xf32, #tpu.memory_space<vmem>> -> memref<128x16xf32, #tpu.memory_space<vmem>>
      %dma_start3A_103 = arith.constant 0 : i32
      %dma_start3A_104 = arith.constant 0 : i32
      %dma_start3A_105 = tpu.memref_slice %arg4[%add3A_18, %dma_start3A_103, %dma_start3A_104] : memref<48x128x16xf32, #tpu.memory_space<hbm>> -> memref<1x128x16xf32, #tpu.memory_space<hbm>>
      %dma_start3A_106 = tpu.memref_squeeze %dma_start3A_105 : memref<1x128x16xf32, #tpu.memory_space<hbm>> -> memref<128x16xf32, #tpu.memory_space<hbm>>
      tpu.enqueue_dma source(%dma_start3A_106 : memref<128x16xf32, #tpu.memory_space<hbm>>) target(%dma_start3A_102 : memref<128x16xf32, #tpu.memory_space<vmem>>) target_semaphore(%run_scoped3A : memref<!tpu.dma_semaphore, #tpu.memory_space<semaphore_mem>>)
      %dma_wait3A_107 = arith.constant 0 : i32
      %dma_wait3A_108 = arith.constant 0 : i32
      %dma_wait3A_109 = tpu.memref_slice %arg13[%dma_wait3A_107, %dma_wait3A_108] : memref<192x16xf32, #tpu.memory_space<vmem>> -> memref<128x16xf32, #tpu.memory_space<vmem>>
      %dma_wait3A_110 = arith.constant 0 : i32
      %dma_wait3A_111 = arith.constant 0 : i32
      %dma_wait3A_112 = tpu.memref_slice %arg4[%add3A_18, %dma_wait3A_110, %dma_wait3A_111] : memref<48x128x16xf32, #tpu.memory_space<hbm>> -> memref<1x128x16xf32, #tpu.memory_space<hbm>>
      %dma_wait3A_113 = tpu.memref_squeeze %dma_wait3A_112 : memref<1x128x16xf32, #tpu.memory_space<hbm>> -> memref<128x16xf32, #tpu.memory_space<hbm>>
      %dma_wait3A_114 = arith.constant 0 : i32
      %dma_wait3A_115 = arith.constant 0 : i32
      %dma_wait3A_116 = tpu.memref_slice %arg13[%dma_wait3A_114, %dma_wait3A_115] : memref<192x16xf32, #tpu.memory_space<vmem>> -> memref<128x16xf32, #tpu.memory_space<vmem>>
      %dma_wait3A_117 = arith.constant 0 : i32
      %dma_wait3A_118 = arith.constant 0 : i32
      %dma_wait3A_119 = tpu.memref_slice %arg4[%add3A_18, %dma_wait3A_117, %dma_wait3A_118] : memref<48x128x16xf32, #tpu.memory_space<hbm>> -> memref<1x128x16xf32, #tpu.memory_space<hbm>>
      %dma_wait3A_120 = tpu.memref_squeeze %dma_wait3A_119 : memref<1x128x16xf32, #tpu.memory_space<hbm>> -> memref<128x16xf32, #tpu.memory_space<hbm>>
      tpu.wait_dma2 semaphore(%run_scoped3A : memref<!tpu.dma_semaphore, #tpu.memory_space<semaphore_mem>>) src(%dma_wait3A_120 : memref<128x16xf32, #tpu.memory_space<hbm>>) dst(%dma_wait3A_116 : memref<128x16xf32, #tpu.memory_space<vmem>>)
      tpu.yield
    }) : () -> ()
    %scan3A = arith.constant 0 : i32
    %scan3A_19 = arith.constant 128 : i32
    %scan3A_20 = arith.addi %scan3A, %scan3A_19 : i32
    %scan3A_21 = arith.constant 1 : i32
    %scan3A_22:8 = scf.for %scan3A_93 = %scan3A to %scan3A_20 step %scan3A_21 iter_args(%scan3A_94 = %broadcast_in_dim3A_14, %scan3A_95 = %broadcast_in_dim3A_14, %scan3A_96 = %broadcast_in_dim3A_14, %scan3A_97 = %broadcast_in_dim3A_14, %scan3A_98 = %broadcast_in_dim3A_14, %scan3A_99 = %broadcast_in_dim3A_14, %scan3A_100 = %broadcast_in_dim3A_14, %scan3A_101 = %broadcast_in_dim3A_14) -> (vector<16xf32>, vector<16xf32>, vector<16xf32>, vector<16xf32>, vector<16xf32>, vector<16xf32>, vector<16xf32>, vector<16xf32>)  : i32 {
      %get3A = arith.index_cast %scan3A_93 : i32 to index
      %get3A_102 = arith.constant 0 : index
      %get3A_103 = tpu.vector_load %arg13[%get3A, %get3A_102] {strides = array<i32>} : memref<192x16xf32, #tpu.memory_space<vmem>>, vector<16xf32>,
      %max3A = arith.maximumf %scan3A_94, %get3A_103 : vector<16xf32>
      %min3A = arith.minimumf %scan3A_94, %get3A_103 : vector<16xf32>
      %max3A_104 = arith.maximumf %scan3A_95, %min3A : vector<16xf32>
      %min3A_105 = arith.minimumf %scan3A_95, %min3A : vector<16xf32>
      %max3A_106 = arith.maximumf %scan3A_96, %min3A_105 : vector<16xf32>
      %min3A_107 = arith.minimumf %scan3A_96, %min3A_105 : vector<16xf32>
      %max3A_108 = arith.maximumf %scan3A_97, %min3A_107 : vector<16xf32>
      %min3A_109 = arith.minimumf %scan3A_97, %min3A_107 : vector<16xf32>
      %max3A_110 = arith.maximumf %scan3A_98, %min3A_109 : vector<16xf32>
      %min3A_111 = arith.minimumf %scan3A_98, %min3A_109 : vector<16xf32>
      %max3A_112 = arith.maximumf %scan3A_99, %min3A_111 : vector<16xf32>
      %min3A_113 = arith.minimumf %scan3A_99, %min3A_111 : vector<16xf32>
      %max3A_114 = arith.maximumf %scan3A_100, %min3A_113 : vector<16xf32>
      %min3A_115 = arith.minimumf %scan3A_100, %min3A_113 : vector<16xf32>
      %max3A_116 = arith.maximumf %scan3A_101, %min3A_115 : vector<16xf32>
      %min3A_117 = arith.minimumf %scan3A_101, %min3A_115 : vector<16xf32>
      scf.yield %max3A, %max3A_104, %max3A_106, %max3A_108, %max3A_110, %max3A_112, %max3A_114, %max3A_116 : vector<16xf32>, vector<16xf32>, vector<16xf32>, vector<16xf32>, vector<16xf32>, vector<16xf32>, vector<16xf32>, vector<16xf32>
    }
    %scan3A_23 = arith.constant 128 : i32
    %swap3A = arith.constant 0 : index
    %swap3A_24 = tpu.vector_load %arg11[%swap3A] {strides = array<i32>} : memref<16xf32, #tpu.memory_space<vmem>>, vector<16xf32>,
    tpu.vector_store %arg11[%swap3A], %scan3A_22#7 {strides = array<i32>} : memref<16xf32, #tpu.memory_space<vmem>>, vector<16xf32>,
    %mul3A_25 = arith.constant 16 : i32
    %mul3A_26 = arith.muli %arg0, %mul3A_25 : i32
    %add3A_27 = arith.addi %mul3A_26, %arg1 : i32
    %mul3A_28 = arith.constant 8 : i32
    %mul3A_29 = arith.muli %add3A_27, %mul3A_28 : i32
    %add3A_30 = arith.constant 0 : i32
    %add3A_31 = arith.addi %mul3A_29, %add3A_30 : i32
    "tpu.region"() ({
      %run_scoped3A = tpu.sem_alloc : memref<!tpu.dma_semaphore, #tpu.memory_space<semaphore_mem>>
      %dma_start3A_93 = arith.constant 0 : i32
      %dma_start3A_94 = tpu.memref_slice %arg6[%add3A_31, %dma_start3A_93] : memref<256x16xf32, #tpu.memory_space<hbm>> -> memref<1x16xf32, #tpu.memory_space<hbm>>
      %dma_start3A_95 = tpu.memref_squeeze %dma_start3A_94 : memref<1x16xf32, #tpu.memory_space<hbm>> -> memref<16xf32, #tpu.memory_space<hbm>>
      %dma_start3A_96 = arith.constant 0 : i32
      %dma_start3A_97 = tpu.memref_slice %arg6[%add3A_31, %dma_start3A_96] : memref<256x16xf32, #tpu.memory_space<hbm>> -> memref<1x16xf32, #tpu.memory_space<hbm>>
      %dma_start3A_98 = tpu.memref_squeeze %dma_start3A_97 : memref<1x16xf32, #tpu.memory_space<hbm>> -> memref<16xf32, #tpu.memory_space<hbm>>
      tpu.enqueue_dma source(%arg11 : memref<16xf32, #tpu.memory_space<vmem>>) target(%dma_start3A_98 : memref<16xf32, #tpu.memory_space<hbm>>) target_semaphore(%run_scoped3A : memref<!tpu.dma_semaphore, #tpu.memory_space<semaphore_mem>>)
      %dma_wait3A_99 = arith.constant 0 : i32
      %dma_wait3A_100 = tpu.memref_slice %arg6[%add3A_31, %dma_wait3A_99] : memref<256x16xf32, #tpu.memory_space<hbm>> -> memref<1x16xf32, #tpu.memory_space<hbm>>
      %dma_wait3A_101 = tpu.memref_squeeze %dma_wait3A_100 : memref<1x16xf32, #tpu.memory_space<hbm>> -> memref<16xf32, #tpu.memory_space<hbm>>
      %dma_wait3A_102 = arith.constant 0 : i32
      %dma_wait3A_103 = tpu.memref_slice %arg6[%add3A_31, %dma_wait3A_102] : memref<256x16xf32, #tpu.memory_space<hbm>> -> memref<1x16xf32, #tpu.memory_space<hbm>>
      %dma_wait3A_104 = tpu.memref_squeeze %dma_wait3A_103 : memref<1x16xf32, #tpu.memory_space<hbm>> -> memref<16xf32, #tpu.memory_space<hbm>>
      tpu.wait_dma2 semaphore(%run_scoped3A : memref<!tpu.dma_semaphore, #tpu.memory_space<semaphore_mem>>) src(%arg11 : memref<16xf32, #tpu.memory_space<vmem>>) dst(%dma_wait3A_104 : memref<16xf32, #tpu.memory_space<hbm>>)
      tpu.yield
    }) : () -> ()
    %mul3A_32 = arith.constant 3 : i32
    %mul3A_33 = arith.muli %arg1, %mul3A_32 : i32
    %add3A_34 = arith.constant 1 : i32
    %add3A_35 = arith.addi %mul3A_33, %add3A_34 : i32
    "tpu.region"() ({
      %run_scoped3A = tpu.sem_alloc : memref<!tpu.dma_semaphore, #tpu.memory_space<semaphore_mem>>
      %dma_start3A_93 = arith.constant 0 : i32
      %dma_start3A_94 = arith.constant 0 : i32
      %dma_start3A_95 = tpu.memref_slice %arg13[%dma_start3A_93, %dma_start3A_94] : memref<192x16xf32, #tpu.memory_space<vmem>> -> memref<128x16xf32, #tpu.memory_space<vmem>>
      %dma_start3A_96 = arith.constant 0 : i32
      %dma_start3A_97 = arith.constant 0 : i32
      %dma_start3A_98 = tpu.memref_slice %arg4[%add3A_35, %dma_start3A_96, %dma_start3A_97] : memref<48x128x16xf32, #tpu.memory_space<hbm>> -> memref<1x128x16xf32, #tpu.memory_space<hbm>>
      %dma_start3A_99 = tpu.memref_squeeze %dma_start3A_98 : memref<1x128x16xf32, #tpu.memory_space<hbm>> -> memref<128x16xf32, #tpu.memory_space<hbm>>
      %dma_start3A_100 = arith.constant 0 : i32
      %dma_start3A_101 = arith.constant 0 : i32
      %dma_start3A_102 = tpu.memref_slice %arg13[%dma_start3A_100, %dma_start3A_101] : memref<192x16xf32, #tpu.memory_space<vmem>> -> memref<128x16xf32, #tpu.memory_space<vmem>>
      %dma_start3A_103 = arith.constant 0 : i32
      %dma_start3A_104 = arith.constant 0 : i32
      %dma_start3A_105 = tpu.memref_slice %arg4[%add3A_35, %dma_start3A_103, %dma_start3A_104] : memref<48x128x16xf32, #tpu.memory_space<hbm>> -> memref<1x128x16xf32, #tpu.memory_space<hbm>>
      %dma_start3A_106 = tpu.memref_squeeze %dma_start3A_105 : memref<1x128x16xf32, #tpu.memory_space<hbm>> -> memref<128x16xf32, #tpu.memory_space<hbm>>
      tpu.enqueue_dma source(%dma_start3A_106 : memref<128x16xf32, #tpu.memory_space<hbm>>) target(%dma_start3A_102 : memref<128x16xf32, #tpu.memory_space<vmem>>) target_semaphore(%run_scoped3A : memref<!tpu.dma_semaphore, #tpu.memory_space<semaphore_mem>>)
      %dma_wait3A_107 = arith.constant 0 : i32
      %dma_wait3A_108 = arith.constant 0 : i32
      %dma_wait3A_109 = tpu.memref_slice %arg13[%dma_wait3A_107, %dma_wait3A_108] : memref<192x16xf32, #tpu.memory_space<vmem>> -> memref<128x16xf32, #tpu.memory_space<vmem>>
      %dma_wait3A_110 = arith.constant 0 : i32
      %dma_wait3A_111 = arith.constant 0 : i32
      %dma_wait3A_112 = tpu.memref_slice %arg4[%add3A_35, %dma_wait3A_110, %dma_wait3A_111] : memref<48x128x16xf32, #tpu.memory_space<hbm>> -> memref<1x128x16xf32, #tpu.memory_space<hbm>>
      %dma_wait3A_113 = tpu.memref_squeeze %dma_wait3A_112 : memref<1x128x16xf32, #tpu.memory_space<hbm>> -> memref<128x16xf32, #tpu.memory_space<hbm>>
      %dma_wait3A_114 = arith.constant 0 : i32
      %dma_wait3A_115 = arith.constant 0 : i32
      %dma_wait3A_116 = tpu.memref_slice %arg13[%dma_wait3A_114, %dma_wait3A_115] : memref<192x16xf32, #tpu.memory_space<vmem>> -> memref<128x16xf32, #tpu.memory_space<vmem>>
      %dma_wait3A_117 = arith.constant 0 : i32
      %dma_wait3A_118 = arith.constant 0 : i32
      %dma_wait3A_119 = tpu.memref_slice %arg4[%add3A_35, %dma_wait3A_117, %dma_wait3A_118] : memref<48x128x16xf32, #tpu.memory_space<hbm>> -> memref<1x128x16xf32, #tpu.memory_space<hbm>>
      %dma_wait3A_120 = tpu.memref_squeeze %dma_wait3A_119 : memref<1x128x16xf32, #tpu.memory_space<hbm>> -> memref<128x16xf32, #tpu.memory_space<hbm>>
      tpu.wait_dma2 semaphore(%run_scoped3A : memref<!tpu.dma_semaphore, #tpu.memory_space<semaphore_mem>>) src(%dma_wait3A_120 : memref<128x16xf32, #tpu.memory_space<hbm>>) dst(%dma_wait3A_116 : memref<128x16xf32, #tpu.memory_space<vmem>>)
      tpu.yield
    }) : () -> ()
    %scan3A_36 = arith.constant 0 : i32
    %scan3A_37 = arith.constant 128 : i32
    %scan3A_38 = arith.addi %scan3A_36, %scan3A_37 : i32
    %scan3A_39 = arith.constant 1 : i32
    %scan3A_40:8 = scf.for %scan3A_93 = %scan3A_36 to %scan3A_38 step %scan3A_39 iter_args(%scan3A_94 = %broadcast_in_dim3A_14, %scan3A_95 = %broadcast_in_dim3A_14, %scan3A_96 = %broadcast_in_dim3A_14, %scan3A_97 = %broadcast_in_dim3A_14, %scan3A_98 = %broadcast_in_dim3A_14, %scan3A_99 = %broadcast_in_dim3A_14, %scan3A_100 = %broadcast_in_dim3A_14, %scan3A_101 = %broadcast_in_dim3A_14) -> (vector<16xf32>, vector<16xf32>, vector<16xf32>, vector<16xf32>, vector<16xf32>, vector<16xf32>, vector<16xf32>, vector<16xf32>)  : i32 {
      %get3A = arith.index_cast %scan3A_93 : i32 to index
      %get3A_102 = arith.constant 0 : index
      %get3A_103 = tpu.vector_load %arg13[%get3A, %get3A_102] {strides = array<i32>} : memref<192x16xf32, #tpu.memory_space<vmem>>, vector<16xf32>,
      %max3A = arith.maximumf %scan3A_94, %get3A_103 : vector<16xf32>
      %min3A = arith.minimumf %scan3A_94, %get3A_103 : vector<16xf32>
      %max3A_104 = arith.maximumf %scan3A_95, %min3A : vector<16xf32>
      %min3A_105 = arith.minimumf %scan3A_95, %min3A : vector<16xf32>
      %max3A_106 = arith.maximumf %scan3A_96, %min3A_105 : vector<16xf32>
      %min3A_107 = arith.minimumf %scan3A_96, %min3A_105 : vector<16xf32>
      %max3A_108 = arith.maximumf %scan3A_97, %min3A_107 : vector<16xf32>
      %min3A_109 = arith.minimumf %scan3A_97, %min3A_107 : vector<16xf32>
      %max3A_110 = arith.maximumf %scan3A_98, %min3A_109 : vector<16xf32>
      %min3A_111 = arith.minimumf %scan3A_98, %min3A_109 : vector<16xf32>
      %max3A_112 = arith.maximumf %scan3A_99, %min3A_111 : vector<16xf32>
      %min3A_113 = arith.minimumf %scan3A_99, %min3A_111 : vector<16xf32>
      %max3A_114 = arith.maximumf %scan3A_100, %min3A_113 : vector<16xf32>
      %min3A_115 = arith.minimumf %scan3A_100, %min3A_113 : vector<16xf32>
      %max3A_116 = arith.maximumf %scan3A_101, %min3A_115 : vector<16xf32>
      %min3A_117 = arith.minimumf %scan3A_101, %min3A_115 : vector<16xf32>
      scf.yield %max3A, %max3A_104, %max3A_106, %max3A_108, %max3A_110, %max3A_112, %max3A_114, %max3A_116 : vector<16xf32>, vector<16xf32>, vector<16xf32>, vector<16xf32>, vector<16xf32>, vector<16xf32>, vector<16xf32>, vector<16xf32>
    }
    %scan3A_41 = arith.constant 128 : i32
    %swap3A_42 = arith.constant 0 : index
    %swap3A_43 = tpu.vector_load %arg11[%swap3A_42] {strides = array<i32>} : memref<16xf32, #tpu.memory_space<vmem>>, vector<16xf32>,
    tpu.vector_store %arg11[%swap3A_42], %scan3A_40#7 {strides = array<i32>} : memref<16xf32, #tpu.memory_space<vmem>>, vector<16xf32>,
    %mul3A_44 = arith.constant 16 : i32
    %mul3A_45 = arith.muli %arg0, %mul3A_44 : i32
    %add3A_46 = arith.addi %mul3A_45, %arg1 : i32
    %mul3A_47 = arith.constant 8 : i32
    %mul3A_48 = arith.muli %add3A_46, %mul3A_47 : i32
    %add3A_49 = arith.constant 1 : i32
    %add3A_50 = arith.addi %mul3A_48, %add3A_49 : i32
    "tpu.region"() ({
      %run_scoped3A = tpu.sem_alloc : memref<!tpu.dma_semaphore, #tpu.memory_space<semaphore_mem>>
      %dma_start3A_93 = arith.constant 0 : i32
      %dma_start3A_94 = tpu.memref_slice %arg6[%add3A_50, %dma_start3A_93] : memref<256x16xf32, #tpu.memory_space<hbm>> -> memref<1x16xf32, #tpu.memory_space<hbm>>
      %dma_start3A_95 = tpu.memref_squeeze %dma_start3A_94 : memref<1x16xf32, #tpu.memory_space<hbm>> -> memref<16xf32, #tpu.memory_space<hbm>>
      %dma_start3A_96 = arith.constant 0 : i32
      %dma_start3A_97 = tpu.memref_slice %arg6[%add3A_50, %dma_start3A_96] : memref<256x16xf32, #tpu.memory_space<hbm>> -> memref<1x16xf32, #tpu.memory_space<hbm>>
      %dma_start3A_98 = tpu.memref_squeeze %dma_start3A_97 : memref<1x16xf32, #tpu.memory_space<hbm>> -> memref<16xf32, #tpu.memory_space<hbm>>
      tpu.enqueue_dma source(%arg11 : memref<16xf32, #tpu.memory_space<vmem>>) target(%dma_start3A_98 : memref<16xf32, #tpu.memory_space<hbm>>) target_semaphore(%run_scoped3A : memref<!tpu.dma_semaphore, #tpu.memory_space<semaphore_mem>>)
      %dma_wait3A_99 = arith.constant 0 : i32
      %dma_wait3A_100 = tpu.memref_slice %arg6[%add3A_50, %dma_wait3A_99] : memref<256x16xf32, #tpu.memory_space<hbm>> -> memref<1x16xf32, #tpu.memory_space<hbm>>
      %dma_wait3A_101 = tpu.memref_squeeze %dma_wait3A_100 : memref<1x16xf32, #tpu.memory_space<hbm>> -> memref<16xf32, #tpu.memory_space<hbm>>
      %dma_wait3A_102 = arith.constant 0 : i32
      %dma_wait3A_103 = tpu.memref_slice %arg6[%add3A_50, %dma_wait3A_102] : memref<256x16xf32, #tpu.memory_space<hbm>> -> memref<1x16xf32, #tpu.memory_space<hbm>>
      %dma_wait3A_104 = tpu.memref_squeeze %dma_wait3A_103 : memref<1x16xf32, #tpu.memory_space<hbm>> -> memref<16xf32, #tpu.memory_space<hbm>>
      tpu.wait_dma2 semaphore(%run_scoped3A : memref<!tpu.dma_semaphore, #tpu.memory_space<semaphore_mem>>) src(%arg11 : memref<16xf32, #tpu.memory_space<vmem>>) dst(%dma_wait3A_104 : memref<16xf32, #tpu.memory_space<hbm>>)
      tpu.yield
    }) : () -> ()
    %mul3A_51 = arith.constant 3 : i32
    %mul3A_52 = arith.muli %arg1, %mul3A_51 : i32
    %add3A_53 = arith.constant 2 : i32
    %add3A_54 = arith.addi %mul3A_52, %add3A_53 : i32
    "tpu.region"() ({
      %run_scoped3A = tpu.sem_alloc : memref<!tpu.dma_semaphore, #tpu.memory_space<semaphore_mem>>
      %dma_start3A_93 = arith.constant 0 : i32
      %dma_start3A_94 = arith.constant 0 : i32
      %dma_start3A_95 = tpu.memref_slice %arg13[%dma_start3A_93, %dma_start3A_94] : memref<192x16xf32, #tpu.memory_space<vmem>> -> memref<128x16xf32, #tpu.memory_space<vmem>>
      %dma_start3A_96 = arith.constant 0 : i32
      %dma_start3A_97 = arith.constant 0 : i32
      %dma_start3A_98 = tpu.memref_slice %arg4[%add3A_54, %dma_start3A_96, %dma_start3A_97] : memref<48x128x16xf32, #tpu.memory_space<hbm>> -> memref<1x128x16xf32, #tpu.memory_space<hbm>>
      %dma_start3A_99 = tpu.memref_squeeze %dma_start3A_98 : memref<1x128x16xf32, #tpu.memory_space<hbm>> -> memref<128x16xf32, #tpu.memory_space<hbm>>
      %dma_start3A_100 = arith.constant 0 : i32
      %dma_start3A_101 = arith.constant 0 : i32
      %dma_start3A_102 = tpu.memref_slice %arg13[%dma_start3A_100, %dma_start3A_101] : memref<192x16xf32, #tpu.memory_space<vmem>> -> memref<128x16xf32, #tpu.memory_space<vmem>>
      %dma_start3A_103 = arith.constant 0 : i32
      %dma_start3A_104 = arith.constant 0 : i32
      %dma_start3A_105 = tpu.memref_slice %arg4[%add3A_54, %dma_start3A_103, %dma_start3A_104] : memref<48x128x16xf32, #tpu.memory_space<hbm>> -> memref<1x128x16xf32, #tpu.memory_space<hbm>>
      %dma_start3A_106 = tpu.memref_squeeze %dma_start3A_105 : memref<1x128x16xf32, #tpu.memory_space<hbm>> -> memref<128x16xf32, #tpu.memory_space<hbm>>
      tpu.enqueue_dma source(%dma_start3A_106 : memref<128x16xf32, #tpu.memory_space<hbm>>) target(%dma_start3A_102 : memref<128x16xf32, #tpu.memory_space<vmem>>) target_semaphore(%run_scoped3A : memref<!tpu.dma_semaphore, #tpu.memory_space<semaphore_mem>>)
      %dma_wait3A_107 = arith.constant 0 : i32
      %dma_wait3A_108 = arith.constant 0 : i32
      %dma_wait3A_109 = tpu.memref_slice %arg13[%dma_wait3A_107, %dma_wait3A_108] : memref<192x16xf32, #tpu.memory_space<vmem>> -> memref<128x16xf32, #tpu.memory_space<vmem>>
      %dma_wait3A_110 = arith.constant 0 : i32
      %dma_wait3A_111 = arith.constant 0 : i32
      %dma_wait3A_112 = tpu.memref_slice %arg4[%add3A_54, %dma_wait3A_110, %dma_wait3A_111] : memref<48x128x16xf32, #tpu.memory_space<hbm>> -> memref<1x128x16xf32, #tpu.memory_space<hbm>>
      %dma_wait3A_113 = tpu.memref_squeeze %dma_wait3A_112 : memref<1x128x16xf32, #tpu.memory_space<hbm>> -> memref<128x16xf32, #tpu.memory_space<hbm>>
      %dma_wait3A_114 = arith.constant 0 : i32
      %dma_wait3A_115 = arith.constant 0 : i32
      %dma_wait3A_116 = tpu.memref_slice %arg13[%dma_wait3A_114, %dma_wait3A_115] : memref<192x16xf32, #tpu.memory_space<vmem>> -> memref<128x16xf32, #tpu.memory_space<vmem>>
      %dma_wait3A_117 = arith.constant 0 : i32
      %dma_wait3A_118 = arith.constant 0 : i32
      %dma_wait3A_119 = tpu.memref_slice %arg4[%add3A_54, %dma_wait3A_117, %dma_wait3A_118] : memref<48x128x16xf32, #tpu.memory_space<hbm>> -> memref<1x128x16xf32, #tpu.memory_space<hbm>>
      %dma_wait3A_120 = tpu.memref_squeeze %dma_wait3A_119 : memref<1x128x16xf32, #tpu.memory_space<hbm>> -> memref<128x16xf32, #tpu.memory_space<hbm>>
      tpu.wait_dma2 semaphore(%run_scoped3A : memref<!tpu.dma_semaphore, #tpu.memory_space<semaphore_mem>>) src(%dma_wait3A_120 : memref<128x16xf32, #tpu.memory_space<hbm>>) dst(%dma_wait3A_116 : memref<128x16xf32, #tpu.memory_space<vmem>>)
      tpu.yield
    }) : () -> ()
    %scan3A_55 = arith.constant 0 : i32
    %scan3A_56 = arith.constant 128 : i32
    %scan3A_57 = arith.addi %scan3A_55, %scan3A_56 : i32
    %scan3A_58 = arith.constant 1 : i32
    %scan3A_59:8 = scf.for %scan3A_93 = %scan3A_55 to %scan3A_57 step %scan3A_58 iter_args(%scan3A_94 = %broadcast_in_dim3A_14, %scan3A_95 = %broadcast_in_dim3A_14, %scan3A_96 = %broadcast_in_dim3A_14, %scan3A_97 = %broadcast_in_dim3A_14, %scan3A_98 = %broadcast_in_dim3A_14, %scan3A_99 = %broadcast_in_dim3A_14, %scan3A_100 = %broadcast_in_dim3A_14, %scan3A_101 = %broadcast_in_dim3A_14) -> (vector<16xf32>, vector<16xf32>, vector<16xf32>, vector<16xf32>, vector<16xf32>, vector<16xf32>, vector<16xf32>, vector<16xf32>)  : i32 {
      %get3A = arith.index_cast %scan3A_93 : i32 to index
      %get3A_102 = arith.constant 0 : index
      %get3A_103 = tpu.vector_load %arg13[%get3A, %get3A_102] {strides = array<i32>} : memref<192x16xf32, #tpu.memory_space<vmem>>, vector<16xf32>,
      %max3A = arith.maximumf %scan3A_94, %get3A_103 : vector<16xf32>
      %min3A = arith.minimumf %scan3A_94, %get3A_103 : vector<16xf32>
      %max3A_104 = arith.maximumf %scan3A_95, %min3A : vector<16xf32>
      %min3A_105 = arith.minimumf %scan3A_95, %min3A : vector<16xf32>
      %max3A_106 = arith.maximumf %scan3A_96, %min3A_105 : vector<16xf32>
      %min3A_107 = arith.minimumf %scan3A_96, %min3A_105 : vector<16xf32>
      %max3A_108 = arith.maximumf %scan3A_97, %min3A_107 : vector<16xf32>
      %min3A_109 = arith.minimumf %scan3A_97, %min3A_107 : vector<16xf32>
      %max3A_110 = arith.maximumf %scan3A_98, %min3A_109 : vector<16xf32>
      %min3A_111 = arith.minimumf %scan3A_98, %min3A_109 : vector<16xf32>
      %max3A_112 = arith.maximumf %scan3A_99, %min3A_111 : vector<16xf32>
      %min3A_113 = arith.minimumf %scan3A_99, %min3A_111 : vector<16xf32>
      %max3A_114 = arith.maximumf %scan3A_100, %min3A_113 : vector<16xf32>
      %min3A_115 = arith.minimumf %scan3A_100, %min3A_113 : vector<16xf32>
      %max3A_116 = arith.maximumf %scan3A_101, %min3A_115 : vector<16xf32>
      %min3A_117 = arith.minimumf %scan3A_101, %min3A_115 : vector<16xf32>
      scf.yield %max3A, %max3A_104, %max3A_106, %max3A_108, %max3A_110, %max3A_112, %max3A_114, %max3A_116 : vector<16xf32>, vector<16xf32>, vector<16xf32>, vector<16xf32>, vector<16xf32>, vector<16xf32>, vector<16xf32>, vector<16xf32>
    }
    %scan3A_60 = arith.constant 128 : i32
    %swap3A_61 = arith.constant 0 : index
    %swap3A_62 = tpu.vector_load %arg11[%swap3A_61] {strides = array<i32>} : memref<16xf32, #tpu.memory_space<vmem>>, vector<16xf32>,
    tpu.vector_store %arg11[%swap3A_61], %scan3A_59#7 {strides = array<i32>} : memref<16xf32, #tpu.memory_space<vmem>>, vector<16xf32>,
    %mul3A_63 = arith.constant 16 : i32
    %mul3A_64 = arith.muli %arg0, %mul3A_63 : i32
    %add3A_65 = arith.addi %mul3A_64, %arg1 : i32
    %mul3A_66 = arith.constant 8 : i32
    %mul3A_67 = arith.muli %add3A_65, %mul3A_66 : i32
    %add3A_68 = arith.constant 2 : i32
    %add3A_69 = arith.addi %mul3A_67, %add3A_68 : i32
    "tpu.region"() ({
      %run_scoped3A = tpu.sem_alloc : memref<!tpu.dma_semaphore, #tpu.memory_space<semaphore_mem>>
      %dma_start3A_93 = arith.constant 0 : i32
      %dma_start3A_94 = tpu.memref_slice %arg6[%add3A_69, %dma_start3A_93] : memref<256x16xf32, #tpu.memory_space<hbm>> -> memref<1x16xf32, #tpu.memory_space<hbm>>
      %dma_start3A_95 = tpu.memref_squeeze %dma_start3A_94 : memref<1x16xf32, #tpu.memory_space<hbm>> -> memref<16xf32, #tpu.memory_space<hbm>>
      %dma_start3A_96 = arith.constant 0 : i32
      %dma_start3A_97 = tpu.memref_slice %arg6[%add3A_69, %dma_start3A_96] : memref<256x16xf32, #tpu.memory_space<hbm>> -> memref<1x16xf32, #tpu.memory_space<hbm>>
      %dma_start3A_98 = tpu.memref_squeeze %dma_start3A_97 : memref<1x16xf32, #tpu.memory_space<hbm>> -> memref<16xf32, #tpu.memory_space<hbm>>
      tpu.enqueue_dma source(%arg11 : memref<16xf32, #tpu.memory_space<vmem>>) target(%dma_start3A_98 : memref<16xf32, #tpu.memory_space<hbm>>) target_semaphore(%run_scoped3A : memref<!tpu.dma_semaphore, #tpu.memory_space<semaphore_mem>>)
      %dma_wait3A_99 = arith.constant 0 : i32
      %dma_wait3A_100 = tpu.memref_slice %arg6[%add3A_69, %dma_wait3A_99] : memref<256x16xf32, #tpu.memory_space<hbm>> -> memref<1x16xf32, #tpu.memory_space<hbm>>
      %dma_wait3A_101 = tpu.memref_squeeze %dma_wait3A_100 : memref<1x16xf32, #tpu.memory_space<hbm>> -> memref<16xf32, #tpu.memory_space<hbm>>
      %dma_wait3A_102 = arith.constant 0 : i32
      %dma_wait3A_103 = tpu.memref_slice %arg6[%add3A_69, %dma_wait3A_102] : memref<256x16xf32, #tpu.memory_space<hbm>> -> memref<1x16xf32, #tpu.memory_space<hbm>>
      %dma_wait3A_104 = tpu.memref_squeeze %dma_wait3A_103 : memref<1x16xf32, #tpu.memory_space<hbm>> -> memref<16xf32, #tpu.memory_space<hbm>>
      tpu.wait_dma2 semaphore(%run_scoped3A : memref<!tpu.dma_semaphore, #tpu.memory_space<semaphore_mem>>) src(%arg11 : memref<16xf32, #tpu.memory_space<vmem>>) dst(%dma_wait3A_104 : memref<16xf32, #tpu.memory_space<hbm>>)
      tpu.yield
    }) : () -> ()
    %barrier3A = arith.constant 0 : index
    tpu.barrier barrier_id(%barrier3A)
    %mul3A_70 = arith.constant 16 : i32
    %mul3A_71 = arith.muli %arg0, %mul3A_70 : i32
    %mul3A_72 = arith.constant 8 : i32
    %mul3A_73 = arith.muli %mul3A_71, %mul3A_72 : i32
    "tpu.region"() ({
      %run_scoped3A = tpu.sem_alloc : memref<!tpu.dma_semaphore, #tpu.memory_space<semaphore_mem>>
      %dma_start3A_93 = arith.constant 0 : i32
      %dma_start3A_94 = tpu.memref_slice %arg6[%mul3A_73, %dma_start3A_93] : memref<256x16xf32, #tpu.memory_space<hbm>> -> memref<128x16xf32, #tpu.memory_space<hbm>>
      %dma_start3A_95 = arith.constant 0 : i32
      %dma_start3A_96 = tpu.memref_slice %arg6[%mul3A_73, %dma_start3A_95] : memref<256x16xf32, #tpu.memory_space<hbm>> -> memref<128x16xf32, #tpu.memory_space<hbm>>
      tpu.enqueue_dma source(%dma_start3A_96 : memref<128x16xf32, #tpu.memory_space<hbm>>) target(%arg12 : memref<128x16xf32, #tpu.memory_space<vmem>>) target_semaphore(%run_scoped3A : memref<!tpu.dma_semaphore, #tpu.memory_space<semaphore_mem>>)
      %dma_wait3A_97 = arith.constant 0 : i32
      %dma_wait3A_98 = tpu.memref_slice %arg6[%mul3A_73, %dma_wait3A_97] : memref<256x16xf32, #tpu.memory_space<hbm>> -> memref<128x16xf32, #tpu.memory_space<hbm>>
      %dma_wait3A_99 = arith.constant 0 : i32
      %dma_wait3A_100 = tpu.memref_slice %arg6[%mul3A_73, %dma_wait3A_99] : memref<256x16xf32, #tpu.memory_space<hbm>> -> memref<128x16xf32, #tpu.memory_space<hbm>>
      tpu.wait_dma2 semaphore(%run_scoped3A : memref<!tpu.dma_semaphore, #tpu.memory_space<semaphore_mem>>) src(%dma_wait3A_100 : memref<128x16xf32, #tpu.memory_space<hbm>>) dst(%arg12 : memref<128x16xf32, #tpu.memory_space<vmem>>)
      tpu.yield
    }) : () -> ()
    %mul3A_74 = arith.constant 192 : i32
    %mul3A_75 = arith.muli %add3A, %mul3A_74 : i32
    "tpu.region"() ({
      %run_scoped3A = tpu.sem_alloc : memref<!tpu.dma_semaphore, #tpu.memory_space<semaphore_mem>>
      %dma_start3A_93 = arith.constant 0 : i32
      %dma_start3A_94 = tpu.memref_slice %arg3[%mul3A_75, %dma_start3A_93] : memref<6144x16xf32, #tpu.memory_space<hbm>> -> memref<192x16xf32, #tpu.memory_space<hbm>>
      %dma_start3A_95 = arith.constant 0 : i32
      %dma_start3A_96 = tpu.memref_slice %arg3[%mul3A_75, %dma_start3A_95] : memref<6144x16xf32, #tpu.memory_space<hbm>> -> memref<192x16xf32, #tpu.memory_space<hbm>>
      tpu.enqueue_dma source(%dma_start3A_96 : memref<192x16xf32, #tpu.memory_space<hbm>>) target(%arg13 : memref<192x16xf32, #tpu.memory_space<vmem>>) target_semaphore(%run_scoped3A : memref<!tpu.dma_semaphore, #tpu.memory_space<semaphore_mem>>)
      %dma_wait3A_97 = arith.constant 0 : i32
      %dma_wait3A_98 = tpu.memref_slice %arg3[%mul3A_75, %dma_wait3A_97] : memref<6144x16xf32, #tpu.memory_space<hbm>> -> memref<192x16xf32, #tpu.memory_space<hbm>>
      %dma_wait3A_99 = arith.constant 0 : i32
      %dma_wait3A_100 = tpu.memref_slice %arg3[%mul3A_75, %dma_wait3A_99] : memref<6144x16xf32, #tpu.memory_space<hbm>> -> memref<192x16xf32, #tpu.memory_space<hbm>>
      tpu.wait_dma2 semaphore(%run_scoped3A : memref<!tpu.dma_semaphore, #tpu.memory_space<semaphore_mem>>) src(%dma_wait3A_100 : memref<192x16xf32, #tpu.memory_space<hbm>>) dst(%arg13 : memref<192x16xf32, #tpu.memory_space<vmem>>)
      tpu.yield
    }) : () -> ()
    %scan3A_76 = arith.constant 0 : i32
    %scan3A_77 = arith.constant 0 : i32
    %scan3A_78 = arith.constant 32 : i32
    %scan3A_79 = arith.addi %scan3A_77, %scan3A_78 : i32
    %scan3A_80 = arith.constant 1 : i32
    scf.for %scan3A_93 = %scan3A_77 to %scan3A_79 step %scan3A_80  : i32 {
      %mul3A_94 = arith.constant 2 : i32
      %mul3A_95 = arith.muli %mul3A_94, %scan3A_93 : i32
      %mul3A_96 = arith.constant 2 : i32
      %mul3A_97 = arith.muli %mul3A_96, %scan3A_93 : i32
      %add3A_98 = arith.constant 1 : i32
      %add3A_99 = arith.addi %mul3A_97, %add3A_98 : i32
      %mul3A_100 = arith.constant 16 : i32
      %mul3A_101 = arith.muli %mul3A_95, %mul3A_100 : i32
      %add3A_102 = arith.addi %mul3A_2, %mul3A_101 : i32
      %dma_wait3A_103 = arith.constant 0 : i32
      %dma_wait3A_104 = tpu.memref_slice %arg2[%add3A_102, %dma_wait3A_103] : memref<32768x768xf32, #tpu.memory_space<hbm>> -> memref<16x768xf32, #tpu.memory_space<hbm>>
      %dma_wait3A_105 = arith.constant 0 : i32
      %dma_wait3A_106 = tpu.memref_slice %arg2[%add3A_102, %dma_wait3A_105] : memref<32768x768xf32, #tpu.memory_space<hbm>> -> memref<16x768xf32, #tpu.memory_space<hbm>>
      tpu.wait_dma2 semaphore(%arg14 : memref<!tpu.dma_semaphore, #tpu.memory_space<semaphore_mem>>) src(%dma_wait3A_106 : memref<16x768xf32, #tpu.memory_space<hbm>>) dst(%arg7 : memref<16x768xf32, #tpu.memory_space<vmem>>)
      %gt3A = arith.constant 0 : i32
      %gt3A_107 = arith.cmpi sgt, %scan3A_93, %gt3A : i32
      %convert_element_type3A = arith.extui %gt3A_107 : i1 to i32
      %cond3A = arith.constant 0 : i32
      %cond3A_108 = arith.cmpi ne, %convert_element_type3A, %cond3A : i32
      scf.if %cond3A_108 {
        %sub3A = arith.constant 2 : i32
        %sub3A_1991 = arith.subi %mul3A_95, %sub3A : i32
        %mul3A_1992 = arith.constant 16 : i32
        %mul3A_1993 = arith.muli %sub3A_1991, %mul3A_1992 : i32
        %add3A_1994 = arith.addi %mul3A_2, %mul3A_1993 : i32
        %dma_wait3A_1995 = arith.constant 0 : i32
        %dma_wait3A_1996 = tpu.memref_slice %arg5[%add3A_1994, %dma_wait3A_1995] : memref<32768x768xf32, #tpu.memory_space<hbm>> -> memref<16x768xf32, #tpu.memory_space<hbm>>
        %dma_wait3A_1997 = arith.constant 0 : i32
        %dma_wait3A_1998 = tpu.memref_slice %arg5[%add3A_1994, %dma_wait3A_1997] : memref<32768x768xf32, #tpu.memory_space<hbm>> -> memref<16x768xf32, #tpu.memory_space<hbm>>
        tpu.wait_dma2 semaphore(%arg16 : memref<!tpu.dma_semaphore, #tpu.memory_space<semaphore_mem>>) src(%arg9 : memref<16x768xf32, #tpu.memory_space<vmem>>) dst(%dma_wait3A_1998 : memref<16x768xf32, #tpu.memory_space<hbm>>)
      } else {
      }
      %div3A = arith.constant 16 : i32
      %div3A_109 = arith.divsi %mul3A_95, %div3A : i32
      %mul3A_110 = arith.constant 48 : i32
      %mul3A_111 = arith.muli %div3A_109, %mul3A_110 : i32
      %add3A_112 = arith.constant 0 : i32
      %add3A_113 = arith.addi %mul3A_111, %add3A_112 : i32
      %add3A_114 = arith.constant 0 : i32
      %add3A_115 = arith.addi %add3A_113, %add3A_114 : i32
      %get3A = arith.index_cast %add3A_115 : i32 to index
      %get3A_116 = arith.constant 0 : index
      %get3A_117 = tpu.vector_load %arg13[%get3A, %get3A_116] {strides = array<i32>} : memref<192x16xf32, #tpu.memory_space<vmem>>, vector<16xf32>,
      %get3A_118 = arith.constant 0 : i32
      %get3A_119 = arith.index_cast %get3A_118 : i32 to index
      %get3A_120 = arith.constant 0 : index
      %get3A_121 = tpu.vector_load %arg12[%get3A_119, %get3A_120] {strides = array<i32>} : memref<128x16xf32, #tpu.memory_space<vmem>>, vector<16xf32>,
      %ge3A = arith.cmpf oge, %get3A_117, %get3A_121 : vector<16xf32>
      %jit3A = arith.constant 1.000000e+00 : f32
      %jit3A_122 = arith.constant 0.000000e+00 : f32
      %broadcast_in_dim3A_123 = vector.broadcast %jit3A : f32 to vector<16xf32>
      %broadcast_in_dim3A_124 = vector.broadcast %jit3A_122 : f32 to vector<16xf32>
      %select_n3A = arith.select %ge3A, %broadcast_in_dim3A_123, %broadcast_in_dim3A_124 : vector<16xi1>, vector<16xf32>
      %mul3A_125 = arith.constant 48 : i32
      %mul3A_126 = arith.muli %div3A_109, %mul3A_125 : i32
      %add3A_127 = arith.constant 0 : i32
      %add3A_128 = arith.addi %mul3A_126, %add3A_127 : i32
      %add3A_129 = arith.constant 1 : i32
      %add3A_130 = arith.addi %add3A_128, %add3A_129 : i32
      %get3A_131 = arith.index_cast %add3A_130 : i32 to index
      %get3A_132 = arith.constant 0 : index
      %get3A_133 = tpu.vector_load %arg13[%get3A_131, %get3A_132] {strides = array<i32>} : memref<192x16xf32, #tpu.memory_space<vmem>>, vector<16xf32>,
      %get3A_134 = arith.constant 1 : i32
      %get3A_135 = arith.index_cast %get3A_134 : i32 to index
      %get3A_136 = arith.constant 0 : index
      %get3A_137 = tpu.vector_load %arg12[%get3A_135, %get3A_136] {strides = array<i32>} : memref<128x16xf32, #tpu.memory_space<vmem>>, vector<16xf32>,
      %ge3A_138 = arith.cmpf oge, %get3A_133, %get3A_137 : vector<16xf32>
      %jit3A_139 = arith.constant 1.000000e+00 : f32
      %jit3A_140 = arith.constant 0.000000e+00 : f32
      %broadcast_in_dim3A_141 = vector.broadcast %jit3A_139 : f32 to vector<16xf32>
      %broadcast_in_dim3A_142 = vector.broadcast %jit3A_140 : f32 to vector<16xf32>
      %select_n3A_143 = arith.select %ge3A_138, %broadcast_in_dim3A_141, %broadcast_in_dim3A_142 : vector<16xi1>, vector<16xf32>
      %mul3A_144 = arith.constant 48 : i32
      %mul3A_145 = arith.muli %div3A_109, %mul3A_144 : i32
      %add3A_146 = arith.constant 0 : i32
      %add3A_147 = arith.addi %mul3A_145, %add3A_146 : i32
      %add3A_148 = arith.constant 2 : i32
      %add3A_149 = arith.addi %add3A_147, %add3A_148 : i32
      %get3A_150 = arith.index_cast %add3A_149 : i32 to index
      %get3A_151 = arith.constant 0 : index
      %get3A_152 = tpu.vector_load %arg13[%get3A_150, %get3A_151] {strides = array<i32>} : memref<192x16xf32, #tpu.memory_space<vmem>>, vector<16xf32>,
      %get3A_153 = arith.constant 2 : i32
      %get3A_154 = arith.index_cast %get3A_153 : i32 to index
      %get3A_155 = arith.constant 0 : index
      %get3A_156 = tpu.vector_load %arg12[%get3A_154, %get3A_155] {strides = array<i32>} : memref<128x16xf32, #tpu.memory_space<vmem>>, vector<16xf32>,
      %ge3A_157 = arith.cmpf oge, %get3A_152, %get3A_156 : vector<16xf32>
      %jit3A_158 = arith.constant 1.000000e+00 : f32
      %jit3A_159 = arith.constant 0.000000e+00 : f32
      %broadcast_in_dim3A_160 = vector.broadcast %jit3A_158 : f32 to vector<16xf32>
      %broadcast_in_dim3A_161 = vector.broadcast %jit3A_159 : f32 to vector<16xf32>
      %select_n3A_162 = arith.select %ge3A_157, %broadcast_in_dim3A_160, %broadcast_in_dim3A_161 : vector<16xi1>, vector<16xf32>
      %mul3A_163 = arith.constant 48 : i32
      %mul3A_164 = arith.muli %div3A_109, %mul3A_163 : i32
      %add3A_165 = arith.constant 0 : i32
      %add3A_166 = arith.addi %mul3A_164, %add3A_165 : i32
      %add3A_167 = arith.constant 3 : i32
      %add3A_168 = arith.addi %add3A_166, %add3A_167 : i32
      %get3A_169 = arith.index_cast %add3A_168 : i32 to index
      %get3A_170 = arith.constant 0 : index
      %get3A_171 = tpu.vector_load %arg13[%get3A_169, %get3A_170] {strides = array<i32>} : memref<192x16xf32, #tpu.memory_space<vmem>>, vector<16xf32>,
      %get3A_172 = arith.constant 8 : i32
      %get3A_173 = arith.index_cast %get3A_172 : i32 to index
      %get3A_174 = arith.constant 0 : index
      %get3A_175 = tpu.vector_load %arg12[%get3A_173, %get3A_174] {strides = array<i32>} : memref<128x16xf32, #tpu.memory_space<vmem>>, vector<16xf32>,
      %ge3A_176 = arith.cmpf oge, %get3A_171, %get3A_175 : vector<16xf32>
      %jit3A_177 = arith.constant 1.000000e+00 : f32
      %jit3A_178 = arith.constant 0.000000e+00 : f32
      %broadcast_in_dim3A_179 = vector.broadcast %jit3A_177 : f32 to vector<16xf32>
      %broadcast_in_dim3A_180 = vector.broadcast %jit3A_178 : f32 to vector<16xf32>
      %select_n3A_181 = arith.select %ge3A_176, %broadcast_in_dim3A_179, %broadcast_in_dim3A_180 : vector<16xi1>, vector<16xf32>
      %mul3A_182 = arith.constant 48 : i32
      %mul3A_183 = arith.muli %div3A_109, %mul3A_182 : i32
      %add3A_184 = arith.constant 0 : i32
      %add3A_185 = arith.addi %mul3A_183, %add3A_184 : i32
      %add3A_186 = arith.constant 4 : i32
      %add3A_187 = arith.addi %add3A_185, %add3A_186 : i32
      %get3A_188 = arith.index_cast %add3A_187 : i32 to index
      %get3A_189 = arith.constant 0 : index
      %get3A_190 = tpu.vector_load %arg13[%get3A_188, %get3A_189] {strides = array<i32>} : memref<192x16xf32, #tpu.memory_space<vmem>>, vector<16xf32>,
      %get3A_191 = arith.constant 9 : i32
      %get3A_192 = arith.index_cast %get3A_191 : i32 to index
      %get3A_193 = arith.constant 0 : index
      %get3A_194 = tpu.vector_load %arg12[%get3A_192, %get3A_193] {strides = array<i32>} : memref<128x16xf32, #tpu.memory_space<vmem>>, vector<16xf32>,
      %ge3A_195 = arith.cmpf oge, %get3A_190, %get3A_194 : vector<16xf32>
      %jit3A_196 = arith.constant 1.000000e+00 : f32
      %jit3A_197 = arith.constant 0.000000e+00 : f32
      %broadcast_in_dim3A_198 = vector.broadcast %jit3A_196 : f32 to vector<16xf32>
      %broadcast_in_dim3A_199 = vector.broadcast %jit3A_197 : f32 to vector<16xf32>
      %select_n3A_200 = arith.select %ge3A_195, %broadcast_in_dim3A_198, %broadcast_in_dim3A_199 : vector<16xi1>, vector<16xf32>
      %mul3A_201 = arith.constant 48 : i32
      %mul3A_202 = arith.muli %div3A_109, %mul3A_201 : i32
      %add3A_203 = arith.constant 0 : i32
      %add3A_204 = arith.addi %mul3A_202, %add3A_203 : i32
      %add3A_205 = arith.constant 5 : i32
      %add3A_206 = arith.addi %add3A_204, %add3A_205 : i32
      %get3A_207 = arith.index_cast %add3A_206 : i32 to index
      %get3A_208 = arith.constant 0 : index
      %get3A_209 = tpu.vector_load %arg13[%get3A_207, %get3A_208] {strides = array<i32>} : memref<192x16xf32, #tpu.memory_space<vmem>>, vector<16xf32>,
      %get3A_210 = arith.constant 10 : i32
      %get3A_211 = arith.index_cast %get3A_210 : i32 to index
      %get3A_212 = arith.constant 0 : index
      %get3A_213 = tpu.vector_load %arg12[%get3A_211, %get3A_212] {strides = array<i32>} : memref<128x16xf32, #tpu.memory_space<vmem>>, vector<16xf32>,
      %ge3A_214 = arith.cmpf oge, %get3A_209, %get3A_213 : vector<16xf32>
      %jit3A_215 = arith.constant 1.000000e+00 : f32
      %jit3A_216 = arith.constant 0.000000e+00 : f32
      %broadcast_in_dim3A_217 = vector.broadcast %jit3A_215 : f32 to vector<16xf32>
      %broadcast_in_dim3A_218 = vector.broadcast %jit3A_216 : f32 to vector<16xf32>
      %select_n3A_219 = arith.select %ge3A_214, %broadcast_in_dim3A_217, %broadcast_in_dim3A_218 : vector<16xi1>, vector<16xf32>
      %mul3A_220 = arith.constant 48 : i32
      %mul3A_221 = arith.muli %div3A_109, %mul3A_220 : i32
      %add3A_222 = arith.constant 0 : i32
      %add3A_223 = arith.addi %mul3A_221, %add3A_222 : i32
      %add3A_224 = arith.constant 6 : i32
      %add3A_225 = arith.addi %add3A_223, %add3A_224 : i32
      %get3A_226 = arith.index_cast %add3A_225 : i32 to index
      %get3A_227 = arith.constant 0 : index
      %get3A_228 = tpu.vector_load %arg13[%get3A_226, %get3A_227] {strides = array<i32>} : memref<192x16xf32, #tpu.memory_space<vmem>>, vector<16xf32>,
      %get3A_229 = arith.constant 16 : i32
      %get3A_230 = arith.index_cast %get3A_229 : i32 to index
      %get3A_231 = arith.constant 0 : index
      %get3A_232 = tpu.vector_load %arg12[%get3A_230, %get3A_231] {strides = array<i32>} : memref<128x16xf32, #tpu.memory_space<vmem>>, vector<16xf32>,
      %ge3A_233 = arith.cmpf oge, %get3A_228, %get3A_232 : vector<16xf32>
      %jit3A_234 = arith.constant 1.000000e+00 : f32
      %jit3A_235 = arith.constant 0.000000e+00 : f32
      %broadcast_in_dim3A_236 = vector.broadcast %jit3A_234 : f32 to vector<16xf32>
      %broadcast_in_dim3A_237 = vector.broadcast %jit3A_235 : f32 to vector<16xf32>
      %select_n3A_238 = arith.select %ge3A_233, %broadcast_in_dim3A_236, %broadcast_in_dim3A_237 : vector<16xi1>, vector<16xf32>
      %mul3A_239 = arith.constant 48 : i32
      %mul3A_240 = arith.muli %div3A_109, %mul3A_239 : i32
      %add3A_241 = arith.constant 0 : i32
      %add3A_242 = arith.addi %mul3A_240, %add3A_241 : i32
      %add3A_243 = arith.constant 7 : i32
      %add3A_244 = arith.addi %add3A_242, %add3A_243 : i32
      %get3A_245 = arith.index_cast %add3A_244 : i32 to index
      %get3A_246 = arith.constant 0 : index
      %get3A_247 = tpu.vector_load %arg13[%get3A_245, %get3A_246] {strides = array<i32>} : memref<192x16xf32, #tpu.memory_space<vmem>>, vector<16xf32>,
      %get3A_248 = arith.constant 17 : i32
      %get3A_249 = arith.index_cast %get3A_248 : i32 to index
      %get3A_250 = arith.constant 0 : index
      %get3A_251 = tpu.vector_load %arg12[%get3A_249, %get3A_250] {strides = array<i32>} : memref<128x16xf32, #tpu.memory_space<vmem>>, vector<16xf32>,
      %ge3A_252 = arith.cmpf oge, %get3A_247, %get3A_251 : vector<16xf32>
      %jit3A_253 = arith.constant 1.000000e+00 : f32
      %jit3A_254 = arith.constant 0.000000e+00 : f32
      %broadcast_in_dim3A_255 = vector.broadcast %jit3A_253 : f32 to vector<16xf32>
      %broadcast_in_dim3A_256 = vector.broadcast %jit3A_254 : f32 to vector<16xf32>
      %select_n3A_257 = arith.select %ge3A_252, %broadcast_in_dim3A_255, %broadcast_in_dim3A_256 : vector<16xi1>, vector<16xf32>
      %mul3A_258 = arith.constant 48 : i32
      %mul3A_259 = arith.muli %div3A_109, %mul3A_258 : i32
      %add3A_260 = arith.constant 0 : i32
      %add3A_261 = arith.addi %mul3A_259, %add3A_260 : i32
      %add3A_262 = arith.constant 8 : i32
      %add3A_263 = arith.addi %add3A_261, %add3A_262 : i32
      %get3A_264 = arith.index_cast %add3A_263 : i32 to index
      %get3A_265 = arith.constant 0 : index
      %get3A_266 = tpu.vector_load %arg13[%get3A_264, %get3A_265] {strides = array<i32>} : memref<192x16xf32, #tpu.memory_space<vmem>>, vector<16xf32>,
      %get3A_267 = arith.constant 18 : i32
      %get3A_268 = arith.index_cast %get3A_267 : i32 to index
      %get3A_269 = arith.constant 0 : index
      %get3A_270 = tpu.vector_load %arg12[%get3A_268, %get3A_269] {strides = array<i32>} : memref<128x16xf32, #tpu.memory_space<vmem>>, vector<16xf32>,
      %ge3A_271 = arith.cmpf oge, %get3A_266, %get3A_270 : vector<16xf32>
      %jit3A_272 = arith.constant 1.000000e+00 : f32
      %jit3A_273 = arith.constant 0.000000e+00 : f32
      %broadcast_in_dim3A_274 = vector.broadcast %jit3A_272 : f32 to vector<16xf32>
      %broadcast_in_dim3A_275 = vector.broadcast %jit3A_273 : f32 to vector<16xf32>
      %select_n3A_276 = arith.select %ge3A_271, %broadcast_in_dim3A_274, %broadcast_in_dim3A_275 : vector<16xi1>, vector<16xf32>
      %mul3A_277 = arith.constant 48 : i32
      %mul3A_278 = arith.muli %div3A_109, %mul3A_277 : i32
      %add3A_279 = arith.constant 0 : i32
      %add3A_280 = arith.addi %mul3A_278, %add3A_279 : i32
      %add3A_281 = arith.constant 9 : i32
      %add3A_282 = arith.addi %add3A_280, %add3A_281 : i32
      %get3A_283 = arith.index_cast %add3A_282 : i32 to index
      %get3A_284 = arith.constant 0 : index
      %get3A_285 = tpu.vector_load %arg13[%get3A_283, %get3A_284] {strides = array<i32>} : memref<192x16xf32, #tpu.memory_space<vmem>>, vector<16xf32>,
      %get3A_286 = arith.constant 24 : i32
      %get3A_287 = arith.index_cast %get3A_286 : i32 to index
      %get3A_288 = arith.constant 0 : index
      %get3A_289 = tpu.vector_load %arg12[%get3A_287, %get3A_288] {strides = array<i32>} : memref<128x16xf32, #tpu.memory_space<vmem>>, vector<16xf32>,
      %ge3A_290 = arith.cmpf oge, %get3A_285, %get3A_289 : vector<16xf32>
      %jit3A_291 = arith.constant 1.000000e+00 : f32
      %jit3A_292 = arith.constant 0.000000e+00 : f32
      %broadcast_in_dim3A_293 = vector.broadcast %jit3A_291 : f32 to vector<16xf32>
      %broadcast_in_dim3A_294 = vector.broadcast %jit3A_292 : f32 to vector<16xf32>
      %select_n3A_295 = arith.select %ge3A_290, %broadcast_in_dim3A_293, %broadcast_in_dim3A_294 : vector<16xi1>, vector<16xf32>
      %mul3A_296 = arith.constant 48 : i32
      %mul3A_297 = arith.muli %div3A_109, %mul3A_296 : i32
      %add3A_298 = arith.constant 0 : i32
      %add3A_299 = arith.addi %mul3A_297, %add3A_298 : i32
      %add3A_300 = arith.constant 10 : i32
      %add3A_301 = arith.addi %add3A_299, %add3A_300 : i32
      %get3A_302 = arith.index_cast %add3A_301 : i32 to index
      %get3A_303 = arith.constant 0 : index
      %get3A_304 = tpu.vector_load %arg13[%get3A_302, %get3A_303] {strides = array<i32>} : memref<192x16xf32, #tpu.memory_space<vmem>>, vector<16xf32>,
      %get3A_305 = arith.constant 25 : i32
      %get3A_306 = arith.index_cast %get3A_305 : i32 to index
      %get3A_307 = arith.constant 0 : index
      %get3A_308 = tpu.vector_load %arg12[%get3A_306, %get3A_307] {strides = array<i32>} : memref<128x16xf32, #tpu.memory_space<vmem>>, vector<16xf32>,
      %ge3A_309 = arith.cmpf oge, %get3A_304, %get3A_308 : vector<16xf32>
      %jit3A_310 = arith.constant 1.000000e+00 : f32
      %jit3A_311 = arith.constant 0.000000e+00 : f32
      %broadcast_in_dim3A_312 = vector.broadcast %jit3A_310 : f32 to vector<16xf32>
      %broadcast_in_dim3A_313 = vector.broadcast %jit3A_311 : f32 to vector<16xf32>
      %select_n3A_314 = arith.select %ge3A_309, %broadcast_in_dim3A_312, %broadcast_in_dim3A_313 : vector<16xi1>, vector<16xf32>
      %mul3A_315 = arith.constant 48 : i32
      %mul3A_316 = arith.muli %div3A_109, %mul3A_315 : i32
      %add3A_317 = arith.constant 0 : i32
      %add3A_318 = arith.addi %mul3A_316, %add3A_317 : i32
      %add3A_319 = arith.constant 11 : i32
      %add3A_320 = arith.addi %add3A_318, %add3A_319 : i32
      %get3A_321 = arith.index_cast %add3A_320 : i32 to index
      %get3A_322 = arith.constant 0 : index
      %get3A_323 = tpu.vector_load %arg13[%get3A_321, %get3A_322] {strides = array<i32>} : memref<192x16xf32, #tpu.memory_space<vmem>>, vector<16xf32>,
      %get3A_324 = arith.constant 26 : i32
      %get3A_325 = arith.index_cast %get3A_324 : i32 to index
      %get3A_326 = arith.constant 0 : index
      %get3A_327 = tpu.vector_load %arg12[%get3A_325, %get3A_326] {strides = array<i32>} : memref<128x16xf32, #tpu.memory_space<vmem>>, vector<16xf32>,
      %ge3A_328 = arith.cmpf oge, %get3A_323, %get3A_327 : vector<16xf32>
      %jit3A_329 = arith.constant 1.000000e+00 : f32
      %jit3A_330 = arith.constant 0.000000e+00 : f32
      %broadcast_in_dim3A_331 = vector.broadcast %jit3A_329 : f32 to vector<16xf32>
      %broadcast_in_dim3A_332 = vector.broadcast %jit3A_330 : f32 to vector<16xf32>
      %select_n3A_333 = arith.select %ge3A_328, %broadcast_in_dim3A_331, %broadcast_in_dim3A_332 : vector<16xi1>, vector<16xf32>
      %mul3A_334 = arith.constant 48 : i32
      %mul3A_335 = arith.muli %div3A_109, %mul3A_334 : i32
      %add3A_336 = arith.constant 0 : i32
      %add3A_337 = arith.addi %mul3A_335, %add3A_336 : i32
      %add3A_338 = arith.constant 12 : i32
      %add3A_339 = arith.addi %add3A_337, %add3A_338 : i32
      %get3A_340 = arith.index_cast %add3A_339 : i32 to index
      %get3A_341 = arith.constant 0 : index
      %get3A_342 = tpu.vector_load %arg13[%get3A_340, %get3A_341] {strides = array<i32>} : memref<192x16xf32, #tpu.memory_space<vmem>>, vector<16xf32>,
      %get3A_343 = arith.constant 32 : i32
      %get3A_344 = arith.index_cast %get3A_343 : i32 to index
      %get3A_345 = arith.constant 0 : index
      %get3A_346 = tpu.vector_load %arg12[%get3A_344, %get3A_345] {strides = array<i32>} : memref<128x16xf32, #tpu.memory_space<vmem>>, vector<16xf32>,
      %ge3A_347 = arith.cmpf oge, %get3A_342, %get3A_346 : vector<16xf32>
      %jit3A_348 = arith.constant 1.000000e+00 : f32
      %jit3A_349 = arith.constant 0.000000e+00 : f32
      %broadcast_in_dim3A_350 = vector.broadcast %jit3A_348 : f32 to vector<16xf32>
      %broadcast_in_dim3A_351 = vector.broadcast %jit3A_349 : f32 to vector<16xf32>
      %select_n3A_352 = arith.select %ge3A_347, %broadcast_in_dim3A_350, %broadcast_in_dim3A_351 : vector<16xi1>, vector<16xf32>
      %mul3A_353 = arith.constant 48 : i32
      %mul3A_354 = arith.muli %div3A_109, %mul3A_353 : i32
      %add3A_355 = arith.constant 0 : i32
      %add3A_356 = arith.addi %mul3A_354, %add3A_355 : i32
      %add3A_357 = arith.constant 13 : i32
      %add3A_358 = arith.addi %add3A_356, %add3A_357 : i32
      %get3A_359 = arith.index_cast %add3A_358 : i32 to index
      %get3A_360 = arith.constant 0 : index
      %get3A_361 = tpu.vector_load %arg13[%get3A_359, %get3A_360] {strides = array<i32>} : memref<192x16xf32, #tpu.memory_space<vmem>>, vector<16xf32>,
      %get3A_362 = arith.constant 33 : i32
      %get3A_363 = arith.index_cast %get3A_362 : i32 to index
      %get3A_364 = arith.constant 0 : index
      %get3A_365 = tpu.vector_load %arg12[%get3A_363, %get3A_364] {strides = array<i32>} : memref<128x16xf32, #tpu.memory_space<vmem>>, vector<16xf32>,
      %ge3A_366 = arith.cmpf oge, %get3A_361, %get3A_365 : vector<16xf32>
      %jit3A_367 = arith.constant 1.000000e+00 : f32
      %jit3A_368 = arith.constant 0.000000e+00 : f32
      %broadcast_in_dim3A_369 = vector.broadcast %jit3A_367 : f32 to vector<16xf32>
      %broadcast_in_dim3A_370 = vector.broadcast %jit3A_368 : f32 to vector<16xf32>
      %select_n3A_371 = arith.select %ge3A_366, %broadcast_in_dim3A_369, %broadcast_in_dim3A_370 : vector<16xi1>, vector<16xf32>
      %mul3A_372 = arith.constant 48 : i32
      %mul3A_373 = arith.muli %div3A_109, %mul3A_372 : i32
      %add3A_374 = arith.constant 0 : i32
      %add3A_375 = arith.addi %mul3A_373, %add3A_374 : i32
      %add3A_376 = arith.constant 14 : i32
      %add3A_377 = arith.addi %add3A_375, %add3A_376 : i32
      %get3A_378 = arith.index_cast %add3A_377 : i32 to index
      %get3A_379 = arith.constant 0 : index
      %get3A_380 = tpu.vector_load %arg13[%get3A_378, %get3A_379] {strides = array<i32>} : memref<192x16xf32, #tpu.memory_space<vmem>>, vector<16xf32>,
      %get3A_381 = arith.constant 34 : i32
      %get3A_382 = arith.index_cast %get3A_381 : i32 to index
      %get3A_383 = arith.constant 0 : index
      %get3A_384 = tpu.vector_load %arg12[%get3A_382, %get3A_383] {strides = array<i32>} : memref<128x16xf32, #tpu.memory_space<vmem>>, vector<16xf32>,
      %ge3A_385 = arith.cmpf oge, %get3A_380, %get3A_384 : vector<16xf32>
      %jit3A_386 = arith.constant 1.000000e+00 : f32
      %jit3A_387 = arith.constant 0.000000e+00 : f32
      %broadcast_in_dim3A_388 = vector.broadcast %jit3A_386 : f32 to vector<16xf32>
      %broadcast_in_dim3A_389 = vector.broadcast %jit3A_387 : f32 to vector<16xf32>
      %select_n3A_390 = arith.select %ge3A_385, %broadcast_in_dim3A_388, %broadcast_in_dim3A_389 : vector<16xi1>, vector<16xf32>
      %mul3A_391 = arith.constant 48 : i32
      %mul3A_392 = arith.muli %div3A_109, %mul3A_391 : i32
      %add3A_393 = arith.constant 0 : i32
      %add3A_394 = arith.addi %mul3A_392, %add3A_393 : i32
      %add3A_395 = arith.constant 15 : i32
      %add3A_396 = arith.addi %add3A_394, %add3A_395 : i32
      %get3A_397 = arith.index_cast %add3A_396 : i32 to index
      %get3A_398 = arith.constant 0 : index
      %get3A_399 = tpu.vector_load %arg13[%get3A_397, %get3A_398] {strides = array<i32>} : memref<192x16xf32, #tpu.memory_space<vmem>>, vector<16xf32>,
      %get3A_400 = arith.constant 40 : i32
      %get3A_401 = arith.index_cast %get3A_400 : i32 to index
      %get3A_402 = arith.constant 0 : index
      %get3A_403 = tpu.vector_load %arg12[%get3A_401, %get3A_402] {strides = array<i32>} : memref<128x16xf32, #tpu.memory_space<vmem>>, vector<16xf32>,
      %ge3A_404 = arith.cmpf oge, %get3A_399, %get3A_403 : vector<16xf32>
      %jit3A_405 = arith.constant 1.000000e+00 : f32
      %jit3A_406 = arith.constant 0.000000e+00 : f32
      %broadcast_in_dim3A_407 = vector.broadcast %jit3A_405 : f32 to vector<16xf32>
      %broadcast_in_dim3A_408 = vector.broadcast %jit3A_406 : f32 to vector<16xf32>
      %select_n3A_409 = arith.select %ge3A_404, %broadcast_in_dim3A_407, %broadcast_in_dim3A_408 : vector<16xi1>, vector<16xf32>
      %mul3A_410 = arith.constant 48 : i32
      %mul3A_411 = arith.muli %div3A_109, %mul3A_410 : i32
      %add3A_412 = arith.constant 0 : i32
      %add3A_413 = arith.addi %mul3A_411, %add3A_412 : i32
      %add3A_414 = arith.constant 16 : i32
      %add3A_415 = arith.addi %add3A_413, %add3A_414 : i32
      %get3A_416 = arith.index_cast %add3A_415 : i32 to index
      %get3A_417 = arith.constant 0 : index
      %get3A_418 = tpu.vector_load %arg13[%get3A_416, %get3A_417] {strides = array<i32>} : memref<192x16xf32, #tpu.memory_space<vmem>>, vector<16xf32>,
      %get3A_419 = arith.constant 41 : i32
      %get3A_420 = arith.index_cast %get3A_419 : i32 to index
      %get3A_421 = arith.constant 0 : index
      %get3A_422 = tpu.vector_load %arg12[%get3A_420, %get3A_421] {strides = array<i32>} : memref<128x16xf32, #tpu.memory_space<vmem>>, vector<16xf32>,
      %ge3A_423 = arith.cmpf oge, %get3A_418, %get3A_422 : vector<16xf32>
      %jit3A_424 = arith.constant 1.000000e+00 : f32
      %jit3A_425 = arith.constant 0.000000e+00 : f32
      %broadcast_in_dim3A_426 = vector.broadcast %jit3A_424 : f32 to vector<16xf32>
      %broadcast_in_dim3A_427 = vector.broadcast %jit3A_425 : f32 to vector<16xf32>
      %select_n3A_428 = arith.select %ge3A_423, %broadcast_in_dim3A_426, %broadcast_in_dim3A_427 : vector<16xi1>, vector<16xf32>
      %mul3A_429 = arith.constant 48 : i32
      %mul3A_430 = arith.muli %div3A_109, %mul3A_429 : i32
      %add3A_431 = arith.constant 0 : i32
      %add3A_432 = arith.addi %mul3A_430, %add3A_431 : i32
      %add3A_433 = arith.constant 17 : i32
      %add3A_434 = arith.addi %add3A_432, %add3A_433 : i32
      %get3A_435 = arith.index_cast %add3A_434 : i32 to index
      %get3A_436 = arith.constant 0 : index
      %get3A_437 = tpu.vector_load %arg13[%get3A_435, %get3A_436] {strides = array<i32>} : memref<192x16xf32, #tpu.memory_space<vmem>>, vector<16xf32>,
      %get3A_438 = arith.constant 42 : i32
      %get3A_439 = arith.index_cast %get3A_438 : i32 to index
      %get3A_440 = arith.constant 0 : index
      %get3A_441 = tpu.vector_load %arg12[%get3A_439, %get3A_440] {strides = array<i32>} : memref<128x16xf32, #tpu.memory_space<vmem>>, vector<16xf32>,
      %ge3A_442 = arith.cmpf oge, %get3A_437, %get3A_441 : vector<16xf32>
      %jit3A_443 = arith.constant 1.000000e+00 : f32
      %jit3A_444 = arith.constant 0.000000e+00 : f32
      %broadcast_in_dim3A_445 = vector.broadcast %jit3A_443 : f32 to vector<16xf32>
      %broadcast_in_dim3A_446 = vector.broadcast %jit3A_444 : f32 to vector<16xf32>
      %select_n3A_447 = arith.select %ge3A_442, %broadcast_in_dim3A_445, %broadcast_in_dim3A_446 : vector<16xi1>, vector<16xf32>
      %mul3A_448 = arith.constant 48 : i32
      %mul3A_449 = arith.muli %div3A_109, %mul3A_448 : i32
      %add3A_450 = arith.constant 0 : i32
      %add3A_451 = arith.addi %mul3A_449, %add3A_450 : i32
      %add3A_452 = arith.constant 18 : i32
      %add3A_453 = arith.addi %add3A_451, %add3A_452 : i32
      %get3A_454 = arith.index_cast %add3A_453 : i32 to index
      %get3A_455 = arith.constant 0 : index
      %get3A_456 = tpu.vector_load %arg13[%get3A_454, %get3A_455] {strides = array<i32>} : memref<192x16xf32, #tpu.memory_space<vmem>>, vector<16xf32>,
      %get3A_457 = arith.constant 48 : i32
      %get3A_458 = arith.index_cast %get3A_457 : i32 to index
      %get3A_459 = arith.constant 0 : index
      %get3A_460 = tpu.vector_load %arg12[%get3A_458, %get3A_459] {strides = array<i32>} : memref<128x16xf32, #tpu.memory_space<vmem>>, vector<16xf32>,
      %ge3A_461 = arith.cmpf oge, %get3A_456, %get3A_460 : vector<16xf32>
      %jit3A_462 = arith.constant 1.000000e+00 : f32
      %jit3A_463 = arith.constant 0.000000e+00 : f32
      %broadcast_in_dim3A_464 = vector.broadcast %jit3A_462 : f32 to vector<16xf32>
      %broadcast_in_dim3A_465 = vector.broadcast %jit3A_463 : f32 to vector<16xf32>
      %select_n3A_466 = arith.select %ge3A_461, %broadcast_in_dim3A_464, %broadcast_in_dim3A_465 : vector<16xi1>, vector<16xf32>
      %mul3A_467 = arith.constant 48 : i32
      %mul3A_468 = arith.muli %div3A_109, %mul3A_467 : i32
      %add3A_469 = arith.constant 0 : i32
      %add3A_470 = arith.addi %mul3A_468, %add3A_469 : i32
      %add3A_471 = arith.constant 19 : i32
      %add3A_472 = arith.addi %add3A_470, %add3A_471 : i32
      %get3A_473 = arith.index_cast %add3A_472 : i32 to index
      %get3A_474 = arith.constant 0 : index
      %get3A_475 = tpu.vector_load %arg13[%get3A_473, %get3A_474] {strides = array<i32>} : memref<192x16xf32, #tpu.memory_space<vmem>>, vector<16xf32>,
      %get3A_476 = arith.constant 49 : i32
      %get3A_477 = arith.index_cast %get3A_476 : i32 to index
      %get3A_478 = arith.constant 0 : index
      %get3A_479 = tpu.vector_load %arg12[%get3A_477, %get3A_478] {strides = array<i32>} : memref<128x16xf32, #tpu.memory_space<vmem>>, vector<16xf32>,
      %ge3A_480 = arith.cmpf oge, %get3A_475, %get3A_479 : vector<16xf32>
      %jit3A_481 = arith.constant 1.000000e+00 : f32
      %jit3A_482 = arith.constant 0.000000e+00 : f32
      %broadcast_in_dim3A_483 = vector.broadcast %jit3A_481 : f32 to vector<16xf32>
      %broadcast_in_dim3A_484 = vector.broadcast %jit3A_482 : f32 to vector<16xf32>
      %select_n3A_485 = arith.select %ge3A_480, %broadcast_in_dim3A_483, %broadcast_in_dim3A_484 : vector<16xi1>, vector<16xf32>
      %mul3A_486 = arith.constant 48 : i32
      %mul3A_487 = arith.muli %div3A_109, %mul3A_486 : i32
      %add3A_488 = arith.constant 0 : i32
      %add3A_489 = arith.addi %mul3A_487, %add3A_488 : i32
      %add3A_490 = arith.constant 20 : i32
      %add3A_491 = arith.addi %add3A_489, %add3A_490 : i32
      %get3A_492 = arith.index_cast %add3A_491 : i32 to index
      %get3A_493 = arith.constant 0 : index
      %get3A_494 = tpu.vector_load %arg13[%get3A_492, %get3A_493] {strides = array<i32>} : memref<192x16xf32, #tpu.memory_space<vmem>>, vector<16xf32>,
      %get3A_495 = arith.constant 50 : i32
      %get3A_496 = arith.index_cast %get3A_495 : i32 to index
      %get3A_497 = arith.constant 0 : index
      %get3A_498 = tpu.vector_load %arg12[%get3A_496, %get3A_497] {strides = array<i32>} : memref<128x16xf32, #tpu.memory_space<vmem>>, vector<16xf32>,
      %ge3A_499 = arith.cmpf oge, %get3A_494, %get3A_498 : vector<16xf32>
      %jit3A_500 = arith.constant 1.000000e+00 : f32
      %jit3A_501 = arith.constant 0.000000e+00 : f32
      %broadcast_in_dim3A_502 = vector.broadcast %jit3A_500 : f32 to vector<16xf32>
      %broadcast_in_dim3A_503 = vector.broadcast %jit3A_501 : f32 to vector<16xf32>
      %select_n3A_504 = arith.select %ge3A_499, %broadcast_in_dim3A_502, %broadcast_in_dim3A_503 : vector<16xi1>, vector<16xf32>
      %mul3A_505 = arith.constant 48 : i32
      %mul3A_506 = arith.muli %div3A_109, %mul3A_505 : i32
      %add3A_507 = arith.constant 0 : i32
      %add3A_508 = arith.addi %mul3A_506, %add3A_507 : i32
      %add3A_509 = arith.constant 21 : i32
      %add3A_510 = arith.addi %add3A_508, %add3A_509 : i32
      %get3A_511 = arith.index_cast %add3A_510 : i32 to index
      %get3A_512 = arith.constant 0 : index
      %get3A_513 = tpu.vector_load %arg13[%get3A_511, %get3A_512] {strides = array<i32>} : memref<192x16xf32, #tpu.memory_space<vmem>>, vector<16xf32>,
      %get3A_514 = arith.constant 56 : i32
      %get3A_515 = arith.index_cast %get3A_514 : i32 to index
      %get3A_516 = arith.constant 0 : index
      %get3A_517 = tpu.vector_load %arg12[%get3A_515, %get3A_516] {strides = array<i32>} : memref<128x16xf32, #tpu.memory_space<vmem>>, vector<16xf32>,
      %ge3A_518 = arith.cmpf oge, %get3A_513, %get3A_517 : vector<16xf32>
      %jit3A_519 = arith.constant 1.000000e+00 : f32
      %jit3A_520 = arith.constant 0.000000e+00 : f32
      %broadcast_in_dim3A_521 = vector.broadcast %jit3A_519 : f32 to vector<16xf32>
      %broadcast_in_dim3A_522 = vector.broadcast %jit3A_520 : f32 to vector<16xf32>
      %select_n3A_523 = arith.select %ge3A_518, %broadcast_in_dim3A_521, %broadcast_in_dim3A_522 : vector<16xi1>, vector<16xf32>
      %mul3A_524 = arith.constant 48 : i32
      %mul3A_525 = arith.muli %div3A_109, %mul3A_524 : i32
      %add3A_526 = arith.constant 0 : i32
      %add3A_527 = arith.addi %mul3A_525, %add3A_526 : i32
      %add3A_528 = arith.constant 22 : i32
      %add3A_529 = arith.addi %add3A_527, %add3A_528 : i32
      %get3A_530 = arith.index_cast %add3A_529 : i32 to index
      %get3A_531 = arith.constant 0 : index
      %get3A_532 = tpu.vector_load %arg13[%get3A_530, %get3A_531] {strides = array<i32>} : memref<192x16xf32, #tpu.memory_space<vmem>>, vector<16xf32>,
      %get3A_533 = arith.constant 57 : i32
      %get3A_534 = arith.index_cast %get3A_533 : i32 to index
      %get3A_535 = arith.constant 0 : index
      %get3A_536 = tpu.vector_load %arg12[%get3A_534, %get3A_535] {strides = array<i32>} : memref<128x16xf32, #tpu.memory_space<vmem>>, vector<16xf32>,
      %ge3A_537 = arith.cmpf oge, %get3A_532, %get3A_536 : vector<16xf32>
      %jit3A_538 = arith.constant 1.000000e+00 : f32
      %jit3A_539 = arith.constant 0.000000e+00 : f32
      %broadcast_in_dim3A_540 = vector.broadcast %jit3A_538 : f32 to vector<16xf32>
      %broadcast_in_dim3A_541 = vector.broadcast %jit3A_539 : f32 to vector<16xf32>
      %select_n3A_542 = arith.select %ge3A_537, %broadcast_in_dim3A_540, %broadcast_in_dim3A_541 : vector<16xi1>, vector<16xf32>
      %mul3A_543 = arith.constant 48 : i32
      %mul3A_544 = arith.muli %div3A_109, %mul3A_543 : i32
      %add3A_545 = arith.constant 0 : i32
      %add3A_546 = arith.addi %mul3A_544, %add3A_545 : i32
      %add3A_547 = arith.constant 23 : i32
      %add3A_548 = arith.addi %add3A_546, %add3A_547 : i32
      %get3A_549 = arith.index_cast %add3A_548 : i32 to index
      %get3A_550 = arith.constant 0 : index
      %get3A_551 = tpu.vector_load %arg13[%get3A_549, %get3A_550] {strides = array<i32>} : memref<192x16xf32, #tpu.memory_space<vmem>>, vector<16xf32>,
      %get3A_552 = arith.constant 58 : i32
      %get3A_553 = arith.index_cast %get3A_552 : i32 to index
      %get3A_554 = arith.constant 0 : index
      %get3A_555 = tpu.vector_load %arg12[%get3A_553, %get3A_554] {strides = array<i32>} : memref<128x16xf32, #tpu.memory_space<vmem>>, vector<16xf32>,
      %ge3A_556 = arith.cmpf oge, %get3A_551, %get3A_555 : vector<16xf32>
      %jit3A_557 = arith.constant 1.000000e+00 : f32
      %jit3A_558 = arith.constant 0.000000e+00 : f32
      %broadcast_in_dim3A_559 = vector.broadcast %jit3A_557 : f32 to vector<16xf32>
      %broadcast_in_dim3A_560 = vector.broadcast %jit3A_558 : f32 to vector<16xf32>
      %select_n3A_561 = arith.select %ge3A_556, %broadcast_in_dim3A_559, %broadcast_in_dim3A_560 : vector<16xi1>, vector<16xf32>
      %scan3A_562 = arith.constant 0 : i32
      %scan3A_563 = arith.constant 16 : i32
      %scan3A_564 = arith.addi %scan3A_562, %scan3A_563 : i32
      %scan3A_565 = arith.constant 1 : i32
      scf.for %scan3A_1991 = %scan3A_562 to %scan3A_564 step %scan3A_565  : i32 {
        %get3A_1992 = arith.index_cast %scan3A_1991 : i32 to index
        %get3A_1993 = arith.constant 0 : index
        %get3A_1994 = tpu.vector_load %arg7[%get3A_1992, %get3A_1993] {strides = array<i32>} : memref<16x768xf32, #tpu.memory_space<vmem>>, vector<16xf32>,
        %mul3A_1995 = arith.mulf %get3A_1994, %select_n3A : vector<16xf32>
        %swap3A_1996 = arith.index_cast %scan3A_1991 : i32 to index
        %swap3A_1997 = arith.constant 0 : index
        %swap3A_1998 = tpu.vector_load %arg9[%swap3A_1996, %swap3A_1997] {strides = array<i32>} : memref<16x768xf32, #tpu.memory_space<vmem>>, vector<16xf32>,
        tpu.vector_store %arg9[%swap3A_1996, %swap3A_1997], %mul3A_1995 {strides = array<i32>} : memref<16x768xf32, #tpu.memory_space<vmem>>, vector<16xf32>,
        %get3A_1999 = arith.index_cast %scan3A_1991 : i32 to index
        %get3A_2000 = arith.constant 16 : index
        %get3A_2001 = tpu.vector_load %arg7[%get3A_1999, %get3A_2000] {strides = array<i32>} : memref<16x768xf32, #tpu.memory_space<vmem>>, vector<16xf32>,
        %mul3A_2002 = arith.mulf %get3A_2001, %select_n3A_143 : vector<16xf32>
        %swap3A_2003 = arith.index_cast %scan3A_1991 : i32 to index
        %swap3A_2004 = arith.constant 16 : index
        %swap3A_2005 = tpu.vector_load %arg9[%swap3A_2003, %swap3A_2004] {strides = array<i32>} : memref<16x768xf32, #tpu.memory_space<vmem>>, vector<16xf32>,
        tpu.vector_store %arg9[%swap3A_2003, %swap3A_2004], %mul3A_2002 {strides = array<i32>} : memref<16x768xf32, #tpu.memory_space<vmem>>, vector<16xf32>,
        %get3A_2006 = arith.index_cast %scan3A_1991 : i32 to index
        %get3A_2007 = arith.constant 32 : index
        %get3A_2008 = tpu.vector_load %arg7[%get3A_2006, %get3A_2007] {strides = array<i32>} : memref<16x768xf32, #tpu.memory_space<vmem>>, vector<16xf32>,
        %mul3A_2009 = arith.mulf %get3A_2008, %select_n3A_162 : vector<16xf32>
        %swap3A_2010 = arith.index_cast %scan3A_1991 : i32 to index
        %swap3A_2011 = arith.constant 32 : index
        %swap3A_2012 = tpu.vector_load %arg9[%swap3A_2010, %swap3A_2011] {strides = array<i32>} : memref<16x768xf32, #tpu.memory_space<vmem>>, vector<16xf32>,
        tpu.vector_store %arg9[%swap3A_2010, %swap3A_2011], %mul3A_2009 {strides = array<i32>} : memref<16x768xf32, #tpu.memory_space<vmem>>, vector<16xf32>,
        %get3A_2013 = arith.index_cast %scan3A_1991 : i32 to index
        %get3A_2014 = arith.constant 48 : index
        %get3A_2015 = tpu.vector_load %arg7[%get3A_2013, %get3A_2014] {strides = array<i32>} : memref<16x768xf32, #tpu.memory_space<vmem>>, vector<16xf32>,
        %mul3A_2016 = arith.mulf %get3A_2015, %select_n3A_181 : vector<16xf32>
        %swap3A_2017 = arith.index_cast %scan3A_1991 : i32 to index
        %swap3A_2018 = arith.constant 48 : index
        %swap3A_2019 = tpu.vector_load %arg9[%swap3A_2017, %swap3A_2018] {strides = array<i32>} : memref<16x768xf32, #tpu.memory_space<vmem>>, vector<16xf32>,
        tpu.vector_store %arg9[%swap3A_2017, %swap3A_2018], %mul3A_2016 {strides = array<i32>} : memref<16x768xf32, #tpu.memory_space<vmem>>, vector<16xf32>,
        %get3A_2020 = arith.index_cast %scan3A_1991 : i32 to index
        %get3A_2021 = arith.constant 64 : index
        %get3A_2022 = tpu.vector_load %arg7[%get3A_2020, %get3A_2021] {strides = array<i32>} : memref<16x768xf32, #tpu.memory_space<vmem>>, vector<16xf32>,
        %mul3A_2023 = arith.mulf %get3A_2022, %select_n3A_200 : vector<16xf32>
        %swap3A_2024 = arith.index_cast %scan3A_1991 : i32 to index
        %swap3A_2025 = arith.constant 64 : index
        %swap3A_2026 = tpu.vector_load %arg9[%swap3A_2024, %swap3A_2025] {strides = array<i32>} : memref<16x768xf32, #tpu.memory_space<vmem>>, vector<16xf32>,
        tpu.vector_store %arg9[%swap3A_2024, %swap3A_2025], %mul3A_2023 {strides = array<i32>} : memref<16x768xf32, #tpu.memory_space<vmem>>, vector<16xf32>,
        %get3A_2027 = arith.index_cast %scan3A_1991 : i32 to index
        %get3A_2028 = arith.constant 80 : index
        %get3A_2029 = tpu.vector_load %arg7[%get3A_2027, %get3A_2028] {strides = array<i32>} : memref<16x768xf32, #tpu.memory_space<vmem>>, vector<16xf32>,
        %mul3A_2030 = arith.mulf %get3A_2029, %select_n3A_219 : vector<16xf32>
        %swap3A_2031 = arith.index_cast %scan3A_1991 : i32 to index
        %swap3A_2032 = arith.constant 80 : index
        %swap3A_2033 = tpu.vector_load %arg9[%swap3A_2031, %swap3A_2032] {strides = array<i32>} : memref<16x768xf32, #tpu.memory_space<vmem>>, vector<16xf32>,
        tpu.vector_store %arg9[%swap3A_2031, %swap3A_2032], %mul3A_2030 {strides = array<i32>} : memref<16x768xf32, #tpu.memory_space<vmem>>, vector<16xf32>,
        %get3A_2034 = arith.index_cast %scan3A_1991 : i32 to index
        %get3A_2035 = arith.constant 96 : index
        %get3A_2036 = tpu.vector_load %arg7[%get3A_2034, %get3A_2035] {strides = array<i32>} : memref<16x768xf32, #tpu.memory_space<vmem>>, vector<16xf32>,
        %mul3A_2037 = arith.mulf %get3A_2036, %select_n3A_238 : vector<16xf32>
        %swap3A_2038 = arith.index_cast %scan3A_1991 : i32 to index
        %swap3A_2039 = arith.constant 96 : index
        %swap3A_2040 = tpu.vector_load %arg9[%swap3A_2038, %swap3A_2039] {strides = array<i32>} : memref<16x768xf32, #tpu.memory_space<vmem>>, vector<16xf32>,
        tpu.vector_store %arg9[%swap3A_2038, %swap3A_2039], %mul3A_2037 {strides = array<i32>} : memref<16x768xf32, #tpu.memory_space<vmem>>, vector<16xf32>,
        %get3A_2041 = arith.index_cast %scan3A_1991 : i32 to index
        %get3A_2042 = arith.constant 112 : index
        %get3A_2043 = tpu.vector_load %arg7[%get3A_2041, %get3A_2042] {strides = array<i32>} : memref<16x768xf32, #tpu.memory_space<vmem>>, vector<16xf32>,
        %mul3A_2044 = arith.mulf %get3A_2043, %select_n3A_257 : vector<16xf32>
        %swap3A_2045 = arith.index_cast %scan3A_1991 : i32 to index
        %swap3A_2046 = arith.constant 112 : index
        %swap3A_2047 = tpu.vector_load %arg9[%swap3A_2045, %swap3A_2046] {strides = array<i32>} : memref<16x768xf32, #tpu.memory_space<vmem>>, vector<16xf32>,
        tpu.vector_store %arg9[%swap3A_2045, %swap3A_2046], %mul3A_2044 {strides = array<i32>} : memref<16x768xf32, #tpu.memory_space<vmem>>, vector<16xf32>,
        %get3A_2048 = arith.index_cast %scan3A_1991 : i32 to index
        %get3A_2049 = arith.constant 128 : index
        %get3A_2050 = tpu.vector_load %arg7[%get3A_2048, %get3A_2049] {strides = array<i32>} : memref<16x768xf32, #tpu.memory_space<vmem>>, vector<16xf32>,
        %mul3A_2051 = arith.mulf %get3A_2050, %select_n3A_276 : vector<16xf32>
        %swap3A_2052 = arith.index_cast %scan3A_1991 : i32 to index
        %swap3A_2053 = arith.constant 128 : index
        %swap3A_2054 = tpu.vector_load %arg9[%swap3A_2052, %swap3A_2053] {strides = array<i32>} : memref<16x768xf32, #tpu.memory_space<vmem>>, vector<16xf32>,
        tpu.vector_store %arg9[%swap3A_2052, %swap3A_2053], %mul3A_2051 {strides = array<i32>} : memref<16x768xf32, #tpu.memory_space<vmem>>, vector<16xf32>,
        %get3A_2055 = arith.index_cast %scan3A_1991 : i32 to index
        %get3A_2056 = arith.constant 144 : index
        %get3A_2057 = tpu.vector_load %arg7[%get3A_2055, %get3A_2056] {strides = array<i32>} : memref<16x768xf32, #tpu.memory_space<vmem>>, vector<16xf32>,
        %mul3A_2058 = arith.mulf %get3A_2057, %select_n3A_295 : vector<16xf32>
        %swap3A_2059 = arith.index_cast %scan3A_1991 : i32 to index
        %swap3A_2060 = arith.constant 144 : index
        %swap3A_2061 = tpu.vector_load %arg9[%swap3A_2059, %swap3A_2060] {strides = array<i32>} : memref<16x768xf32, #tpu.memory_space<vmem>>, vector<16xf32>,
        tpu.vector_store %arg9[%swap3A_2059, %swap3A_2060], %mul3A_2058 {strides = array<i32>} : memref<16x768xf32, #tpu.memory_space<vmem>>, vector<16xf32>,
        %get3A_2062 = arith.index_cast %scan3A_1991 : i32 to index
        %get3A_2063 = arith.constant 160 : index
        %get3A_2064 = tpu.vector_load %arg7[%get3A_2062, %get3A_2063] {strides = array<i32>} : memref<16x768xf32, #tpu.memory_space<vmem>>, vector<16xf32>,
        %mul3A_2065 = arith.mulf %get3A_2064, %select_n3A_314 : vector<16xf32>
        %swap3A_2066 = arith.index_cast %scan3A_1991 : i32 to index
        %swap3A_2067 = arith.constant 160 : index
        %swap3A_2068 = tpu.vector_load %arg9[%swap3A_2066, %swap3A_2067] {strides = array<i32>} : memref<16x768xf32, #tpu.memory_space<vmem>>, vector<16xf32>,
        tpu.vector_store %arg9[%swap3A_2066, %swap3A_2067], %mul3A_2065 {strides = array<i32>} : memref<16x768xf32, #tpu.memory_space<vmem>>, vector<16xf32>,
        %get3A_2069 = arith.index_cast %scan3A_1991 : i32 to index
        %get3A_2070 = arith.constant 176 : index
        %get3A_2071 = tpu.vector_load %arg7[%get3A_2069, %get3A_2070] {strides = array<i32>} : memref<16x768xf32, #tpu.memory_space<vmem>>, vector<16xf32>,
        %mul3A_2072 = arith.mulf %get3A_2071, %select_n3A_333 : vector<16xf32>
        %swap3A_2073 = arith.index_cast %scan3A_1991 : i32 to index
        %swap3A_2074 = arith.constant 176 : index
        %swap3A_2075 = tpu.vector_load %arg9[%swap3A_2073, %swap3A_2074] {strides = array<i32>} : memref<16x768xf32, #tpu.memory_space<vmem>>, vector<16xf32>,
        tpu.vector_store %arg9[%swap3A_2073, %swap3A_2074], %mul3A_2072 {strides = array<i32>} : memref<16x768xf32, #tpu.memory_space<vmem>>, vector<16xf32>,
        %get3A_2076 = arith.index_cast %scan3A_1991 : i32 to index
        %get3A_2077 = arith.constant 192 : index
        %get3A_2078 = tpu.vector_load %arg7[%get3A_2076, %get3A_2077] {strides = array<i32>} : memref<16x768xf32, #tpu.memory_space<vmem>>, vector<16xf32>,
        %mul3A_2079 = arith.mulf %get3A_2078, %select_n3A_352 : vector<16xf32>
        %swap3A_2080 = arith.index_cast %scan3A_1991 : i32 to index
        %swap3A_2081 = arith.constant 192 : index
        %swap3A_2082 = tpu.vector_load %arg9[%swap3A_2080, %swap3A_2081] {strides = array<i32>} : memref<16x768xf32, #tpu.memory_space<vmem>>, vector<16xf32>,
        tpu.vector_store %arg9[%swap3A_2080, %swap3A_2081], %mul3A_2079 {strides = array<i32>} : memref<16x768xf32, #tpu.memory_space<vmem>>, vector<16xf32>,
        %get3A_2083 = arith.index_cast %scan3A_1991 : i32 to index
        %get3A_2084 = arith.constant 208 : index
        %get3A_2085 = tpu.vector_load %arg7[%get3A_2083, %get3A_2084] {strides = array<i32>} : memref<16x768xf32, #tpu.memory_space<vmem>>, vector<16xf32>,
        %mul3A_2086 = arith.mulf %get3A_2085, %select_n3A_371 : vector<16xf32>
        %swap3A_2087 = arith.index_cast %scan3A_1991 : i32 to index
        %swap3A_2088 = arith.constant 208 : index
        %swap3A_2089 = tpu.vector_load %arg9[%swap3A_2087, %swap3A_2088] {strides = array<i32>} : memref<16x768xf32, #tpu.memory_space<vmem>>, vector<16xf32>,
        tpu.vector_store %arg9[%swap3A_2087, %swap3A_2088], %mul3A_2086 {strides = array<i32>} : memref<16x768xf32, #tpu.memory_space<vmem>>, vector<16xf32>,
        %get3A_2090 = arith.index_cast %scan3A_1991 : i32 to index
        %get3A_2091 = arith.constant 224 : index
        %get3A_2092 = tpu.vector_load %arg7[%get3A_2090, %get3A_2091] {strides = array<i32>} : memref<16x768xf32, #tpu.memory_space<vmem>>, vector<16xf32>,
        %mul3A_2093 = arith.mulf %get3A_2092, %select_n3A_390 : vector<16xf32>
        %swap3A_2094 = arith.index_cast %scan3A_1991 : i32 to index
        %swap3A_2095 = arith.constant 224 : index
        %swap3A_2096 = tpu.vector_load %arg9[%swap3A_2094, %swap3A_2095] {strides = array<i32>} : memref<16x768xf32, #tpu.memory_space<vmem>>, vector<16xf32>,
        tpu.vector_store %arg9[%swap3A_2094, %swap3A_2095], %mul3A_2093 {strides = array<i32>} : memref<16x768xf32, #tpu.memory_space<vmem>>, vector<16xf32>,
        %get3A_2097 = arith.index_cast %scan3A_1991 : i32 to index
        %get3A_2098 = arith.constant 240 : index
        %get3A_2099 = tpu.vector_load %arg7[%get3A_2097, %get3A_2098] {strides = array<i32>} : memref<16x768xf32, #tpu.memory_space<vmem>>, vector<16xf32>,
        %mul3A_2100 = arith.mulf %get3A_2099, %select_n3A_409 : vector<16xf32>
        %swap3A_2101 = arith.index_cast %scan3A_1991 : i32 to index
        %swap3A_2102 = arith.constant 240 : index
        %swap3A_2103 = tpu.vector_load %arg9[%swap3A_2101, %swap3A_2102] {strides = array<i32>} : memref<16x768xf32, #tpu.memory_space<vmem>>, vector<16xf32>,
        tpu.vector_store %arg9[%swap3A_2101, %swap3A_2102], %mul3A_2100 {strides = array<i32>} : memref<16x768xf32, #tpu.memory_space<vmem>>, vector<16xf32>,
        %get3A_2104 = arith.index_cast %scan3A_1991 : i32 to index
        %get3A_2105 = arith.constant 256 : index
        %get3A_2106 = tpu.vector_load %arg7[%get3A_2104, %get3A_2105] {strides = array<i32>} : memref<16x768xf32, #tpu.memory_space<vmem>>, vector<16xf32>,
        %mul3A_2107 = arith.mulf %get3A_2106, %select_n3A_428 : vector<16xf32>
        %swap3A_2108 = arith.index_cast %scan3A_1991 : i32 to index
        %swap3A_2109 = arith.constant 256 : index
        %swap3A_2110 = tpu.vector_load %arg9[%swap3A_2108, %swap3A_2109] {strides = array<i32>} : memref<16x768xf32, #tpu.memory_space<vmem>>, vector<16xf32>,
        tpu.vector_store %arg9[%swap3A_2108, %swap3A_2109], %mul3A_2107 {strides = array<i32>} : memref<16x768xf32, #tpu.memory_space<vmem>>, vector<16xf32>,
        %get3A_2111 = arith.index_cast %scan3A_1991 : i32 to index
        %get3A_2112 = arith.constant 272 : index
        %get3A_2113 = tpu.vector_load %arg7[%get3A_2111, %get3A_2112] {strides = array<i32>} : memref<16x768xf32, #tpu.memory_space<vmem>>, vector<16xf32>,
        %mul3A_2114 = arith.mulf %get3A_2113, %select_n3A_447 : vector<16xf32>
        %swap3A_2115 = arith.index_cast %scan3A_1991 : i32 to index
        %swap3A_2116 = arith.constant 272 : index
        %swap3A_2117 = tpu.vector_load %arg9[%swap3A_2115, %swap3A_2116] {strides = array<i32>} : memref<16x768xf32, #tpu.memory_space<vmem>>, vector<16xf32>,
        tpu.vector_store %arg9[%swap3A_2115, %swap3A_2116], %mul3A_2114 {strides = array<i32>} : memref<16x768xf32, #tpu.memory_space<vmem>>, vector<16xf32>,
        %get3A_2118 = arith.index_cast %scan3A_1991 : i32 to index
        %get3A_2119 = arith.constant 288 : index
        %get3A_2120 = tpu.vector_load %arg7[%get3A_2118, %get3A_2119] {strides = array<i32>} : memref<16x768xf32, #tpu.memory_space<vmem>>, vector<16xf32>,
        %mul3A_2121 = arith.mulf %get3A_2120, %select_n3A_466 : vector<16xf32>
        %swap3A_2122 = arith.index_cast %scan3A_1991 : i32 to index
        %swap3A_2123 = arith.constant 288 : index
        %swap3A_2124 = tpu.vector_load %arg9[%swap3A_2122, %swap3A_2123] {strides = array<i32>} : memref<16x768xf32, #tpu.memory_space<vmem>>, vector<16xf32>,
        tpu.vector_store %arg9[%swap3A_2122, %swap3A_2123], %mul3A_2121 {strides = array<i32>} : memref<16x768xf32, #tpu.memory_space<vmem>>, vector<16xf32>,
        %get3A_2125 = arith.index_cast %scan3A_1991 : i32 to index
        %get3A_2126 = arith.constant 304 : index
        %get3A_2127 = tpu.vector_load %arg7[%get3A_2125, %get3A_2126] {strides = array<i32>} : memref<16x768xf32, #tpu.memory_space<vmem>>, vector<16xf32>,
        %mul3A_2128 = arith.mulf %get3A_2127, %select_n3A_485 : vector<16xf32>
        %swap3A_2129 = arith.index_cast %scan3A_1991 : i32 to index
        %swap3A_2130 = arith.constant 304 : index
        %swap3A_2131 = tpu.vector_load %arg9[%swap3A_2129, %swap3A_2130] {strides = array<i32>} : memref<16x768xf32, #tpu.memory_space<vmem>>, vector<16xf32>,
        tpu.vector_store %arg9[%swap3A_2129, %swap3A_2130], %mul3A_2128 {strides = array<i32>} : memref<16x768xf32, #tpu.memory_space<vmem>>, vector<16xf32>,
        %get3A_2132 = arith.index_cast %scan3A_1991 : i32 to index
        %get3A_2133 = arith.constant 320 : index
        %get3A_2134 = tpu.vector_load %arg7[%get3A_2132, %get3A_2133] {strides = array<i32>} : memref<16x768xf32, #tpu.memory_space<vmem>>, vector<16xf32>,
        %mul3A_2135 = arith.mulf %get3A_2134, %select_n3A_504 : vector<16xf32>
        %swap3A_2136 = arith.index_cast %scan3A_1991 : i32 to index
        %swap3A_2137 = arith.constant 320 : index
        %swap3A_2138 = tpu.vector_load %arg9[%swap3A_2136, %swap3A_2137] {strides = array<i32>} : memref<16x768xf32, #tpu.memory_space<vmem>>, vector<16xf32>,
        tpu.vector_store %arg9[%swap3A_2136, %swap3A_2137], %mul3A_2135 {strides = array<i32>} : memref<16x768xf32, #tpu.memory_space<vmem>>, vector<16xf32>,
        %get3A_2139 = arith.index_cast %scan3A_1991 : i32 to index
        %get3A_2140 = arith.constant 336 : index
        %get3A_2141 = tpu.vector_load %arg7[%get3A_2139, %get3A_2140] {strides = array<i32>} : memref<16x768xf32, #tpu.memory_space<vmem>>, vector<16xf32>,
        %mul3A_2142 = arith.mulf %get3A_2141, %select_n3A_523 : vector<16xf32>
        %swap3A_2143 = arith.index_cast %scan3A_1991 : i32 to index
        %swap3A_2144 = arith.constant 336 : index
        %swap3A_2145 = tpu.vector_load %arg9[%swap3A_2143, %swap3A_2144] {strides = array<i32>} : memref<16x768xf32, #tpu.memory_space<vmem>>, vector<16xf32>,
        tpu.vector_store %arg9[%swap3A_2143, %swap3A_2144], %mul3A_2142 {strides = array<i32>} : memref<16x768xf32, #tpu.memory_space<vmem>>, vector<16xf32>,
        %get3A_2146 = arith.index_cast %scan3A_1991 : i32 to index
        %get3A_2147 = arith.constant 352 : index
        %get3A_2148 = tpu.vector_load %arg7[%get3A_2146, %get3A_2147] {strides = array<i32>} : memref<16x768xf32, #tpu.memory_space<vmem>>, vector<16xf32>,
        %mul3A_2149 = arith.mulf %get3A_2148, %select_n3A_542 : vector<16xf32>
        %swap3A_2150 = arith.index_cast %scan3A_1991 : i32 to index
        %swap3A_2151 = arith.constant 352 : index
        %swap3A_2152 = tpu.vector_load %arg9[%swap3A_2150, %swap3A_2151] {strides = array<i32>} : memref<16x768xf32, #tpu.memory_space<vmem>>, vector<16xf32>,
        tpu.vector_store %arg9[%swap3A_2150, %swap3A_2151], %mul3A_2149 {strides = array<i32>} : memref<16x768xf32, #tpu.memory_space<vmem>>, vector<16xf32>,
        %get3A_2153 = arith.index_cast %scan3A_1991 : i32 to index
        %get3A_2154 = arith.constant 368 : index
        %get3A_2155 = tpu.vector_load %arg7[%get3A_2153, %get3A_2154] {strides = array<i32>} : memref<16x768xf32, #tpu.memory_space<vmem>>, vector<16xf32>,
        %mul3A_2156 = arith.mulf %get3A_2155, %select_n3A_561 : vector<16xf32>
        %swap3A_2157 = arith.index_cast %scan3A_1991 : i32 to index
        %swap3A_2158 = arith.constant 368 : index
        %swap3A_2159 = tpu.vector_load %arg9[%swap3A_2157, %swap3A_2158] {strides = array<i32>} : memref<16x768xf32, #tpu.memory_space<vmem>>, vector<16xf32>,
        tpu.vector_store %arg9[%swap3A_2157, %swap3A_2158], %mul3A_2156 {strides = array<i32>} : memref<16x768xf32, #tpu.memory_space<vmem>>, vector<16xf32>,
      }
      %scan3A_566 = arith.constant 16 : i32
      %mul3A_567 = arith.constant 48 : i32
      %mul3A_568 = arith.muli %div3A_109, %mul3A_567 : i32
      %add3A_569 = arith.constant 24 : i32
      %add3A_570 = arith.addi %mul3A_568, %add3A_569 : i32
      %add3A_571 = arith.constant 0 : i32
      %add3A_572 = arith.addi %add3A_570, %add3A_571 : i32
      %get3A_573 = arith.index_cast %add3A_572 : i32 to index
      %get3A_574 = arith.constant 0 : index
      %get3A_575 = tpu.vector_load %arg13[%get3A_573, %get3A_574] {strides = array<i32>} : memref<192x16xf32, #tpu.memory_space<vmem>>, vector<16xf32>,
      %get3A_576 = arith.constant 64 : i32
      %get3A_577 = arith.index_cast %get3A_576 : i32 to index
      %get3A_578 = arith.constant 0 : index
      %get3A_579 = tpu.vector_load %arg12[%get3A_577, %get3A_578] {strides = array<i32>} : memref<128x16xf32, #tpu.memory_space<vmem>>, vector<16xf32>,
      %ge3A_580 = arith.cmpf oge, %get3A_575, %get3A_579 : vector<16xf32>
      %jit3A_581 = arith.constant 1.000000e+00 : f32
      %jit3A_582 = arith.constant 0.000000e+00 : f32
      %broadcast_in_dim3A_583 = vector.broadcast %jit3A_581 : f32 to vector<16xf32>
      %broadcast_in_dim3A_584 = vector.broadcast %jit3A_582 : f32 to vector<16xf32>
      %select_n3A_585 = arith.select %ge3A_580, %broadcast_in_dim3A_583, %broadcast_in_dim3A_584 : vector<16xi1>, vector<16xf32>
      %mul3A_586 = arith.constant 48 : i32
      %mul3A_587 = arith.muli %div3A_109, %mul3A_586 : i32
      %add3A_588 = arith.constant 24 : i32
      %add3A_589 = arith.addi %mul3A_587, %add3A_588 : i32
      %add3A_590 = arith.constant 1 : i32
      %add3A_591 = arith.addi %add3A_589, %add3A_590 : i32
      %get3A_592 = arith.index_cast %add3A_591 : i32 to index
      %get3A_593 = arith.constant 0 : index
      %get3A_594 = tpu.vector_load %arg13[%get3A_592, %get3A_593] {strides = array<i32>} : memref<192x16xf32, #tpu.memory_space<vmem>>, vector<16xf32>,
      %get3A_595 = arith.constant 65 : i32
      %get3A_596 = arith.index_cast %get3A_595 : i32 to index
      %get3A_597 = arith.constant 0 : index
      %get3A_598 = tpu.vector_load %arg12[%get3A_596, %get3A_597] {strides = array<i32>} : memref<128x16xf32, #tpu.memory_space<vmem>>, vector<16xf32>,
      %ge3A_599 = arith.cmpf oge, %get3A_594, %get3A_598 : vector<16xf32>
      %jit3A_600 = arith.constant 1.000000e+00 : f32
      %jit3A_601 = arith.constant 0.000000e+00 : f32
      %broadcast_in_dim3A_602 = vector.broadcast %jit3A_600 : f32 to vector<16xf32>
      %broadcast_in_dim3A_603 = vector.broadcast %jit3A_601 : f32 to vector<16xf32>
      %select_n3A_604 = arith.select %ge3A_599, %broadcast_in_dim3A_602, %broadcast_in_dim3A_603 : vector<16xi1>, vector<16xf32>
      %mul3A_605 = arith.constant 48 : i32
      %mul3A_606 = arith.muli %div3A_109, %mul3A_605 : i32
      %add3A_607 = arith.constant 24 : i32
      %add3A_608 = arith.addi %mul3A_606, %add3A_607 : i32
      %add3A_609 = arith.constant 2 : i32
      %add3A_610 = arith.addi %add3A_608, %add3A_609 : i32
      %get3A_611 = arith.index_cast %add3A_610 : i32 to index
      %get3A_612 = arith.constant 0 : index
      %get3A_613 = tpu.vector_load %arg13[%get3A_611, %get3A_612] {strides = array<i32>} : memref<192x16xf32, #tpu.memory_space<vmem>>, vector<16xf32>,
      %get3A_614 = arith.constant 66 : i32
      %get3A_615 = arith.index_cast %get3A_614 : i32 to index
      %get3A_616 = arith.constant 0 : index
      %get3A_617 = tpu.vector_load %arg12[%get3A_615, %get3A_616] {strides = array<i32>} : memref<128x16xf32, #tpu.memory_space<vmem>>, vector<16xf32>,
      %ge3A_618 = arith.cmpf oge, %get3A_613, %get3A_617 : vector<16xf32>
      %jit3A_619 = arith.constant 1.000000e+00 : f32
      %jit3A_620 = arith.constant 0.000000e+00 : f32
      %broadcast_in_dim3A_621 = vector.broadcast %jit3A_619 : f32 to vector<16xf32>
      %broadcast_in_dim3A_622 = vector.broadcast %jit3A_620 : f32 to vector<16xf32>
      %select_n3A_623 = arith.select %ge3A_618, %broadcast_in_dim3A_621, %broadcast_in_dim3A_622 : vector<16xi1>, vector<16xf32>
      %mul3A_624 = arith.constant 48 : i32
      %mul3A_625 = arith.muli %div3A_109, %mul3A_624 : i32
      %add3A_626 = arith.constant 24 : i32
      %add3A_627 = arith.addi %mul3A_625, %add3A_626 : i32
      %add3A_628 = arith.constant 3 : i32
      %add3A_629 = arith.addi %add3A_627, %add3A_628 : i32
      %get3A_630 = arith.index_cast %add3A_629 : i32 to index
      %get3A_631 = arith.constant 0 : index
      %get3A_632 = tpu.vector_load %arg13[%get3A_630, %get3A_631] {strides = array<i32>} : memref<192x16xf32, #tpu.memory_space<vmem>>, vector<16xf32>,
      %get3A_633 = arith.constant 72 : i32
      %get3A_634 = arith.index_cast %get3A_633 : i32 to index
      %get3A_635 = arith.constant 0 : index
      %get3A_636 = tpu.vector_load %arg12[%get3A_634, %get3A_635] {strides = array<i32>} : memref<128x16xf32, #tpu.memory_space<vmem>>, vector<16xf32>,
      %ge3A_637 = arith.cmpf oge, %get3A_632, %get3A_636 : vector<16xf32>
      %jit3A_638 = arith.constant 1.000000e+00 : f32
      %jit3A_639 = arith.constant 0.000000e+00 : f32
      %broadcast_in_dim3A_640 = vector.broadcast %jit3A_638 : f32 to vector<16xf32>
      %broadcast_in_dim3A_641 = vector.broadcast %jit3A_639 : f32 to vector<16xf32>
      %select_n3A_642 = arith.select %ge3A_637, %broadcast_in_dim3A_640, %broadcast_in_dim3A_641 : vector<16xi1>, vector<16xf32>
      %mul3A_643 = arith.constant 48 : i32
      %mul3A_644 = arith.muli %div3A_109, %mul3A_643 : i32
      %add3A_645 = arith.constant 24 : i32
      %add3A_646 = arith.addi %mul3A_644, %add3A_645 : i32
      %add3A_647 = arith.constant 4 : i32
      %add3A_648 = arith.addi %add3A_646, %add3A_647 : i32
      %get3A_649 = arith.index_cast %add3A_648 : i32 to index
      %get3A_650 = arith.constant 0 : index
      %get3A_651 = tpu.vector_load %arg13[%get3A_649, %get3A_650] {strides = array<i32>} : memref<192x16xf32, #tpu.memory_space<vmem>>, vector<16xf32>,
      %get3A_652 = arith.constant 73 : i32
      %get3A_653 = arith.index_cast %get3A_652 : i32 to index
      %get3A_654 = arith.constant 0 : index
      %get3A_655 = tpu.vector_load %arg12[%get3A_653, %get3A_654] {strides = array<i32>} : memref<128x16xf32, #tpu.memory_space<vmem>>, vector<16xf32>,
      %ge3A_656 = arith.cmpf oge, %get3A_651, %get3A_655 : vector<16xf32>
      %jit3A_657 = arith.constant 1.000000e+00 : f32
      %jit3A_658 = arith.constant 0.000000e+00 : f32
      %broadcast_in_dim3A_659 = vector.broadcast %jit3A_657 : f32 to vector<16xf32>
      %broadcast_in_dim3A_660 = vector.broadcast %jit3A_658 : f32 to vector<16xf32>
      %select_n3A_661 = arith.select %ge3A_656, %broadcast_in_dim3A_659, %broadcast_in_dim3A_660 : vector<16xi1>, vector<16xf32>
      %mul3A_662 = arith.constant 48 : i32
      %mul3A_663 = arith.muli %div3A_109, %mul3A_662 : i32
      %add3A_664 = arith.constant 24 : i32
      %add3A_665 = arith.addi %mul3A_663, %add3A_664 : i32
      %add3A_666 = arith.constant 5 : i32
      %add3A_667 = arith.addi %add3A_665, %add3A_666 : i32
      %get3A_668 = arith.index_cast %add3A_667 : i32 to index
      %get3A_669 = arith.constant 0 : index
      %get3A_670 = tpu.vector_load %arg13[%get3A_668, %get3A_669] {strides = array<i32>} : memref<192x16xf32, #tpu.memory_space<vmem>>, vector<16xf32>,
      %get3A_671 = arith.constant 74 : i32
      %get3A_672 = arith.index_cast %get3A_671 : i32 to index
      %get3A_673 = arith.constant 0 : index
      %get3A_674 = tpu.vector_load %arg12[%get3A_672, %get3A_673] {strides = array<i32>} : memref<128x16xf32, #tpu.memory_space<vmem>>, vector<16xf32>,
      %ge3A_675 = arith.cmpf oge, %get3A_670, %get3A_674 : vector<16xf32>
      %jit3A_676 = arith.constant 1.000000e+00 : f32
      %jit3A_677 = arith.constant 0.000000e+00 : f32
      %broadcast_in_dim3A_678 = vector.broadcast %jit3A_676 : f32 to vector<16xf32>
      %broadcast_in_dim3A_679 = vector.broadcast %jit3A_677 : f32 to vector<16xf32>
      %select_n3A_680 = arith.select %ge3A_675, %broadcast_in_dim3A_678, %broadcast_in_dim3A_679 : vector<16xi1>, vector<16xf32>
      %mul3A_681 = arith.constant 48 : i32
      %mul3A_682 = arith.muli %div3A_109, %mul3A_681 : i32
      %add3A_683 = arith.constant 24 : i32
      %add3A_684 = arith.addi %mul3A_682, %add3A_683 : i32
      %add3A_685 = arith.constant 6 : i32
      %add3A_686 = arith.addi %add3A_684, %add3A_685 : i32
      %get3A_687 = arith.index_cast %add3A_686 : i32 to index
      %get3A_688 = arith.constant 0 : index
      %get3A_689 = tpu.vector_load %arg13[%get3A_687, %get3A_688] {strides = array<i32>} : memref<192x16xf32, #tpu.memory_space<vmem>>, vector<16xf32>,
      %get3A_690 = arith.constant 80 : i32
      %get3A_691 = arith.index_cast %get3A_690 : i32 to index
      %get3A_692 = arith.constant 0 : index
      %get3A_693 = tpu.vector_load %arg12[%get3A_691, %get3A_692] {strides = array<i32>} : memref<128x16xf32, #tpu.memory_space<vmem>>, vector<16xf32>,
      %ge3A_694 = arith.cmpf oge, %get3A_689, %get3A_693 : vector<16xf32>
      %jit3A_695 = arith.constant 1.000000e+00 : f32
      %jit3A_696 = arith.constant 0.000000e+00 : f32
      %broadcast_in_dim3A_697 = vector.broadcast %jit3A_695 : f32 to vector<16xf32>
      %broadcast_in_dim3A_698 = vector.broadcast %jit3A_696 : f32 to vector<16xf32>
      %select_n3A_699 = arith.select %ge3A_694, %broadcast_in_dim3A_697, %broadcast_in_dim3A_698 : vector<16xi1>, vector<16xf32>
      %mul3A_700 = arith.constant 48 : i32
      %mul3A_701 = arith.muli %div3A_109, %mul3A_700 : i32
      %add3A_702 = arith.constant 24 : i32
      %add3A_703 = arith.addi %mul3A_701, %add3A_702 : i32
      %add3A_704 = arith.constant 7 : i32
      %add3A_705 = arith.addi %add3A_703, %add3A_704 : i32
      %get3A_706 = arith.index_cast %add3A_705 : i32 to index
      %get3A_707 = arith.constant 0 : index
      %get3A_708 = tpu.vector_load %arg13[%get3A_706, %get3A_707] {strides = array<i32>} : memref<192x16xf32, #tpu.memory_space<vmem>>, vector<16xf32>,
      %get3A_709 = arith.constant 81 : i32
      %get3A_710 = arith.index_cast %get3A_709 : i32 to index
      %get3A_711 = arith.constant 0 : index
      %get3A_712 = tpu.vector_load %arg12[%get3A_710, %get3A_711] {strides = array<i32>} : memref<128x16xf32, #tpu.memory_space<vmem>>, vector<16xf32>,
      %ge3A_713 = arith.cmpf oge, %get3A_708, %get3A_712 : vector<16xf32>
      %jit3A_714 = arith.constant 1.000000e+00 : f32
      %jit3A_715 = arith.constant 0.000000e+00 : f32
      %broadcast_in_dim3A_716 = vector.broadcast %jit3A_714 : f32 to vector<16xf32>
      %broadcast_in_dim3A_717 = vector.broadcast %jit3A_715 : f32 to vector<16xf32>
      %select_n3A_718 = arith.select %ge3A_713, %broadcast_in_dim3A_716, %broadcast_in_dim3A_717 : vector<16xi1>, vector<16xf32>
      %mul3A_719 = arith.constant 48 : i32
      %mul3A_720 = arith.muli %div3A_109, %mul3A_719 : i32
      %add3A_721 = arith.constant 24 : i32
      %add3A_722 = arith.addi %mul3A_720, %add3A_721 : i32
      %add3A_723 = arith.constant 8 : i32
      %add3A_724 = arith.addi %add3A_722, %add3A_723 : i32
      %get3A_725 = arith.index_cast %add3A_724 : i32 to index
      %get3A_726 = arith.constant 0 : index
      %get3A_727 = tpu.vector_load %arg13[%get3A_725, %get3A_726] {strides = array<i32>} : memref<192x16xf32, #tpu.memory_space<vmem>>, vector<16xf32>,
      %get3A_728 = arith.constant 82 : i32
      %get3A_729 = arith.index_cast %get3A_728 : i32 to index
      %get3A_730 = arith.constant 0 : index
      %get3A_731 = tpu.vector_load %arg12[%get3A_729, %get3A_730] {strides = array<i32>} : memref<128x16xf32, #tpu.memory_space<vmem>>, vector<16xf32>,
      %ge3A_732 = arith.cmpf oge, %get3A_727, %get3A_731 : vector<16xf32>
      %jit3A_733 = arith.constant 1.000000e+00 : f32
      %jit3A_734 = arith.constant 0.000000e+00 : f32
      %broadcast_in_dim3A_735 = vector.broadcast %jit3A_733 : f32 to vector<16xf32>
      %broadcast_in_dim3A_736 = vector.broadcast %jit3A_734 : f32 to vector<16xf32>
      %select_n3A_737 = arith.select %ge3A_732, %broadcast_in_dim3A_735, %broadcast_in_dim3A_736 : vector<16xi1>, vector<16xf32>
      %mul3A_738 = arith.constant 48 : i32
      %mul3A_739 = arith.muli %div3A_109, %mul3A_738 : i32
      %add3A_740 = arith.constant 24 : i32
      %add3A_741 = arith.addi %mul3A_739, %add3A_740 : i32
      %add3A_742 = arith.constant 9 : i32
      %add3A_743 = arith.addi %add3A_741, %add3A_742 : i32
      %get3A_744 = arith.index_cast %add3A_743 : i32 to index
      %get3A_745 = arith.constant 0 : index
      %get3A_746 = tpu.vector_load %arg13[%get3A_744, %get3A_745] {strides = array<i32>} : memref<192x16xf32, #tpu.memory_space<vmem>>, vector<16xf32>,
      %get3A_747 = arith.constant 88 : i32
      %get3A_748 = arith.index_cast %get3A_747 : i32 to index
      %get3A_749 = arith.constant 0 : index
      %get3A_750 = tpu.vector_load %arg12[%get3A_748, %get3A_749] {strides = array<i32>} : memref<128x16xf32, #tpu.memory_space<vmem>>, vector<16xf32>,
      %ge3A_751 = arith.cmpf oge, %get3A_746, %get3A_750 : vector<16xf32>
      %jit3A_752 = arith.constant 1.000000e+00 : f32
      %jit3A_753 = arith.constant 0.000000e+00 : f32
      %broadcast_in_dim3A_754 = vector.broadcast %jit3A_752 : f32 to vector<16xf32>
      %broadcast_in_dim3A_755 = vector.broadcast %jit3A_753 : f32 to vector<16xf32>
      %select_n3A_756 = arith.select %ge3A_751, %broadcast_in_dim3A_754, %broadcast_in_dim3A_755 : vector<16xi1>, vector<16xf32>
      %mul3A_757 = arith.constant 48 : i32
      %mul3A_758 = arith.muli %div3A_109, %mul3A_757 : i32
      %add3A_759 = arith.constant 24 : i32
      %add3A_760 = arith.addi %mul3A_758, %add3A_759 : i32
      %add3A_761 = arith.constant 10 : i32
      %add3A_762 = arith.addi %add3A_760, %add3A_761 : i32
      %get3A_763 = arith.index_cast %add3A_762 : i32 to index
      %get3A_764 = arith.constant 0 : index
      %get3A_765 = tpu.vector_load %arg13[%get3A_763, %get3A_764] {strides = array<i32>} : memref<192x16xf32, #tpu.memory_space<vmem>>, vector<16xf32>,
      %get3A_766 = arith.constant 89 : i32
      %get3A_767 = arith.index_cast %get3A_766 : i32 to index
      %get3A_768 = arith.constant 0 : index
      %get3A_769 = tpu.vector_load %arg12[%get3A_767, %get3A_768] {strides = array<i32>} : memref<128x16xf32, #tpu.memory_space<vmem>>, vector<16xf32>,
      %ge3A_770 = arith.cmpf oge, %get3A_765, %get3A_769 : vector<16xf32>
      %jit3A_771 = arith.constant 1.000000e+00 : f32
      %jit3A_772 = arith.constant 0.000000e+00 : f32
      %broadcast_in_dim3A_773 = vector.broadcast %jit3A_771 : f32 to vector<16xf32>
      %broadcast_in_dim3A_774 = vector.broadcast %jit3A_772 : f32 to vector<16xf32>
      %select_n3A_775 = arith.select %ge3A_770, %broadcast_in_dim3A_773, %broadcast_in_dim3A_774 : vector<16xi1>, vector<16xf32>
      %mul3A_776 = arith.constant 48 : i32
      %mul3A_777 = arith.muli %div3A_109, %mul3A_776 : i32
      %add3A_778 = arith.constant 24 : i32
      %add3A_779 = arith.addi %mul3A_777, %add3A_778 : i32
      %add3A_780 = arith.constant 11 : i32
      %add3A_781 = arith.addi %add3A_779, %add3A_780 : i32
      %get3A_782 = arith.index_cast %add3A_781 : i32 to index
      %get3A_783 = arith.constant 0 : index
      %get3A_784 = tpu.vector_load %arg13[%get3A_782, %get3A_783] {strides = array<i32>} : memref<192x16xf32, #tpu.memory_space<vmem>>, vector<16xf32>,
      %get3A_785 = arith.constant 90 : i32
      %get3A_786 = arith.index_cast %get3A_785 : i32 to index
      %get3A_787 = arith.constant 0 : index
      %get3A_788 = tpu.vector_load %arg12[%get3A_786, %get3A_787] {strides = array<i32>} : memref<128x16xf32, #tpu.memory_space<vmem>>, vector<16xf32>,
      %ge3A_789 = arith.cmpf oge, %get3A_784, %get3A_788 : vector<16xf32>
      %jit3A_790 = arith.constant 1.000000e+00 : f32
      %jit3A_791 = arith.constant 0.000000e+00 : f32
      %broadcast_in_dim3A_792 = vector.broadcast %jit3A_790 : f32 to vector<16xf32>
      %broadcast_in_dim3A_793 = vector.broadcast %jit3A_791 : f32 to vector<16xf32>
      %select_n3A_794 = arith.select %ge3A_789, %broadcast_in_dim3A_792, %broadcast_in_dim3A_793 : vector<16xi1>, vector<16xf32>
      %mul3A_795 = arith.constant 48 : i32
      %mul3A_796 = arith.muli %div3A_109, %mul3A_795 : i32
      %add3A_797 = arith.constant 24 : i32
      %add3A_798 = arith.addi %mul3A_796, %add3A_797 : i32
      %add3A_799 = arith.constant 12 : i32
      %add3A_800 = arith.addi %add3A_798, %add3A_799 : i32
      %get3A_801 = arith.index_cast %add3A_800 : i32 to index
      %get3A_802 = arith.constant 0 : index
      %get3A_803 = tpu.vector_load %arg13[%get3A_801, %get3A_802] {strides = array<i32>} : memref<192x16xf32, #tpu.memory_space<vmem>>, vector<16xf32>,
      %get3A_804 = arith.constant 96 : i32
      %get3A_805 = arith.index_cast %get3A_804 : i32 to index
      %get3A_806 = arith.constant 0 : index
      %get3A_807 = tpu.vector_load %arg12[%get3A_805, %get3A_806] {strides = array<i32>} : memref<128x16xf32, #tpu.memory_space<vmem>>, vector<16xf32>,
      %ge3A_808 = arith.cmpf oge, %get3A_803, %get3A_807 : vector<16xf32>
      %jit3A_809 = arith.constant 1.000000e+00 : f32
      %jit3A_810 = arith.constant 0.000000e+00 : f32
      %broadcast_in_dim3A_811 = vector.broadcast %jit3A_809 : f32 to vector<16xf32>
      %broadcast_in_dim3A_812 = vector.broadcast %jit3A_810 : f32 to vector<16xf32>
      %select_n3A_813 = arith.select %ge3A_808, %broadcast_in_dim3A_811, %broadcast_in_dim3A_812 : vector<16xi1>, vector<16xf32>
      %mul3A_814 = arith.constant 48 : i32
      %mul3A_815 = arith.muli %div3A_109, %mul3A_814 : i32
      %add3A_816 = arith.constant 24 : i32
      %add3A_817 = arith.addi %mul3A_815, %add3A_816 : i32
      %add3A_818 = arith.constant 13 : i32
      %add3A_819 = arith.addi %add3A_817, %add3A_818 : i32
      %get3A_820 = arith.index_cast %add3A_819 : i32 to index
      %get3A_821 = arith.constant 0 : index
      %get3A_822 = tpu.vector_load %arg13[%get3A_820, %get3A_821] {strides = array<i32>} : memref<192x16xf32, #tpu.memory_space<vmem>>, vector<16xf32>,
      %get3A_823 = arith.constant 97 : i32
      %get3A_824 = arith.index_cast %get3A_823 : i32 to index
      %get3A_825 = arith.constant 0 : index
      %get3A_826 = tpu.vector_load %arg12[%get3A_824, %get3A_825] {strides = array<i32>} : memref<128x16xf32, #tpu.memory_space<vmem>>, vector<16xf32>,
      %ge3A_827 = arith.cmpf oge, %get3A_822, %get3A_826 : vector<16xf32>
      %jit3A_828 = arith.constant 1.000000e+00 : f32
      %jit3A_829 = arith.constant 0.000000e+00 : f32
      %broadcast_in_dim3A_830 = vector.broadcast %jit3A_828 : f32 to vector<16xf32>
      %broadcast_in_dim3A_831 = vector.broadcast %jit3A_829 : f32 to vector<16xf32>
      %select_n3A_832 = arith.select %ge3A_827, %broadcast_in_dim3A_830, %broadcast_in_dim3A_831 : vector<16xi1>, vector<16xf32>
      %mul3A_833 = arith.constant 48 : i32
      %mul3A_834 = arith.muli %div3A_109, %mul3A_833 : i32
      %add3A_835 = arith.constant 24 : i32
      %add3A_836 = arith.addi %mul3A_834, %add3A_835 : i32
      %add3A_837 = arith.constant 14 : i32
      %add3A_838 = arith.addi %add3A_836, %add3A_837 : i32
      %get3A_839 = arith.index_cast %add3A_838 : i32 to index
      %get3A_840 = arith.constant 0 : index
      %get3A_841 = tpu.vector_load %arg13[%get3A_839, %get3A_840] {strides = array<i32>} : memref<192x16xf32, #tpu.memory_space<vmem>>, vector<16xf32>,
      %get3A_842 = arith.constant 98 : i32
      %get3A_843 = arith.index_cast %get3A_842 : i32 to index
      %get3A_844 = arith.constant 0 : index
      %get3A_845 = tpu.vector_load %arg12[%get3A_843, %get3A_844] {strides = array<i32>} : memref<128x16xf32, #tpu.memory_space<vmem>>, vector<16xf32>,
      %ge3A_846 = arith.cmpf oge, %get3A_841, %get3A_845 : vector<16xf32>
      %jit3A_847 = arith.constant 1.000000e+00 : f32
      %jit3A_848 = arith.constant 0.000000e+00 : f32
      %broadcast_in_dim3A_849 = vector.broadcast %jit3A_847 : f32 to vector<16xf32>
      %broadcast_in_dim3A_850 = vector.broadcast %jit3A_848 : f32 to vector<16xf32>
      %select_n3A_851 = arith.select %ge3A_846, %broadcast_in_dim3A_849, %broadcast_in_dim3A_850 : vector<16xi1>, vector<16xf32>
      %mul3A_852 = arith.constant 48 : i32
      %mul3A_853 = arith.muli %div3A_109, %mul3A_852 : i32
      %add3A_854 = arith.constant 24 : i32
      %add3A_855 = arith.addi %mul3A_853, %add3A_854 : i32
      %add3A_856 = arith.constant 15 : i32
      %add3A_857 = arith.addi %add3A_855, %add3A_856 : i32
      %get3A_858 = arith.index_cast %add3A_857 : i32 to index
      %get3A_859 = arith.constant 0 : index
      %get3A_860 = tpu.vector_load %arg13[%get3A_858, %get3A_859] {strides = array<i32>} : memref<192x16xf32, #tpu.memory_space<vmem>>, vector<16xf32>,
      %get3A_861 = arith.constant 104 : i32
      %get3A_862 = arith.index_cast %get3A_861 : i32 to index
      %get3A_863 = arith.constant 0 : index
      %get3A_864 = tpu.vector_load %arg12[%get3A_862, %get3A_863] {strides = array<i32>} : memref<128x16xf32, #tpu.memory_space<vmem>>, vector<16xf32>,
      %ge3A_865 = arith.cmpf oge, %get3A_860, %get3A_864 : vector<16xf32>
      %jit3A_866 = arith.constant 1.000000e+00 : f32
      %jit3A_867 = arith.constant 0.000000e+00 : f32
      %broadcast_in_dim3A_868 = vector.broadcast %jit3A_866 : f32 to vector<16xf32>
      %broadcast_in_dim3A_869 = vector.broadcast %jit3A_867 : f32 to vector<16xf32>
      %select_n3A_870 = arith.select %ge3A_865, %broadcast_in_dim3A_868, %broadcast_in_dim3A_869 : vector<16xi1>, vector<16xf32>
      %mul3A_871 = arith.constant 48 : i32
      %mul3A_872 = arith.muli %div3A_109, %mul3A_871 : i32
      %add3A_873 = arith.constant 24 : i32
      %add3A_874 = arith.addi %mul3A_872, %add3A_873 : i32
      %add3A_875 = arith.constant 16 : i32
      %add3A_876 = arith.addi %add3A_874, %add3A_875 : i32
      %get3A_877 = arith.index_cast %add3A_876 : i32 to index
      %get3A_878 = arith.constant 0 : index
      %get3A_879 = tpu.vector_load %arg13[%get3A_877, %get3A_878] {strides = array<i32>} : memref<192x16xf32, #tpu.memory_space<vmem>>, vector<16xf32>,
      %get3A_880 = arith.constant 105 : i32
      %get3A_881 = arith.index_cast %get3A_880 : i32 to index
      %get3A_882 = arith.constant 0 : index
      %get3A_883 = tpu.vector_load %arg12[%get3A_881, %get3A_882] {strides = array<i32>} : memref<128x16xf32, #tpu.memory_space<vmem>>, vector<16xf32>,
      %ge3A_884 = arith.cmpf oge, %get3A_879, %get3A_883 : vector<16xf32>
      %jit3A_885 = arith.constant 1.000000e+00 : f32
      %jit3A_886 = arith.constant 0.000000e+00 : f32
      %broadcast_in_dim3A_887 = vector.broadcast %jit3A_885 : f32 to vector<16xf32>
      %broadcast_in_dim3A_888 = vector.broadcast %jit3A_886 : f32 to vector<16xf32>
      %select_n3A_889 = arith.select %ge3A_884, %broadcast_in_dim3A_887, %broadcast_in_dim3A_888 : vector<16xi1>, vector<16xf32>
      %mul3A_890 = arith.constant 48 : i32
      %mul3A_891 = arith.muli %div3A_109, %mul3A_890 : i32
      %add3A_892 = arith.constant 24 : i32
      %add3A_893 = arith.addi %mul3A_891, %add3A_892 : i32
      %add3A_894 = arith.constant 17 : i32
      %add3A_895 = arith.addi %add3A_893, %add3A_894 : i32
      %get3A_896 = arith.index_cast %add3A_895 : i32 to index
      %get3A_897 = arith.constant 0 : index
      %get3A_898 = tpu.vector_load %arg13[%get3A_896, %get3A_897] {strides = array<i32>} : memref<192x16xf32, #tpu.memory_space<vmem>>, vector<16xf32>,
      %get3A_899 = arith.constant 106 : i32
      %get3A_900 = arith.index_cast %get3A_899 : i32 to index
      %get3A_901 = arith.constant 0 : index
      %get3A_902 = tpu.vector_load %arg12[%get3A_900, %get3A_901] {strides = array<i32>} : memref<128x16xf32, #tpu.memory_space<vmem>>, vector<16xf32>,
      %ge3A_903 = arith.cmpf oge, %get3A_898, %get3A_902 : vector<16xf32>
      %jit3A_904 = arith.constant 1.000000e+00 : f32
      %jit3A_905 = arith.constant 0.000000e+00 : f32
      %broadcast_in_dim3A_906 = vector.broadcast %jit3A_904 : f32 to vector<16xf32>
      %broadcast_in_dim3A_907 = vector.broadcast %jit3A_905 : f32 to vector<16xf32>
      %select_n3A_908 = arith.select %ge3A_903, %broadcast_in_dim3A_906, %broadcast_in_dim3A_907 : vector<16xi1>, vector<16xf32>
      %mul3A_909 = arith.constant 48 : i32
      %mul3A_910 = arith.muli %div3A_109, %mul3A_909 : i32
      %add3A_911 = arith.constant 24 : i32
      %add3A_912 = arith.addi %mul3A_910, %add3A_911 : i32
      %add3A_913 = arith.constant 18 : i32
      %add3A_914 = arith.addi %add3A_912, %add3A_913 : i32
      %get3A_915 = arith.index_cast %add3A_914 : i32 to index
      %get3A_916 = arith.constant 0 : index
      %get3A_917 = tpu.vector_load %arg13[%get3A_915, %get3A_916] {strides = array<i32>} : memref<192x16xf32, #tpu.memory_space<vmem>>, vector<16xf32>,
      %get3A_918 = arith.constant 112 : i32
      %get3A_919 = arith.index_cast %get3A_918 : i32 to index
      %get3A_920 = arith.constant 0 : index
      %get3A_921 = tpu.vector_load %arg12[%get3A_919, %get3A_920] {strides = array<i32>} : memref<128x16xf32, #tpu.memory_space<vmem>>, vector<16xf32>,
      %ge3A_922 = arith.cmpf oge, %get3A_917, %get3A_921 : vector<16xf32>
      %jit3A_923 = arith.constant 1.000000e+00 : f32
      %jit3A_924 = arith.constant 0.000000e+00 : f32
      %broadcast_in_dim3A_925 = vector.broadcast %jit3A_923 : f32 to vector<16xf32>
      %broadcast_in_dim3A_926 = vector.broadcast %jit3A_924 : f32 to vector<16xf32>
      %select_n3A_927 = arith.select %ge3A_922, %broadcast_in_dim3A_925, %broadcast_in_dim3A_926 : vector<16xi1>, vector<16xf32>
      %mul3A_928 = arith.constant 48 : i32
      %mul3A_929 = arith.muli %div3A_109, %mul3A_928 : i32
      %add3A_930 = arith.constant 24 : i32
      %add3A_931 = arith.addi %mul3A_929, %add3A_930 : i32
      %add3A_932 = arith.constant 19 : i32
      %add3A_933 = arith.addi %add3A_931, %add3A_932 : i32
      %get3A_934 = arith.index_cast %add3A_933 : i32 to index
      %get3A_935 = arith.constant 0 : index
      %get3A_936 = tpu.vector_load %arg13[%get3A_934, %get3A_935] {strides = array<i32>} : memref<192x16xf32, #tpu.memory_space<vmem>>, vector<16xf32>,
      %get3A_937 = arith.constant 113 : i32
      %get3A_938 = arith.index_cast %get3A_937 : i32 to index
      %get3A_939 = arith.constant 0 : index
      %get3A_940 = tpu.vector_load %arg12[%get3A_938, %get3A_939] {strides = array<i32>} : memref<128x16xf32, #tpu.memory_space<vmem>>, vector<16xf32>,
      %ge3A_941 = arith.cmpf oge, %get3A_936, %get3A_940 : vector<16xf32>
      %jit3A_942 = arith.constant 1.000000e+00 : f32
      %jit3A_943 = arith.constant 0.000000e+00 : f32
      %broadcast_in_dim3A_944 = vector.broadcast %jit3A_942 : f32 to vector<16xf32>
      %broadcast_in_dim3A_945 = vector.broadcast %jit3A_943 : f32 to vector<16xf32>
      %select_n3A_946 = arith.select %ge3A_941, %broadcast_in_dim3A_944, %broadcast_in_dim3A_945 : vector<16xi1>, vector<16xf32>
      %mul3A_947 = arith.constant 48 : i32
      %mul3A_948 = arith.muli %div3A_109, %mul3A_947 : i32
      %add3A_949 = arith.constant 24 : i32
      %add3A_950 = arith.addi %mul3A_948, %add3A_949 : i32
      %add3A_951 = arith.constant 20 : i32
      %add3A_952 = arith.addi %add3A_950, %add3A_951 : i32
      %get3A_953 = arith.index_cast %add3A_952 : i32 to index
      %get3A_954 = arith.constant 0 : index
      %get3A_955 = tpu.vector_load %arg13[%get3A_953, %get3A_954] {strides = array<i32>} : memref<192x16xf32, #tpu.memory_space<vmem>>, vector<16xf32>,
      %get3A_956 = arith.constant 114 : i32
      %get3A_957 = arith.index_cast %get3A_956 : i32 to index
      %get3A_958 = arith.constant 0 : index
      %get3A_959 = tpu.vector_load %arg12[%get3A_957, %get3A_958] {strides = array<i32>} : memref<128x16xf32, #tpu.memory_space<vmem>>, vector<16xf32>,
      %ge3A_960 = arith.cmpf oge, %get3A_955, %get3A_959 : vector<16xf32>
      %jit3A_961 = arith.constant 1.000000e+00 : f32
      %jit3A_962 = arith.constant 0.000000e+00 : f32
      %broadcast_in_dim3A_963 = vector.broadcast %jit3A_961 : f32 to vector<16xf32>
      %broadcast_in_dim3A_964 = vector.broadcast %jit3A_962 : f32 to vector<16xf32>
      %select_n3A_965 = arith.select %ge3A_960, %broadcast_in_dim3A_963, %broadcast_in_dim3A_964 : vector<16xi1>, vector<16xf32>
      %mul3A_966 = arith.constant 48 : i32
      %mul3A_967 = arith.muli %div3A_109, %mul3A_966 : i32
      %add3A_968 = arith.constant 24 : i32
      %add3A_969 = arith.addi %mul3A_967, %add3A_968 : i32
      %add3A_970 = arith.constant 21 : i32
      %add3A_971 = arith.addi %add3A_969, %add3A_970 : i32
      %get3A_972 = arith.index_cast %add3A_971 : i32 to index
      %get3A_973 = arith.constant 0 : index
      %get3A_974 = tpu.vector_load %arg13[%get3A_972, %get3A_973] {strides = array<i32>} : memref<192x16xf32, #tpu.memory_space<vmem>>, vector<16xf32>,
      %get3A_975 = arith.constant 120 : i32
      %get3A_976 = arith.index_cast %get3A_975 : i32 to index
      %get3A_977 = arith.constant 0 : index
      %get3A_978 = tpu.vector_load %arg12[%get3A_976, %get3A_977] {strides = array<i32>} : memref<128x16xf32, #tpu.memory_space<vmem>>, vector<16xf32>,
      %ge3A_979 = arith.cmpf oge, %get3A_974, %get3A_978 : vector<16xf32>
      %jit3A_980 = arith.constant 1.000000e+00 : f32
      %jit3A_981 = arith.constant 0.000000e+00 : f32
      %broadcast_in_dim3A_982 = vector.broadcast %jit3A_980 : f32 to vector<16xf32>
      %broadcast_in_dim3A_983 = vector.broadcast %jit3A_981 : f32 to vector<16xf32>
      %select_n3A_984 = arith.select %ge3A_979, %broadcast_in_dim3A_982, %broadcast_in_dim3A_983 : vector<16xi1>, vector<16xf32>
      %mul3A_985 = arith.constant 48 : i32
      %mul3A_986 = arith.muli %div3A_109, %mul3A_985 : i32
      %add3A_987 = arith.constant 24 : i32
      %add3A_988 = arith.addi %mul3A_986, %add3A_987 : i32
      %add3A_989 = arith.constant 22 : i32
      %add3A_990 = arith.addi %add3A_988, %add3A_989 : i32
      %get3A_991 = arith.index_cast %add3A_990 : i32 to index
      %get3A_992 = arith.constant 0 : index
      %get3A_993 = tpu.vector_load %arg13[%get3A_991, %get3A_992] {strides = array<i32>} : memref<192x16xf32, #tpu.memory_space<vmem>>, vector<16xf32>,
      %get3A_994 = arith.constant 121 : i32
      %get3A_995 = arith.index_cast %get3A_994 : i32 to index
      %get3A_996 = arith.constant 0 : index
      %get3A_997 = tpu.vector_load %arg12[%get3A_995, %get3A_996] {strides = array<i32>} : memref<128x16xf32, #tpu.memory_space<vmem>>, vector<16xf32>,
      %ge3A_998 = arith.cmpf oge, %get3A_993, %get3A_997 : vector<16xf32>
      %jit3A_999 = arith.constant 1.000000e+00 : f32
      %jit3A_1000 = arith.constant 0.000000e+00 : f32
      %broadcast_in_dim3A_1001 = vector.broadcast %jit3A_999 : f32 to vector<16xf32>
      %broadcast_in_dim3A_1002 = vector.broadcast %jit3A_1000 : f32 to vector<16xf32>
      %select_n3A_1003 = arith.select %ge3A_998, %broadcast_in_dim3A_1001, %broadcast_in_dim3A_1002 : vector<16xi1>, vector<16xf32>
      %mul3A_1004 = arith.constant 48 : i32
      %mul3A_1005 = arith.muli %div3A_109, %mul3A_1004 : i32
      %add3A_1006 = arith.constant 24 : i32
      %add3A_1007 = arith.addi %mul3A_1005, %add3A_1006 : i32
      %add3A_1008 = arith.constant 23 : i32
      %add3A_1009 = arith.addi %add3A_1007, %add3A_1008 : i32
      %get3A_1010 = arith.index_cast %add3A_1009 : i32 to index
      %get3A_1011 = arith.constant 0 : index
      %get3A_1012 = tpu.vector_load %arg13[%get3A_1010, %get3A_1011] {strides = array<i32>} : memref<192x16xf32, #tpu.memory_space<vmem>>, vector<16xf32>,
      %get3A_1013 = arith.constant 122 : i32
      %get3A_1014 = arith.index_cast %get3A_1013 : i32 to index
      %get3A_1015 = arith.constant 0 : index
      %get3A_1016 = tpu.vector_load %arg12[%get3A_1014, %get3A_1015] {strides = array<i32>} : memref<128x16xf32, #tpu.memory_space<vmem>>, vector<16xf32>,
      %ge3A_1017 = arith.cmpf oge, %get3A_1012, %get3A_1016 : vector<16xf32>
      %jit3A_1018 = arith.constant 1.000000e+00 : f32
      %jit3A_1019 = arith.constant 0.000000e+00 : f32
      %broadcast_in_dim3A_1020 = vector.broadcast %jit3A_1018 : f32 to vector<16xf32>
      %broadcast_in_dim3A_1021 = vector.broadcast %jit3A_1019 : f32 to vector<16xf32>
      %select_n3A_1022 = arith.select %ge3A_1017, %broadcast_in_dim3A_1020, %broadcast_in_dim3A_1021 : vector<16xi1>, vector<16xf32>
      %scan3A_1023 = arith.constant 0 : i32
      %scan3A_1024 = arith.constant 16 : i32
      %scan3A_1025 = arith.addi %scan3A_1023, %scan3A_1024 : i32
      %scan3A_1026 = arith.constant 1 : i32
      scf.for %scan3A_1991 = %scan3A_1023 to %scan3A_1025 step %scan3A_1026  : i32 {
        %get3A_1992 = arith.index_cast %scan3A_1991 : i32 to index
        %get3A_1993 = arith.constant 384 : index
        %get3A_1994 = tpu.vector_load %arg7[%get3A_1992, %get3A_1993] {strides = array<i32>} : memref<16x768xf32, #tpu.memory_space<vmem>>, vector<16xf32>,
        %mul3A_1995 = arith.mulf %get3A_1994, %select_n3A_585 : vector<16xf32>
        %swap3A_1996 = arith.index_cast %scan3A_1991 : i32 to index
        %swap3A_1997 = arith.constant 384 : index
        %swap3A_1998 = tpu.vector_load %arg9[%swap3A_1996, %swap3A_1997] {strides = array<i32>} : memref<16x768xf32, #tpu.memory_space<vmem>>, vector<16xf32>,
        tpu.vector_store %arg9[%swap3A_1996, %swap3A_1997], %mul3A_1995 {strides = array<i32>} : memref<16x768xf32, #tpu.memory_space<vmem>>, vector<16xf32>,
        %get3A_1999 = arith.index_cast %scan3A_1991 : i32 to index
        %get3A_2000 = arith.constant 400 : index
        %get3A_2001 = tpu.vector_load %arg7[%get3A_1999, %get3A_2000] {strides = array<i32>} : memref<16x768xf32, #tpu.memory_space<vmem>>, vector<16xf32>,
        %mul3A_2002 = arith.mulf %get3A_2001, %select_n3A_604 : vector<16xf32>
        %swap3A_2003 = arith.index_cast %scan3A_1991 : i32 to index
        %swap3A_2004 = arith.constant 400 : index
        %swap3A_2005 = tpu.vector_load %arg9[%swap3A_2003, %swap3A_2004] {strides = array<i32>} : memref<16x768xf32, #tpu.memory_space<vmem>>, vector<16xf32>,
        tpu.vector_store %arg9[%swap3A_2003, %swap3A_2004], %mul3A_2002 {strides = array<i32>} : memref<16x768xf32, #tpu.memory_space<vmem>>, vector<16xf32>,
        %get3A_2006 = arith.index_cast %scan3A_1991 : i32 to index
        %get3A_2007 = arith.constant 416 : index
        %get3A_2008 = tpu.vector_load %arg7[%get3A_2006, %get3A_2007] {strides = array<i32>} : memref<16x768xf32, #tpu.memory_space<vmem>>, vector<16xf32>,
        %mul3A_2009 = arith.mulf %get3A_2008, %select_n3A_623 : vector<16xf32>
        %swap3A_2010 = arith.index_cast %scan3A_1991 : i32 to index
        %swap3A_2011 = arith.constant 416 : index
        %swap3A_2012 = tpu.vector_load %arg9[%swap3A_2010, %swap3A_2011] {strides = array<i32>} : memref<16x768xf32, #tpu.memory_space<vmem>>, vector<16xf32>,
        tpu.vector_store %arg9[%swap3A_2010, %swap3A_2011], %mul3A_2009 {strides = array<i32>} : memref<16x768xf32, #tpu.memory_space<vmem>>, vector<16xf32>,
        %get3A_2013 = arith.index_cast %scan3A_1991 : i32 to index
        %get3A_2014 = arith.constant 432 : index
        %get3A_2015 = tpu.vector_load %arg7[%get3A_2013, %get3A_2014] {strides = array<i32>} : memref<16x768xf32, #tpu.memory_space<vmem>>, vector<16xf32>,
        %mul3A_2016 = arith.mulf %get3A_2015, %select_n3A_642 : vector<16xf32>
        %swap3A_2017 = arith.index_cast %scan3A_1991 : i32 to index
        %swap3A_2018 = arith.constant 432 : index
        %swap3A_2019 = tpu.vector_load %arg9[%swap3A_2017, %swap3A_2018] {strides = array<i32>} : memref<16x768xf32, #tpu.memory_space<vmem>>, vector<16xf32>,
        tpu.vector_store %arg9[%swap3A_2017, %swap3A_2018], %mul3A_2016 {strides = array<i32>} : memref<16x768xf32, #tpu.memory_space<vmem>>, vector<16xf32>,
        %get3A_2020 = arith.index_cast %scan3A_1991 : i32 to index
        %get3A_2021 = arith.constant 448 : index
        %get3A_2022 = tpu.vector_load %arg7[%get3A_2020, %get3A_2021] {strides = array<i32>} : memref<16x768xf32, #tpu.memory_space<vmem>>, vector<16xf32>,
        %mul3A_2023 = arith.mulf %get3A_2022, %select_n3A_661 : vector<16xf32>
        %swap3A_2024 = arith.index_cast %scan3A_1991 : i32 to index
        %swap3A_2025 = arith.constant 448 : index
        %swap3A_2026 = tpu.vector_load %arg9[%swap3A_2024, %swap3A_2025] {strides = array<i32>} : memref<16x768xf32, #tpu.memory_space<vmem>>, vector<16xf32>,
        tpu.vector_store %arg9[%swap3A_2024, %swap3A_2025], %mul3A_2023 {strides = array<i32>} : memref<16x768xf32, #tpu.memory_space<vmem>>, vector<16xf32>,
        %get3A_2027 = arith.index_cast %scan3A_1991 : i32 to index
        %get3A_2028 = arith.constant 464 : index
        %get3A_2029 = tpu.vector_load %arg7[%get3A_2027, %get3A_2028] {strides = array<i32>} : memref<16x768xf32, #tpu.memory_space<vmem>>, vector<16xf32>,
        %mul3A_2030 = arith.mulf %get3A_2029, %select_n3A_680 : vector<16xf32>
        %swap3A_2031 = arith.index_cast %scan3A_1991 : i32 to index
        %swap3A_2032 = arith.constant 464 : index
        %swap3A_2033 = tpu.vector_load %arg9[%swap3A_2031, %swap3A_2032] {strides = array<i32>} : memref<16x768xf32, #tpu.memory_space<vmem>>, vector<16xf32>,
        tpu.vector_store %arg9[%swap3A_2031, %swap3A_2032], %mul3A_2030 {strides = array<i32>} : memref<16x768xf32, #tpu.memory_space<vmem>>, vector<16xf32>,
        %get3A_2034 = arith.index_cast %scan3A_1991 : i32 to index
        %get3A_2035 = arith.constant 480 : index
        %get3A_2036 = tpu.vector_load %arg7[%get3A_2034, %get3A_2035] {strides = array<i32>} : memref<16x768xf32, #tpu.memory_space<vmem>>, vector<16xf32>,
        %mul3A_2037 = arith.mulf %get3A_2036, %select_n3A_699 : vector<16xf32>
        %swap3A_2038 = arith.index_cast %scan3A_1991 : i32 to index
        %swap3A_2039 = arith.constant 480 : index
        %swap3A_2040 = tpu.vector_load %arg9[%swap3A_2038, %swap3A_2039] {strides = array<i32>} : memref<16x768xf32, #tpu.memory_space<vmem>>, vector<16xf32>,
        tpu.vector_store %arg9[%swap3A_2038, %swap3A_2039], %mul3A_2037 {strides = array<i32>} : memref<16x768xf32, #tpu.memory_space<vmem>>, vector<16xf32>,
        %get3A_2041 = arith.index_cast %scan3A_1991 : i32 to index
        %get3A_2042 = arith.constant 496 : index
        %get3A_2043 = tpu.vector_load %arg7[%get3A_2041, %get3A_2042] {strides = array<i32>} : memref<16x768xf32, #tpu.memory_space<vmem>>, vector<16xf32>,
        %mul3A_2044 = arith.mulf %get3A_2043, %select_n3A_718 : vector<16xf32>
        %swap3A_2045 = arith.index_cast %scan3A_1991 : i32 to index
        %swap3A_2046 = arith.constant 496 : index
        %swap3A_2047 = tpu.vector_load %arg9[%swap3A_2045, %swap3A_2046] {strides = array<i32>} : memref<16x768xf32, #tpu.memory_space<vmem>>, vector<16xf32>,
        tpu.vector_store %arg9[%swap3A_2045, %swap3A_2046], %mul3A_2044 {strides = array<i32>} : memref<16x768xf32, #tpu.memory_space<vmem>>, vector<16xf32>,
        %get3A_2048 = arith.index_cast %scan3A_1991 : i32 to index
        %get3A_2049 = arith.constant 512 : index
        %get3A_2050 = tpu.vector_load %arg7[%get3A_2048, %get3A_2049] {strides = array<i32>} : memref<16x768xf32, #tpu.memory_space<vmem>>, vector<16xf32>,
        %mul3A_2051 = arith.mulf %get3A_2050, %select_n3A_737 : vector<16xf32>
        %swap3A_2052 = arith.index_cast %scan3A_1991 : i32 to index
        %swap3A_2053 = arith.constant 512 : index
        %swap3A_2054 = tpu.vector_load %arg9[%swap3A_2052, %swap3A_2053] {strides = array<i32>} : memref<16x768xf32, #tpu.memory_space<vmem>>, vector<16xf32>,
        tpu.vector_store %arg9[%swap3A_2052, %swap3A_2053], %mul3A_2051 {strides = array<i32>} : memref<16x768xf32, #tpu.memory_space<vmem>>, vector<16xf32>,
        %get3A_2055 = arith.index_cast %scan3A_1991 : i32 to index
        %get3A_2056 = arith.constant 528 : index
        %get3A_2057 = tpu.vector_load %arg7[%get3A_2055, %get3A_2056] {strides = array<i32>} : memref<16x768xf32, #tpu.memory_space<vmem>>, vector<16xf32>,
        %mul3A_2058 = arith.mulf %get3A_2057, %select_n3A_756 : vector<16xf32>
        %swap3A_2059 = arith.index_cast %scan3A_1991 : i32 to index
        %swap3A_2060 = arith.constant 528 : index
        %swap3A_2061 = tpu.vector_load %arg9[%swap3A_2059, %swap3A_2060] {strides = array<i32>} : memref<16x768xf32, #tpu.memory_space<vmem>>, vector<16xf32>,
        tpu.vector_store %arg9[%swap3A_2059, %swap3A_2060], %mul3A_2058 {strides = array<i32>} : memref<16x768xf32, #tpu.memory_space<vmem>>, vector<16xf32>,
        %get3A_2062 = arith.index_cast %scan3A_1991 : i32 to index
        %get3A_2063 = arith.constant 544 : index
        %get3A_2064 = tpu.vector_load %arg7[%get3A_2062, %get3A_2063] {strides = array<i32>} : memref<16x768xf32, #tpu.memory_space<vmem>>, vector<16xf32>,
        %mul3A_2065 = arith.mulf %get3A_2064, %select_n3A_775 : vector<16xf32>
        %swap3A_2066 = arith.index_cast %scan3A_1991 : i32 to index
        %swap3A_2067 = arith.constant 544 : index
        %swap3A_2068 = tpu.vector_load %arg9[%swap3A_2066, %swap3A_2067] {strides = array<i32>} : memref<16x768xf32, #tpu.memory_space<vmem>>, vector<16xf32>,
        tpu.vector_store %arg9[%swap3A_2066, %swap3A_2067], %mul3A_2065 {strides = array<i32>} : memref<16x768xf32, #tpu.memory_space<vmem>>, vector<16xf32>,
        %get3A_2069 = arith.index_cast %scan3A_1991 : i32 to index
        %get3A_2070 = arith.constant 560 : index
        %get3A_2071 = tpu.vector_load %arg7[%get3A_2069, %get3A_2070] {strides = array<i32>} : memref<16x768xf32, #tpu.memory_space<vmem>>, vector<16xf32>,
        %mul3A_2072 = arith.mulf %get3A_2071, %select_n3A_794 : vector<16xf32>
        %swap3A_2073 = arith.index_cast %scan3A_1991 : i32 to index
        %swap3A_2074 = arith.constant 560 : index
        %swap3A_2075 = tpu.vector_load %arg9[%swap3A_2073, %swap3A_2074] {strides = array<i32>} : memref<16x768xf32, #tpu.memory_space<vmem>>, vector<16xf32>,
        tpu.vector_store %arg9[%swap3A_2073, %swap3A_2074], %mul3A_2072 {strides = array<i32>} : memref<16x768xf32, #tpu.memory_space<vmem>>, vector<16xf32>,
        %get3A_2076 = arith.index_cast %scan3A_1991 : i32 to index
        %get3A_2077 = arith.constant 576 : index
        %get3A_2078 = tpu.vector_load %arg7[%get3A_2076, %get3A_2077] {strides = array<i32>} : memref<16x768xf32, #tpu.memory_space<vmem>>, vector<16xf32>,
        %mul3A_2079 = arith.mulf %get3A_2078, %select_n3A_813 : vector<16xf32>
        %swap3A_2080 = arith.index_cast %scan3A_1991 : i32 to index
        %swap3A_2081 = arith.constant 576 : index
        %swap3A_2082 = tpu.vector_load %arg9[%swap3A_2080, %swap3A_2081] {strides = array<i32>} : memref<16x768xf32, #tpu.memory_space<vmem>>, vector<16xf32>,
        tpu.vector_store %arg9[%swap3A_2080, %swap3A_2081], %mul3A_2079 {strides = array<i32>} : memref<16x768xf32, #tpu.memory_space<vmem>>, vector<16xf32>,
        %get3A_2083 = arith.index_cast %scan3A_1991 : i32 to index
        %get3A_2084 = arith.constant 592 : index
        %get3A_2085 = tpu.vector_load %arg7[%get3A_2083, %get3A_2084] {strides = array<i32>} : memref<16x768xf32, #tpu.memory_space<vmem>>, vector<16xf32>,
        %mul3A_2086 = arith.mulf %get3A_2085, %select_n3A_832 : vector<16xf32>
        %swap3A_2087 = arith.index_cast %scan3A_1991 : i32 to index
        %swap3A_2088 = arith.constant 592 : index
        %swap3A_2089 = tpu.vector_load %arg9[%swap3A_2087, %swap3A_2088] {strides = array<i32>} : memref<16x768xf32, #tpu.memory_space<vmem>>, vector<16xf32>,
        tpu.vector_store %arg9[%swap3A_2087, %swap3A_2088], %mul3A_2086 {strides = array<i32>} : memref<16x768xf32, #tpu.memory_space<vmem>>, vector<16xf32>,
        %get3A_2090 = arith.index_cast %scan3A_1991 : i32 to index
        %get3A_2091 = arith.constant 608 : index
        %get3A_2092 = tpu.vector_load %arg7[%get3A_2090, %get3A_2091] {strides = array<i32>} : memref<16x768xf32, #tpu.memory_space<vmem>>, vector<16xf32>,
        %mul3A_2093 = arith.mulf %get3A_2092, %select_n3A_851 : vector<16xf32>
        %swap3A_2094 = arith.index_cast %scan3A_1991 : i32 to index
        %swap3A_2095 = arith.constant 608 : index
        %swap3A_2096 = tpu.vector_load %arg9[%swap3A_2094, %swap3A_2095] {strides = array<i32>} : memref<16x768xf32, #tpu.memory_space<vmem>>, vector<16xf32>,
        tpu.vector_store %arg9[%swap3A_2094, %swap3A_2095], %mul3A_2093 {strides = array<i32>} : memref<16x768xf32, #tpu.memory_space<vmem>>, vector<16xf32>,
        %get3A_2097 = arith.index_cast %scan3A_1991 : i32 to index
        %get3A_2098 = arith.constant 624 : index
        %get3A_2099 = tpu.vector_load %arg7[%get3A_2097, %get3A_2098] {strides = array<i32>} : memref<16x768xf32, #tpu.memory_space<vmem>>, vector<16xf32>,
        %mul3A_2100 = arith.mulf %get3A_2099, %select_n3A_870 : vector<16xf32>
        %swap3A_2101 = arith.index_cast %scan3A_1991 : i32 to index
        %swap3A_2102 = arith.constant 624 : index
        %swap3A_2103 = tpu.vector_load %arg9[%swap3A_2101, %swap3A_2102] {strides = array<i32>} : memref<16x768xf32, #tpu.memory_space<vmem>>, vector<16xf32>,
        tpu.vector_store %arg9[%swap3A_2101, %swap3A_2102], %mul3A_2100 {strides = array<i32>} : memref<16x768xf32, #tpu.memory_space<vmem>>, vector<16xf32>,
        %get3A_2104 = arith.index_cast %scan3A_1991 : i32 to index
        %get3A_2105 = arith.constant 640 : index
        %get3A_2106 = tpu.vector_load %arg7[%get3A_2104, %get3A_2105] {strides = array<i32>} : memref<16x768xf32, #tpu.memory_space<vmem>>, vector<16xf32>,
        %mul3A_2107 = arith.mulf %get3A_2106, %select_n3A_889 : vector<16xf32>
        %swap3A_2108 = arith.index_cast %scan3A_1991 : i32 to index
        %swap3A_2109 = arith.constant 640 : index
        %swap3A_2110 = tpu.vector_load %arg9[%swap3A_2108, %swap3A_2109] {strides = array<i32>} : memref<16x768xf32, #tpu.memory_space<vmem>>, vector<16xf32>,
        tpu.vector_store %arg9[%swap3A_2108, %swap3A_2109], %mul3A_2107 {strides = array<i32>} : memref<16x768xf32, #tpu.memory_space<vmem>>, vector<16xf32>,
        %get3A_2111 = arith.index_cast %scan3A_1991 : i32 to index
        %get3A_2112 = arith.constant 656 : index
        %get3A_2113 = tpu.vector_load %arg7[%get3A_2111, %get3A_2112] {strides = array<i32>} : memref<16x768xf32, #tpu.memory_space<vmem>>, vector<16xf32>,
        %mul3A_2114 = arith.mulf %get3A_2113, %select_n3A_908 : vector<16xf32>
        %swap3A_2115 = arith.index_cast %scan3A_1991 : i32 to index
        %swap3A_2116 = arith.constant 656 : index
        %swap3A_2117 = tpu.vector_load %arg9[%swap3A_2115, %swap3A_2116] {strides = array<i32>} : memref<16x768xf32, #tpu.memory_space<vmem>>, vector<16xf32>,
        tpu.vector_store %arg9[%swap3A_2115, %swap3A_2116], %mul3A_2114 {strides = array<i32>} : memref<16x768xf32, #tpu.memory_space<vmem>>, vector<16xf32>,
        %get3A_2118 = arith.index_cast %scan3A_1991 : i32 to index
        %get3A_2119 = arith.constant 672 : index
        %get3A_2120 = tpu.vector_load %arg7[%get3A_2118, %get3A_2119] {strides = array<i32>} : memref<16x768xf32, #tpu.memory_space<vmem>>, vector<16xf32>,
        %mul3A_2121 = arith.mulf %get3A_2120, %select_n3A_927 : vector<16xf32>
        %swap3A_2122 = arith.index_cast %scan3A_1991 : i32 to index
        %swap3A_2123 = arith.constant 672 : index
        %swap3A_2124 = tpu.vector_load %arg9[%swap3A_2122, %swap3A_2123] {strides = array<i32>} : memref<16x768xf32, #tpu.memory_space<vmem>>, vector<16xf32>,
        tpu.vector_store %arg9[%swap3A_2122, %swap3A_2123], %mul3A_2121 {strides = array<i32>} : memref<16x768xf32, #tpu.memory_space<vmem>>, vector<16xf32>,
        %get3A_2125 = arith.index_cast %scan3A_1991 : i32 to index
        %get3A_2126 = arith.constant 688 : index
        %get3A_2127 = tpu.vector_load %arg7[%get3A_2125, %get3A_2126] {strides = array<i32>} : memref<16x768xf32, #tpu.memory_space<vmem>>, vector<16xf32>,
        %mul3A_2128 = arith.mulf %get3A_2127, %select_n3A_946 : vector<16xf32>
        %swap3A_2129 = arith.index_cast %scan3A_1991 : i32 to index
        %swap3A_2130 = arith.constant 688 : index
        %swap3A_2131 = tpu.vector_load %arg9[%swap3A_2129, %swap3A_2130] {strides = array<i32>} : memref<16x768xf32, #tpu.memory_space<vmem>>, vector<16xf32>,
        tpu.vector_store %arg9[%swap3A_2129, %swap3A_2130], %mul3A_2128 {strides = array<i32>} : memref<16x768xf32, #tpu.memory_space<vmem>>, vector<16xf32>,
        %get3A_2132 = arith.index_cast %scan3A_1991 : i32 to index
        %get3A_2133 = arith.constant 704 : index
        %get3A_2134 = tpu.vector_load %arg7[%get3A_2132, %get3A_2133] {strides = array<i32>} : memref<16x768xf32, #tpu.memory_space<vmem>>, vector<16xf32>,
        %mul3A_2135 = arith.mulf %get3A_2134, %select_n3A_965 : vector<16xf32>
        %swap3A_2136 = arith.index_cast %scan3A_1991 : i32 to index
        %swap3A_2137 = arith.constant 704 : index
        %swap3A_2138 = tpu.vector_load %arg9[%swap3A_2136, %swap3A_2137] {strides = array<i32>} : memref<16x768xf32, #tpu.memory_space<vmem>>, vector<16xf32>,
        tpu.vector_store %arg9[%swap3A_2136, %swap3A_2137], %mul3A_2135 {strides = array<i32>} : memref<16x768xf32, #tpu.memory_space<vmem>>, vector<16xf32>,
        %get3A_2139 = arith.index_cast %scan3A_1991 : i32 to index
        %get3A_2140 = arith.constant 720 : index
        %get3A_2141 = tpu.vector_load %arg7[%get3A_2139, %get3A_2140] {strides = array<i32>} : memref<16x768xf32, #tpu.memory_space<vmem>>, vector<16xf32>,
        %mul3A_2142 = arith.mulf %get3A_2141, %select_n3A_984 : vector<16xf32>
        %swap3A_2143 = arith.index_cast %scan3A_1991 : i32 to index
        %swap3A_2144 = arith.constant 720 : index
        %swap3A_2145 = tpu.vector_load %arg9[%swap3A_2143, %swap3A_2144] {strides = array<i32>} : memref<16x768xf32, #tpu.memory_space<vmem>>, vector<16xf32>,
        tpu.vector_store %arg9[%swap3A_2143, %swap3A_2144], %mul3A_2142 {strides = array<i32>} : memref<16x768xf32, #tpu.memory_space<vmem>>, vector<16xf32>,
        %get3A_2146 = arith.index_cast %scan3A_1991 : i32 to index
        %get3A_2147 = arith.constant 736 : index
        %get3A_2148 = tpu.vector_load %arg7[%get3A_2146, %get3A_2147] {strides = array<i32>} : memref<16x768xf32, #tpu.memory_space<vmem>>, vector<16xf32>,
        %mul3A_2149 = arith.mulf %get3A_2148, %select_n3A_1003 : vector<16xf32>
        %swap3A_2150 = arith.index_cast %scan3A_1991 : i32 to index
        %swap3A_2151 = arith.constant 736 : index
        %swap3A_2152 = tpu.vector_load %arg9[%swap3A_2150, %swap3A_2151] {strides = array<i32>} : memref<16x768xf32, #tpu.memory_space<vmem>>, vector<16xf32>,
        tpu.vector_store %arg9[%swap3A_2150, %swap3A_2151], %mul3A_2149 {strides = array<i32>} : memref<16x768xf32, #tpu.memory_space<vmem>>, vector<16xf32>,
        %get3A_2153 = arith.index_cast %scan3A_1991 : i32 to index
        %get3A_2154 = arith.constant 752 : index
        %get3A_2155 = tpu.vector_load %arg7[%get3A_2153, %get3A_2154] {strides = array<i32>} : memref<16x768xf32, #tpu.memory_space<vmem>>, vector<16xf32>,
        %mul3A_2156 = arith.mulf %get3A_2155, %select_n3A_1022 : vector<16xf32>
        %swap3A_2157 = arith.index_cast %scan3A_1991 : i32 to index
        %swap3A_2158 = arith.constant 752 : index
        %swap3A_2159 = tpu.vector_load %arg9[%swap3A_2157, %swap3A_2158] {strides = array<i32>} : memref<16x768xf32, #tpu.memory_space<vmem>>, vector<16xf32>,
        tpu.vector_store %arg9[%swap3A_2157, %swap3A_2158], %mul3A_2156 {strides = array<i32>} : memref<16x768xf32, #tpu.memory_space<vmem>>, vector<16xf32>,
      }
      %scan3A_1027 = arith.constant 16 : i32
      %mul3A_1028 = arith.constant 16 : i32
      %mul3A_1029 = arith.muli %mul3A_95, %mul3A_1028 : i32
      %add3A_1030 = arith.addi %mul3A_2, %mul3A_1029 : i32
      %dma_start3A_1031 = arith.constant 0 : i32
      %dma_start3A_1032 = tpu.memref_slice %arg5[%add3A_1030, %dma_start3A_1031] : memref<32768x768xf32, #tpu.memory_space<hbm>> -> memref<16x768xf32, #tpu.memory_space<hbm>>
      %dma_start3A_1033 = arith.constant 0 : i32
      %dma_start3A_1034 = tpu.memref_slice %arg5[%add3A_1030, %dma_start3A_1033] : memref<32768x768xf32, #tpu.memory_space<hbm>> -> memref<16x768xf32, #tpu.memory_space<hbm>>
      tpu.enqueue_dma source(%arg9 : memref<16x768xf32, #tpu.memory_space<vmem>>) target(%dma_start3A_1034 : memref<16x768xf32, #tpu.memory_space<hbm>>) target_semaphore(%arg16 : memref<!tpu.dma_semaphore, #tpu.memory_space<semaphore_mem>>)
      %add3A_1035 = arith.constant 2 : i32
      %add3A_1036 = arith.addi %mul3A_95, %add3A_1035 : i32
      %lt3A = arith.constant 64 : i32
      %lt3A_1037 = arith.cmpi slt, %add3A_1036, %lt3A : i32
      %convert_element_type3A_1038 = arith.extui %lt3A_1037 : i1 to i32
      %cond3A_1039 = arith.constant 0 : i32
      %cond3A_1040 = arith.cmpi ne, %convert_element_type3A_1038, %cond3A_1039 : i32
      scf.if %cond3A_1040 {
        %add3A_1991 = arith.constant 2 : i32
        %add3A_1992 = arith.addi %mul3A_95, %add3A_1991 : i32
        %mul3A_1993 = arith.constant 16 : i32
        %mul3A_1994 = arith.muli %add3A_1992, %mul3A_1993 : i32
        %add3A_1995 = arith.addi %mul3A_2, %mul3A_1994 : i32
        %dma_start3A_1996 = arith.constant 0 : i32
        %dma_start3A_1997 = tpu.memref_slice %arg2[%add3A_1995, %dma_start3A_1996] : memref<32768x768xf32, #tpu.memory_space<hbm>> -> memref<16x768xf32, #tpu.memory_space<hbm>>
        %dma_start3A_1998 = arith.constant 0 : i32
        %dma_start3A_1999 = tpu.memref_slice %arg2[%add3A_1995, %dma_start3A_1998] : memref<32768x768xf32, #tpu.memory_space<hbm>> -> memref<16x768xf32, #tpu.memory_space<hbm>>
        tpu.enqueue_dma source(%dma_start3A_1999 : memref<16x768xf32, #tpu.memory_space<hbm>>) target(%arg7 : memref<16x768xf32, #tpu.memory_space<vmem>>) target_semaphore(%arg14 : memref<!tpu.dma_semaphore, #tpu.memory_space<semaphore_mem>>)
      } else {
      }
      %mul3A_1041 = arith.constant 16 : i32
      %mul3A_1042 = arith.muli %add3A_99, %mul3A_1041 : i32
      %add3A_1043 = arith.addi %mul3A_2, %mul3A_1042 : i32
      %dma_wait3A_1044 = arith.constant 0 : i32
      %dma_wait3A_1045 = tpu.memref_slice %arg2[%add3A_1043, %dma_wait3A_1044] : memref<32768x768xf32, #tpu.memory_space<hbm>> -> memref<16x768xf32, #tpu.memory_space<hbm>>
      %dma_wait3A_1046 = arith.constant 0 : i32
      %dma_wait3A_1047 = tpu.memref_slice %arg2[%add3A_1043, %dma_wait3A_1046] : memref<32768x768xf32, #tpu.memory_space<hbm>> -> memref<16x768xf32, #tpu.memory_space<hbm>>
      tpu.wait_dma2 semaphore(%arg15 : memref<!tpu.dma_semaphore, #tpu.memory_space<semaphore_mem>>) src(%dma_wait3A_1047 : memref<16x768xf32, #tpu.memory_space<hbm>>) dst(%arg8 : memref<16x768xf32, #tpu.memory_space<vmem>>)
      %gt3A_1048 = arith.constant 0 : i32
      %gt3A_1049 = arith.cmpi sgt, %scan3A_93, %gt3A_1048 : i32
      %convert_element_type3A_1050 = arith.extui %gt3A_1049 : i1 to i32
      %cond3A_1051 = arith.constant 0 : i32
      %cond3A_1052 = arith.cmpi ne, %convert_element_type3A_1050, %cond3A_1051 : i32
      scf.if %cond3A_1052 {
        %sub3A = arith.constant 2 : i32
        %sub3A_1991 = arith.subi %add3A_99, %sub3A : i32
        %mul3A_1992 = arith.constant 16 : i32
        %mul3A_1993 = arith.muli %sub3A_1991, %mul3A_1992 : i32
        %add3A_1994 = arith.addi %mul3A_2, %mul3A_1993 : i32
        %dma_wait3A_1995 = arith.constant 0 : i32
        %dma_wait3A_1996 = tpu.memref_slice %arg5[%add3A_1994, %dma_wait3A_1995] : memref<32768x768xf32, #tpu.memory_space<hbm>> -> memref<16x768xf32, #tpu.memory_space<hbm>>
        %dma_wait3A_1997 = arith.constant 0 : i32
        %dma_wait3A_1998 = tpu.memref_slice %arg5[%add3A_1994, %dma_wait3A_1997] : memref<32768x768xf32, #tpu.memory_space<hbm>> -> memref<16x768xf32, #tpu.memory_space<hbm>>
        tpu.wait_dma2 semaphore(%arg17 : memref<!tpu.dma_semaphore, #tpu.memory_space<semaphore_mem>>) src(%arg10 : memref<16x768xf32, #tpu.memory_space<vmem>>) dst(%dma_wait3A_1998 : memref<16x768xf32, #tpu.memory_space<hbm>>)
      } else {
      }
      %div3A_1053 = arith.constant 16 : i32
      %div3A_1054 = arith.divsi %add3A_99, %div3A_1053 : i32
      %mul3A_1055 = arith.constant 48 : i32
      %mul3A_1056 = arith.muli %div3A_1054, %mul3A_1055 : i32
      %add3A_1057 = arith.constant 0 : i32
      %add3A_1058 = arith.addi %mul3A_1056, %add3A_1057 : i32
      %add3A_1059 = arith.constant 0 : i32
      %add3A_1060 = arith.addi %add3A_1058, %add3A_1059 : i32
      %get3A_1061 = arith.index_cast %add3A_1060 : i32 to index
      %get3A_1062 = arith.constant 0 : index
      %get3A_1063 = tpu.vector_load %arg13[%get3A_1061, %get3A_1062] {strides = array<i32>} : memref<192x16xf32, #tpu.memory_space<vmem>>, vector<16xf32>,
      %get3A_1064 = arith.constant 0 : i32
      %get3A_1065 = arith.index_cast %get3A_1064 : i32 to index
      %get3A_1066 = arith.constant 0 : index
      %get3A_1067 = tpu.vector_load %arg12[%get3A_1065, %get3A_1066] {strides = array<i32>} : memref<128x16xf32, #tpu.memory_space<vmem>>, vector<16xf32>,
      %ge3A_1068 = arith.cmpf oge, %get3A_1063, %get3A_1067 : vector<16xf32>
      %jit3A_1069 = arith.constant 1.000000e+00 : f32
      %jit3A_1070 = arith.constant 0.000000e+00 : f32
      %broadcast_in_dim3A_1071 = vector.broadcast %jit3A_1069 : f32 to vector<16xf32>
      %broadcast_in_dim3A_1072 = vector.broadcast %jit3A_1070 : f32 to vector<16xf32>
      %select_n3A_1073 = arith.select %ge3A_1068, %broadcast_in_dim3A_1071, %broadcast_in_dim3A_1072 : vector<16xi1>, vector<16xf32>
      %mul3A_1074 = arith.constant 48 : i32
      %mul3A_1075 = arith.muli %div3A_1054, %mul3A_1074 : i32
      %add3A_1076 = arith.constant 0 : i32
      %add3A_1077 = arith.addi %mul3A_1075, %add3A_1076 : i32
      %add3A_1078 = arith.constant 1 : i32
      %add3A_1079 = arith.addi %add3A_1077, %add3A_1078 : i32
      %get3A_1080 = arith.index_cast %add3A_1079 : i32 to index
      %get3A_1081 = arith.constant 0 : index
      %get3A_1082 = tpu.vector_load %arg13[%get3A_1080, %get3A_1081] {strides = array<i32>} : memref<192x16xf32, #tpu.memory_space<vmem>>, vector<16xf32>,
      %get3A_1083 = arith.constant 1 : i32
      %get3A_1084 = arith.index_cast %get3A_1083 : i32 to index
      %get3A_1085 = arith.constant 0 : index
      %get3A_1086 = tpu.vector_load %arg12[%get3A_1084, %get3A_1085] {strides = array<i32>} : memref<128x16xf32, #tpu.memory_space<vmem>>, vector<16xf32>,
      %ge3A_1087 = arith.cmpf oge, %get3A_1082, %get3A_1086 : vector<16xf32>
      %jit3A_1088 = arith.constant 1.000000e+00 : f32
      %jit3A_1089 = arith.constant 0.000000e+00 : f32
      %broadcast_in_dim3A_1090 = vector.broadcast %jit3A_1088 : f32 to vector<16xf32>
      %broadcast_in_dim3A_1091 = vector.broadcast %jit3A_1089 : f32 to vector<16xf32>
      %select_n3A_1092 = arith.select %ge3A_1087, %broadcast_in_dim3A_1090, %broadcast_in_dim3A_1091 : vector<16xi1>, vector<16xf32>
      %mul3A_1093 = arith.constant 48 : i32
      %mul3A_1094 = arith.muli %div3A_1054, %mul3A_1093 : i32
      %add3A_1095 = arith.constant 0 : i32
      %add3A_1096 = arith.addi %mul3A_1094, %add3A_1095 : i32
      %add3A_1097 = arith.constant 2 : i32
      %add3A_1098 = arith.addi %add3A_1096, %add3A_1097 : i32
      %get3A_1099 = arith.index_cast %add3A_1098 : i32 to index
      %get3A_1100 = arith.constant 0 : index
      %get3A_1101 = tpu.vector_load %arg13[%get3A_1099, %get3A_1100] {strides = array<i32>} : memref<192x16xf32, #tpu.memory_space<vmem>>, vector<16xf32>,
      %get3A_1102 = arith.constant 2 : i32
      %get3A_1103 = arith.index_cast %get3A_1102 : i32 to index
      %get3A_1104 = arith.constant 0 : index
      %get3A_1105 = tpu.vector_load %arg12[%get3A_1103, %get3A_1104] {strides = array<i32>} : memref<128x16xf32, #tpu.memory_space<vmem>>, vector<16xf32>,
      %ge3A_1106 = arith.cmpf oge, %get3A_1101, %get3A_1105 : vector<16xf32>
      %jit3A_1107 = arith.constant 1.000000e+00 : f32
      %jit3A_1108 = arith.constant 0.000000e+00 : f32
      %broadcast_in_dim3A_1109 = vector.broadcast %jit3A_1107 : f32 to vector<16xf32>
      %broadcast_in_dim3A_1110 = vector.broadcast %jit3A_1108 : f32 to vector<16xf32>
      %select_n3A_1111 = arith.select %ge3A_1106, %broadcast_in_dim3A_1109, %broadcast_in_dim3A_1110 : vector<16xi1>, vector<16xf32>
      %mul3A_1112 = arith.constant 48 : i32
      %mul3A_1113 = arith.muli %div3A_1054, %mul3A_1112 : i32
      %add3A_1114 = arith.constant 0 : i32
      %add3A_1115 = arith.addi %mul3A_1113, %add3A_1114 : i32
      %add3A_1116 = arith.constant 3 : i32
      %add3A_1117 = arith.addi %add3A_1115, %add3A_1116 : i32
      %get3A_1118 = arith.index_cast %add3A_1117 : i32 to index
      %get3A_1119 = arith.constant 0 : index
      %get3A_1120 = tpu.vector_load %arg13[%get3A_1118, %get3A_1119] {strides = array<i32>} : memref<192x16xf32, #tpu.memory_space<vmem>>, vector<16xf32>,
      %get3A_1121 = arith.constant 8 : i32
      %get3A_1122 = arith.index_cast %get3A_1121 : i32 to index
      %get3A_1123 = arith.constant 0 : index
      %get3A_1124 = tpu.vector_load %arg12[%get3A_1122, %get3A_1123] {strides = array<i32>} : memref<128x16xf32, #tpu.memory_space<vmem>>, vector<16xf32>,
      %ge3A_1125 = arith.cmpf oge, %get3A_1120, %get3A_1124 : vector<16xf32>
      %jit3A_1126 = arith.constant 1.000000e+00 : f32
      %jit3A_1127 = arith.constant 0.000000e+00 : f32
      %broadcast_in_dim3A_1128 = vector.broadcast %jit3A_1126 : f32 to vector<16xf32>
      %broadcast_in_dim3A_1129 = vector.broadcast %jit3A_1127 : f32 to vector<16xf32>
      %select_n3A_1130 = arith.select %ge3A_1125, %broadcast_in_dim3A_1128, %broadcast_in_dim3A_1129 : vector<16xi1>, vector<16xf32>
      %mul3A_1131 = arith.constant 48 : i32
      %mul3A_1132 = arith.muli %div3A_1054, %mul3A_1131 : i32
      %add3A_1133 = arith.constant 0 : i32
      %add3A_1134 = arith.addi %mul3A_1132, %add3A_1133 : i32
      %add3A_1135 = arith.constant 4 : i32
      %add3A_1136 = arith.addi %add3A_1134, %add3A_1135 : i32
      %get3A_1137 = arith.index_cast %add3A_1136 : i32 to index
      %get3A_1138 = arith.constant 0 : index
      %get3A_1139 = tpu.vector_load %arg13[%get3A_1137, %get3A_1138] {strides = array<i32>} : memref<192x16xf32, #tpu.memory_space<vmem>>, vector<16xf32>,
      %get3A_1140 = arith.constant 9 : i32
      %get3A_1141 = arith.index_cast %get3A_1140 : i32 to index
      %get3A_1142 = arith.constant 0 : index
      %get3A_1143 = tpu.vector_load %arg12[%get3A_1141, %get3A_1142] {strides = array<i32>} : memref<128x16xf32, #tpu.memory_space<vmem>>, vector<16xf32>,
      %ge3A_1144 = arith.cmpf oge, %get3A_1139, %get3A_1143 : vector<16xf32>
      %jit3A_1145 = arith.constant 1.000000e+00 : f32
      %jit3A_1146 = arith.constant 0.000000e+00 : f32
      %broadcast_in_dim3A_1147 = vector.broadcast %jit3A_1145 : f32 to vector<16xf32>
      %broadcast_in_dim3A_1148 = vector.broadcast %jit3A_1146 : f32 to vector<16xf32>
      %select_n3A_1149 = arith.select %ge3A_1144, %broadcast_in_dim3A_1147, %broadcast_in_dim3A_1148 : vector<16xi1>, vector<16xf32>
      %mul3A_1150 = arith.constant 48 : i32
      %mul3A_1151 = arith.muli %div3A_1054, %mul3A_1150 : i32
      %add3A_1152 = arith.constant 0 : i32
      %add3A_1153 = arith.addi %mul3A_1151, %add3A_1152 : i32
      %add3A_1154 = arith.constant 5 : i32
      %add3A_1155 = arith.addi %add3A_1153, %add3A_1154 : i32
      %get3A_1156 = arith.index_cast %add3A_1155 : i32 to index
      %get3A_1157 = arith.constant 0 : index
      %get3A_1158 = tpu.vector_load %arg13[%get3A_1156, %get3A_1157] {strides = array<i32>} : memref<192x16xf32, #tpu.memory_space<vmem>>, vector<16xf32>,
      %get3A_1159 = arith.constant 10 : i32
      %get3A_1160 = arith.index_cast %get3A_1159 : i32 to index
      %get3A_1161 = arith.constant 0 : index
      %get3A_1162 = tpu.vector_load %arg12[%get3A_1160, %get3A_1161] {strides = array<i32>} : memref<128x16xf32, #tpu.memory_space<vmem>>, vector<16xf32>,
      %ge3A_1163 = arith.cmpf oge, %get3A_1158, %get3A_1162 : vector<16xf32>
      %jit3A_1164 = arith.constant 1.000000e+00 : f32
      %jit3A_1165 = arith.constant 0.000000e+00 : f32
      %broadcast_in_dim3A_1166 = vector.broadcast %jit3A_1164 : f32 to vector<16xf32>
      %broadcast_in_dim3A_1167 = vector.broadcast %jit3A_1165 : f32 to vector<16xf32>
      %select_n3A_1168 = arith.select %ge3A_1163, %broadcast_in_dim3A_1166, %broadcast_in_dim3A_1167 : vector<16xi1>, vector<16xf32>
      %mul3A_1169 = arith.constant 48 : i32
      %mul3A_1170 = arith.muli %div3A_1054, %mul3A_1169 : i32
      %add3A_1171 = arith.constant 0 : i32
      %add3A_1172 = arith.addi %mul3A_1170, %add3A_1171 : i32
      %add3A_1173 = arith.constant 6 : i32
      %add3A_1174 = arith.addi %add3A_1172, %add3A_1173 : i32
      %get3A_1175 = arith.index_cast %add3A_1174 : i32 to index
      %get3A_1176 = arith.constant 0 : index
      %get3A_1177 = tpu.vector_load %arg13[%get3A_1175, %get3A_1176] {strides = array<i32>} : memref<192x16xf32, #tpu.memory_space<vmem>>, vector<16xf32>,
      %get3A_1178 = arith.constant 16 : i32
      %get3A_1179 = arith.index_cast %get3A_1178 : i32 to index
      %get3A_1180 = arith.constant 0 : index
      %get3A_1181 = tpu.vector_load %arg12[%get3A_1179, %get3A_1180] {strides = array<i32>} : memref<128x16xf32, #tpu.memory_space<vmem>>, vector<16xf32>,
      %ge3A_1182 = arith.cmpf oge, %get3A_1177, %get3A_1181 : vector<16xf32>
      %jit3A_1183 = arith.constant 1.000000e+00 : f32
      %jit3A_1184 = arith.constant 0.000000e+00 : f32
      %broadcast_in_dim3A_1185 = vector.broadcast %jit3A_1183 : f32 to vector<16xf32>
      %broadcast_in_dim3A_1186 = vector.broadcast %jit3A_1184 : f32 to vector<16xf32>
      %select_n3A_1187 = arith.select %ge3A_1182, %broadcast_in_dim3A_1185, %broadcast_in_dim3A_1186 : vector<16xi1>, vector<16xf32>
      %mul3A_1188 = arith.constant 48 : i32
      %mul3A_1189 = arith.muli %div3A_1054, %mul3A_1188 : i32
      %add3A_1190 = arith.constant 0 : i32
      %add3A_1191 = arith.addi %mul3A_1189, %add3A_1190 : i32
      %add3A_1192 = arith.constant 7 : i32
      %add3A_1193 = arith.addi %add3A_1191, %add3A_1192 : i32
      %get3A_1194 = arith.index_cast %add3A_1193 : i32 to index
      %get3A_1195 = arith.constant 0 : index
      %get3A_1196 = tpu.vector_load %arg13[%get3A_1194, %get3A_1195] {strides = array<i32>} : memref<192x16xf32, #tpu.memory_space<vmem>>, vector<16xf32>,
      %get3A_1197 = arith.constant 17 : i32
      %get3A_1198 = arith.index_cast %get3A_1197 : i32 to index
      %get3A_1199 = arith.constant 0 : index
      %get3A_1200 = tpu.vector_load %arg12[%get3A_1198, %get3A_1199] {strides = array<i32>} : memref<128x16xf32, #tpu.memory_space<vmem>>, vector<16xf32>,
      %ge3A_1201 = arith.cmpf oge, %get3A_1196, %get3A_1200 : vector<16xf32>
      %jit3A_1202 = arith.constant 1.000000e+00 : f32
      %jit3A_1203 = arith.constant 0.000000e+00 : f32
      %broadcast_in_dim3A_1204 = vector.broadcast %jit3A_1202 : f32 to vector<16xf32>
      %broadcast_in_dim3A_1205 = vector.broadcast %jit3A_1203 : f32 to vector<16xf32>
      %select_n3A_1206 = arith.select %ge3A_1201, %broadcast_in_dim3A_1204, %broadcast_in_dim3A_1205 : vector<16xi1>, vector<16xf32>
      %mul3A_1207 = arith.constant 48 : i32
      %mul3A_1208 = arith.muli %div3A_1054, %mul3A_1207 : i32
      %add3A_1209 = arith.constant 0 : i32
      %add3A_1210 = arith.addi %mul3A_1208, %add3A_1209 : i32
      %add3A_1211 = arith.constant 8 : i32
      %add3A_1212 = arith.addi %add3A_1210, %add3A_1211 : i32
      %get3A_1213 = arith.index_cast %add3A_1212 : i32 to index
      %get3A_1214 = arith.constant 0 : index
      %get3A_1215 = tpu.vector_load %arg13[%get3A_1213, %get3A_1214] {strides = array<i32>} : memref<192x16xf32, #tpu.memory_space<vmem>>, vector<16xf32>,
      %get3A_1216 = arith.constant 18 : i32
      %get3A_1217 = arith.index_cast %get3A_1216 : i32 to index
      %get3A_1218 = arith.constant 0 : index
      %get3A_1219 = tpu.vector_load %arg12[%get3A_1217, %get3A_1218] {strides = array<i32>} : memref<128x16xf32, #tpu.memory_space<vmem>>, vector<16xf32>,
      %ge3A_1220 = arith.cmpf oge, %get3A_1215, %get3A_1219 : vector<16xf32>
      %jit3A_1221 = arith.constant 1.000000e+00 : f32
      %jit3A_1222 = arith.constant 0.000000e+00 : f32
      %broadcast_in_dim3A_1223 = vector.broadcast %jit3A_1221 : f32 to vector<16xf32>
      %broadcast_in_dim3A_1224 = vector.broadcast %jit3A_1222 : f32 to vector<16xf32>
      %select_n3A_1225 = arith.select %ge3A_1220, %broadcast_in_dim3A_1223, %broadcast_in_dim3A_1224 : vector<16xi1>, vector<16xf32>
      %mul3A_1226 = arith.constant 48 : i32
      %mul3A_1227 = arith.muli %div3A_1054, %mul3A_1226 : i32
      %add3A_1228 = arith.constant 0 : i32
      %add3A_1229 = arith.addi %mul3A_1227, %add3A_1228 : i32
      %add3A_1230 = arith.constant 9 : i32
      %add3A_1231 = arith.addi %add3A_1229, %add3A_1230 : i32
      %get3A_1232 = arith.index_cast %add3A_1231 : i32 to index
      %get3A_1233 = arith.constant 0 : index
      %get3A_1234 = tpu.vector_load %arg13[%get3A_1232, %get3A_1233] {strides = array<i32>} : memref<192x16xf32, #tpu.memory_space<vmem>>, vector<16xf32>,
      %get3A_1235 = arith.constant 24 : i32
      %get3A_1236 = arith.index_cast %get3A_1235 : i32 to index
      %get3A_1237 = arith.constant 0 : index
      %get3A_1238 = tpu.vector_load %arg12[%get3A_1236, %get3A_1237] {strides = array<i32>} : memref<128x16xf32, #tpu.memory_space<vmem>>, vector<16xf32>,
      %ge3A_1239 = arith.cmpf oge, %get3A_1234, %get3A_1238 : vector<16xf32>
      %jit3A_1240 = arith.constant 1.000000e+00 : f32
      %jit3A_1241 = arith.constant 0.000000e+00 : f32
      %broadcast_in_dim3A_1242 = vector.broadcast %jit3A_1240 : f32 to vector<16xf32>
      %broadcast_in_dim3A_1243 = vector.broadcast %jit3A_1241 : f32 to vector<16xf32>
      %select_n3A_1244 = arith.select %ge3A_1239, %broadcast_in_dim3A_1242, %broadcast_in_dim3A_1243 : vector<16xi1>, vector<16xf32>
      %mul3A_1245 = arith.constant 48 : i32
      %mul3A_1246 = arith.muli %div3A_1054, %mul3A_1245 : i32
      %add3A_1247 = arith.constant 0 : i32
      %add3A_1248 = arith.addi %mul3A_1246, %add3A_1247 : i32
      %add3A_1249 = arith.constant 10 : i32
      %add3A_1250 = arith.addi %add3A_1248, %add3A_1249 : i32
      %get3A_1251 = arith.index_cast %add3A_1250 : i32 to index
      %get3A_1252 = arith.constant 0 : index
      %get3A_1253 = tpu.vector_load %arg13[%get3A_1251, %get3A_1252] {strides = array<i32>} : memref<192x16xf32, #tpu.memory_space<vmem>>, vector<16xf32>,
      %get3A_1254 = arith.constant 25 : i32
      %get3A_1255 = arith.index_cast %get3A_1254 : i32 to index
      %get3A_1256 = arith.constant 0 : index
      %get3A_1257 = tpu.vector_load %arg12[%get3A_1255, %get3A_1256] {strides = array<i32>} : memref<128x16xf32, #tpu.memory_space<vmem>>, vector<16xf32>,
      %ge3A_1258 = arith.cmpf oge, %get3A_1253, %get3A_1257 : vector<16xf32>
      %jit3A_1259 = arith.constant 1.000000e+00 : f32
      %jit3A_1260 = arith.constant 0.000000e+00 : f32
      %broadcast_in_dim3A_1261 = vector.broadcast %jit3A_1259 : f32 to vector<16xf32>
      %broadcast_in_dim3A_1262 = vector.broadcast %jit3A_1260 : f32 to vector<16xf32>
      %select_n3A_1263 = arith.select %ge3A_1258, %broadcast_in_dim3A_1261, %broadcast_in_dim3A_1262 : vector<16xi1>, vector<16xf32>
      %mul3A_1264 = arith.constant 48 : i32
      %mul3A_1265 = arith.muli %div3A_1054, %mul3A_1264 : i32
      %add3A_1266 = arith.constant 0 : i32
      %add3A_1267 = arith.addi %mul3A_1265, %add3A_1266 : i32
      %add3A_1268 = arith.constant 11 : i32
      %add3A_1269 = arith.addi %add3A_1267, %add3A_1268 : i32
      %get3A_1270 = arith.index_cast %add3A_1269 : i32 to index
      %get3A_1271 = arith.constant 0 : index
      %get3A_1272 = tpu.vector_load %arg13[%get3A_1270, %get3A_1271] {strides = array<i32>} : memref<192x16xf32, #tpu.memory_space<vmem>>, vector<16xf32>,
      %get3A_1273 = arith.constant 26 : i32
      %get3A_1274 = arith.index_cast %get3A_1273 : i32 to index
      %get3A_1275 = arith.constant 0 : index
      %get3A_1276 = tpu.vector_load %arg12[%get3A_1274, %get3A_1275] {strides = array<i32>} : memref<128x16xf32, #tpu.memory_space<vmem>>, vector<16xf32>,
      %ge3A_1277 = arith.cmpf oge, %get3A_1272, %get3A_1276 : vector<16xf32>
      %jit3A_1278 = arith.constant 1.000000e+00 : f32
      %jit3A_1279 = arith.constant 0.000000e+00 : f32
      %broadcast_in_dim3A_1280 = vector.broadcast %jit3A_1278 : f32 to vector<16xf32>
      %broadcast_in_dim3A_1281 = vector.broadcast %jit3A_1279 : f32 to vector<16xf32>
      %select_n3A_1282 = arith.select %ge3A_1277, %broadcast_in_dim3A_1280, %broadcast_in_dim3A_1281 : vector<16xi1>, vector<16xf32>
      %mul3A_1283 = arith.constant 48 : i32
      %mul3A_1284 = arith.muli %div3A_1054, %mul3A_1283 : i32
      %add3A_1285 = arith.constant 0 : i32
      %add3A_1286 = arith.addi %mul3A_1284, %add3A_1285 : i32
      %add3A_1287 = arith.constant 12 : i32
      %add3A_1288 = arith.addi %add3A_1286, %add3A_1287 : i32
      %get3A_1289 = arith.index_cast %add3A_1288 : i32 to index
      %get3A_1290 = arith.constant 0 : index
      %get3A_1291 = tpu.vector_load %arg13[%get3A_1289, %get3A_1290] {strides = array<i32>} : memref<192x16xf32, #tpu.memory_space<vmem>>, vector<16xf32>,
      %get3A_1292 = arith.constant 32 : i32
      %get3A_1293 = arith.index_cast %get3A_1292 : i32 to index
      %get3A_1294 = arith.constant 0 : index
      %get3A_1295 = tpu.vector_load %arg12[%get3A_1293, %get3A_1294] {strides = array<i32>} : memref<128x16xf32, #tpu.memory_space<vmem>>, vector<16xf32>,
      %ge3A_1296 = arith.cmpf oge, %get3A_1291, %get3A_1295 : vector<16xf32>
      %jit3A_1297 = arith.constant 1.000000e+00 : f32
      %jit3A_1298 = arith.constant 0.000000e+00 : f32
      %broadcast_in_dim3A_1299 = vector.broadcast %jit3A_1297 : f32 to vector<16xf32>
      %broadcast_in_dim3A_1300 = vector.broadcast %jit3A_1298 : f32 to vector<16xf32>
      %select_n3A_1301 = arith.select %ge3A_1296, %broadcast_in_dim3A_1299, %broadcast_in_dim3A_1300 : vector<16xi1>, vector<16xf32>
      %mul3A_1302 = arith.constant 48 : i32
      %mul3A_1303 = arith.muli %div3A_1054, %mul3A_1302 : i32
      %add3A_1304 = arith.constant 0 : i32
      %add3A_1305 = arith.addi %mul3A_1303, %add3A_1304 : i32
      %add3A_1306 = arith.constant 13 : i32
      %add3A_1307 = arith.addi %add3A_1305, %add3A_1306 : i32
      %get3A_1308 = arith.index_cast %add3A_1307 : i32 to index
      %get3A_1309 = arith.constant 0 : index
      %get3A_1310 = tpu.vector_load %arg13[%get3A_1308, %get3A_1309] {strides = array<i32>} : memref<192x16xf32, #tpu.memory_space<vmem>>, vector<16xf32>,
      %get3A_1311 = arith.constant 33 : i32
      %get3A_1312 = arith.index_cast %get3A_1311 : i32 to index
      %get3A_1313 = arith.constant 0 : index
      %get3A_1314 = tpu.vector_load %arg12[%get3A_1312, %get3A_1313] {strides = array<i32>} : memref<128x16xf32, #tpu.memory_space<vmem>>, vector<16xf32>,
      %ge3A_1315 = arith.cmpf oge, %get3A_1310, %get3A_1314 : vector<16xf32>
      %jit3A_1316 = arith.constant 1.000000e+00 : f32
      %jit3A_1317 = arith.constant 0.000000e+00 : f32
      %broadcast_in_dim3A_1318 = vector.broadcast %jit3A_1316 : f32 to vector<16xf32>
      %broadcast_in_dim3A_1319 = vector.broadcast %jit3A_1317 : f32 to vector<16xf32>
      %select_n3A_1320 = arith.select %ge3A_1315, %broadcast_in_dim3A_1318, %broadcast_in_dim3A_1319 : vector<16xi1>, vector<16xf32>
      %mul3A_1321 = arith.constant 48 : i32
      %mul3A_1322 = arith.muli %div3A_1054, %mul3A_1321 : i32
      %add3A_1323 = arith.constant 0 : i32
      %add3A_1324 = arith.addi %mul3A_1322, %add3A_1323 : i32
      %add3A_1325 = arith.constant 14 : i32
      %add3A_1326 = arith.addi %add3A_1324, %add3A_1325 : i32
      %get3A_1327 = arith.index_cast %add3A_1326 : i32 to index
      %get3A_1328 = arith.constant 0 : index
      %get3A_1329 = tpu.vector_load %arg13[%get3A_1327, %get3A_1328] {strides = array<i32>} : memref<192x16xf32, #tpu.memory_space<vmem>>, vector<16xf32>,
      %get3A_1330 = arith.constant 34 : i32
      %get3A_1331 = arith.index_cast %get3A_1330 : i32 to index
      %get3A_1332 = arith.constant 0 : index
      %get3A_1333 = tpu.vector_load %arg12[%get3A_1331, %get3A_1332] {strides = array<i32>} : memref<128x16xf32, #tpu.memory_space<vmem>>, vector<16xf32>,
      %ge3A_1334 = arith.cmpf oge, %get3A_1329, %get3A_1333 : vector<16xf32>
      %jit3A_1335 = arith.constant 1.000000e+00 : f32
      %jit3A_1336 = arith.constant 0.000000e+00 : f32
      %broadcast_in_dim3A_1337 = vector.broadcast %jit3A_1335 : f32 to vector<16xf32>
      %broadcast_in_dim3A_1338 = vector.broadcast %jit3A_1336 : f32 to vector<16xf32>
      %select_n3A_1339 = arith.select %ge3A_1334, %broadcast_in_dim3A_1337, %broadcast_in_dim3A_1338 : vector<16xi1>, vector<16xf32>
      %mul3A_1340 = arith.constant 48 : i32
      %mul3A_1341 = arith.muli %div3A_1054, %mul3A_1340 : i32
      %add3A_1342 = arith.constant 0 : i32
      %add3A_1343 = arith.addi %mul3A_1341, %add3A_1342 : i32
      %add3A_1344 = arith.constant 15 : i32
      %add3A_1345 = arith.addi %add3A_1343, %add3A_1344 : i32
      %get3A_1346 = arith.index_cast %add3A_1345 : i32 to index
      %get3A_1347 = arith.constant 0 : index
      %get3A_1348 = tpu.vector_load %arg13[%get3A_1346, %get3A_1347] {strides = array<i32>} : memref<192x16xf32, #tpu.memory_space<vmem>>, vector<16xf32>,
      %get3A_1349 = arith.constant 40 : i32
      %get3A_1350 = arith.index_cast %get3A_1349 : i32 to index
      %get3A_1351 = arith.constant 0 : index
      %get3A_1352 = tpu.vector_load %arg12[%get3A_1350, %get3A_1351] {strides = array<i32>} : memref<128x16xf32, #tpu.memory_space<vmem>>, vector<16xf32>,
      %ge3A_1353 = arith.cmpf oge, %get3A_1348, %get3A_1352 : vector<16xf32>
      %jit3A_1354 = arith.constant 1.000000e+00 : f32
      %jit3A_1355 = arith.constant 0.000000e+00 : f32
      %broadcast_in_dim3A_1356 = vector.broadcast %jit3A_1354 : f32 to vector<16xf32>
      %broadcast_in_dim3A_1357 = vector.broadcast %jit3A_1355 : f32 to vector<16xf32>
      %select_n3A_1358 = arith.select %ge3A_1353, %broadcast_in_dim3A_1356, %broadcast_in_dim3A_1357 : vector<16xi1>, vector<16xf32>
      %mul3A_1359 = arith.constant 48 : i32
      %mul3A_1360 = arith.muli %div3A_1054, %mul3A_1359 : i32
      %add3A_1361 = arith.constant 0 : i32
      %add3A_1362 = arith.addi %mul3A_1360, %add3A_1361 : i32
      %add3A_1363 = arith.constant 16 : i32
      %add3A_1364 = arith.addi %add3A_1362, %add3A_1363 : i32
      %get3A_1365 = arith.index_cast %add3A_1364 : i32 to index
      %get3A_1366 = arith.constant 0 : index
      %get3A_1367 = tpu.vector_load %arg13[%get3A_1365, %get3A_1366] {strides = array<i32>} : memref<192x16xf32, #tpu.memory_space<vmem>>, vector<16xf32>,
      %get3A_1368 = arith.constant 41 : i32
      %get3A_1369 = arith.index_cast %get3A_1368 : i32 to index
      %get3A_1370 = arith.constant 0 : index
      %get3A_1371 = tpu.vector_load %arg12[%get3A_1369, %get3A_1370] {strides = array<i32>} : memref<128x16xf32, #tpu.memory_space<vmem>>, vector<16xf32>,
      %ge3A_1372 = arith.cmpf oge, %get3A_1367, %get3A_1371 : vector<16xf32>
      %jit3A_1373 = arith.constant 1.000000e+00 : f32
      %jit3A_1374 = arith.constant 0.000000e+00 : f32
      %broadcast_in_dim3A_1375 = vector.broadcast %jit3A_1373 : f32 to vector<16xf32>
      %broadcast_in_dim3A_1376 = vector.broadcast %jit3A_1374 : f32 to vector<16xf32>
      %select_n3A_1377 = arith.select %ge3A_1372, %broadcast_in_dim3A_1375, %broadcast_in_dim3A_1376 : vector<16xi1>, vector<16xf32>
      %mul3A_1378 = arith.constant 48 : i32
      %mul3A_1379 = arith.muli %div3A_1054, %mul3A_1378 : i32
      %add3A_1380 = arith.constant 0 : i32
      %add3A_1381 = arith.addi %mul3A_1379, %add3A_1380 : i32
      %add3A_1382 = arith.constant 17 : i32
      %add3A_1383 = arith.addi %add3A_1381, %add3A_1382 : i32
      %get3A_1384 = arith.index_cast %add3A_1383 : i32 to index
      %get3A_1385 = arith.constant 0 : index
      %get3A_1386 = tpu.vector_load %arg13[%get3A_1384, %get3A_1385] {strides = array<i32>} : memref<192x16xf32, #tpu.memory_space<vmem>>, vector<16xf32>,
      %get3A_1387 = arith.constant 42 : i32
      %get3A_1388 = arith.index_cast %get3A_1387 : i32 to index
      %get3A_1389 = arith.constant 0 : index
      %get3A_1390 = tpu.vector_load %arg12[%get3A_1388, %get3A_1389] {strides = array<i32>} : memref<128x16xf32, #tpu.memory_space<vmem>>, vector<16xf32>,
      %ge3A_1391 = arith.cmpf oge, %get3A_1386, %get3A_1390 : vector<16xf32>
      %jit3A_1392 = arith.constant 1.000000e+00 : f32
      %jit3A_1393 = arith.constant 0.000000e+00 : f32
      %broadcast_in_dim3A_1394 = vector.broadcast %jit3A_1392 : f32 to vector<16xf32>
      %broadcast_in_dim3A_1395 = vector.broadcast %jit3A_1393 : f32 to vector<16xf32>
      %select_n3A_1396 = arith.select %ge3A_1391, %broadcast_in_dim3A_1394, %broadcast_in_dim3A_1395 : vector<16xi1>, vector<16xf32>
      %mul3A_1397 = arith.constant 48 : i32
      %mul3A_1398 = arith.muli %div3A_1054, %mul3A_1397 : i32
      %add3A_1399 = arith.constant 0 : i32
      %add3A_1400 = arith.addi %mul3A_1398, %add3A_1399 : i32
      %add3A_1401 = arith.constant 18 : i32
      %add3A_1402 = arith.addi %add3A_1400, %add3A_1401 : i32
      %get3A_1403 = arith.index_cast %add3A_1402 : i32 to index
      %get3A_1404 = arith.constant 0 : index
      %get3A_1405 = tpu.vector_load %arg13[%get3A_1403, %get3A_1404] {strides = array<i32>} : memref<192x16xf32, #tpu.memory_space<vmem>>, vector<16xf32>,
      %get3A_1406 = arith.constant 48 : i32
      %get3A_1407 = arith.index_cast %get3A_1406 : i32 to index
      %get3A_1408 = arith.constant 0 : index
      %get3A_1409 = tpu.vector_load %arg12[%get3A_1407, %get3A_1408] {strides = array<i32>} : memref<128x16xf32, #tpu.memory_space<vmem>>, vector<16xf32>,
      %ge3A_1410 = arith.cmpf oge, %get3A_1405, %get3A_1409 : vector<16xf32>
      %jit3A_1411 = arith.constant 1.000000e+00 : f32
      %jit3A_1412 = arith.constant 0.000000e+00 : f32
      %broadcast_in_dim3A_1413 = vector.broadcast %jit3A_1411 : f32 to vector<16xf32>
      %broadcast_in_dim3A_1414 = vector.broadcast %jit3A_1412 : f32 to vector<16xf32>
      %select_n3A_1415 = arith.select %ge3A_1410, %broadcast_in_dim3A_1413, %broadcast_in_dim3A_1414 : vector<16xi1>, vector<16xf32>
      %mul3A_1416 = arith.constant 48 : i32
      %mul3A_1417 = arith.muli %div3A_1054, %mul3A_1416 : i32
      %add3A_1418 = arith.constant 0 : i32
      %add3A_1419 = arith.addi %mul3A_1417, %add3A_1418 : i32
      %add3A_1420 = arith.constant 19 : i32
      %add3A_1421 = arith.addi %add3A_1419, %add3A_1420 : i32
      %get3A_1422 = arith.index_cast %add3A_1421 : i32 to index
      %get3A_1423 = arith.constant 0 : index
      %get3A_1424 = tpu.vector_load %arg13[%get3A_1422, %get3A_1423] {strides = array<i32>} : memref<192x16xf32, #tpu.memory_space<vmem>>, vector<16xf32>,
      %get3A_1425 = arith.constant 49 : i32
      %get3A_1426 = arith.index_cast %get3A_1425 : i32 to index
      %get3A_1427 = arith.constant 0 : index
      %get3A_1428 = tpu.vector_load %arg12[%get3A_1426, %get3A_1427] {strides = array<i32>} : memref<128x16xf32, #tpu.memory_space<vmem>>, vector<16xf32>,
      %ge3A_1429 = arith.cmpf oge, %get3A_1424, %get3A_1428 : vector<16xf32>
      %jit3A_1430 = arith.constant 1.000000e+00 : f32
      %jit3A_1431 = arith.constant 0.000000e+00 : f32
      %broadcast_in_dim3A_1432 = vector.broadcast %jit3A_1430 : f32 to vector<16xf32>
      %broadcast_in_dim3A_1433 = vector.broadcast %jit3A_1431 : f32 to vector<16xf32>
      %select_n3A_1434 = arith.select %ge3A_1429, %broadcast_in_dim3A_1432, %broadcast_in_dim3A_1433 : vector<16xi1>, vector<16xf32>
      %mul3A_1435 = arith.constant 48 : i32
      %mul3A_1436 = arith.muli %div3A_1054, %mul3A_1435 : i32
      %add3A_1437 = arith.constant 0 : i32
      %add3A_1438 = arith.addi %mul3A_1436, %add3A_1437 : i32
      %add3A_1439 = arith.constant 20 : i32
      %add3A_1440 = arith.addi %add3A_1438, %add3A_1439 : i32
      %get3A_1441 = arith.index_cast %add3A_1440 : i32 to index
      %get3A_1442 = arith.constant 0 : index
      %get3A_1443 = tpu.vector_load %arg13[%get3A_1441, %get3A_1442] {strides = array<i32>} : memref<192x16xf32, #tpu.memory_space<vmem>>, vector<16xf32>,
      %get3A_1444 = arith.constant 50 : i32
      %get3A_1445 = arith.index_cast %get3A_1444 : i32 to index
      %get3A_1446 = arith.constant 0 : index
      %get3A_1447 = tpu.vector_load %arg12[%get3A_1445, %get3A_1446] {strides = array<i32>} : memref<128x16xf32, #tpu.memory_space<vmem>>, vector<16xf32>,
      %ge3A_1448 = arith.cmpf oge, %get3A_1443, %get3A_1447 : vector<16xf32>
      %jit3A_1449 = arith.constant 1.000000e+00 : f32
      %jit3A_1450 = arith.constant 0.000000e+00 : f32
      %broadcast_in_dim3A_1451 = vector.broadcast %jit3A_1449 : f32 to vector<16xf32>
      %broadcast_in_dim3A_1452 = vector.broadcast %jit3A_1450 : f32 to vector<16xf32>
      %select_n3A_1453 = arith.select %ge3A_1448, %broadcast_in_dim3A_1451, %broadcast_in_dim3A_1452 : vector<16xi1>, vector<16xf32>
      %mul3A_1454 = arith.constant 48 : i32
      %mul3A_1455 = arith.muli %div3A_1054, %mul3A_1454 : i32
      %add3A_1456 = arith.constant 0 : i32
      %add3A_1457 = arith.addi %mul3A_1455, %add3A_1456 : i32
      %add3A_1458 = arith.constant 21 : i32
      %add3A_1459 = arith.addi %add3A_1457, %add3A_1458 : i32
      %get3A_1460 = arith.index_cast %add3A_1459 : i32 to index
      %get3A_1461 = arith.constant 0 : index
      %get3A_1462 = tpu.vector_load %arg13[%get3A_1460, %get3A_1461] {strides = array<i32>} : memref<192x16xf32, #tpu.memory_space<vmem>>, vector<16xf32>,
      %get3A_1463 = arith.constant 56 : i32
      %get3A_1464 = arith.index_cast %get3A_1463 : i32 to index
      %get3A_1465 = arith.constant 0 : index
      %get3A_1466 = tpu.vector_load %arg12[%get3A_1464, %get3A_1465] {strides = array<i32>} : memref<128x16xf32, #tpu.memory_space<vmem>>, vector<16xf32>,
      %ge3A_1467 = arith.cmpf oge, %get3A_1462, %get3A_1466 : vector<16xf32>
      %jit3A_1468 = arith.constant 1.000000e+00 : f32
      %jit3A_1469 = arith.constant 0.000000e+00 : f32
      %broadcast_in_dim3A_1470 = vector.broadcast %jit3A_1468 : f32 to vector<16xf32>
      %broadcast_in_dim3A_1471 = vector.broadcast %jit3A_1469 : f32 to vector<16xf32>
      %select_n3A_1472 = arith.select %ge3A_1467, %broadcast_in_dim3A_1470, %broadcast_in_dim3A_1471 : vector<16xi1>, vector<16xf32>
      %mul3A_1473 = arith.constant 48 : i32
      %mul3A_1474 = arith.muli %div3A_1054, %mul3A_1473 : i32
      %add3A_1475 = arith.constant 0 : i32
      %add3A_1476 = arith.addi %mul3A_1474, %add3A_1475 : i32
      %add3A_1477 = arith.constant 22 : i32
      %add3A_1478 = arith.addi %add3A_1476, %add3A_1477 : i32
      %get3A_1479 = arith.index_cast %add3A_1478 : i32 to index
      %get3A_1480 = arith.constant 0 : index
      %get3A_1481 = tpu.vector_load %arg13[%get3A_1479, %get3A_1480] {strides = array<i32>} : memref<192x16xf32, #tpu.memory_space<vmem>>, vector<16xf32>,
      %get3A_1482 = arith.constant 57 : i32
      %get3A_1483 = arith.index_cast %get3A_1482 : i32 to index
      %get3A_1484 = arith.constant 0 : index
      %get3A_1485 = tpu.vector_load %arg12[%get3A_1483, %get3A_1484] {strides = array<i32>} : memref<128x16xf32, #tpu.memory_space<vmem>>, vector<16xf32>,
      %ge3A_1486 = arith.cmpf oge, %get3A_1481, %get3A_1485 : vector<16xf32>
      %jit3A_1487 = arith.constant 1.000000e+00 : f32
      %jit3A_1488 = arith.constant 0.000000e+00 : f32
      %broadcast_in_dim3A_1489 = vector.broadcast %jit3A_1487 : f32 to vector<16xf32>
      %broadcast_in_dim3A_1490 = vector.broadcast %jit3A_1488 : f32 to vector<16xf32>
      %select_n3A_1491 = arith.select %ge3A_1486, %broadcast_in_dim3A_1489, %broadcast_in_dim3A_1490 : vector<16xi1>, vector<16xf32>
      %mul3A_1492 = arith.constant 48 : i32
      %mul3A_1493 = arith.muli %div3A_1054, %mul3A_1492 : i32
      %add3A_1494 = arith.constant 0 : i32
      %add3A_1495 = arith.addi %mul3A_1493, %add3A_1494 : i32
      %add3A_1496 = arith.constant 23 : i32
      %add3A_1497 = arith.addi %add3A_1495, %add3A_1496 : i32
      %get3A_1498 = arith.index_cast %add3A_1497 : i32 to index
      %get3A_1499 = arith.constant 0 : index
      %get3A_1500 = tpu.vector_load %arg13[%get3A_1498, %get3A_1499] {strides = array<i32>} : memref<192x16xf32, #tpu.memory_space<vmem>>, vector<16xf32>,
      %get3A_1501 = arith.constant 58 : i32
      %get3A_1502 = arith.index_cast %get3A_1501 : i32 to index
      %get3A_1503 = arith.constant 0 : index
      %get3A_1504 = tpu.vector_load %arg12[%get3A_1502, %get3A_1503] {strides = array<i32>} : memref<128x16xf32, #tpu.memory_space<vmem>>, vector<16xf32>,
      %ge3A_1505 = arith.cmpf oge, %get3A_1500, %get3A_1504 : vector<16xf32>
      %jit3A_1506 = arith.constant 1.000000e+00 : f32
      %jit3A_1507 = arith.constant 0.000000e+00 : f32
      %broadcast_in_dim3A_1508 = vector.broadcast %jit3A_1506 : f32 to vector<16xf32>
      %broadcast_in_dim3A_1509 = vector.broadcast %jit3A_1507 : f32 to vector<16xf32>
      %select_n3A_1510 = arith.select %ge3A_1505, %broadcast_in_dim3A_1508, %broadcast_in_dim3A_1509 : vector<16xi1>, vector<16xf32>
      %scan3A_1511 = arith.constant 0 : i32
      %scan3A_1512 = arith.constant 16 : i32
      %scan3A_1513 = arith.addi %scan3A_1511, %scan3A_1512 : i32
      %scan3A_1514 = arith.constant 1 : i32
      scf.for %scan3A_1991 = %scan3A_1511 to %scan3A_1513 step %scan3A_1514  : i32 {
        %get3A_1992 = arith.index_cast %scan3A_1991 : i32 to index
        %get3A_1993 = arith.constant 0 : index
        %get3A_1994 = tpu.vector_load %arg8[%get3A_1992, %get3A_1993] {strides = array<i32>} : memref<16x768xf32, #tpu.memory_space<vmem>>, vector<16xf32>,
        %mul3A_1995 = arith.mulf %get3A_1994, %select_n3A_1073 : vector<16xf32>
        %swap3A_1996 = arith.index_cast %scan3A_1991 : i32 to index
        %swap3A_1997 = arith.constant 0 : index
        %swap3A_1998 = tpu.vector_load %arg10[%swap3A_1996, %swap3A_1997] {strides = array<i32>} : memref<16x768xf32, #tpu.memory_space<vmem>>, vector<16xf32>,
        tpu.vector_store %arg10[%swap3A_1996, %swap3A_1997], %mul3A_1995 {strides = array<i32>} : memref<16x768xf32, #tpu.memory_space<vmem>>, vector<16xf32>,
        %get3A_1999 = arith.index_cast %scan3A_1991 : i32 to index
        %get3A_2000 = arith.constant 16 : index
        %get3A_2001 = tpu.vector_load %arg8[%get3A_1999, %get3A_2000] {strides = array<i32>} : memref<16x768xf32, #tpu.memory_space<vmem>>, vector<16xf32>,
        %mul3A_2002 = arith.mulf %get3A_2001, %select_n3A_1092 : vector<16xf32>
        %swap3A_2003 = arith.index_cast %scan3A_1991 : i32 to index
        %swap3A_2004 = arith.constant 16 : index
        %swap3A_2005 = tpu.vector_load %arg10[%swap3A_2003, %swap3A_2004] {strides = array<i32>} : memref<16x768xf32, #tpu.memory_space<vmem>>, vector<16xf32>,
        tpu.vector_store %arg10[%swap3A_2003, %swap3A_2004], %mul3A_2002 {strides = array<i32>} : memref<16x768xf32, #tpu.memory_space<vmem>>, vector<16xf32>,
        %get3A_2006 = arith.index_cast %scan3A_1991 : i32 to index
        %get3A_2007 = arith.constant 32 : index
        %get3A_2008 = tpu.vector_load %arg8[%get3A_2006, %get3A_2007] {strides = array<i32>} : memref<16x768xf32, #tpu.memory_space<vmem>>, vector<16xf32>,
        %mul3A_2009 = arith.mulf %get3A_2008, %select_n3A_1111 : vector<16xf32>
        %swap3A_2010 = arith.index_cast %scan3A_1991 : i32 to index
        %swap3A_2011 = arith.constant 32 : index
        %swap3A_2012 = tpu.vector_load %arg10[%swap3A_2010, %swap3A_2011] {strides = array<i32>} : memref<16x768xf32, #tpu.memory_space<vmem>>, vector<16xf32>,
        tpu.vector_store %arg10[%swap3A_2010, %swap3A_2011], %mul3A_2009 {strides = array<i32>} : memref<16x768xf32, #tpu.memory_space<vmem>>, vector<16xf32>,
        %get3A_2013 = arith.index_cast %scan3A_1991 : i32 to index
        %get3A_2014 = arith.constant 48 : index
        %get3A_2015 = tpu.vector_load %arg8[%get3A_2013, %get3A_2014] {strides = array<i32>} : memref<16x768xf32, #tpu.memory_space<vmem>>, vector<16xf32>,
        %mul3A_2016 = arith.mulf %get3A_2015, %select_n3A_1130 : vector<16xf32>
        %swap3A_2017 = arith.index_cast %scan3A_1991 : i32 to index
        %swap3A_2018 = arith.constant 48 : index
        %swap3A_2019 = tpu.vector_load %arg10[%swap3A_2017, %swap3A_2018] {strides = array<i32>} : memref<16x768xf32, #tpu.memory_space<vmem>>, vector<16xf32>,
        tpu.vector_store %arg10[%swap3A_2017, %swap3A_2018], %mul3A_2016 {strides = array<i32>} : memref<16x768xf32, #tpu.memory_space<vmem>>, vector<16xf32>,
        %get3A_2020 = arith.index_cast %scan3A_1991 : i32 to index
        %get3A_2021 = arith.constant 64 : index
        %get3A_2022 = tpu.vector_load %arg8[%get3A_2020, %get3A_2021] {strides = array<i32>} : memref<16x768xf32, #tpu.memory_space<vmem>>, vector<16xf32>,
        %mul3A_2023 = arith.mulf %get3A_2022, %select_n3A_1149 : vector<16xf32>
        %swap3A_2024 = arith.index_cast %scan3A_1991 : i32 to index
        %swap3A_2025 = arith.constant 64 : index
        %swap3A_2026 = tpu.vector_load %arg10[%swap3A_2024, %swap3A_2025] {strides = array<i32>} : memref<16x768xf32, #tpu.memory_space<vmem>>, vector<16xf32>,
        tpu.vector_store %arg10[%swap3A_2024, %swap3A_2025], %mul3A_2023 {strides = array<i32>} : memref<16x768xf32, #tpu.memory_space<vmem>>, vector<16xf32>,
        %get3A_2027 = arith.index_cast %scan3A_1991 : i32 to index
        %get3A_2028 = arith.constant 80 : index
        %get3A_2029 = tpu.vector_load %arg8[%get3A_2027, %get3A_2028] {strides = array<i32>} : memref<16x768xf32, #tpu.memory_space<vmem>>, vector<16xf32>,
        %mul3A_2030 = arith.mulf %get3A_2029, %select_n3A_1168 : vector<16xf32>
        %swap3A_2031 = arith.index_cast %scan3A_1991 : i32 to index
        %swap3A_2032 = arith.constant 80 : index
        %swap3A_2033 = tpu.vector_load %arg10[%swap3A_2031, %swap3A_2032] {strides = array<i32>} : memref<16x768xf32, #tpu.memory_space<vmem>>, vector<16xf32>,
        tpu.vector_store %arg10[%swap3A_2031, %swap3A_2032], %mul3A_2030 {strides = array<i32>} : memref<16x768xf32, #tpu.memory_space<vmem>>, vector<16xf32>,
        %get3A_2034 = arith.index_cast %scan3A_1991 : i32 to index
        %get3A_2035 = arith.constant 96 : index
        %get3A_2036 = tpu.vector_load %arg8[%get3A_2034, %get3A_2035] {strides = array<i32>} : memref<16x768xf32, #tpu.memory_space<vmem>>, vector<16xf32>,
        %mul3A_2037 = arith.mulf %get3A_2036, %select_n3A_1187 : vector<16xf32>
        %swap3A_2038 = arith.index_cast %scan3A_1991 : i32 to index
        %swap3A_2039 = arith.constant 96 : index
        %swap3A_2040 = tpu.vector_load %arg10[%swap3A_2038, %swap3A_2039] {strides = array<i32>} : memref<16x768xf32, #tpu.memory_space<vmem>>, vector<16xf32>,
        tpu.vector_store %arg10[%swap3A_2038, %swap3A_2039], %mul3A_2037 {strides = array<i32>} : memref<16x768xf32, #tpu.memory_space<vmem>>, vector<16xf32>,
        %get3A_2041 = arith.index_cast %scan3A_1991 : i32 to index
        %get3A_2042 = arith.constant 112 : index
        %get3A_2043 = tpu.vector_load %arg8[%get3A_2041, %get3A_2042] {strides = array<i32>} : memref<16x768xf32, #tpu.memory_space<vmem>>, vector<16xf32>,
        %mul3A_2044 = arith.mulf %get3A_2043, %select_n3A_1206 : vector<16xf32>
        %swap3A_2045 = arith.index_cast %scan3A_1991 : i32 to index
        %swap3A_2046 = arith.constant 112 : index
        %swap3A_2047 = tpu.vector_load %arg10[%swap3A_2045, %swap3A_2046] {strides = array<i32>} : memref<16x768xf32, #tpu.memory_space<vmem>>, vector<16xf32>,
        tpu.vector_store %arg10[%swap3A_2045, %swap3A_2046], %mul3A_2044 {strides = array<i32>} : memref<16x768xf32, #tpu.memory_space<vmem>>, vector<16xf32>,
        %get3A_2048 = arith.index_cast %scan3A_1991 : i32 to index
        %get3A_2049 = arith.constant 128 : index
        %get3A_2050 = tpu.vector_load %arg8[%get3A_2048, %get3A_2049] {strides = array<i32>} : memref<16x768xf32, #tpu.memory_space<vmem>>, vector<16xf32>,
        %mul3A_2051 = arith.mulf %get3A_2050, %select_n3A_1225 : vector<16xf32>
        %swap3A_2052 = arith.index_cast %scan3A_1991 : i32 to index
        %swap3A_2053 = arith.constant 128 : index
        %swap3A_2054 = tpu.vector_load %arg10[%swap3A_2052, %swap3A_2053] {strides = array<i32>} : memref<16x768xf32, #tpu.memory_space<vmem>>, vector<16xf32>,
        tpu.vector_store %arg10[%swap3A_2052, %swap3A_2053], %mul3A_2051 {strides = array<i32>} : memref<16x768xf32, #tpu.memory_space<vmem>>, vector<16xf32>,
        %get3A_2055 = arith.index_cast %scan3A_1991 : i32 to index
        %get3A_2056 = arith.constant 144 : index
        %get3A_2057 = tpu.vector_load %arg8[%get3A_2055, %get3A_2056] {strides = array<i32>} : memref<16x768xf32, #tpu.memory_space<vmem>>, vector<16xf32>,
        %mul3A_2058 = arith.mulf %get3A_2057, %select_n3A_1244 : vector<16xf32>
        %swap3A_2059 = arith.index_cast %scan3A_1991 : i32 to index
        %swap3A_2060 = arith.constant 144 : index
        %swap3A_2061 = tpu.vector_load %arg10[%swap3A_2059, %swap3A_2060] {strides = array<i32>} : memref<16x768xf32, #tpu.memory_space<vmem>>, vector<16xf32>,
        tpu.vector_store %arg10[%swap3A_2059, %swap3A_2060], %mul3A_2058 {strides = array<i32>} : memref<16x768xf32, #tpu.memory_space<vmem>>, vector<16xf32>,
        %get3A_2062 = arith.index_cast %scan3A_1991 : i32 to index
        %get3A_2063 = arith.constant 160 : index
        %get3A_2064 = tpu.vector_load %arg8[%get3A_2062, %get3A_2063] {strides = array<i32>} : memref<16x768xf32, #tpu.memory_space<vmem>>, vector<16xf32>,
        %mul3A_2065 = arith.mulf %get3A_2064, %select_n3A_1263 : vector<16xf32>
        %swap3A_2066 = arith.index_cast %scan3A_1991 : i32 to index
        %swap3A_2067 = arith.constant 160 : index
        %swap3A_2068 = tpu.vector_load %arg10[%swap3A_2066, %swap3A_2067] {strides = array<i32>} : memref<16x768xf32, #tpu.memory_space<vmem>>, vector<16xf32>,
        tpu.vector_store %arg10[%swap3A_2066, %swap3A_2067], %mul3A_2065 {strides = array<i32>} : memref<16x768xf32, #tpu.memory_space<vmem>>, vector<16xf32>,
        %get3A_2069 = arith.index_cast %scan3A_1991 : i32 to index
        %get3A_2070 = arith.constant 176 : index
        %get3A_2071 = tpu.vector_load %arg8[%get3A_2069, %get3A_2070] {strides = array<i32>} : memref<16x768xf32, #tpu.memory_space<vmem>>, vector<16xf32>,
        %mul3A_2072 = arith.mulf %get3A_2071, %select_n3A_1282 : vector<16xf32>
        %swap3A_2073 = arith.index_cast %scan3A_1991 : i32 to index
        %swap3A_2074 = arith.constant 176 : index
        %swap3A_2075 = tpu.vector_load %arg10[%swap3A_2073, %swap3A_2074] {strides = array<i32>} : memref<16x768xf32, #tpu.memory_space<vmem>>, vector<16xf32>,
        tpu.vector_store %arg10[%swap3A_2073, %swap3A_2074], %mul3A_2072 {strides = array<i32>} : memref<16x768xf32, #tpu.memory_space<vmem>>, vector<16xf32>,
        %get3A_2076 = arith.index_cast %scan3A_1991 : i32 to index
        %get3A_2077 = arith.constant 192 : index
        %get3A_2078 = tpu.vector_load %arg8[%get3A_2076, %get3A_2077] {strides = array<i32>} : memref<16x768xf32, #tpu.memory_space<vmem>>, vector<16xf32>,
        %mul3A_2079 = arith.mulf %get3A_2078, %select_n3A_1301 : vector<16xf32>
        %swap3A_2080 = arith.index_cast %scan3A_1991 : i32 to index
        %swap3A_2081 = arith.constant 192 : index
        %swap3A_2082 = tpu.vector_load %arg10[%swap3A_2080, %swap3A_2081] {strides = array<i32>} : memref<16x768xf32, #tpu.memory_space<vmem>>, vector<16xf32>,
        tpu.vector_store %arg10[%swap3A_2080, %swap3A_2081], %mul3A_2079 {strides = array<i32>} : memref<16x768xf32, #tpu.memory_space<vmem>>, vector<16xf32>,
        %get3A_2083 = arith.index_cast %scan3A_1991 : i32 to index
        %get3A_2084 = arith.constant 208 : index
        %get3A_2085 = tpu.vector_load %arg8[%get3A_2083, %get3A_2084] {strides = array<i32>} : memref<16x768xf32, #tpu.memory_space<vmem>>, vector<16xf32>,
        %mul3A_2086 = arith.mulf %get3A_2085, %select_n3A_1320 : vector<16xf32>
        %swap3A_2087 = arith.index_cast %scan3A_1991 : i32 to index
        %swap3A_2088 = arith.constant 208 : index
        %swap3A_2089 = tpu.vector_load %arg10[%swap3A_2087, %swap3A_2088] {strides = array<i32>} : memref<16x768xf32, #tpu.memory_space<vmem>>, vector<16xf32>,
        tpu.vector_store %arg10[%swap3A_2087, %swap3A_2088], %mul3A_2086 {strides = array<i32>} : memref<16x768xf32, #tpu.memory_space<vmem>>, vector<16xf32>,
        %get3A_2090 = arith.index_cast %scan3A_1991 : i32 to index
        %get3A_2091 = arith.constant 224 : index
        %get3A_2092 = tpu.vector_load %arg8[%get3A_2090, %get3A_2091] {strides = array<i32>} : memref<16x768xf32, #tpu.memory_space<vmem>>, vector<16xf32>,
        %mul3A_2093 = arith.mulf %get3A_2092, %select_n3A_1339 : vector<16xf32>
        %swap3A_2094 = arith.index_cast %scan3A_1991 : i32 to index
        %swap3A_2095 = arith.constant 224 : index
        %swap3A_2096 = tpu.vector_load %arg10[%swap3A_2094, %swap3A_2095] {strides = array<i32>} : memref<16x768xf32, #tpu.memory_space<vmem>>, vector<16xf32>,
        tpu.vector_store %arg10[%swap3A_2094, %swap3A_2095], %mul3A_2093 {strides = array<i32>} : memref<16x768xf32, #tpu.memory_space<vmem>>, vector<16xf32>,
        %get3A_2097 = arith.index_cast %scan3A_1991 : i32 to index
        %get3A_2098 = arith.constant 240 : index
        %get3A_2099 = tpu.vector_load %arg8[%get3A_2097, %get3A_2098] {strides = array<i32>} : memref<16x768xf32, #tpu.memory_space<vmem>>, vector<16xf32>,
        %mul3A_2100 = arith.mulf %get3A_2099, %select_n3A_1358 : vector<16xf32>
        %swap3A_2101 = arith.index_cast %scan3A_1991 : i32 to index
        %swap3A_2102 = arith.constant 240 : index
        %swap3A_2103 = tpu.vector_load %arg10[%swap3A_2101, %swap3A_2102] {strides = array<i32>} : memref<16x768xf32, #tpu.memory_space<vmem>>, vector<16xf32>,
        tpu.vector_store %arg10[%swap3A_2101, %swap3A_2102], %mul3A_2100 {strides = array<i32>} : memref<16x768xf32, #tpu.memory_space<vmem>>, vector<16xf32>,
        %get3A_2104 = arith.index_cast %scan3A_1991 : i32 to index
        %get3A_2105 = arith.constant 256 : index
        %get3A_2106 = tpu.vector_load %arg8[%get3A_2104, %get3A_2105] {strides = array<i32>} : memref<16x768xf32, #tpu.memory_space<vmem>>, vector<16xf32>,
        %mul3A_2107 = arith.mulf %get3A_2106, %select_n3A_1377 : vector<16xf32>
        %swap3A_2108 = arith.index_cast %scan3A_1991 : i32 to index
        %swap3A_2109 = arith.constant 256 : index
        %swap3A_2110 = tpu.vector_load %arg10[%swap3A_2108, %swap3A_2109] {strides = array<i32>} : memref<16x768xf32, #tpu.memory_space<vmem>>, vector<16xf32>,
        tpu.vector_store %arg10[%swap3A_2108, %swap3A_2109], %mul3A_2107 {strides = array<i32>} : memref<16x768xf32, #tpu.memory_space<vmem>>, vector<16xf32>,
        %get3A_2111 = arith.index_cast %scan3A_1991 : i32 to index
        %get3A_2112 = arith.constant 272 : index
        %get3A_2113 = tpu.vector_load %arg8[%get3A_2111, %get3A_2112] {strides = array<i32>} : memref<16x768xf32, #tpu.memory_space<vmem>>, vector<16xf32>,
        %mul3A_2114 = arith.mulf %get3A_2113, %select_n3A_1396 : vector<16xf32>
        %swap3A_2115 = arith.index_cast %scan3A_1991 : i32 to index
        %swap3A_2116 = arith.constant 272 : index
        %swap3A_2117 = tpu.vector_load %arg10[%swap3A_2115, %swap3A_2116] {strides = array<i32>} : memref<16x768xf32, #tpu.memory_space<vmem>>, vector<16xf32>,
        tpu.vector_store %arg10[%swap3A_2115, %swap3A_2116], %mul3A_2114 {strides = array<i32>} : memref<16x768xf32, #tpu.memory_space<vmem>>, vector<16xf32>,
        %get3A_2118 = arith.index_cast %scan3A_1991 : i32 to index
        %get3A_2119 = arith.constant 288 : index
        %get3A_2120 = tpu.vector_load %arg8[%get3A_2118, %get3A_2119] {strides = array<i32>} : memref<16x768xf32, #tpu.memory_space<vmem>>, vector<16xf32>,
        %mul3A_2121 = arith.mulf %get3A_2120, %select_n3A_1415 : vector<16xf32>
        %swap3A_2122 = arith.index_cast %scan3A_1991 : i32 to index
        %swap3A_2123 = arith.constant 288 : index
        %swap3A_2124 = tpu.vector_load %arg10[%swap3A_2122, %swap3A_2123] {strides = array<i32>} : memref<16x768xf32, #tpu.memory_space<vmem>>, vector<16xf32>,
        tpu.vector_store %arg10[%swap3A_2122, %swap3A_2123], %mul3A_2121 {strides = array<i32>} : memref<16x768xf32, #tpu.memory_space<vmem>>, vector<16xf32>,
        %get3A_2125 = arith.index_cast %scan3A_1991 : i32 to index
        %get3A_2126 = arith.constant 304 : index
        %get3A_2127 = tpu.vector_load %arg8[%get3A_2125, %get3A_2126] {strides = array<i32>} : memref<16x768xf32, #tpu.memory_space<vmem>>, vector<16xf32>,
        %mul3A_2128 = arith.mulf %get3A_2127, %select_n3A_1434 : vector<16xf32>
        %swap3A_2129 = arith.index_cast %scan3A_1991 : i32 to index
        %swap3A_2130 = arith.constant 304 : index
        %swap3A_2131 = tpu.vector_load %arg10[%swap3A_2129, %swap3A_2130] {strides = array<i32>} : memref<16x768xf32, #tpu.memory_space<vmem>>, vector<16xf32>,
        tpu.vector_store %arg10[%swap3A_2129, %swap3A_2130], %mul3A_2128 {strides = array<i32>} : memref<16x768xf32, #tpu.memory_space<vmem>>, vector<16xf32>,
        %get3A_2132 = arith.index_cast %scan3A_1991 : i32 to index
        %get3A_2133 = arith.constant 320 : index
        %get3A_2134 = tpu.vector_load %arg8[%get3A_2132, %get3A_2133] {strides = array<i32>} : memref<16x768xf32, #tpu.memory_space<vmem>>, vector<16xf32>,
        %mul3A_2135 = arith.mulf %get3A_2134, %select_n3A_1453 : vector<16xf32>
        %swap3A_2136 = arith.index_cast %scan3A_1991 : i32 to index
        %swap3A_2137 = arith.constant 320 : index
        %swap3A_2138 = tpu.vector_load %arg10[%swap3A_2136, %swap3A_2137] {strides = array<i32>} : memref<16x768xf32, #tpu.memory_space<vmem>>, vector<16xf32>,
        tpu.vector_store %arg10[%swap3A_2136, %swap3A_2137], %mul3A_2135 {strides = array<i32>} : memref<16x768xf32, #tpu.memory_space<vmem>>, vector<16xf32>,
        %get3A_2139 = arith.index_cast %scan3A_1991 : i32 to index
        %get3A_2140 = arith.constant 336 : index
        %get3A_2141 = tpu.vector_load %arg8[%get3A_2139, %get3A_2140] {strides = array<i32>} : memref<16x768xf32, #tpu.memory_space<vmem>>, vector<16xf32>,
        %mul3A_2142 = arith.mulf %get3A_2141, %select_n3A_1472 : vector<16xf32>
        %swap3A_2143 = arith.index_cast %scan3A_1991 : i32 to index
        %swap3A_2144 = arith.constant 336 : index
        %swap3A_2145 = tpu.vector_load %arg10[%swap3A_2143, %swap3A_2144] {strides = array<i32>} : memref<16x768xf32, #tpu.memory_space<vmem>>, vector<16xf32>,
        tpu.vector_store %arg10[%swap3A_2143, %swap3A_2144], %mul3A_2142 {strides = array<i32>} : memref<16x768xf32, #tpu.memory_space<vmem>>, vector<16xf32>,
        %get3A_2146 = arith.index_cast %scan3A_1991 : i32 to index
        %get3A_2147 = arith.constant 352 : index
        %get3A_2148 = tpu.vector_load %arg8[%get3A_2146, %get3A_2147] {strides = array<i32>} : memref<16x768xf32, #tpu.memory_space<vmem>>, vector<16xf32>,
        %mul3A_2149 = arith.mulf %get3A_2148, %select_n3A_1491 : vector<16xf32>
        %swap3A_2150 = arith.index_cast %scan3A_1991 : i32 to index
        %swap3A_2151 = arith.constant 352 : index
        %swap3A_2152 = tpu.vector_load %arg10[%swap3A_2150, %swap3A_2151] {strides = array<i32>} : memref<16x768xf32, #tpu.memory_space<vmem>>, vector<16xf32>,
        tpu.vector_store %arg10[%swap3A_2150, %swap3A_2151], %mul3A_2149 {strides = array<i32>} : memref<16x768xf32, #tpu.memory_space<vmem>>, vector<16xf32>,
        %get3A_2153 = arith.index_cast %scan3A_1991 : i32 to index
        %get3A_2154 = arith.constant 368 : index
        %get3A_2155 = tpu.vector_load %arg8[%get3A_2153, %get3A_2154] {strides = array<i32>} : memref<16x768xf32, #tpu.memory_space<vmem>>, vector<16xf32>,
        %mul3A_2156 = arith.mulf %get3A_2155, %select_n3A_1510 : vector<16xf32>
        %swap3A_2157 = arith.index_cast %scan3A_1991 : i32 to index
        %swap3A_2158 = arith.constant 368 : index
        %swap3A_2159 = tpu.vector_load %arg10[%swap3A_2157, %swap3A_2158] {strides = array<i32>} : memref<16x768xf32, #tpu.memory_space<vmem>>, vector<16xf32>,
        tpu.vector_store %arg10[%swap3A_2157, %swap3A_2158], %mul3A_2156 {strides = array<i32>} : memref<16x768xf32, #tpu.memory_space<vmem>>, vector<16xf32>,
      }
      %scan3A_1515 = arith.constant 16 : i32
      %mul3A_1516 = arith.constant 48 : i32
      %mul3A_1517 = arith.muli %div3A_1054, %mul3A_1516 : i32
      %add3A_1518 = arith.constant 24 : i32
      %add3A_1519 = arith.addi %mul3A_1517, %add3A_1518 : i32
      %add3A_1520 = arith.constant 0 : i32
      %add3A_1521 = arith.addi %add3A_1519, %add3A_1520 : i32
      %get3A_1522 = arith.index_cast %add3A_1521 : i32 to index
      %get3A_1523 = arith.constant 0 : index
      %get3A_1524 = tpu.vector_load %arg13[%get3A_1522, %get3A_1523] {strides = array<i32>} : memref<192x16xf32, #tpu.memory_space<vmem>>, vector<16xf32>,
      %get3A_1525 = arith.constant 64 : i32
      %get3A_1526 = arith.index_cast %get3A_1525 : i32 to index
      %get3A_1527 = arith.constant 0 : index
      %get3A_1528 = tpu.vector_load %arg12[%get3A_1526, %get3A_1527] {strides = array<i32>} : memref<128x16xf32, #tpu.memory_space<vmem>>, vector<16xf32>,
      %ge3A_1529 = arith.cmpf oge, %get3A_1524, %get3A_1528 : vector<16xf32>
      %jit3A_1530 = arith.constant 1.000000e+00 : f32
      %jit3A_1531 = arith.constant 0.000000e+00 : f32
      %broadcast_in_dim3A_1532 = vector.broadcast %jit3A_1530 : f32 to vector<16xf32>
      %broadcast_in_dim3A_1533 = vector.broadcast %jit3A_1531 : f32 to vector<16xf32>
      %select_n3A_1534 = arith.select %ge3A_1529, %broadcast_in_dim3A_1532, %broadcast_in_dim3A_1533 : vector<16xi1>, vector<16xf32>
      %mul3A_1535 = arith.constant 48 : i32
      %mul3A_1536 = arith.muli %div3A_1054, %mul3A_1535 : i32
      %add3A_1537 = arith.constant 24 : i32
      %add3A_1538 = arith.addi %mul3A_1536, %add3A_1537 : i32
      %add3A_1539 = arith.constant 1 : i32
      %add3A_1540 = arith.addi %add3A_1538, %add3A_1539 : i32
      %get3A_1541 = arith.index_cast %add3A_1540 : i32 to index
      %get3A_1542 = arith.constant 0 : index
      %get3A_1543 = tpu.vector_load %arg13[%get3A_1541, %get3A_1542] {strides = array<i32>} : memref<192x16xf32, #tpu.memory_space<vmem>>, vector<16xf32>,
      %get3A_1544 = arith.constant 65 : i32
      %get3A_1545 = arith.index_cast %get3A_1544 : i32 to index
      %get3A_1546 = arith.constant 0 : index
      %get3A_1547 = tpu.vector_load %arg12[%get3A_1545, %get3A_1546] {strides = array<i32>} : memref<128x16xf32, #tpu.memory_space<vmem>>, vector<16xf32>,
      %ge3A_1548 = arith.cmpf oge, %get3A_1543, %get3A_1547 : vector<16xf32>
      %jit3A_1549 = arith.constant 1.000000e+00 : f32
      %jit3A_1550 = arith.constant 0.000000e+00 : f32
      %broadcast_in_dim3A_1551 = vector.broadcast %jit3A_1549 : f32 to vector<16xf32>
      %broadcast_in_dim3A_1552 = vector.broadcast %jit3A_1550 : f32 to vector<16xf32>
      %select_n3A_1553 = arith.select %ge3A_1548, %broadcast_in_dim3A_1551, %broadcast_in_dim3A_1552 : vector<16xi1>, vector<16xf32>
      %mul3A_1554 = arith.constant 48 : i32
      %mul3A_1555 = arith.muli %div3A_1054, %mul3A_1554 : i32
      %add3A_1556 = arith.constant 24 : i32
      %add3A_1557 = arith.addi %mul3A_1555, %add3A_1556 : i32
      %add3A_1558 = arith.constant 2 : i32
      %add3A_1559 = arith.addi %add3A_1557, %add3A_1558 : i32
      %get3A_1560 = arith.index_cast %add3A_1559 : i32 to index
      %get3A_1561 = arith.constant 0 : index
      %get3A_1562 = tpu.vector_load %arg13[%get3A_1560, %get3A_1561] {strides = array<i32>} : memref<192x16xf32, #tpu.memory_space<vmem>>, vector<16xf32>,
      %get3A_1563 = arith.constant 66 : i32
      %get3A_1564 = arith.index_cast %get3A_1563 : i32 to index
      %get3A_1565 = arith.constant 0 : index
      %get3A_1566 = tpu.vector_load %arg12[%get3A_1564, %get3A_1565] {strides = array<i32>} : memref<128x16xf32, #tpu.memory_space<vmem>>, vector<16xf32>,
      %ge3A_1567 = arith.cmpf oge, %get3A_1562, %get3A_1566 : vector<16xf32>
      %jit3A_1568 = arith.constant 1.000000e+00 : f32
      %jit3A_1569 = arith.constant 0.000000e+00 : f32
      %broadcast_in_dim3A_1570 = vector.broadcast %jit3A_1568 : f32 to vector<16xf32>
      %broadcast_in_dim3A_1571 = vector.broadcast %jit3A_1569 : f32 to vector<16xf32>
      %select_n3A_1572 = arith.select %ge3A_1567, %broadcast_in_dim3A_1570, %broadcast_in_dim3A_1571 : vector<16xi1>, vector<16xf32>
      %mul3A_1573 = arith.constant 48 : i32
      %mul3A_1574 = arith.muli %div3A_1054, %mul3A_1573 : i32
      %add3A_1575 = arith.constant 24 : i32
      %add3A_1576 = arith.addi %mul3A_1574, %add3A_1575 : i32
      %add3A_1577 = arith.constant 3 : i32
      %add3A_1578 = arith.addi %add3A_1576, %add3A_1577 : i32
      %get3A_1579 = arith.index_cast %add3A_1578 : i32 to index
      %get3A_1580 = arith.constant 0 : index
      %get3A_1581 = tpu.vector_load %arg13[%get3A_1579, %get3A_1580] {strides = array<i32>} : memref<192x16xf32, #tpu.memory_space<vmem>>, vector<16xf32>,
      %get3A_1582 = arith.constant 72 : i32
      %get3A_1583 = arith.index_cast %get3A_1582 : i32 to index
      %get3A_1584 = arith.constant 0 : index
      %get3A_1585 = tpu.vector_load %arg12[%get3A_1583, %get3A_1584] {strides = array<i32>} : memref<128x16xf32, #tpu.memory_space<vmem>>, vector<16xf32>,
      %ge3A_1586 = arith.cmpf oge, %get3A_1581, %get3A_1585 : vector<16xf32>
      %jit3A_1587 = arith.constant 1.000000e+00 : f32
      %jit3A_1588 = arith.constant 0.000000e+00 : f32
      %broadcast_in_dim3A_1589 = vector.broadcast %jit3A_1587 : f32 to vector<16xf32>
      %broadcast_in_dim3A_1590 = vector.broadcast %jit3A_1588 : f32 to vector<16xf32>
      %select_n3A_1591 = arith.select %ge3A_1586, %broadcast_in_dim3A_1589, %broadcast_in_dim3A_1590 : vector<16xi1>, vector<16xf32>
      %mul3A_1592 = arith.constant 48 : i32
      %mul3A_1593 = arith.muli %div3A_1054, %mul3A_1592 : i32
      %add3A_1594 = arith.constant 24 : i32
      %add3A_1595 = arith.addi %mul3A_1593, %add3A_1594 : i32
      %add3A_1596 = arith.constant 4 : i32
      %add3A_1597 = arith.addi %add3A_1595, %add3A_1596 : i32
      %get3A_1598 = arith.index_cast %add3A_1597 : i32 to index
      %get3A_1599 = arith.constant 0 : index
      %get3A_1600 = tpu.vector_load %arg13[%get3A_1598, %get3A_1599] {strides = array<i32>} : memref<192x16xf32, #tpu.memory_space<vmem>>, vector<16xf32>,
      %get3A_1601 = arith.constant 73 : i32
      %get3A_1602 = arith.index_cast %get3A_1601 : i32 to index
      %get3A_1603 = arith.constant 0 : index
      %get3A_1604 = tpu.vector_load %arg12[%get3A_1602, %get3A_1603] {strides = array<i32>} : memref<128x16xf32, #tpu.memory_space<vmem>>, vector<16xf32>,
      %ge3A_1605 = arith.cmpf oge, %get3A_1600, %get3A_1604 : vector<16xf32>
      %jit3A_1606 = arith.constant 1.000000e+00 : f32
      %jit3A_1607 = arith.constant 0.000000e+00 : f32
      %broadcast_in_dim3A_1608 = vector.broadcast %jit3A_1606 : f32 to vector<16xf32>
      %broadcast_in_dim3A_1609 = vector.broadcast %jit3A_1607 : f32 to vector<16xf32>
      %select_n3A_1610 = arith.select %ge3A_1605, %broadcast_in_dim3A_1608, %broadcast_in_dim3A_1609 : vector<16xi1>, vector<16xf32>
      %mul3A_1611 = arith.constant 48 : i32
      %mul3A_1612 = arith.muli %div3A_1054, %mul3A_1611 : i32
      %add3A_1613 = arith.constant 24 : i32
      %add3A_1614 = arith.addi %mul3A_1612, %add3A_1613 : i32
      %add3A_1615 = arith.constant 5 : i32
      %add3A_1616 = arith.addi %add3A_1614, %add3A_1615 : i32
      %get3A_1617 = arith.index_cast %add3A_1616 : i32 to index
      %get3A_1618 = arith.constant 0 : index
      %get3A_1619 = tpu.vector_load %arg13[%get3A_1617, %get3A_1618] {strides = array<i32>} : memref<192x16xf32, #tpu.memory_space<vmem>>, vector<16xf32>,
      %get3A_1620 = arith.constant 74 : i32
      %get3A_1621 = arith.index_cast %get3A_1620 : i32 to index
      %get3A_1622 = arith.constant 0 : index
      %get3A_1623 = tpu.vector_load %arg12[%get3A_1621, %get3A_1622] {strides = array<i32>} : memref<128x16xf32, #tpu.memory_space<vmem>>, vector<16xf32>,
      %ge3A_1624 = arith.cmpf oge, %get3A_1619, %get3A_1623 : vector<16xf32>
      %jit3A_1625 = arith.constant 1.000000e+00 : f32
      %jit3A_1626 = arith.constant 0.000000e+00 : f32
      %broadcast_in_dim3A_1627 = vector.broadcast %jit3A_1625 : f32 to vector<16xf32>
      %broadcast_in_dim3A_1628 = vector.broadcast %jit3A_1626 : f32 to vector<16xf32>
      %select_n3A_1629 = arith.select %ge3A_1624, %broadcast_in_dim3A_1627, %broadcast_in_dim3A_1628 : vector<16xi1>, vector<16xf32>
      %mul3A_1630 = arith.constant 48 : i32
      %mul3A_1631 = arith.muli %div3A_1054, %mul3A_1630 : i32
      %add3A_1632 = arith.constant 24 : i32
      %add3A_1633 = arith.addi %mul3A_1631, %add3A_1632 : i32
      %add3A_1634 = arith.constant 6 : i32
      %add3A_1635 = arith.addi %add3A_1633, %add3A_1634 : i32
      %get3A_1636 = arith.index_cast %add3A_1635 : i32 to index
      %get3A_1637 = arith.constant 0 : index
      %get3A_1638 = tpu.vector_load %arg13[%get3A_1636, %get3A_1637] {strides = array<i32>} : memref<192x16xf32, #tpu.memory_space<vmem>>, vector<16xf32>,
      %get3A_1639 = arith.constant 80 : i32
      %get3A_1640 = arith.index_cast %get3A_1639 : i32 to index
      %get3A_1641 = arith.constant 0 : index
      %get3A_1642 = tpu.vector_load %arg12[%get3A_1640, %get3A_1641] {strides = array<i32>} : memref<128x16xf32, #tpu.memory_space<vmem>>, vector<16xf32>,
      %ge3A_1643 = arith.cmpf oge, %get3A_1638, %get3A_1642 : vector<16xf32>
      %jit3A_1644 = arith.constant 1.000000e+00 : f32
      %jit3A_1645 = arith.constant 0.000000e+00 : f32
      %broadcast_in_dim3A_1646 = vector.broadcast %jit3A_1644 : f32 to vector<16xf32>
      %broadcast_in_dim3A_1647 = vector.broadcast %jit3A_1645 : f32 to vector<16xf32>
      %select_n3A_1648 = arith.select %ge3A_1643, %broadcast_in_dim3A_1646, %broadcast_in_dim3A_1647 : vector<16xi1>, vector<16xf32>
      %mul3A_1649 = arith.constant 48 : i32
      %mul3A_1650 = arith.muli %div3A_1054, %mul3A_1649 : i32
      %add3A_1651 = arith.constant 24 : i32
      %add3A_1652 = arith.addi %mul3A_1650, %add3A_1651 : i32
      %add3A_1653 = arith.constant 7 : i32
      %add3A_1654 = arith.addi %add3A_1652, %add3A_1653 : i32
      %get3A_1655 = arith.index_cast %add3A_1654 : i32 to index
      %get3A_1656 = arith.constant 0 : index
      %get3A_1657 = tpu.vector_load %arg13[%get3A_1655, %get3A_1656] {strides = array<i32>} : memref<192x16xf32, #tpu.memory_space<vmem>>, vector<16xf32>,
      %get3A_1658 = arith.constant 81 : i32
      %get3A_1659 = arith.index_cast %get3A_1658 : i32 to index
      %get3A_1660 = arith.constant 0 : index
      %get3A_1661 = tpu.vector_load %arg12[%get3A_1659, %get3A_1660] {strides = array<i32>} : memref<128x16xf32, #tpu.memory_space<vmem>>, vector<16xf32>,
      %ge3A_1662 = arith.cmpf oge, %get3A_1657, %get3A_1661 : vector<16xf32>
      %jit3A_1663 = arith.constant 1.000000e+00 : f32
      %jit3A_1664 = arith.constant 0.000000e+00 : f32
      %broadcast_in_dim3A_1665 = vector.broadcast %jit3A_1663 : f32 to vector<16xf32>
      %broadcast_in_dim3A_1666 = vector.broadcast %jit3A_1664 : f32 to vector<16xf32>
      %select_n3A_1667 = arith.select %ge3A_1662, %broadcast_in_dim3A_1665, %broadcast_in_dim3A_1666 : vector<16xi1>, vector<16xf32>
      %mul3A_1668 = arith.constant 48 : i32
      %mul3A_1669 = arith.muli %div3A_1054, %mul3A_1668 : i32
      %add3A_1670 = arith.constant 24 : i32
      %add3A_1671 = arith.addi %mul3A_1669, %add3A_1670 : i32
      %add3A_1672 = arith.constant 8 : i32
      %add3A_1673 = arith.addi %add3A_1671, %add3A_1672 : i32
      %get3A_1674 = arith.index_cast %add3A_1673 : i32 to index
      %get3A_1675 = arith.constant 0 : index
      %get3A_1676 = tpu.vector_load %arg13[%get3A_1674, %get3A_1675] {strides = array<i32>} : memref<192x16xf32, #tpu.memory_space<vmem>>, vector<16xf32>,
      %get3A_1677 = arith.constant 82 : i32
      %get3A_1678 = arith.index_cast %get3A_1677 : i32 to index
      %get3A_1679 = arith.constant 0 : index
      %get3A_1680 = tpu.vector_load %arg12[%get3A_1678, %get3A_1679] {strides = array<i32>} : memref<128x16xf32, #tpu.memory_space<vmem>>, vector<16xf32>,
      %ge3A_1681 = arith.cmpf oge, %get3A_1676, %get3A_1680 : vector<16xf32>
      %jit3A_1682 = arith.constant 1.000000e+00 : f32
      %jit3A_1683 = arith.constant 0.000000e+00 : f32
      %broadcast_in_dim3A_1684 = vector.broadcast %jit3A_1682 : f32 to vector<16xf32>
      %broadcast_in_dim3A_1685 = vector.broadcast %jit3A_1683 : f32 to vector<16xf32>
      %select_n3A_1686 = arith.select %ge3A_1681, %broadcast_in_dim3A_1684, %broadcast_in_dim3A_1685 : vector<16xi1>, vector<16xf32>
      %mul3A_1687 = arith.constant 48 : i32
      %mul3A_1688 = arith.muli %div3A_1054, %mul3A_1687 : i32
      %add3A_1689 = arith.constant 24 : i32
      %add3A_1690 = arith.addi %mul3A_1688, %add3A_1689 : i32
      %add3A_1691 = arith.constant 9 : i32
      %add3A_1692 = arith.addi %add3A_1690, %add3A_1691 : i32
      %get3A_1693 = arith.index_cast %add3A_1692 : i32 to index
      %get3A_1694 = arith.constant 0 : index
      %get3A_1695 = tpu.vector_load %arg13[%get3A_1693, %get3A_1694] {strides = array<i32>} : memref<192x16xf32, #tpu.memory_space<vmem>>, vector<16xf32>,
      %get3A_1696 = arith.constant 88 : i32
      %get3A_1697 = arith.index_cast %get3A_1696 : i32 to index
      %get3A_1698 = arith.constant 0 : index
      %get3A_1699 = tpu.vector_load %arg12[%get3A_1697, %get3A_1698] {strides = array<i32>} : memref<128x16xf32, #tpu.memory_space<vmem>>, vector<16xf32>,
      %ge3A_1700 = arith.cmpf oge, %get3A_1695, %get3A_1699 : vector<16xf32>
      %jit3A_1701 = arith.constant 1.000000e+00 : f32
      %jit3A_1702 = arith.constant 0.000000e+00 : f32
      %broadcast_in_dim3A_1703 = vector.broadcast %jit3A_1701 : f32 to vector<16xf32>
      %broadcast_in_dim3A_1704 = vector.broadcast %jit3A_1702 : f32 to vector<16xf32>
      %select_n3A_1705 = arith.select %ge3A_1700, %broadcast_in_dim3A_1703, %broadcast_in_dim3A_1704 : vector<16xi1>, vector<16xf32>
      %mul3A_1706 = arith.constant 48 : i32
      %mul3A_1707 = arith.muli %div3A_1054, %mul3A_1706 : i32
      %add3A_1708 = arith.constant 24 : i32
      %add3A_1709 = arith.addi %mul3A_1707, %add3A_1708 : i32
      %add3A_1710 = arith.constant 10 : i32
      %add3A_1711 = arith.addi %add3A_1709, %add3A_1710 : i32
      %get3A_1712 = arith.index_cast %add3A_1711 : i32 to index
      %get3A_1713 = arith.constant 0 : index
      %get3A_1714 = tpu.vector_load %arg13[%get3A_1712, %get3A_1713] {strides = array<i32>} : memref<192x16xf32, #tpu.memory_space<vmem>>, vector<16xf32>,
      %get3A_1715 = arith.constant 89 : i32
      %get3A_1716 = arith.index_cast %get3A_1715 : i32 to index
      %get3A_1717 = arith.constant 0 : index
      %get3A_1718 = tpu.vector_load %arg12[%get3A_1716, %get3A_1717] {strides = array<i32>} : memref<128x16xf32, #tpu.memory_space<vmem>>, vector<16xf32>,
      %ge3A_1719 = arith.cmpf oge, %get3A_1714, %get3A_1718 : vector<16xf32>
      %jit3A_1720 = arith.constant 1.000000e+00 : f32
      %jit3A_1721 = arith.constant 0.000000e+00 : f32
      %broadcast_in_dim3A_1722 = vector.broadcast %jit3A_1720 : f32 to vector<16xf32>
      %broadcast_in_dim3A_1723 = vector.broadcast %jit3A_1721 : f32 to vector<16xf32>
      %select_n3A_1724 = arith.select %ge3A_1719, %broadcast_in_dim3A_1722, %broadcast_in_dim3A_1723 : vector<16xi1>, vector<16xf32>
      %mul3A_1725 = arith.constant 48 : i32
      %mul3A_1726 = arith.muli %div3A_1054, %mul3A_1725 : i32
      %add3A_1727 = arith.constant 24 : i32
      %add3A_1728 = arith.addi %mul3A_1726, %add3A_1727 : i32
      %add3A_1729 = arith.constant 11 : i32
      %add3A_1730 = arith.addi %add3A_1728, %add3A_1729 : i32
      %get3A_1731 = arith.index_cast %add3A_1730 : i32 to index
      %get3A_1732 = arith.constant 0 : index
      %get3A_1733 = tpu.vector_load %arg13[%get3A_1731, %get3A_1732] {strides = array<i32>} : memref<192x16xf32, #tpu.memory_space<vmem>>, vector<16xf32>,
      %get3A_1734 = arith.constant 90 : i32
      %get3A_1735 = arith.index_cast %get3A_1734 : i32 to index
      %get3A_1736 = arith.constant 0 : index
      %get3A_1737 = tpu.vector_load %arg12[%get3A_1735, %get3A_1736] {strides = array<i32>} : memref<128x16xf32, #tpu.memory_space<vmem>>, vector<16xf32>,
      %ge3A_1738 = arith.cmpf oge, %get3A_1733, %get3A_1737 : vector<16xf32>
      %jit3A_1739 = arith.constant 1.000000e+00 : f32
      %jit3A_1740 = arith.constant 0.000000e+00 : f32
      %broadcast_in_dim3A_1741 = vector.broadcast %jit3A_1739 : f32 to vector<16xf32>
      %broadcast_in_dim3A_1742 = vector.broadcast %jit3A_1740 : f32 to vector<16xf32>
      %select_n3A_1743 = arith.select %ge3A_1738, %broadcast_in_dim3A_1741, %broadcast_in_dim3A_1742 : vector<16xi1>, vector<16xf32>
      %mul3A_1744 = arith.constant 48 : i32
      %mul3A_1745 = arith.muli %div3A_1054, %mul3A_1744 : i32
      %add3A_1746 = arith.constant 24 : i32
      %add3A_1747 = arith.addi %mul3A_1745, %add3A_1746 : i32
      %add3A_1748 = arith.constant 12 : i32
      %add3A_1749 = arith.addi %add3A_1747, %add3A_1748 : i32
      %get3A_1750 = arith.index_cast %add3A_1749 : i32 to index
      %get3A_1751 = arith.constant 0 : index
      %get3A_1752 = tpu.vector_load %arg13[%get3A_1750, %get3A_1751] {strides = array<i32>} : memref<192x16xf32, #tpu.memory_space<vmem>>, vector<16xf32>,
      %get3A_1753 = arith.constant 96 : i32
      %get3A_1754 = arith.index_cast %get3A_1753 : i32 to index
      %get3A_1755 = arith.constant 0 : index
      %get3A_1756 = tpu.vector_load %arg12[%get3A_1754, %get3A_1755] {strides = array<i32>} : memref<128x16xf32, #tpu.memory_space<vmem>>, vector<16xf32>,
      %ge3A_1757 = arith.cmpf oge, %get3A_1752, %get3A_1756 : vector<16xf32>
      %jit3A_1758 = arith.constant 1.000000e+00 : f32
      %jit3A_1759 = arith.constant 0.000000e+00 : f32
      %broadcast_in_dim3A_1760 = vector.broadcast %jit3A_1758 : f32 to vector<16xf32>
      %broadcast_in_dim3A_1761 = vector.broadcast %jit3A_1759 : f32 to vector<16xf32>
      %select_n3A_1762 = arith.select %ge3A_1757, %broadcast_in_dim3A_1760, %broadcast_in_dim3A_1761 : vector<16xi1>, vector<16xf32>
      %mul3A_1763 = arith.constant 48 : i32
      %mul3A_1764 = arith.muli %div3A_1054, %mul3A_1763 : i32
      %add3A_1765 = arith.constant 24 : i32
      %add3A_1766 = arith.addi %mul3A_1764, %add3A_1765 : i32
      %add3A_1767 = arith.constant 13 : i32
      %add3A_1768 = arith.addi %add3A_1766, %add3A_1767 : i32
      %get3A_1769 = arith.index_cast %add3A_1768 : i32 to index
      %get3A_1770 = arith.constant 0 : index
      %get3A_1771 = tpu.vector_load %arg13[%get3A_1769, %get3A_1770] {strides = array<i32>} : memref<192x16xf32, #tpu.memory_space<vmem>>, vector<16xf32>,
      %get3A_1772 = arith.constant 97 : i32
      %get3A_1773 = arith.index_cast %get3A_1772 : i32 to index
      %get3A_1774 = arith.constant 0 : index
      %get3A_1775 = tpu.vector_load %arg12[%get3A_1773, %get3A_1774] {strides = array<i32>} : memref<128x16xf32, #tpu.memory_space<vmem>>, vector<16xf32>,
      %ge3A_1776 = arith.cmpf oge, %get3A_1771, %get3A_1775 : vector<16xf32>
      %jit3A_1777 = arith.constant 1.000000e+00 : f32
      %jit3A_1778 = arith.constant 0.000000e+00 : f32
      %broadcast_in_dim3A_1779 = vector.broadcast %jit3A_1777 : f32 to vector<16xf32>
      %broadcast_in_dim3A_1780 = vector.broadcast %jit3A_1778 : f32 to vector<16xf32>
      %select_n3A_1781 = arith.select %ge3A_1776, %broadcast_in_dim3A_1779, %broadcast_in_dim3A_1780 : vector<16xi1>, vector<16xf32>
      %mul3A_1782 = arith.constant 48 : i32
      %mul3A_1783 = arith.muli %div3A_1054, %mul3A_1782 : i32
      %add3A_1784 = arith.constant 24 : i32
      %add3A_1785 = arith.addi %mul3A_1783, %add3A_1784 : i32
      %add3A_1786 = arith.constant 14 : i32
      %add3A_1787 = arith.addi %add3A_1785, %add3A_1786 : i32
      %get3A_1788 = arith.index_cast %add3A_1787 : i32 to index
      %get3A_1789 = arith.constant 0 : index
      %get3A_1790 = tpu.vector_load %arg13[%get3A_1788, %get3A_1789] {strides = array<i32>} : memref<192x16xf32, #tpu.memory_space<vmem>>, vector<16xf32>,
      %get3A_1791 = arith.constant 98 : i32
      %get3A_1792 = arith.index_cast %get3A_1791 : i32 to index
      %get3A_1793 = arith.constant 0 : index
      %get3A_1794 = tpu.vector_load %arg12[%get3A_1792, %get3A_1793] {strides = array<i32>} : memref<128x16xf32, #tpu.memory_space<vmem>>, vector<16xf32>,
      %ge3A_1795 = arith.cmpf oge, %get3A_1790, %get3A_1794 : vector<16xf32>
      %jit3A_1796 = arith.constant 1.000000e+00 : f32
      %jit3A_1797 = arith.constant 0.000000e+00 : f32
      %broadcast_in_dim3A_1798 = vector.broadcast %jit3A_1796 : f32 to vector<16xf32>
      %broadcast_in_dim3A_1799 = vector.broadcast %jit3A_1797 : f32 to vector<16xf32>
      %select_n3A_1800 = arith.select %ge3A_1795, %broadcast_in_dim3A_1798, %broadcast_in_dim3A_1799 : vector<16xi1>, vector<16xf32>
      %mul3A_1801 = arith.constant 48 : i32
      %mul3A_1802 = arith.muli %div3A_1054, %mul3A_1801 : i32
      %add3A_1803 = arith.constant 24 : i32
      %add3A_1804 = arith.addi %mul3A_1802, %add3A_1803 : i32
      %add3A_1805 = arith.constant 15 : i32
      %add3A_1806 = arith.addi %add3A_1804, %add3A_1805 : i32
      %get3A_1807 = arith.index_cast %add3A_1806 : i32 to index
      %get3A_1808 = arith.constant 0 : index
      %get3A_1809 = tpu.vector_load %arg13[%get3A_1807, %get3A_1808] {strides = array<i32>} : memref<192x16xf32, #tpu.memory_space<vmem>>, vector<16xf32>,
      %get3A_1810 = arith.constant 104 : i32
      %get3A_1811 = arith.index_cast %get3A_1810 : i32 to index
      %get3A_1812 = arith.constant 0 : index
      %get3A_1813 = tpu.vector_load %arg12[%get3A_1811, %get3A_1812] {strides = array<i32>} : memref<128x16xf32, #tpu.memory_space<vmem>>, vector<16xf32>,
      %ge3A_1814 = arith.cmpf oge, %get3A_1809, %get3A_1813 : vector<16xf32>
      %jit3A_1815 = arith.constant 1.000000e+00 : f32
      %jit3A_1816 = arith.constant 0.000000e+00 : f32
      %broadcast_in_dim3A_1817 = vector.broadcast %jit3A_1815 : f32 to vector<16xf32>
      %broadcast_in_dim3A_1818 = vector.broadcast %jit3A_1816 : f32 to vector<16xf32>
      %select_n3A_1819 = arith.select %ge3A_1814, %broadcast_in_dim3A_1817, %broadcast_in_dim3A_1818 : vector<16xi1>, vector<16xf32>
      %mul3A_1820 = arith.constant 48 : i32
      %mul3A_1821 = arith.muli %div3A_1054, %mul3A_1820 : i32
      %add3A_1822 = arith.constant 24 : i32
      %add3A_1823 = arith.addi %mul3A_1821, %add3A_1822 : i32
      %add3A_1824 = arith.constant 16 : i32
      %add3A_1825 = arith.addi %add3A_1823, %add3A_1824 : i32
      %get3A_1826 = arith.index_cast %add3A_1825 : i32 to index
      %get3A_1827 = arith.constant 0 : index
      %get3A_1828 = tpu.vector_load %arg13[%get3A_1826, %get3A_1827] {strides = array<i32>} : memref<192x16xf32, #tpu.memory_space<vmem>>, vector<16xf32>,
      %get3A_1829 = arith.constant 105 : i32
      %get3A_1830 = arith.index_cast %get3A_1829 : i32 to index
      %get3A_1831 = arith.constant 0 : index
      %get3A_1832 = tpu.vector_load %arg12[%get3A_1830, %get3A_1831] {strides = array<i32>} : memref<128x16xf32, #tpu.memory_space<vmem>>, vector<16xf32>,
      %ge3A_1833 = arith.cmpf oge, %get3A_1828, %get3A_1832 : vector<16xf32>
      %jit3A_1834 = arith.constant 1.000000e+00 : f32
      %jit3A_1835 = arith.constant 0.000000e+00 : f32
      %broadcast_in_dim3A_1836 = vector.broadcast %jit3A_1834 : f32 to vector<16xf32>
      %broadcast_in_dim3A_1837 = vector.broadcast %jit3A_1835 : f32 to vector<16xf32>
      %select_n3A_1838 = arith.select %ge3A_1833, %broadcast_in_dim3A_1836, %broadcast_in_dim3A_1837 : vector<16xi1>, vector<16xf32>
      %mul3A_1839 = arith.constant 48 : i32
      %mul3A_1840 = arith.muli %div3A_1054, %mul3A_1839 : i32
      %add3A_1841 = arith.constant 24 : i32
      %add3A_1842 = arith.addi %mul3A_1840, %add3A_1841 : i32
      %add3A_1843 = arith.constant 17 : i32
      %add3A_1844 = arith.addi %add3A_1842, %add3A_1843 : i32
      %get3A_1845 = arith.index_cast %add3A_1844 : i32 to index
      %get3A_1846 = arith.constant 0 : index
      %get3A_1847 = tpu.vector_load %arg13[%get3A_1845, %get3A_1846] {strides = array<i32>} : memref<192x16xf32, #tpu.memory_space<vmem>>, vector<16xf32>,
      %get3A_1848 = arith.constant 106 : i32
      %get3A_1849 = arith.index_cast %get3A_1848 : i32 to index
      %get3A_1850 = arith.constant 0 : index
      %get3A_1851 = tpu.vector_load %arg12[%get3A_1849, %get3A_1850] {strides = array<i32>} : memref<128x16xf32, #tpu.memory_space<vmem>>, vector<16xf32>,
      %ge3A_1852 = arith.cmpf oge, %get3A_1847, %get3A_1851 : vector<16xf32>
      %jit3A_1853 = arith.constant 1.000000e+00 : f32
      %jit3A_1854 = arith.constant 0.000000e+00 : f32
      %broadcast_in_dim3A_1855 = vector.broadcast %jit3A_1853 : f32 to vector<16xf32>
      %broadcast_in_dim3A_1856 = vector.broadcast %jit3A_1854 : f32 to vector<16xf32>
      %select_n3A_1857 = arith.select %ge3A_1852, %broadcast_in_dim3A_1855, %broadcast_in_dim3A_1856 : vector<16xi1>, vector<16xf32>
      %mul3A_1858 = arith.constant 48 : i32
      %mul3A_1859 = arith.muli %div3A_1054, %mul3A_1858 : i32
      %add3A_1860 = arith.constant 24 : i32
      %add3A_1861 = arith.addi %mul3A_1859, %add3A_1860 : i32
      %add3A_1862 = arith.constant 18 : i32
      %add3A_1863 = arith.addi %add3A_1861, %add3A_1862 : i32
      %get3A_1864 = arith.index_cast %add3A_1863 : i32 to index
      %get3A_1865 = arith.constant 0 : index
      %get3A_1866 = tpu.vector_load %arg13[%get3A_1864, %get3A_1865] {strides = array<i32>} : memref<192x16xf32, #tpu.memory_space<vmem>>, vector<16xf32>,
      %get3A_1867 = arith.constant 112 : i32
      %get3A_1868 = arith.index_cast %get3A_1867 : i32 to index
      %get3A_1869 = arith.constant 0 : index
      %get3A_1870 = tpu.vector_load %arg12[%get3A_1868, %get3A_1869] {strides = array<i32>} : memref<128x16xf32, #tpu.memory_space<vmem>>, vector<16xf32>,
      %ge3A_1871 = arith.cmpf oge, %get3A_1866, %get3A_1870 : vector<16xf32>
      %jit3A_1872 = arith.constant 1.000000e+00 : f32
      %jit3A_1873 = arith.constant 0.000000e+00 : f32
      %broadcast_in_dim3A_1874 = vector.broadcast %jit3A_1872 : f32 to vector<16xf32>
      %broadcast_in_dim3A_1875 = vector.broadcast %jit3A_1873 : f32 to vector<16xf32>
      %select_n3A_1876 = arith.select %ge3A_1871, %broadcast_in_dim3A_1874, %broadcast_in_dim3A_1875 : vector<16xi1>, vector<16xf32>
      %mul3A_1877 = arith.constant 48 : i32
      %mul3A_1878 = arith.muli %div3A_1054, %mul3A_1877 : i32
      %add3A_1879 = arith.constant 24 : i32
      %add3A_1880 = arith.addi %mul3A_1878, %add3A_1879 : i32
      %add3A_1881 = arith.constant 19 : i32
      %add3A_1882 = arith.addi %add3A_1880, %add3A_1881 : i32
      %get3A_1883 = arith.index_cast %add3A_1882 : i32 to index
      %get3A_1884 = arith.constant 0 : index
      %get3A_1885 = tpu.vector_load %arg13[%get3A_1883, %get3A_1884] {strides = array<i32>} : memref<192x16xf32, #tpu.memory_space<vmem>>, vector<16xf32>,
      %get3A_1886 = arith.constant 113 : i32
      %get3A_1887 = arith.index_cast %get3A_1886 : i32 to index
      %get3A_1888 = arith.constant 0 : index
      %get3A_1889 = tpu.vector_load %arg12[%get3A_1887, %get3A_1888] {strides = array<i32>} : memref<128x16xf32, #tpu.memory_space<vmem>>, vector<16xf32>,
      %ge3A_1890 = arith.cmpf oge, %get3A_1885, %get3A_1889 : vector<16xf32>
      %jit3A_1891 = arith.constant 1.000000e+00 : f32
      %jit3A_1892 = arith.constant 0.000000e+00 : f32
      %broadcast_in_dim3A_1893 = vector.broadcast %jit3A_1891 : f32 to vector<16xf32>
      %broadcast_in_dim3A_1894 = vector.broadcast %jit3A_1892 : f32 to vector<16xf32>
      %select_n3A_1895 = arith.select %ge3A_1890, %broadcast_in_dim3A_1893, %broadcast_in_dim3A_1894 : vector<16xi1>, vector<16xf32>
      %mul3A_1896 = arith.constant 48 : i32
      %mul3A_1897 = arith.muli %div3A_1054, %mul3A_1896 : i32
      %add3A_1898 = arith.constant 24 : i32
      %add3A_1899 = arith.addi %mul3A_1897, %add3A_1898 : i32
      %add3A_1900 = arith.constant 20 : i32
      %add3A_1901 = arith.addi %add3A_1899, %add3A_1900 : i32
      %get3A_1902 = arith.index_cast %add3A_1901 : i32 to index
      %get3A_1903 = arith.constant 0 : index
      %get3A_1904 = tpu.vector_load %arg13[%get3A_1902, %get3A_1903] {strides = array<i32>} : memref<192x16xf32, #tpu.memory_space<vmem>>, vector<16xf32>,
      %get3A_1905 = arith.constant 114 : i32
      %get3A_1906 = arith.index_cast %get3A_1905 : i32 to index
      %get3A_1907 = arith.constant 0 : index
      %get3A_1908 = tpu.vector_load %arg12[%get3A_1906, %get3A_1907] {strides = array<i32>} : memref<128x16xf32, #tpu.memory_space<vmem>>, vector<16xf32>,
      %ge3A_1909 = arith.cmpf oge, %get3A_1904, %get3A_1908 : vector<16xf32>
      %jit3A_1910 = arith.constant 1.000000e+00 : f32
      %jit3A_1911 = arith.constant 0.000000e+00 : f32
      %broadcast_in_dim3A_1912 = vector.broadcast %jit3A_1910 : f32 to vector<16xf32>
      %broadcast_in_dim3A_1913 = vector.broadcast %jit3A_1911 : f32 to vector<16xf32>
      %select_n3A_1914 = arith.select %ge3A_1909, %broadcast_in_dim3A_1912, %broadcast_in_dim3A_1913 : vector<16xi1>, vector<16xf32>
      %mul3A_1915 = arith.constant 48 : i32
      %mul3A_1916 = arith.muli %div3A_1054, %mul3A_1915 : i32
      %add3A_1917 = arith.constant 24 : i32
      %add3A_1918 = arith.addi %mul3A_1916, %add3A_1917 : i32
      %add3A_1919 = arith.constant 21 : i32
      %add3A_1920 = arith.addi %add3A_1918, %add3A_1919 : i32
      %get3A_1921 = arith.index_cast %add3A_1920 : i32 to index
      %get3A_1922 = arith.constant 0 : index
      %get3A_1923 = tpu.vector_load %arg13[%get3A_1921, %get3A_1922] {strides = array<i32>} : memref<192x16xf32, #tpu.memory_space<vmem>>, vector<16xf32>,
      %get3A_1924 = arith.constant 120 : i32
      %get3A_1925 = arith.index_cast %get3A_1924 : i32 to index
      %get3A_1926 = arith.constant 0 : index
      %get3A_1927 = tpu.vector_load %arg12[%get3A_1925, %get3A_1926] {strides = array<i32>} : memref<128x16xf32, #tpu.memory_space<vmem>>, vector<16xf32>,
      %ge3A_1928 = arith.cmpf oge, %get3A_1923, %get3A_1927 : vector<16xf32>
      %jit3A_1929 = arith.constant 1.000000e+00 : f32
      %jit3A_1930 = arith.constant 0.000000e+00 : f32
      %broadcast_in_dim3A_1931 = vector.broadcast %jit3A_1929 : f32 to vector<16xf32>
      %broadcast_in_dim3A_1932 = vector.broadcast %jit3A_1930 : f32 to vector<16xf32>
      %select_n3A_1933 = arith.select %ge3A_1928, %broadcast_in_dim3A_1931, %broadcast_in_dim3A_1932 : vector<16xi1>, vector<16xf32>
      %mul3A_1934 = arith.constant 48 : i32
      %mul3A_1935 = arith.muli %div3A_1054, %mul3A_1934 : i32
      %add3A_1936 = arith.constant 24 : i32
      %add3A_1937 = arith.addi %mul3A_1935, %add3A_1936 : i32
      %add3A_1938 = arith.constant 22 : i32
      %add3A_1939 = arith.addi %add3A_1937, %add3A_1938 : i32
      %get3A_1940 = arith.index_cast %add3A_1939 : i32 to index
      %get3A_1941 = arith.constant 0 : index
      %get3A_1942 = tpu.vector_load %arg13[%get3A_1940, %get3A_1941] {strides = array<i32>} : memref<192x16xf32, #tpu.memory_space<vmem>>, vector<16xf32>,
      %get3A_1943 = arith.constant 121 : i32
      %get3A_1944 = arith.index_cast %get3A_1943 : i32 to index
      %get3A_1945 = arith.constant 0 : index
      %get3A_1946 = tpu.vector_load %arg12[%get3A_1944, %get3A_1945] {strides = array<i32>} : memref<128x16xf32, #tpu.memory_space<vmem>>, vector<16xf32>,
      %ge3A_1947 = arith.cmpf oge, %get3A_1942, %get3A_1946 : vector<16xf32>
      %jit3A_1948 = arith.constant 1.000000e+00 : f32
      %jit3A_1949 = arith.constant 0.000000e+00 : f32
      %broadcast_in_dim3A_1950 = vector.broadcast %jit3A_1948 : f32 to vector<16xf32>
      %broadcast_in_dim3A_1951 = vector.broadcast %jit3A_1949 : f32 to vector<16xf32>
      %select_n3A_1952 = arith.select %ge3A_1947, %broadcast_in_dim3A_1950, %broadcast_in_dim3A_1951 : vector<16xi1>, vector<16xf32>
      %mul3A_1953 = arith.constant 48 : i32
      %mul3A_1954 = arith.muli %div3A_1054, %mul3A_1953 : i32
      %add3A_1955 = arith.constant 24 : i32
      %add3A_1956 = arith.addi %mul3A_1954, %add3A_1955 : i32
      %add3A_1957 = arith.constant 23 : i32
      %add3A_1958 = arith.addi %add3A_1956, %add3A_1957 : i32
      %get3A_1959 = arith.index_cast %add3A_1958 : i32 to index
      %get3A_1960 = arith.constant 0 : index
      %get3A_1961 = tpu.vector_load %arg13[%get3A_1959, %get3A_1960] {strides = array<i32>} : memref<192x16xf32, #tpu.memory_space<vmem>>, vector<16xf32>,
      %get3A_1962 = arith.constant 122 : i32
      %get3A_1963 = arith.index_cast %get3A_1962 : i32 to index
      %get3A_1964 = arith.constant 0 : index
      %get3A_1965 = tpu.vector_load %arg12[%get3A_1963, %get3A_1964] {strides = array<i32>} : memref<128x16xf32, #tpu.memory_space<vmem>>, vector<16xf32>,
      %ge3A_1966 = arith.cmpf oge, %get3A_1961, %get3A_1965 : vector<16xf32>
      %jit3A_1967 = arith.constant 1.000000e+00 : f32
      %jit3A_1968 = arith.constant 0.000000e+00 : f32
      %broadcast_in_dim3A_1969 = vector.broadcast %jit3A_1967 : f32 to vector<16xf32>
      %broadcast_in_dim3A_1970 = vector.broadcast %jit3A_1968 : f32 to vector<16xf32>
      %select_n3A_1971 = arith.select %ge3A_1966, %broadcast_in_dim3A_1969, %broadcast_in_dim3A_1970 : vector<16xi1>, vector<16xf32>
      %scan3A_1972 = arith.constant 0 : i32
      %scan3A_1973 = arith.constant 16 : i32
      %scan3A_1974 = arith.addi %scan3A_1972, %scan3A_1973 : i32
      %scan3A_1975 = arith.constant 1 : i32
      scf.for %scan3A_1991 = %scan3A_1972 to %scan3A_1974 step %scan3A_1975  : i32 {
        %get3A_1992 = arith.index_cast %scan3A_1991 : i32 to index
        %get3A_1993 = arith.constant 384 : index
        %get3A_1994 = tpu.vector_load %arg8[%get3A_1992, %get3A_1993] {strides = array<i32>} : memref<16x768xf32, #tpu.memory_space<vmem>>, vector<16xf32>,
        %mul3A_1995 = arith.mulf %get3A_1994, %select_n3A_1534 : vector<16xf32>
        %swap3A_1996 = arith.index_cast %scan3A_1991 : i32 to index
        %swap3A_1997 = arith.constant 384 : index
        %swap3A_1998 = tpu.vector_load %arg10[%swap3A_1996, %swap3A_1997] {strides = array<i32>} : memref<16x768xf32, #tpu.memory_space<vmem>>, vector<16xf32>,
        tpu.vector_store %arg10[%swap3A_1996, %swap3A_1997], %mul3A_1995 {strides = array<i32>} : memref<16x768xf32, #tpu.memory_space<vmem>>, vector<16xf32>,
        %get3A_1999 = arith.index_cast %scan3A_1991 : i32 to index
        %get3A_2000 = arith.constant 400 : index
        %get3A_2001 = tpu.vector_load %arg8[%get3A_1999, %get3A_2000] {strides = array<i32>} : memref<16x768xf32, #tpu.memory_space<vmem>>, vector<16xf32>,
        %mul3A_2002 = arith.mulf %get3A_2001, %select_n3A_1553 : vector<16xf32>
        %swap3A_2003 = arith.index_cast %scan3A_1991 : i32 to index
        %swap3A_2004 = arith.constant 400 : index
        %swap3A_2005 = tpu.vector_load %arg10[%swap3A_2003, %swap3A_2004] {strides = array<i32>} : memref<16x768xf32, #tpu.memory_space<vmem>>, vector<16xf32>,
        tpu.vector_store %arg10[%swap3A_2003, %swap3A_2004], %mul3A_2002 {strides = array<i32>} : memref<16x768xf32, #tpu.memory_space<vmem>>, vector<16xf32>,
        %get3A_2006 = arith.index_cast %scan3A_1991 : i32 to index
        %get3A_2007 = arith.constant 416 : index
        %get3A_2008 = tpu.vector_load %arg8[%get3A_2006, %get3A_2007] {strides = array<i32>} : memref<16x768xf32, #tpu.memory_space<vmem>>, vector<16xf32>,
        %mul3A_2009 = arith.mulf %get3A_2008, %select_n3A_1572 : vector<16xf32>
        %swap3A_2010 = arith.index_cast %scan3A_1991 : i32 to index
        %swap3A_2011 = arith.constant 416 : index
        %swap3A_2012 = tpu.vector_load %arg10[%swap3A_2010, %swap3A_2011] {strides = array<i32>} : memref<16x768xf32, #tpu.memory_space<vmem>>, vector<16xf32>,
        tpu.vector_store %arg10[%swap3A_2010, %swap3A_2011], %mul3A_2009 {strides = array<i32>} : memref<16x768xf32, #tpu.memory_space<vmem>>, vector<16xf32>,
        %get3A_2013 = arith.index_cast %scan3A_1991 : i32 to index
        %get3A_2014 = arith.constant 432 : index
        %get3A_2015 = tpu.vector_load %arg8[%get3A_2013, %get3A_2014] {strides = array<i32>} : memref<16x768xf32, #tpu.memory_space<vmem>>, vector<16xf32>,
        %mul3A_2016 = arith.mulf %get3A_2015, %select_n3A_1591 : vector<16xf32>
        %swap3A_2017 = arith.index_cast %scan3A_1991 : i32 to index
        %swap3A_2018 = arith.constant 432 : index
        %swap3A_2019 = tpu.vector_load %arg10[%swap3A_2017, %swap3A_2018] {strides = array<i32>} : memref<16x768xf32, #tpu.memory_space<vmem>>, vector<16xf32>,
        tpu.vector_store %arg10[%swap3A_2017, %swap3A_2018], %mul3A_2016 {strides = array<i32>} : memref<16x768xf32, #tpu.memory_space<vmem>>, vector<16xf32>,
        %get3A_2020 = arith.index_cast %scan3A_1991 : i32 to index
        %get3A_2021 = arith.constant 448 : index
        %get3A_2022 = tpu.vector_load %arg8[%get3A_2020, %get3A_2021] {strides = array<i32>} : memref<16x768xf32, #tpu.memory_space<vmem>>, vector<16xf32>,
        %mul3A_2023 = arith.mulf %get3A_2022, %select_n3A_1610 : vector<16xf32>
        %swap3A_2024 = arith.index_cast %scan3A_1991 : i32 to index
        %swap3A_2025 = arith.constant 448 : index
        %swap3A_2026 = tpu.vector_load %arg10[%swap3A_2024, %swap3A_2025] {strides = array<i32>} : memref<16x768xf32, #tpu.memory_space<vmem>>, vector<16xf32>,
        tpu.vector_store %arg10[%swap3A_2024, %swap3A_2025], %mul3A_2023 {strides = array<i32>} : memref<16x768xf32, #tpu.memory_space<vmem>>, vector<16xf32>,
        %get3A_2027 = arith.index_cast %scan3A_1991 : i32 to index
        %get3A_2028 = arith.constant 464 : index
        %get3A_2029 = tpu.vector_load %arg8[%get3A_2027, %get3A_2028] {strides = array<i32>} : memref<16x768xf32, #tpu.memory_space<vmem>>, vector<16xf32>,
        %mul3A_2030 = arith.mulf %get3A_2029, %select_n3A_1629 : vector<16xf32>
        %swap3A_2031 = arith.index_cast %scan3A_1991 : i32 to index
        %swap3A_2032 = arith.constant 464 : index
        %swap3A_2033 = tpu.vector_load %arg10[%swap3A_2031, %swap3A_2032] {strides = array<i32>} : memref<16x768xf32, #tpu.memory_space<vmem>>, vector<16xf32>,
        tpu.vector_store %arg10[%swap3A_2031, %swap3A_2032], %mul3A_2030 {strides = array<i32>} : memref<16x768xf32, #tpu.memory_space<vmem>>, vector<16xf32>,
        %get3A_2034 = arith.index_cast %scan3A_1991 : i32 to index
        %get3A_2035 = arith.constant 480 : index
        %get3A_2036 = tpu.vector_load %arg8[%get3A_2034, %get3A_2035] {strides = array<i32>} : memref<16x768xf32, #tpu.memory_space<vmem>>, vector<16xf32>,
        %mul3A_2037 = arith.mulf %get3A_2036, %select_n3A_1648 : vector<16xf32>
        %swap3A_2038 = arith.index_cast %scan3A_1991 : i32 to index
        %swap3A_2039 = arith.constant 480 : index
        %swap3A_2040 = tpu.vector_load %arg10[%swap3A_2038, %swap3A_2039] {strides = array<i32>} : memref<16x768xf32, #tpu.memory_space<vmem>>, vector<16xf32>,
        tpu.vector_store %arg10[%swap3A_2038, %swap3A_2039], %mul3A_2037 {strides = array<i32>} : memref<16x768xf32, #tpu.memory_space<vmem>>, vector<16xf32>,
        %get3A_2041 = arith.index_cast %scan3A_1991 : i32 to index
        %get3A_2042 = arith.constant 496 : index
        %get3A_2043 = tpu.vector_load %arg8[%get3A_2041, %get3A_2042] {strides = array<i32>} : memref<16x768xf32, #tpu.memory_space<vmem>>, vector<16xf32>,
        %mul3A_2044 = arith.mulf %get3A_2043, %select_n3A_1667 : vector<16xf32>
        %swap3A_2045 = arith.index_cast %scan3A_1991 : i32 to index
        %swap3A_2046 = arith.constant 496 : index
        %swap3A_2047 = tpu.vector_load %arg10[%swap3A_2045, %swap3A_2046] {strides = array<i32>} : memref<16x768xf32, #tpu.memory_space<vmem>>, vector<16xf32>,
        tpu.vector_store %arg10[%swap3A_2045, %swap3A_2046], %mul3A_2044 {strides = array<i32>} : memref<16x768xf32, #tpu.memory_space<vmem>>, vector<16xf32>,
        %get3A_2048 = arith.index_cast %scan3A_1991 : i32 to index
        %get3A_2049 = arith.constant 512 : index
        %get3A_2050 = tpu.vector_load %arg8[%get3A_2048, %get3A_2049] {strides = array<i32>} : memref<16x768xf32, #tpu.memory_space<vmem>>, vector<16xf32>,
        %mul3A_2051 = arith.mulf %get3A_2050, %select_n3A_1686 : vector<16xf32>
        %swap3A_2052 = arith.index_cast %scan3A_1991 : i32 to index
        %swap3A_2053 = arith.constant 512 : index
        %swap3A_2054 = tpu.vector_load %arg10[%swap3A_2052, %swap3A_2053] {strides = array<i32>} : memref<16x768xf32, #tpu.memory_space<vmem>>, vector<16xf32>,
        tpu.vector_store %arg10[%swap3A_2052, %swap3A_2053], %mul3A_2051 {strides = array<i32>} : memref<16x768xf32, #tpu.memory_space<vmem>>, vector<16xf32>,
        %get3A_2055 = arith.index_cast %scan3A_1991 : i32 to index
        %get3A_2056 = arith.constant 528 : index
        %get3A_2057 = tpu.vector_load %arg8[%get3A_2055, %get3A_2056] {strides = array<i32>} : memref<16x768xf32, #tpu.memory_space<vmem>>, vector<16xf32>,
        %mul3A_2058 = arith.mulf %get3A_2057, %select_n3A_1705 : vector<16xf32>
        %swap3A_2059 = arith.index_cast %scan3A_1991 : i32 to index
        %swap3A_2060 = arith.constant 528 : index
        %swap3A_2061 = tpu.vector_load %arg10[%swap3A_2059, %swap3A_2060] {strides = array<i32>} : memref<16x768xf32, #tpu.memory_space<vmem>>, vector<16xf32>,
        tpu.vector_store %arg10[%swap3A_2059, %swap3A_2060], %mul3A_2058 {strides = array<i32>} : memref<16x768xf32, #tpu.memory_space<vmem>>, vector<16xf32>,
        %get3A_2062 = arith.index_cast %scan3A_1991 : i32 to index
        %get3A_2063 = arith.constant 544 : index
        %get3A_2064 = tpu.vector_load %arg8[%get3A_2062, %get3A_2063] {strides = array<i32>} : memref<16x768xf32, #tpu.memory_space<vmem>>, vector<16xf32>,
        %mul3A_2065 = arith.mulf %get3A_2064, %select_n3A_1724 : vector<16xf32>
        %swap3A_2066 = arith.index_cast %scan3A_1991 : i32 to index
        %swap3A_2067 = arith.constant 544 : index
        %swap3A_2068 = tpu.vector_load %arg10[%swap3A_2066, %swap3A_2067] {strides = array<i32>} : memref<16x768xf32, #tpu.memory_space<vmem>>, vector<16xf32>,
        tpu.vector_store %arg10[%swap3A_2066, %swap3A_2067], %mul3A_2065 {strides = array<i32>} : memref<16x768xf32, #tpu.memory_space<vmem>>, vector<16xf32>,
        %get3A_2069 = arith.index_cast %scan3A_1991 : i32 to index
        %get3A_2070 = arith.constant 560 : index
        %get3A_2071 = tpu.vector_load %arg8[%get3A_2069, %get3A_2070] {strides = array<i32>} : memref<16x768xf32, #tpu.memory_space<vmem>>, vector<16xf32>,
        %mul3A_2072 = arith.mulf %get3A_2071, %select_n3A_1743 : vector<16xf32>
        %swap3A_2073 = arith.index_cast %scan3A_1991 : i32 to index
        %swap3A_2074 = arith.constant 560 : index
        %swap3A_2075 = tpu.vector_load %arg10[%swap3A_2073, %swap3A_2074] {strides = array<i32>} : memref<16x768xf32, #tpu.memory_space<vmem>>, vector<16xf32>,
        tpu.vector_store %arg10[%swap3A_2073, %swap3A_2074], %mul3A_2072 {strides = array<i32>} : memref<16x768xf32, #tpu.memory_space<vmem>>, vector<16xf32>,
        %get3A_2076 = arith.index_cast %scan3A_1991 : i32 to index
        %get3A_2077 = arith.constant 576 : index
        %get3A_2078 = tpu.vector_load %arg8[%get3A_2076, %get3A_2077] {strides = array<i32>} : memref<16x768xf32, #tpu.memory_space<vmem>>, vector<16xf32>,
        %mul3A_2079 = arith.mulf %get3A_2078, %select_n3A_1762 : vector<16xf32>
        %swap3A_2080 = arith.index_cast %scan3A_1991 : i32 to index
        %swap3A_2081 = arith.constant 576 : index
        %swap3A_2082 = tpu.vector_load %arg10[%swap3A_2080, %swap3A_2081] {strides = array<i32>} : memref<16x768xf32, #tpu.memory_space<vmem>>, vector<16xf32>,
        tpu.vector_store %arg10[%swap3A_2080, %swap3A_2081], %mul3A_2079 {strides = array<i32>} : memref<16x768xf32, #tpu.memory_space<vmem>>, vector<16xf32>,
        %get3A_2083 = arith.index_cast %scan3A_1991 : i32 to index
        %get3A_2084 = arith.constant 592 : index
        %get3A_2085 = tpu.vector_load %arg8[%get3A_2083, %get3A_2084] {strides = array<i32>} : memref<16x768xf32, #tpu.memory_space<vmem>>, vector<16xf32>,
        %mul3A_2086 = arith.mulf %get3A_2085, %select_n3A_1781 : vector<16xf32>
        %swap3A_2087 = arith.index_cast %scan3A_1991 : i32 to index
        %swap3A_2088 = arith.constant 592 : index
        %swap3A_2089 = tpu.vector_load %arg10[%swap3A_2087, %swap3A_2088] {strides = array<i32>} : memref<16x768xf32, #tpu.memory_space<vmem>>, vector<16xf32>,
        tpu.vector_store %arg10[%swap3A_2087, %swap3A_2088], %mul3A_2086 {strides = array<i32>} : memref<16x768xf32, #tpu.memory_space<vmem>>, vector<16xf32>,
        %get3A_2090 = arith.index_cast %scan3A_1991 : i32 to index
        %get3A_2091 = arith.constant 608 : index
        %get3A_2092 = tpu.vector_load %arg8[%get3A_2090, %get3A_2091] {strides = array<i32>} : memref<16x768xf32, #tpu.memory_space<vmem>>, vector<16xf32>,
        %mul3A_2093 = arith.mulf %get3A_2092, %select_n3A_1800 : vector<16xf32>
        %swap3A_2094 = arith.index_cast %scan3A_1991 : i32 to index
        %swap3A_2095 = arith.constant 608 : index
        %swap3A_2096 = tpu.vector_load %arg10[%swap3A_2094, %swap3A_2095] {strides = array<i32>} : memref<16x768xf32, #tpu.memory_space<vmem>>, vector<16xf32>,
        tpu.vector_store %arg10[%swap3A_2094, %swap3A_2095], %mul3A_2093 {strides = array<i32>} : memref<16x768xf32, #tpu.memory_space<vmem>>, vector<16xf32>,
        %get3A_2097 = arith.index_cast %scan3A_1991 : i32 to index
        %get3A_2098 = arith.constant 624 : index
        %get3A_2099 = tpu.vector_load %arg8[%get3A_2097, %get3A_2098] {strides = array<i32>} : memref<16x768xf32, #tpu.memory_space<vmem>>, vector<16xf32>,
        %mul3A_2100 = arith.mulf %get3A_2099, %select_n3A_1819 : vector<16xf32>
        %swap3A_2101 = arith.index_cast %scan3A_1991 : i32 to index
        %swap3A_2102 = arith.constant 624 : index
        %swap3A_2103 = tpu.vector_load %arg10[%swap3A_2101, %swap3A_2102] {strides = array<i32>} : memref<16x768xf32, #tpu.memory_space<vmem>>, vector<16xf32>,
        tpu.vector_store %arg10[%swap3A_2101, %swap3A_2102], %mul3A_2100 {strides = array<i32>} : memref<16x768xf32, #tpu.memory_space<vmem>>, vector<16xf32>,
        %get3A_2104 = arith.index_cast %scan3A_1991 : i32 to index
        %get3A_2105 = arith.constant 640 : index
        %get3A_2106 = tpu.vector_load %arg8[%get3A_2104, %get3A_2105] {strides = array<i32>} : memref<16x768xf32, #tpu.memory_space<vmem>>, vector<16xf32>,
        %mul3A_2107 = arith.mulf %get3A_2106, %select_n3A_1838 : vector<16xf32>
        %swap3A_2108 = arith.index_cast %scan3A_1991 : i32 to index
        %swap3A_2109 = arith.constant 640 : index
        %swap3A_2110 = tpu.vector_load %arg10[%swap3A_2108, %swap3A_2109] {strides = array<i32>} : memref<16x768xf32, #tpu.memory_space<vmem>>, vector<16xf32>,
        tpu.vector_store %arg10[%swap3A_2108, %swap3A_2109], %mul3A_2107 {strides = array<i32>} : memref<16x768xf32, #tpu.memory_space<vmem>>, vector<16xf32>,
        %get3A_2111 = arith.index_cast %scan3A_1991 : i32 to index
        %get3A_2112 = arith.constant 656 : index
        %get3A_2113 = tpu.vector_load %arg8[%get3A_2111, %get3A_2112] {strides = array<i32>} : memref<16x768xf32, #tpu.memory_space<vmem>>, vector<16xf32>,
        %mul3A_2114 = arith.mulf %get3A_2113, %select_n3A_1857 : vector<16xf32>
        %swap3A_2115 = arith.index_cast %scan3A_1991 : i32 to index
        %swap3A_2116 = arith.constant 656 : index
        %swap3A_2117 = tpu.vector_load %arg10[%swap3A_2115, %swap3A_2116] {strides = array<i32>} : memref<16x768xf32, #tpu.memory_space<vmem>>, vector<16xf32>,
        tpu.vector_store %arg10[%swap3A_2115, %swap3A_2116], %mul3A_2114 {strides = array<i32>} : memref<16x768xf32, #tpu.memory_space<vmem>>, vector<16xf32>,
        %get3A_2118 = arith.index_cast %scan3A_1991 : i32 to index
        %get3A_2119 = arith.constant 672 : index
        %get3A_2120 = tpu.vector_load %arg8[%get3A_2118, %get3A_2119] {strides = array<i32>} : memref<16x768xf32, #tpu.memory_space<vmem>>, vector<16xf32>,
        %mul3A_2121 = arith.mulf %get3A_2120, %select_n3A_1876 : vector<16xf32>
        %swap3A_2122 = arith.index_cast %scan3A_1991 : i32 to index
        %swap3A_2123 = arith.constant 672 : index
        %swap3A_2124 = tpu.vector_load %arg10[%swap3A_2122, %swap3A_2123] {strides = array<i32>} : memref<16x768xf32, #tpu.memory_space<vmem>>, vector<16xf32>,
        tpu.vector_store %arg10[%swap3A_2122, %swap3A_2123], %mul3A_2121 {strides = array<i32>} : memref<16x768xf32, #tpu.memory_space<vmem>>, vector<16xf32>,
        %get3A_2125 = arith.index_cast %scan3A_1991 : i32 to index
        %get3A_2126 = arith.constant 688 : index
        %get3A_2127 = tpu.vector_load %arg8[%get3A_2125, %get3A_2126] {strides = array<i32>} : memref<16x768xf32, #tpu.memory_space<vmem>>, vector<16xf32>,
        %mul3A_2128 = arith.mulf %get3A_2127, %select_n3A_1895 : vector<16xf32>
        %swap3A_2129 = arith.index_cast %scan3A_1991 : i32 to index
        %swap3A_2130 = arith.constant 688 : index
        %swap3A_2131 = tpu.vector_load %arg10[%swap3A_2129, %swap3A_2130] {strides = array<i32>} : memref<16x768xf32, #tpu.memory_space<vmem>>, vector<16xf32>,
        tpu.vector_store %arg10[%swap3A_2129, %swap3A_2130], %mul3A_2128 {strides = array<i32>} : memref<16x768xf32, #tpu.memory_space<vmem>>, vector<16xf32>,
        %get3A_2132 = arith.index_cast %scan3A_1991 : i32 to index
        %get3A_2133 = arith.constant 704 : index
        %get3A_2134 = tpu.vector_load %arg8[%get3A_2132, %get3A_2133] {strides = array<i32>} : memref<16x768xf32, #tpu.memory_space<vmem>>, vector<16xf32>,
        %mul3A_2135 = arith.mulf %get3A_2134, %select_n3A_1914 : vector<16xf32>
        %swap3A_2136 = arith.index_cast %scan3A_1991 : i32 to index
        %swap3A_2137 = arith.constant 704 : index
        %swap3A_2138 = tpu.vector_load %arg10[%swap3A_2136, %swap3A_2137] {strides = array<i32>} : memref<16x768xf32, #tpu.memory_space<vmem>>, vector<16xf32>,
        tpu.vector_store %arg10[%swap3A_2136, %swap3A_2137], %mul3A_2135 {strides = array<i32>} : memref<16x768xf32, #tpu.memory_space<vmem>>, vector<16xf32>,
        %get3A_2139 = arith.index_cast %scan3A_1991 : i32 to index
        %get3A_2140 = arith.constant 720 : index
        %get3A_2141 = tpu.vector_load %arg8[%get3A_2139, %get3A_2140] {strides = array<i32>} : memref<16x768xf32, #tpu.memory_space<vmem>>, vector<16xf32>,
        %mul3A_2142 = arith.mulf %get3A_2141, %select_n3A_1933 : vector<16xf32>
        %swap3A_2143 = arith.index_cast %scan3A_1991 : i32 to index
        %swap3A_2144 = arith.constant 720 : index
        %swap3A_2145 = tpu.vector_load %arg10[%swap3A_2143, %swap3A_2144] {strides = array<i32>} : memref<16x768xf32, #tpu.memory_space<vmem>>, vector<16xf32>,
        tpu.vector_store %arg10[%swap3A_2143, %swap3A_2144], %mul3A_2142 {strides = array<i32>} : memref<16x768xf32, #tpu.memory_space<vmem>>, vector<16xf32>,
        %get3A_2146 = arith.index_cast %scan3A_1991 : i32 to index
        %get3A_2147 = arith.constant 736 : index
        %get3A_2148 = tpu.vector_load %arg8[%get3A_2146, %get3A_2147] {strides = array<i32>} : memref<16x768xf32, #tpu.memory_space<vmem>>, vector<16xf32>,
        %mul3A_2149 = arith.mulf %get3A_2148, %select_n3A_1952 : vector<16xf32>
        %swap3A_2150 = arith.index_cast %scan3A_1991 : i32 to index
        %swap3A_2151 = arith.constant 736 : index
        %swap3A_2152 = tpu.vector_load %arg10[%swap3A_2150, %swap3A_2151] {strides = array<i32>} : memref<16x768xf32, #tpu.memory_space<vmem>>, vector<16xf32>,
        tpu.vector_store %arg10[%swap3A_2150, %swap3A_2151], %mul3A_2149 {strides = array<i32>} : memref<16x768xf32, #tpu.memory_space<vmem>>, vector<16xf32>,
        %get3A_2153 = arith.index_cast %scan3A_1991 : i32 to index
        %get3A_2154 = arith.constant 752 : index
        %get3A_2155 = tpu.vector_load %arg8[%get3A_2153, %get3A_2154] {strides = array<i32>} : memref<16x768xf32, #tpu.memory_space<vmem>>, vector<16xf32>,
        %mul3A_2156 = arith.mulf %get3A_2155, %select_n3A_1971 : vector<16xf32>
        %swap3A_2157 = arith.index_cast %scan3A_1991 : i32 to index
        %swap3A_2158 = arith.constant 752 : index
        %swap3A_2159 = tpu.vector_load %arg10[%swap3A_2157, %swap3A_2158] {strides = array<i32>} : memref<16x768xf32, #tpu.memory_space<vmem>>, vector<16xf32>,
        tpu.vector_store %arg10[%swap3A_2157, %swap3A_2158], %mul3A_2156 {strides = array<i32>} : memref<16x768xf32, #tpu.memory_space<vmem>>, vector<16xf32>,
      }
      %scan3A_1976 = arith.constant 16 : i32
      %mul3A_1977 = arith.constant 16 : i32
      %mul3A_1978 = arith.muli %add3A_99, %mul3A_1977 : i32
      %add3A_1979 = arith.addi %mul3A_2, %mul3A_1978 : i32
      %dma_start3A_1980 = arith.constant 0 : i32
      %dma_start3A_1981 = tpu.memref_slice %arg5[%add3A_1979, %dma_start3A_1980] : memref<32768x768xf32, #tpu.memory_space<hbm>> -> memref<16x768xf32, #tpu.memory_space<hbm>>
      %dma_start3A_1982 = arith.constant 0 : i32
      %dma_start3A_1983 = tpu.memref_slice %arg5[%add3A_1979, %dma_start3A_1982] : memref<32768x768xf32, #tpu.memory_space<hbm>> -> memref<16x768xf32, #tpu.memory_space<hbm>>
      tpu.enqueue_dma source(%arg10 : memref<16x768xf32, #tpu.memory_space<vmem>>) target(%dma_start3A_1983 : memref<16x768xf32, #tpu.memory_space<hbm>>) target_semaphore(%arg17 : memref<!tpu.dma_semaphore, #tpu.memory_space<semaphore_mem>>)
      %add3A_1984 = arith.constant 2 : i32
      %add3A_1985 = arith.addi %add3A_99, %add3A_1984 : i32
      %lt3A_1986 = arith.constant 64 : i32
      %lt3A_1987 = arith.cmpi slt, %add3A_1985, %lt3A_1986 : i32
      %convert_element_type3A_1988 = arith.extui %lt3A_1987 : i1 to i32
      %cond3A_1989 = arith.constant 0 : i32
      %cond3A_1990 = arith.cmpi ne, %convert_element_type3A_1988, %cond3A_1989 : i32
      scf.if %cond3A_1990 {
        %add3A_1991 = arith.constant 2 : i32
        %add3A_1992 = arith.addi %add3A_99, %add3A_1991 : i32
        %mul3A_1993 = arith.constant 16 : i32
        %mul3A_1994 = arith.muli %add3A_1992, %mul3A_1993 : i32
        %add3A_1995 = arith.addi %mul3A_2, %mul3A_1994 : i32
        %dma_start3A_1996 = arith.constant 0 : i32
        %dma_start3A_1997 = tpu.memref_slice %arg2[%add3A_1995, %dma_start3A_1996] : memref<32768x768xf32, #tpu.memory_space<hbm>> -> memref<16x768xf32, #tpu.memory_space<hbm>>
        %dma_start3A_1998 = arith.constant 0 : i32
        %dma_start3A_1999 = tpu.memref_slice %arg2[%add3A_1995, %dma_start3A_1998] : memref<32768x768xf32, #tpu.memory_space<hbm>> -> memref<16x768xf32, #tpu.memory_space<hbm>>
        tpu.enqueue_dma source(%dma_start3A_1999 : memref<16x768xf32, #tpu.memory_space<hbm>>) target(%arg8 : memref<16x768xf32, #tpu.memory_space<vmem>>) target_semaphore(%arg15 : memref<!tpu.dma_semaphore, #tpu.memory_space<semaphore_mem>>)
      } else {
      }
    }
    %scan3A_81 = arith.constant 32 : i32
    %add3A_82 = arith.constant 992 : i32
    %add3A_83 = arith.addi %mul3A_2, %add3A_82 : i32
    %dma_wait3A = arith.constant 0 : i32
    %dma_wait3A_84 = tpu.memref_slice %arg5[%add3A_83, %dma_wait3A] : memref<32768x768xf32, #tpu.memory_space<hbm>> -> memref<16x768xf32, #tpu.memory_space<hbm>>
    %dma_wait3A_85 = arith.constant 0 : i32
    %dma_wait3A_86 = tpu.memref_slice %arg5[%add3A_83, %dma_wait3A_85] : memref<32768x768xf32, #tpu.memory_space<hbm>> -> memref<16x768xf32, #tpu.memory_space<hbm>>
    tpu.wait_dma2 semaphore(%arg16 : memref<!tpu.dma_semaphore, #tpu.memory_space<semaphore_mem>>) src(%arg9 : memref<16x768xf32, #tpu.memory_space<vmem>>) dst(%dma_wait3A_86 : memref<16x768xf32, #tpu.memory_space<hbm>>)
    %add3A_87 = arith.constant 1008 : i32
    %add3A_88 = arith.addi %mul3A_2, %add3A_87 : i32
    %dma_wait3A_89 = arith.constant 0 : i32
    %dma_wait3A_90 = tpu.memref_slice %arg5[%add3A_88, %dma_wait3A_89] : memref<32768x768xf32, #tpu.memory_space<hbm>> -> memref<16x768xf32, #tpu.memory_space<hbm>>
    %dma_wait3A_91 = arith.constant 0 : i32
    %dma_wait3A_92 = tpu.memref_slice %arg5[%add3A_88, %dma_wait3A_91] : memref<32768x768xf32, #tpu.memory_space<hbm>> -> memref<16x768xf32, #tpu.memory_space<hbm>>
    tpu.wait_dma2 semaphore(%arg17 : memref<!tpu.dma_semaphore, #tpu.memory_space<semaphore_mem>>) src(%arg10 : memref<16x768xf32, #tpu.memory_space<vmem>>) dst(%dma_wait3A_92 : memref<16x768xf32, #tpu.memory_space<hbm>>)
    return
  }
}

</mosaic_0001>

<sc_bundles>
// kernel: kernel.3.cloned.1.call-start
scs
__scs_entry_jumppad:
0x0: {  	(pc) =	sbr.rel $0x88, $3  }
0x1: {  	(tag) =	ssettag $0x0;
	lr =	simm.s32 $0x1  }
0x2: {  	[smem:$0x3F9F] =	sst lr;
	_ =	strace $0xD0000000  }
0x3: {  	_ = 	snop  }
0x4: {  	_ = 	snop  }
0x5: {  	_ = 	snop  }
0x6: {  	_ = 	snop  }
0x7: {  	_ = 	snop  }
__scs_overlays_trampoline_lowered:
0x8: {  	[smem:$0x3FAE] =	sst s0  }
0x9: {  	[smem:$0x3FAF] =	sst s1  }
0xa: {  	[smem:$0x3FB0] =	sst s2  }
0xb: {  	[smem:$0x3FB1] =	sst s3  }
0xc: {  	[smem:$0x3FB2] =	sst s4  }
0xd: {  	[smem:$0x3FB3] =	sst s5  }
0xe: {  	[smem:$0x3FB4] =	sst s6  }
0xf: {  	[smem:$0x3FB5] =	sst s7  }
0x10: {  	[smem:$0x3FB6] =	sst s8  }
0x11: {  	[smem:$0x3FB7] =	sst s9;
	s0 =	simm.s32 @!p0 $0x0  }
0x12: {  	s1 =	sld [smem:$0x3F9D];
	s0 =	simm.s32 @p0 $0x1  }
0x13: {  	[smem:$0x3FB8] =	sst s0;
	s0 =	simm.s32 @!p1 $0x0  }
0x14: {  	s2 =	sld [smem:$0x3F9C];
	s0 =	simm.s32 @p1 $0x1  }
0x15: {  	[smem:$0x3FB9] =	sst s0;
	s0 =	simm.s32 @!p2 $0x0  }
0x16: {  	s3 =	sld [smem:$0x3FDB];
	s0 =	simm.s32 @p2 $0x1  }
0x17: {  	s4 =	simm.s32 $0x1BF5;
	[smem:$0x3FBB] =	sst s0  }
0x18: {  	s0 =	sld [smem:$0x3F9E];
	_ =	swait.ge [sflag:s4], $0x0  }
0x19: {  	s7 =	sld [smem:$0x3F9F]  }
0x1a: {  	s8 =	sadd.s32 $0xFFFFE003, lr  }
0x1b: {  	s9 =	sadd.s32 $0xFFFFFEF7, lr;
	s5 =	simm.s32 $0xFFFFFFFF;
	p2 =	slt.u32 s8, $0xFFFFF086  }
0x1c: {  	p1 =	slt.u32 s9, $0xF7A;
	s5 =	simm.s32 @!p2 $0x0  }
0x1d: {  	s5 =	simm.s32 @p1 $0x1;
	p0 =	seq.s32 s7, s2  }
0x1e: {  	s7 =	smul.u32 @!p0 $0xF7A, s2;
	p2 =	seq.s32 @!p0 s5, $0x0  }
0x1f: {  	s9 =	smul.u32 $0xF7A, s1;
	s8 =	simm.s32 @!p0 $0x1BF5;
	p2 =	por !p2, p0  }
0x20: {  	[sflag:s8] =	ssyncset.s32 @!p0 $0xFFFFF086;
	s6 =	sadd.s32 @!p0 s3, s7;
	s7 =	simm.s32 @!p0 $0x108  }
0x21: {  	s3 =	sadd.s32 s3, s9;
	s6 =	sadd.s32 @!p0 $0x88, s6;
	s7 =	simm.s32 @p2 $0x1082  }
0x22: {  	[simem:s7], [sflag:s8] =	dma.local @!p0 [hbm:s6], $0xF7A  }
0x23: {  	s9 =	sor.u32 $0xD0000000, s2;
	s6 =	simm.s32 $0x108;
	_ =	swait.ge @!p0 [sflag:s8], $0x0  }
0x24: {  	s3 =	sadd.s32 $0x88, s3;
	s6 =	simm.s32 @!p1 $0x1082;
	[sflag:s4] =	ssyncset.s32 $0xFFFFF086  }
0x25: {  	[simem:s6], [sflag:s4] =	dma.local [hbm:s3], $0xF7A  }
0x26: {  	[smem:$0x3F9F] =	sst s1;
	(tag) =	ssettag s2;
	_ =	strace s9  }
0x27: {  	s1 =	sld [smem:$0x3FAF]  }
0x28: {  	s2 =	sld [smem:$0x3FB0]  }
0x29: {  	s4 =	sld [smem:$0x3FB2]  }
0x2a: {  	p0 =	seq.s32 s5, $0x0;
	s5 =	sld [smem:$0x3FB3]  }
0x2b: {  	s6 =	sld [smem:$0x3FB4]  }
0x2c: {  	s7 =	sld [smem:$0x3FB5]  }
0x2d: {  	s3 =	simm.s32 $0x108;
	s8 =	sld [smem:$0x3FB6]  }
0x2e: {  	s3 =	simm.s32 @!p0 $0x1082;
	s9 =	sld [smem:$0x3FB7]  }
0x2f: {  	lr =	sadd.s32 s0, s3;
	s0 =	sld [smem:$0x3FAE]  }
0x30: {  	s3 =	sld [smem:$0x3FB1]  }
0x31: {  	[smem:$0x3FBA] =	sst s10  }
0x32: {  	s10 =	sld [smem:$0x3FB8];
	_ =	sdelay $0x3  }
0x33: {  	p0 =	seq.s32 s10, $0x1;
	s10 =	sld [smem:$0x3FBA];
	_ =	sdelay $0x3  }
0x34: {  	[smem:$0x3FBA] =	sst s10  }
0x35: {  	s10 =	sld [smem:$0x3FB9];
	_ =	sdelay $0x3  }
0x36: {  	p1 =	seq.s32 s10, $0x1;
	s10 =	sld [smem:$0x3FBA];
	_ =	sdelay $0x3  }
0x37: {  	[smem:$0x3FBA] =	sst s10  }
0x38: {  	s10 =	sld [smem:$0x3FBB]  }
0x39: {  	_ = 	snop;
	(pc) =	sbr.ind lr, $3  }
0x3a: {  	_ = 	snop  }
0x3b: {  	_ = 	snop  }
0x3c: {  	p2 =	seq.s32 s10, $0x1;
	s10 =	sld [smem:$0x3FBA]  }
0x3d: {  	_ =	shalt  }
0x3e: {  	_ =	shalt  }
0x3f: {  	_ =	shalt  }
0x40: {  	_ =	shalt  }
0x41: {  	_ =	shalt  }
0x42: {  	_ =	shalt  }
0x43: {  	_ =	shalt  }
0x44: {  	_ =	shalt  }
0x45: {  	_ =	shalt  }
0x46: {  	_ =	shalt  }
0x47: {  	_ =	shalt  }
0x48: {  	_ =	shalt  }
0x49: {  	_ =	shalt  }
0x4a: {  	_ =	shalt  }
0x4b: {  	_ =	shalt  }
0x4c: {  	_ =	shalt  }
0x4d: {  	_ =	shalt  }
0x4e: {  	_ =	shalt  }
0x4f: {  	_ =	shalt  }
0x50: {  	_ =	shalt  }
0x51: {  	_ =	shalt  }
0x52: {  	_ =	shalt  }
0x53: {  	_ =	shalt  }
0x54: {  	_ =	shalt  }
0x55: {  	_ =	shalt  }
0x56: {  	_ =	shalt  }
0x57: {  	_ =	shalt  }
0x58: {  	_ =	shalt  }
0x59: {  	_ =	shalt  }
0x5a: {  	_ =	shalt  }
0x5b: {  	_ =	shalt  }
0x5c: {  	_ =	shalt  }
0x5d: {  	_ =	shalt  }
0x5e: {  	_ =	shalt  }
0x5f: {  	_ =	shalt  }
0x60: {  	_ =	shalt  }
0x61: {  	_ =	shalt  }
0x62: {  	_ =	shalt  }
0x63: {  	_ =	shalt  }
0x64: {  	_ =	shalt  }
0x65: {  	_ =	shalt  }
0x66: {  	_ =	shalt  }
0x67: {  	_ =	shalt  }
0x68: {  	_ =	shalt  }
0x69: {  	_ =	shalt  }
0x6a: {  	_ =	shalt  }
0x6b: {  	_ =	shalt  }
0x6c: {  	_ =	shalt  }
0x6d: {  	_ =	shalt  }
0x6e: {  	_ =	shalt  }
0x6f: {  	_ =	shalt  }
0x70: {  	_ =	shalt  }
0x71: {  	_ =	shalt  }
0x72: {  	_ =	shalt  }
0x73: {  	_ =	shalt  }
0x74: {  	_ =	shalt  }
0x75: {  	_ =	shalt  }
0x76: {  	_ =	shalt  }
0x77: {  	_ =	shalt  }
0x78: {  	_ =	shalt  }
0x79: {  	_ =	shalt  }
0x7a: {  	_ =	shalt  }
0x7b: {  	_ =	shalt  }
0x7c: {  	_ =	shalt  }
0x7d: {  	_ =	shalt  }
0x7e: {  	_ =	shalt  }
0x7f: {  	_ =	shalt  }
0x80: {  	_ =	shalt  }
0x81: {  	_ =	shalt  }
0x82: {  	_ =	shalt  }
0x83: {  	_ =	shalt  }
0x84: {  	_ =	shalt  }
0x85: {  	_ =	shalt  }
0x86: {  	_ =	shalt  }
0x87: {  	_ =	shalt  }
.Lfunc_end0:
.L_simem_size_0:
called_computation_lowered:
.L_overlay_start_0:
0x88: {  	s2 =	sld [smem:$0x3FD9]  }
0x89: {  	s3 =	sld [smem:$0x3FFE];
	_ =	sdelay $0x1  }
0x8a: {  	s1 =	srdreg.scid  }
0x8b: {  	s0 =	sand.u32 $0x1, s1  }
0x8c: {  	s17 =	sshll.u32 s0, $0xA;
	s2 =	sadd.s32 s3, s2  }
0x8d: {  	s2 =	sadd.s32 s2, s17  }
0x8e: {  	[smem:$0x3FC6] =	sst s2  }
0x8f: {  	_ = 	snop  }
0x90: {  	s2 =	sld [smem:$0x3FC9]  }
0x91: {  	s18 =	sld [smem:$0x3FD0];
	(tm) =	ssettm $0x1  }
0x92: {  	s4 =	sld [smem:$0x3FFB];
	_ =	sdelay $0x3  }
0x93: {  	_ =	strace s4  }
0x94: {  	s4 =	sld [smem:$0x3FFC];
	_ =	sdelay $0x3  }
0x95: {  	_ =	strace s4  }
0x96: {  	s4 =	sld [smem:$0x3FFD];
	_ =	sdelay $0x3  }
0x97: {  	_ =	strace s4  }
0x98: {  	_ =	strace $0x8FFFFFFF  }
0x99: {  	s19 =	sld [smem:$0x3FDB];
	_ =	sdelay $0x1  }
0x9a: {  	s5 =	simm.s32 $_scs_section_size  }
0x9b: {  	s6 =	simm.s32 $_size__tile_overlayer_lowered;
	s7 =	simm.s32 $_tile_overlayer_lowered  }
0x9c: {  	s22 =	simm.s32 $0x1BFF;
	s21 =	sshll.u32 s7, $0x1;
	s4 =	sadd.s32 s5, s19  }
0x9d: {  	s8 =	simm.s32 $0x0;
	s20 =	sshll.u32 s6, $0x1;
	s6 =	sadd.s32 s21, s4  }
0x9e: {  	[timem:s8], [sflag:s22] =	dma.local [hbm:s6], s20  }
0x9f: {  	_ =	swait.ge [sflag:s22], s20  }
0xa0: {  	s5 =	ssub.s32 $0x0, s20;
	[sflag:s22] =	ssyncset.done $0x0  }
0xa1: {  	[sflag:s22] =	ssyncadd.s32 s5;
	_ =	sdelay $0x1  }
0xa2: {  	s23 =	simm.s32 $0x1B8B  }
0xa3: {  	_ =	swait.ge [sflag:s23], $0x1  }
0xa4: {  	[sflag:s23] =	ssyncset.done $0x0  }
0xa5: {  	s25 =	simm.s32 $0x1B8E;
	s24 =	sld [smem:$0x3FFE];
	[sflag:s23] =	ssyncadd.s32 $0xFFFFFFFF  }
0xa6: {  	s26 =	simm.s32 $execute0_lowered;
	[smem:$0x3FD2] =	sst s25  }
0xa7: {  	s6 =	sshll.u32 s26, $0x1;
	_ =	strace $0x80000046;
	[dreg:$0x1] =	wrdreg $0xFFFFFFFF  }
0xa8: {  	s28 =	simm.s32 $_size_execute0_lowered;
	s4 =	sadd.s32 s4, s6;
	[dreg:$0x0] =	wrdreg $0x0  }
0xa9: {  	s6 =	sshll.u32 s28, $0x1;
	[dreg:$0x2] =	wrdreg s4  }
0xaa: {  	[dreg:$0x3] =	wrdreg s6  }
0xab: {  	[dreg:$0x4] =	wrdreg $0xC0  }
0xac: {  	_ =	task [dreg:s8], $0x5FFFF  }
0xad: {  	[dreg:$0x1] =	wrdreg $0xFFFFFFFF  }
0xae: {  	[dreg:$0x0] =	wrdreg $0x60  }
0xaf: {  	[dreg:$0x2] =	wrdreg s2  }
0xb0: {  	[dreg:$0x3] =	wrdreg s24  }
0xb1: {  	[dreg:$0x4] =	wrdreg s18  }
0xb2: {  	[dreg:$0x5] =	wrdreg $0x9  }
0xb3: {  	_ =	task.clear_ibuf [dreg:s8], $0x6FFFF;
	_ =	strace $0x90000046  }
0xb4: {  	s29 =	simm.s32 $0x9;
	_ =	strace $0x80000048  }
0xb5: {  	_ =	swait.ge [sflag:s29], $0x1  }
0xb6: {  	[sflag:s29] =	ssyncadd.s32 $0xFFFFFFFF  }
0xb7: {  	_ =	strace $0x90000048  }
0xb8: {  	_ =	sfence  }
0xb9: {  	s30 =	sld [smem:$0x0];
	_ =	sdelay $0x2  }
0xba: {  	s31 =	sshll.u32 s1, $0xD;
	s1 =	sshrl.u32 s1, $0x2  }
0xbb: {  	s3 =	sand.u32 $0x4000, s31;
	s1 =	sadd.s32 s1, s30  }
0xbc: {  	s0 =	sor.u32 s3, s0;
	s1 =	sshll.u32 s1, $0x11  }
0xbd: {  	s0 =	sor.u32 s1, s0  }
0xbe: {  	s0 =	sadd.s32 $0x8F2B, s0  }
0xbf: {  	[sflag:s0] =	ssyncadd.remote.s32 $0x1  }
0xc0: {  	_ =	sfence.sel $0xFFFF  }
0xc1: {  	[dreg:$0x0] =	wrdreg $0xFFFFFFFF;
	(pc) =	sbr.abs _section_cstart, $3  }
0xc2: {  	[dreg:$0x1] =	wrdreg $0xFFFFFFFF  }
0xc3: {  	_ =	task.clear_ibuf [dreg:s8], $0x2FFFF;
	_ =	strace $0x9FFFFFFF  }
0xc4: {  	(tm) =	ssettm $0x7FFFFFFF  }
0xc5: {  	_ =	shalt  }
tec
execute0_lowered:
.L_overlay_start_1:
0x0: {  	(tag) =	ssettag $0x1  }
0x1: {  	s1 =	rddreg [dreg:$0x0];
	s0 =	srdreg.scid  }
0x2: {  	s12 =	stileid.u32;
	s2 =	rddreg [dreg:$0x1]  }
0x3: {  	s3 =	rddreg [dreg:$0x2];
	s28 =	simm.s32 $0x2;
	s29 =	simm.s32 $0x4  }
0x4: {  	s30 =	simm.s32 $0x9000;
	s31 =	simm.s32 $0x3;
	s0 =	sand.u32 $0x1, s0  }
0x5: {  	s4 =	sshll.u32 s12, $0x1;
	s8 =	sadd.s32 $0x18800, s2;
	s19 =	smul.u32 $0xC000, s12  }
0x6: {  	s20 =	smul.u32 $0x1800, s12;
	s12 =	sshll.u32 s12, $0x7;
	s5 =	sor.u32 s0, s4  }
0x7: {  	s4 =	simm.s32 $0x0;
	s18 =	ssub.s32 $0x2, s0;
	s0 =	sshll.u32 s0, $0xB  }
0x8: {  	s6 =	smul.u32 $0xC00, s5;
	[smem:$0x7FF] =	sst s4;
	s9 =	sshrl.u32 s18, $0x1  }
0x9: {  	s10 =	smul.u32 $0x18000, s5;
	s5 =	sshll.u32 s5, $0xA;
	s12 =	sor.u32 s12, s0  }
0xa: {  	_ =	strace $0x80000047;
	s11 =	ssub.s32 s18, s9;
	s9 =	sshrl.u32 s19, $0x3  }
0xb: {  	s16 =	sor.u32 $0x20, s5;
	s17 =	sor.u32 $0x30, s5;
	s19 =	sadd.s32 $0x600, s3  }
0xc: {  	s7 =	sadd.s32 s6, s2;
	s2 =	sadd.s32 $0x30800, s2;
	s6 =	sadd.s32 s1, s10  }
0xd: {  	s21 =	sadd.s32 s8, s9;
	s8 =	sadd.s32 s8, s20;
	s18 =	smax.u32 s11, $0x1  }
0xe: {  	s20 =	simm.s32 $0x3000;
	s13 =	sadd.s32 $0x600, s6;
	[dreg:$0x5] =	wrdreg s8  }
0xf: {  	s9 =	sadd.s32 s2, s12;
	s22 =	sadd.s32 $0x800, s21;
	[dreg:$0x4] =	wrdreg s13  }
0x10: {  	s24 =	sadd.s32 $0x1000, s21;
	s0 =	sadd.s32 s2, s0;
	[dreg:$0x6] =	wrdreg s22  }
.Ltmp0:
0x11: {  	s26 =	sadd.s32 $0x800, s7;
	[dreg:$0x8] =	wrdreg s24;
	(pc) =	sbr.rel .LBB2_1-.Ltmp0, $4  }
0x12: {  	s21 =	simm.s32 $0x10080;
	s2 =	simm.s32 $0x0;
	[dreg:$0xa] =	wrdreg s0  }
0x13: {  	s23 =	sadd.s32 $0x10, s9;
	s25 =	sadd.s32 $0x20, s9;
	[dreg:$0xb] =	wrdreg s26  }
0x14: {  	s22 =	simm.s32 $0x5;
	s26 =	simm.s32 $0x6000;
	[dreg:$0x7] =	wrdreg s23  }
0x15: {  	v0 =	vimm.f32 $0.0e+00;
	[dreg:$0x9] =	wrdreg s25;
	s23 =	simm.s32 $0xC000;
	s25 =	simm.s32 $0x1  }
.LBB2_22:
0x16: {  	s2 =	sadd.s32 $0x1, s2  }
0x17: {  	_ =	swait.ge [sflag:s31], $0x3000;
	p0 =	sne.s32 s2, s18  }
.Ltmp1:
0x18: {  	[sflag:s31] =	ssyncset.done $0x0;
	(pc) =	sbr.rel @!p0 .LBB2_23-.Ltmp1, $4  }
0x19: {  	[sflag:s31] =	ssyncadd.s32 $0xFFFFD000  }
0x1a: {  	_ =	swait.ge [sflag:s29], $0x3000  }
0x1b: {  	[sflag:s29] =	ssyncset.done $0x0  }
0x1c: {  	[sflag:s29] =	ssyncadd.s32 $0xFFFFD000  }
.LBB2_1:
0x1d: {  	[tilespmem:s4], [sflag:$0x1] =	stream.linear.gather [hbm4b:s6+s4], $0x3000, $0x38;
	[tilespmem:$0x16080] =	vst v63  }
0x1e: {  	s0 =	rddreg [dreg:$0x4]  }
0x1f: {  	[tilespmem:s20], [sflag:$0x2] =	stream.linear.gather [hbm4b:s0+s4], $0x3000, $0x38;
	[tilespmem:$0x16080] =	vst v63  }
0x20: {  	s15 =	rddreg [dreg:$0x5]  }
0x21: {  	[tilespmem:s21], [sflag:$0x5] =	stream.linear.gather [hbm4b:s15+s4], $0x4000, $0x38;
	[tilespmem:$0x16080] =	vst v63  }
0x22: {  	_ =	swait.ge [sflag:s22], $0x4000  }
0x23: {  	[sflag:s22] =	ssyncset.done $0x0  }
0x24: {  	s24 =	simm.s32 $0x0;
	[sflag:s22] =	ssyncadd.s32 $0xFFFFC000  }
0x25: {  	v1 =	vld [tilespmem:s24+$0x10080];
	_ =	sdelay $0x3  }
0x26: {  	v6 =	vimm.f32 $-Inf  }
0x27: {  	s7 =	simm.s32 $0x80;
	v9 =	vmin.f32 v6, v1  }
0x28: {  	v15 =	vld [tilespmem:s7+$0x10080];
	v8 =	vmin.f32 v6, v9  }
0x29: {  	v2 =	vimm.f32 $-Inf;
	v7 =	vmin.f32 v6, v8  }
0x2a: {  	v11 =	vimm.f32 $-Inf;
	v4 =	vimm.f32 $-Inf;
	v5 =	vmin.f32 v6, v7  }
0x2b: {  	v14 =	vimm.f32 $-Inf;
	v13 =	vimm.f32 $-Inf;
	v3 =	vmin.f32 v6, v5  }
0x2c: {  	v12 =	vimm.f32 $-Inf;
	s0 =	simm.s32 $0x400;
	v10 =	vmax.f32 v6, v1;
	v1 =	vmin.f32 v6, v3  }
.LBB2_2:
0x2d: {  	s7 =	sshra.s32 s0, $0x2;
	p0 =	sne.s32 s0, $0xFE00;
	s0 =	sadd.s32 $0x200, s0;
	v6 =	vmax.f32 v6, v9;
	v9 =	vmin.f32 v10, v15;
	v16 =	vmin.f32 v2, v1;
	v17 =	vmovc v15  }
.Ltmp2:
0x2e: {  	v11 =	vmax.f32 v11, v8;
	v15 =	vld [tilespmem:s7+$0x10080];
	v8 =	vmin.f32 v6, v9;
	v4 =	vmax.f32 v4, v16;
	(pc) =	sbr.rel @p0 .LBB2_2-.Ltmp2, $4  }
0x2f: {  	v14 =	vmax.f32 v14, v7;
	v7 =	vmin.f32 v11, v8  }
0x30: {  	v13 =	vmax.f32 v13, v5;
	v5 =	vmin.f32 v14, v7  }
0x31: {  	v12 =	vmax.f32 v12, v3;
	v3 =	vmin.f32 v13, v5  }
0x32: {  	v2 =	vmax.f32 v2, v1;
	v10 =	vmax.f32 v10, v17;
	v1 =	vmin.f32 v12, v3  }
0x33: {  	v10 =	vmin.f32 v10, v15;
	v6 =	vmax.f32 v6, v9  }
0x34: {  	v8 =	vmax.f32 v11, v8;
	v6 =	vmin.f32 v6, v10  }
0x35: {  	v7 =	vmax.f32 v14, v7;
	v6 =	vmin.f32 v8, v6  }
0x36: {  	v5 =	vmax.f32 v13, v5;
	v6 =	vmin.f32 v7, v6  }
0x37: {  	v3 =	vmax.f32 v12, v3;
	v5 =	vmin.f32 v5, v6  }
0x38: {  	v6 =	vmin.f32 v2, v1;
	v1 =	vmax.f32 v2, v1;
	v3 =	vmin.f32 v3, v5  }
0x39: {  	v2 =	vmax.f32 v4, v6;
	v1 =	vmin.f32 v1, v3  }
0x3a: {  	v1 =	vmax.f32 v2, v1  }
0x3b: {  	s0 =	simm.s32 $0x0;
	[tilespmem:$0xC000] =	vst v1  }
0x3c: {  	[hbm4b:s9+s0] =	stream.linear.scatter [tilespmem:s23], [sflag:$0x5], $0x80, $0x38;
	[tilespmem:$0x16080] =	vst v63  }
0x3d: {  	_ =	swait.ge [sflag:s22], $0x80  }
0x3e: {  	[sflag:s22] =	ssyncset.done $0x0  }
0x3f: {  	s7 =	rddreg [dreg:$0x6];
	[sflag:s22] =	ssyncadd.s32 $0xFFFFFF80  }
0x40: {  	[tilespmem:s21], [sflag:$0x5] =	stream.linear.gather [hbm4b:s7+s0], $0x4000, $0x38;
	[tilespmem:$0x16080] =	vst v63  }
0x41: {  	_ =	swait.ge [sflag:s22], $0x4000  }
0x42: {  	[sflag:s22] =	ssyncset.done $0x0  }
0x43: {  	s15 =	simm.s32 $0x0;
	[sflag:s22] =	ssyncadd.s32 $0xFFFFC000  }
0x44: {  	v1 =	vld [tilespmem:s15+$0x10080];
	_ =	sdelay $0x3  }
0x45: {  	v6 =	vimm.f32 $-Inf  }
0x46: {  	s24 =	simm.s32 $0x80;
	v9 =	vmin.f32 v6, v1  }
0x47: {  	v15 =	vld [tilespmem:s24+$0x10080];
	v8 =	vmin.f32 v6, v9  }
0x48: {  	v11 =	vimm.f32 $-Inf;
	v7 =	vmin.f32 v6, v8  }
0x49: {  	v14 =	vimm.f32 $-Inf;
	v13 =	vimm.f32 $-Inf;
	v5 =	vmin.f32 v6, v7  }
0x4a: {  	v12 =	vimm.f32 $-Inf;
	v4 =	vimm.f32 $-Inf;
	v3 =	vmin.f32 v6, v5  }
0x4b: {  	v2 =	vimm.f32 $-Inf;
	s0 =	simm.s32 $0x400;
	v10 =	vmax.f32 v6, v1;
	v1 =	vmin.f32 v6, v3  }
.LBB2_4:
0x4c: {  	s7 =	sshra.s32 s0, $0x2;
	p0 =	sne.s32 s0, $0xFE00;
	s0 =	sadd.s32 $0x200, s0;
	v6 =	vmax.f32 v6, v9;
	v9 =	vmin.f32 v10, v15;
	v16 =	vmin.f32 v2, v1;
	v17 =	vmovc v15  }
.Ltmp3:
0x4d: {  	v11 =	vmax.f32 v11, v8;
	v15 =	vld [tilespmem:s7+$0x10080];
	v8 =	vmin.f32 v6, v9;
	v4 =	vmax.f32 v4, v16;
	(pc) =	sbr.rel @p0 .LBB2_4-.Ltmp3, $4  }
0x4e: {  	v14 =	vmax.f32 v14, v7;
	v7 =	vmin.f32 v11, v8  }
0x4f: {  	v13 =	vmax.f32 v13, v5;
	v5 =	vmin.f32 v14, v7  }
0x50: {  	v12 =	vmax.f32 v12, v3;
	v3 =	vmin.f32 v13, v5  }
0x51: {  	v2 =	vmax.f32 v2, v1;
	v10 =	vmax.f32 v10, v17;
	v1 =	vmin.f32 v12, v3  }
0x52: {  	v10 =	vmin.f32 v10, v15;
	v6 =	vmax.f32 v6, v9  }
0x53: {  	v8 =	vmax.f32 v11, v8;
	v6 =	vmin.f32 v6, v10  }
0x54: {  	v7 =	vmax.f32 v14, v7;
	v6 =	vmin.f32 v8, v6  }
0x55: {  	v5 =	vmax.f32 v13, v5;
	v6 =	vmin.f32 v7, v6  }
0x56: {  	v3 =	vmax.f32 v12, v3;
	v5 =	vmin.f32 v5, v6  }
0x57: {  	v6 =	vmin.f32 v2, v1;
	v1 =	vmax.f32 v2, v1;
	v3 =	vmin.f32 v3, v5  }
0x58: {  	v2 =	vmax.f32 v4, v6;
	v1 =	vmin.f32 v1, v3  }
0x59: {  	v1 =	vmax.f32 v2, v1  }
0x5a: {  	s0 =	simm.s32 $0x0;
	s7 =	rddreg [dreg:$0x7];
	[tilespmem:$0xC000] =	vst v1  }
0x5b: {  	[hbm4b:s7+s0] =	stream.linear.scatter [tilespmem:s23], [sflag:$0x5], $0x80, $0x38;
	[tilespmem:$0x16080] =	vst v63  }
0x5c: {  	_ =	swait.ge [sflag:s22], $0x80  }
0x5d: {  	[sflag:s22] =	ssyncset.done $0x0  }
0x5e: {  	s14 =	rddreg [dreg:$0x8];
	[sflag:s22] =	ssyncadd.s32 $0xFFFFFF80  }
0x5f: {  	[tilespmem:s21], [sflag:$0x5] =	stream.linear.gather [hbm4b:s14+s0], $0x4000, $0x38;
	[tilespmem:$0x16080] =	vst v63  }
0x60: {  	_ =	swait.ge [sflag:s22], $0x4000  }
0x61: {  	[sflag:s22] =	ssyncset.done $0x0  }
0x62: {  	s15 =	simm.s32 $0x0;
	[sflag:s22] =	ssyncadd.s32 $0xFFFFC000  }
0x63: {  	v1 =	vld [tilespmem:s15+$0x10080];
	_ =	sdelay $0x3  }
0x64: {  	v6 =	vimm.f32 $-Inf  }
0x65: {  	s24 =	simm.s32 $0x80;
	v9 =	vmin.f32 v6, v1  }
0x66: {  	v15 =	vld [tilespmem:s24+$0x10080];
	v8 =	vmin.f32 v6, v9  }
0x67: {  	v11 =	vimm.f32 $-Inf;
	v7 =	vmin.f32 v6, v8  }
0x68: {  	v14 =	vimm.f32 $-Inf;
	v13 =	vimm.f32 $-Inf;
	v5 =	vmin.f32 v6, v7  }
0x69: {  	v12 =	vimm.f32 $-Inf;
	v4 =	vimm.f32 $-Inf;
	v3 =	vmin.f32 v6, v5  }
0x6a: {  	v2 =	vimm.f32 $-Inf;
	s0 =	simm.s32 $0x400;
	v10 =	vmax.f32 v6, v1;
	v1 =	vmin.f32 v6, v3  }
.LBB2_6:
0x6b: {  	s7 =	sshra.s32 s0, $0x2;
	p0 =	sne.s32 s0, $0xFE00;
	s0 =	sadd.s32 $0x200, s0;
	v6 =	vmax.f32 v6, v9;
	v9 =	vmin.f32 v10, v15;
	v16 =	vmin.f32 v2, v1;
	v17 =	vmovc v15  }
.Ltmp4:
0x6c: {  	v11 =	vmax.f32 v11, v8;
	v15 =	vld [tilespmem:s7+$0x10080];
	v8 =	vmin.f32 v6, v9;
	v4 =	vmax.f32 v4, v16;
	(pc) =	sbr.rel @p0 .LBB2_6-.Ltmp4, $4  }
0x6d: {  	v14 =	vmax.f32 v14, v7;
	v7 =	vmin.f32 v11, v8  }
0x6e: {  	v13 =	vmax.f32 v13, v5;
	v5 =	vmin.f32 v14, v7  }
0x6f: {  	v12 =	vmax.f32 v12, v3;
	v3 =	vmin.f32 v13, v5  }
0x70: {  	v2 =	vmax.f32 v2, v1;
	v10 =	vmax.f32 v10, v17;
	v1 =	vmin.f32 v12, v3  }
0x71: {  	v10 =	vmin.f32 v10, v15;
	v6 =	vmax.f32 v6, v9  }
0x72: {  	v8 =	vmax.f32 v11, v8;
	v6 =	vmin.f32 v6, v10  }
0x73: {  	v7 =	vmax.f32 v14, v7;
	v6 =	vmin.f32 v8, v6  }
0x74: {  	v5 =	vmax.f32 v13, v5;
	v6 =	vmin.f32 v7, v6  }
0x75: {  	v3 =	vmax.f32 v12, v3;
	v5 =	vmin.f32 v5, v6  }
0x76: {  	v63 =	vmin.f32 v2, v1;
	v1 =	vmax.f32 v2, v1;
	v3 =	vmin.f32 v3, v5  }
0x77: {  	v2 =	vmax.f32 v4, v63;
	v1 =	vmin.f32 v1, v3  }
0x78: {  	v1 =	vmax.f32 v2, v1  }
0x79: {  	s0 =	simm.s32 $0x0;
	s7 =	rddreg [dreg:$0x9];
	[tilespmem:$0xC000] =	vst v1  }
0x7a: {  	[hbm4b:s7+s0] =	stream.linear.scatter [tilespmem:s23], [sflag:$0x5], $0x80, $0x38;
	[tilespmem:$0x16080] =	vst v63  }
0x7b: {  	_ =	swait.ge [sflag:s22], $0x80  }
0x7c: {  	[sflag:s22] =	ssyncset.done $0x0  }
0x7d: {  	[sflag:s22] =	ssyncadd.s32 $0xFFFFFF80  }
0x7e: {  	[bflag:$0x0] =	sbarrier.arrive $0xFFFF  }
0x7f: {  	s8 =	simm.s32 $0xC080;
	s15 =	rddreg [dreg:$0xa]  }
0x80: {  	[tilespmem:s8], [sflag:$0x5] =	stream.linear.gather [hbm4b:s15+s0], $0x4000, $0x38;
	[tilespmem:$0x16080] =	vst v63  }
0x81: {  	_ =	swait.ge [sflag:s22], $0x4000  }
0x82: {  	[sflag:s22] =	ssyncset.done $0x0  }
0x83: {  	s24 =	rddreg [dreg:$0xb];
	[sflag:s22] =	ssyncadd.s32 $0xFFFFC000  }
0x84: {  	[tilespmem:s21], [sflag:$0x5] =	stream.linear.gather [hbm4b:s24+s0], $0x6000, $0x38;
	[tilespmem:$0x16080] =	vst v63  }
0x85: {  	_ =	swait.ge [sflag:s22], $0x6000  }
0x86: {  	[sflag:s22] =	ssyncset.done $0x0  }
0x87: {  	s24 =	simm.s32 $0x0;
	[sflag:s22] =	ssyncadd.s32 $0xFFFFA000  }
.LBB2_8:
0x88: {  	_ =	swait.ge [sflag:s25], $0x3000  }
0x89: {  	p0 =	seq.s32 s24, $0x0;
	[sflag:s25] =	ssyncset.done $0x0  }
0x8a: {  	s8 =	sshrl.u32 s24, $0x3;
	s7 =	simm.s32 @!p0 $0x3;
	[sflag:s25] =	ssyncadd.s32 $0xFFFFD000  }
0x8b: {  	s8 =	smul.u32 $0x6000, s8;
	_ =	swait.ge @!p0 [sflag:s7], $0x3000  }
0x8c: {  	[sflag:s7] =	ssyncset.done @!p0 $0x0  }
0x8d: {  	s8 =	sshra.s32 s8, $0x2;
	[sflag:s7] =	ssyncadd.s32 @!p0 $0xFFFFD000  }
0x8e: {  	v1 =	vld [tilespmem:s8+$0x10080]  }
0x8f: {  	v2 =	vld [tilespmem:$0xC080]  }
0x90: {  	v3 =	vld [tilespmem:s8+$0x10100]  }
0x91: {  	v4 =	vld [tilespmem:$0xC100]  }
0x92: {  	v5 =	vld [tilespmem:s8+$0x10180]  }
0x93: {  	v6 =	vld [tilespmem:$0xC180]  }
0x94: {  	v7 =	vld [tilespmem:s8+$0x10200]  }
0x95: {  	v8 =	vld [tilespmem:$0xC480]  }
0x96: {  	v9 =	vld [tilespmem:s8+$0x10280]  }
0x97: {  	v10 =	vld [tilespmem:$0xC500]  }
0x98: {  	v11 =	vld [tilespmem:s8+$0x10300]  }
0x99: {  	v12 =	vld [tilespmem:$0xC580]  }
0x9a: {  	v13 =	vld [tilespmem:s8+$0x10380]  }
0x9b: {  	v14 =	vld [tilespmem:$0xC880]  }
0x9c: {  	v15 =	vld [tilespmem:s8+$0x10400]  }
0x9d: {  	v16 =	vld [tilespmem:$0xC900]  }
0x9e: {  	v17 =	vld [tilespmem:s8+$0x10480]  }
0x9f: {  	v18 =	vld [tilespmem:$0xC980]  }
0xa0: {  	v19 =	vld [tilespmem:s8+$0x10500]  }
0xa1: {  	v20 =	vld [tilespmem:$0xCC80]  }
0xa2: {  	v21 =	vld [tilespmem:s8+$0x10580]  }
0xa3: {  	v22 =	vld [tilespmem:$0xCD00]  }
0xa4: {  	v23 =	vld [tilespmem:s8+$0x10600]  }
0xa5: {  	v24 =	vld [tilespmem:$0xCD80]  }
0xa6: {  	v25 =	vld [tilespmem:s8+$0x10680]  }
0xa7: {  	v26 =	vld [tilespmem:$0xD080]  }
0xa8: {  	v27 =	vld [tilespmem:s8+$0x10700]  }
0xa9: {  	v28 =	vld [tilespmem:$0xD100]  }
0xaa: {  	v29 =	vld [tilespmem:s8+$0x10780]  }
0xab: {  	v30 =	vld [tilespmem:$0xD180]  }
0xac: {  	v31 =	vld [tilespmem:s8+$0x10800]  }
0xad: {  	v32 =	vld [tilespmem:$0xD480]  }
0xae: {  	v33 =	vld [tilespmem:s8+$0x10880]  }
0xaf: {  	v34 =	vld [tilespmem:$0xD500]  }
0xb0: {  	v35 =	vld [tilespmem:s8+$0x10900]  }
0xb1: {  	v36 =	vld [tilespmem:$0xD580]  }
0xb2: {  	v37 =	vld [tilespmem:s8+$0x10980]  }
0xb3: {  	v38 =	vld [tilespmem:$0xD880]  }
0xb4: {  	v39 =	vld [tilespmem:s8+$0x10A00]  }
0xb5: {  	v40 =	vld [tilespmem:$0xD900]  }
0xb6: {  	v41 =	vld [tilespmem:s8+$0x10A80]  }
0xb7: {  	v42 =	vld [tilespmem:$0xD980]  }
0xb8: {  	v43 =	vld [tilespmem:s8+$0x10B00]  }
0xb9: {  	v44 =	vld [tilespmem:$0xDC80]  }
0xba: {  	s15 =	simm.s32 $0x0;
	v47 =	vld [tilespmem:s8+$0x10C00]  }
0xbb: {  	s7 =	smul.u32 $0x1800, s15;
	v48 =	vld [tilespmem:$0xDD80]  }
0xbc: {  	s10 =	sand.u32 $0x380, s0;
	v45 =	vld [tilespmem:s8+$0x10B80]  }
0xbd: {  	v46 =	vld [tilespmem:$0xDD00];
	s11 =	sor.u32 s10, s7  }
0xbe: {  	v49 =	vld [tilespmem:s11+$0x870]  }
0xbf: {  	v50 =	vld [tilespmem:s11+$0x0]  }
0xc0: {  	v51 =	vld [tilespmem:s11+$0x10];
	vm0 =	vge.f32 v47, v48  }
0xc1: {  	v52 =	vld [tilespmem:s11+$0x20];
	vm1 =	vge.f32 v1, v2;
	vm6 =	vge.f32 v3, v4;
	vm7 =	vge.f32 v5, v6  }
0xc2: {  	v61 =	vld [tilespmem:s11+$0x30];
	vm8 =	vge.f32 v7, v8;
	vm9 =	vge.f32 v9, v10;
	vm10 =	vge.f32 v11, v12  }
0xc3: {  	v62 =	vld [tilespmem:s11+$0x40];
	vm11 =	vge.f32 v13, v14;
	vm12 =	vge.f32 v15, v16;
	v1 =	vsel vm1, $0x3F800000, v0  }
0xc4: {  	v53 =	vld [tilespmem:s11+$0x50];
	vm13 =	vge.f32 v17, v18;
	v3 =	vsel vm6, $0x3F800000, v0;
	v4 =	vmul.f32 v50, v1  }
0xc5: {  	v59 =	vld [tilespmem:s11+$0x420];
	vm14 =	vge.f32 v19, v20;
	vm15 =	vge.f32 v21, v22;
	v5 =	vmul.f32 v51, v3  }
0xc6: {  	v60 =	vld [tilespmem:s11+$0x430];
	vm4 =	vge.f32 v23, v24;
	vm5 =	vge.f32 v25, v26;
	[tilespmem:s11+$0x6000] =	vst v4;
	v4 =	vsel vm7, $0x3F800000, v0  }
0xc7: {  	v2 =	vsel vm0, $0x3F800000, v0;
	[tilespmem:s11+$0x6010] =	vst v5;
	v5 =	vsel vm8, $0x3F800000, v0;
	v6 =	vmul.f32 v52, v4  }
0xc8: {  	v63 =	vld [tilespmem:s11+$0x60];
	v12 =	vsel vm15, $0x3F800000, v0;
	v14 =	vsel vm4, $0x3F800000, v0;
	v7 =	vmul.f32 v61, v5  }
0xc9: {  	v56 =	vld [tilespmem:s11+$0x70];
	vm6 =	vge.f32 v27, v28;
	v49 =	vmul.f32 v49, v2;
	[tilespmem:s11+$0x6020] =	vst v6;
	v6 =	vsel vm9, $0x3F800000, v0  }
0xca: {  	v18 =	vmul.f32 v59, v12;
	[tilespmem:s11+$0x6030] =	vst v7;
	v7 =	vsel vm10, $0x3F800000, v0;
	v8 =	vmul.f32 v62, v6  }
0xcb: {  	v57 =	vld [tilespmem:s11+$0x400];
	vm15 =	vge.f32 v45, v46;
	v20 =	vmul.f32 v60, v14;
	v9 =	vmul.f32 v53, v7  }
0xcc: {  	v58 =	vld [tilespmem:s11+$0x410];
	vm7 =	vge.f32 v29, v30;
	vm8 =	vge.f32 v31, v32;
	[tilespmem:s11+$0x6040] =	vst v8;
	v8 =	vsel vm11, $0x3F800000, v0  }
0xcd: {  	v16 =	vsel vm7, $0x3F800000, v0;
	[tilespmem:s11+$0x6050] =	vst v9;
	v9 =	vsel vm12, $0x3F800000, v0;
	v10 =	vmul.f32 v63, v8  }
0xce: {  	[tilespmem:s11+$0x6420] =	vst v18;
	v61 =	vld [tilespmem:s11+$0x440];
	v17 =	vsel vm8, $0x3F800000, v0;
	vm9 =	vge.f32 v33, v34;
	v11 =	vmul.f32 v56, v9  }
0xcf: {  	vm10 =	vge.f32 v35, v36;
	v62 =	vld [tilespmem:s11+$0x450];
	v19 =	vsel vm9, $0x3F800000, v0;
	[tilespmem:s11+$0x6060] =	vst v10;
	v10 =	vsel vm13, $0x3F800000, v0  }
0xd0: {  	v18 =	vsel vm10, $0x3F800000, v0;
	v63 =	vld [tilespmem:s11+$0x460];
	[tilespmem:s11+$0x6070] =	vst v11;
	v11 =	vsel vm14, $0x3F800000, v0;
	v13 =	vmul.f32 v57, v10  }
0xd1: {  	v26 =	vld [tilespmem:s11+$0x470];
	[tilespmem:s11+$0x6430] =	vst v20;
	vm11 =	vge.f32 v37, v38;
	vm12 =	vge.f32 v39, v40;
	v15 =	vmul.f32 v58, v11  }
0xd2: {  	v25 =	vld [tilespmem:s11+$0x800];
	v20 =	vsel vm11, $0x3F800000, v0;
	v21 =	vsel vm12, $0x3F800000, v0;
	[tilespmem:s11+$0x6400] =	vst v13;
	v13 =	vsel vm5, $0x3F800000, v0  }
0xd3: {  	v27 =	vld [tilespmem:s11+$0x810];
	vm13 =	vge.f32 v41, v42;
	[tilespmem:s11+$0x6410] =	vst v15;
	v15 =	vsel vm6, $0x3F800000, v0;
	v24 =	vmul.f32 v61, v13  }
0xd4: {  	s14 =	simm.s32 $0x0;
	s7 =	sshll.u32 s24, $0x5;
	v28 =	vld [tilespmem:s11+$0x820];
	[tilespmem:s11+$0x6870] =	vst v49;
	vm14 =	vge.f32 v43, v44;
	v22 =	vsel vm13, $0x3F800000, v0;
	v30 =	vmul.f32 v62, v15  }
0xd5: {  	s13 =	simm.s32 $0x2;
	s12 =	simm.s32 $0x0;
	s10 =	sor.u32 s5, s7;
	v29 =	vld [tilespmem:s11+$0x830];
	v23 =	vsel vm14, $0x3F800000, v0;
	v31 =	vmul.f32 v63, v16;
	[tilespmem:s11+$0x6440] =	vst v24;
	v24 =	vsel vm15, $0x3F800000, v0  }
.LBB2_9:
0xd6: {  	p1 =	sne.s32 s13, $0xF;
	s14 =	smul.u32 $0x1800, s14;
	[tilespmem:s11+$0x6450] =	vst v30;
	v26 =	vmul.f32 v26, v17;
	v30 =	vld [tilespmem:s11+$0x840];
	s12 =	sadd.s32 $0x80, s12  }
0xd7: {  	s15 =	sand.u32 $0x380, s12;
	[tilespmem:s11+$0x6460] =	vst v31;
	v25 =	vmul.f32 v25, v19;
	v31 =	vld [tilespmem:s11+$0x850]  }
0xd8: {  	s14 =	sor.u32 s15, s14;
	[tilespmem:s11+$0x6470] =	vst v26;
	v26 =	vmul.f32 v27, v18;
	v27 =	vld [tilespmem:s11+$0x860]  }
0xd9: {  	v32 =	vld [tilespmem:s14+$0x870];
	[tilespmem:s11+$0x6800] =	vst v25;
	v25 =	vmul.f32 v28, v20  }
0xda: {  	v28 =	vld [tilespmem:s14+$0x0];
	[tilespmem:s11+$0x6810] =	vst v26;
	v26 =	vmul.f32 v29, v21  }
0xdb: {  	v29 =	vld [tilespmem:s14+$0x10];
	[tilespmem:s11+$0x6820] =	vst v25;
	v25 =	vmul.f32 v30, v22  }
0xdc: {  	v30 =	vld [tilespmem:s14+$0x20];
	[tilespmem:s11+$0x6830] =	vst v26;
	v26 =	vmul.f32 v31, v23  }
0xdd: {  	v31 =	vld [tilespmem:s14+$0x30];
	[tilespmem:s11+$0x6840] =	vst v25;
	v25 =	vmul.f32 v27, v24  }
0xde: {  	v27 =	vld [tilespmem:s14+$0x40];
	v32 =	vmul.f32 v32, v2;
	[tilespmem:s11+$0x6850] =	vst v26  }
0xdf: {  	v26 =	vmul.f32 v28, v1;
	v28 =	vld [tilespmem:s14+$0x50];
	[tilespmem:s11+$0x6860] =	vst v25;
	s11 =	smov.u32 s14  }
0xe0: {  	v25 =	vmul.f32 v29, v3;
	v29 =	vld [tilespmem:s11+$0x60];
	[tilespmem:s11+$0x6870] =	vst v32  }
0xe1: {  	[tilespmem:s11+$0x6000] =	vst v26;
	v26 =	vmul.f32 v30, v4;
	v30 =	vld [tilespmem:s11+$0x70]  }
0xe2: {  	[tilespmem:s11+$0x6010] =	vst v25;
	v25 =	vmul.f32 v31, v5;
	v31 =	vld [tilespmem:s11+$0x400]  }
0xe3: {  	[tilespmem:s11+$0x6020] =	vst v26;
	v26 =	vmul.f32 v27, v6;
	v27 =	vld [tilespmem:s11+$0x410]  }
0xe4: {  	[tilespmem:s11+$0x6030] =	vst v25;
	v25 =	vmul.f32 v28, v7;
	v28 =	vld [tilespmem:s11+$0x420]  }
0xe5: {  	[tilespmem:s11+$0x6040] =	vst v26;
	v26 =	vmul.f32 v29, v8;
	v29 =	vld [tilespmem:s11+$0x430]  }
0xe6: {  	[tilespmem:s11+$0x6050] =	vst v25;
	v25 =	vmul.f32 v30, v9;
	v30 =	vld [tilespmem:s11+$0x440]  }
0xe7: {  	[tilespmem:s11+$0x6060] =	vst v26;
	v26 =	vmul.f32 v31, v10;
	v31 =	vld [tilespmem:s11+$0x450]  }
0xe8: {  	[tilespmem:s11+$0x6070] =	vst v25;
	v25 =	vmul.f32 v27, v11;
	v32 =	vld [tilespmem:s11+$0x460]  }
.Ltmp5:
0xe9: {  	[tilespmem:s11+$0x6400] =	vst v26;
	v27 =	vmul.f32 v28, v12;
	v26 =	vld [tilespmem:s11+$0x470];
	(pc) =	sbr.rel @p1 .LBB2_9-.Ltmp5, $4  }
0xea: {  	[tilespmem:s11+$0x6410] =	vst v25;
	v28 =	vmul.f32 v29, v14;
	v25 =	vld [tilespmem:s11+$0x800]  }
0xeb: {  	[tilespmem:s11+$0x6420] =	vst v27;
	v29 =	vmul.f32 v30, v13;
	v27 =	vld [tilespmem:s11+$0x810]  }
0xec: {  	[tilespmem:s11+$0x6430] =	vst v28;
	v30 =	vmul.f32 v31, v15;
	v28 =	vld [tilespmem:s11+$0x820]  }
0xed: {  	s14 =	sshrl.u32 s13, $0x3;
	s13 =	sadd.s32 $0x1, s13;
	[tilespmem:s11+$0x6440] =	vst v29;
	v31 =	vmul.f32 v32, v16;
	v29 =	vld [tilespmem:s11+$0x830]  }
0xee: {  	[tilespmem:s11+$0x6450] =	vst v30;
	v30 =	vld [tilespmem:s11+$0x840];
	v26 =	vmul.f32 v26, v17;
	s13 =	smul.u32 $0x1800, s14;
	s12 =	sadd.s32 $0x80, s12  }
0xef: {  	[tilespmem:s11+$0x6460] =	vst v31;
	v31 =	vld [tilespmem:s11+$0x850];
	s12 =	sand.u32 $0x380, s12;
	v25 =	vmul.f32 v25, v19  }
0xf0: {  	[tilespmem:s11+$0x6470] =	vst v26;
	s12 =	sor.u32 s12, s13;
	v26 =	vld [tilespmem:s11+$0x860];
	v27 =	vmul.f32 v27, v18  }
0xf1: {  	v32 =	vld [tilespmem:s12+$0x870];
	[tilespmem:s11+$0x6800] =	vst v25;
	v28 =	vmul.f32 v28, v20  }
0xf2: {  	v25 =	vld [tilespmem:s12+$0x0];
	[tilespmem:s11+$0x6810] =	vst v27;
	v29 =	vmul.f32 v29, v21  }
0xf3: {  	v27 =	vld [tilespmem:s12+$0x10];
	[tilespmem:s11+$0x6820] =	vst v28;
	v30 =	vmul.f32 v30, v22  }
0xf4: {  	v28 =	vld [tilespmem:s12+$0x20];
	[tilespmem:s11+$0x6830] =	vst v29;
	v31 =	vmul.f32 v31, v23  }
0xf5: {  	v29 =	vld [tilespmem:s12+$0x30];
	[tilespmem:s11+$0x6840] =	vst v30;
	v26 =	vmul.f32 v26, v24  }
0xf6: {  	v30 =	vld [tilespmem:s12+$0x40];
	[tilespmem:s11+$0x6850] =	vst v31;
	v2 =	vmul.f32 v32, v2  }
0xf7: {  	v31 =	vld [tilespmem:s12+$0x50];
	v1 =	vmul.f32 v25, v1;
	[tilespmem:s11+$0x6860] =	vst v26  }
0xf8: {  	v3 =	vmul.f32 v27, v3;
	v25 =	vld [tilespmem:s12+$0x60];
	[tilespmem:s12+$0x6870] =	vst v2  }
0xf9: {  	v2 =	vld [tilespmem:s12+$0x70];
	[tilespmem:s12+$0x6000] =	vst v1;
	v1 =	vmul.f32 v28, v4  }
0xfa: {  	v4 =	vld [tilespmem:s12+$0x400];
	[tilespmem:s12+$0x6010] =	vst v3;
	v3 =	vmul.f32 v29, v5  }
0xfb: {  	v5 =	vld [tilespmem:s12+$0x410];
	[tilespmem:s12+$0x6020] =	vst v1;
	v1 =	vmul.f32 v30, v6  }
0xfc: {  	v6 =	vld [tilespmem:s12+$0x420];
	[tilespmem:s12+$0x6030] =	vst v3;
	v3 =	vmul.f32 v31, v7  }
0xfd: {  	v7 =	vld [tilespmem:s12+$0x430];
	[tilespmem:s12+$0x6040] =	vst v1;
	v1 =	vmul.f32 v25, v8  }
0xfe: {  	v2 =	vmul.f32 v2, v9;
	[tilespmem:s12+$0x6050] =	vst v3;
	v3 =	vld [tilespmem:s12+$0x440]  }
0xff: {  	[tilespmem:s12+$0x6060] =	vst v1;
	v1 =	vmul.f32 v4, v10;
	v4 =	vld [tilespmem:s12+$0x450]  }
0x100: {  	[tilespmem:s12+$0x6070] =	vst v2;
	v2 =	vmul.f32 v5, v11;
	v5 =	vld [tilespmem:s12+$0x460]  }
0x101: {  	[tilespmem:s12+$0x6400] =	vst v1;
	v1 =	vmul.f32 v6, v12;
	v6 =	vld [tilespmem:s12+$0x470]  }
0x102: {  	[tilespmem:s12+$0x6410] =	vst v2;
	v2 =	vmul.f32 v7, v14;
	v7 =	vld [tilespmem:s12+$0x800]  }
0x103: {  	[tilespmem:s12+$0x6420] =	vst v1;
	v1 =	vmul.f32 v3, v13;
	v3 =	vld [tilespmem:s12+$0x810]  }
0x104: {  	[tilespmem:s12+$0x6430] =	vst v2;
	v2 =	vmul.f32 v4, v15;
	v4 =	vld [tilespmem:s12+$0x820]  }
0x105: {  	[tilespmem:s12+$0x6440] =	vst v1;
	v1 =	vmul.f32 v5, v16;
	v5 =	vld [tilespmem:s12+$0x830]  }
0x106: {  	[tilespmem:s12+$0x6450] =	vst v2;
	v2 =	vmul.f32 v6, v17;
	v6 =	vld [tilespmem:s12+$0x840]  }
0x107: {  	[tilespmem:s12+$0x6460] =	vst v1;
	v1 =	vmul.f32 v7, v19;
	v7 =	vld [tilespmem:s12+$0x850]  }
0x108: {  	[tilespmem:s12+$0x6470] =	vst v2;
	v2 =	vmul.f32 v3, v18;
	v3 =	vld [tilespmem:s12+$0x860]  }
0x109: {  	[tilespmem:s12+$0x6800] =	vst v1;
	v1 =	vmul.f32 v4, v20  }
0x10a: {  	[tilespmem:s12+$0x6810] =	vst v2;
	v2 =	vmul.f32 v5, v21  }
0x10b: {  	[tilespmem:s12+$0x6820] =	vst v1;
	v1 =	vmul.f32 v6, v22  }
0x10c: {  	[tilespmem:s12+$0x6830] =	vst v2;
	v2 =	vmul.f32 v7, v23  }
0x10d: {  	[tilespmem:s12+$0x6840] =	vst v1;
	v1 =	vmul.f32 v3, v24  }
0x10e: {  	[tilespmem:s12+$0x6850] =	vst v2  }
0x10f: {  	[tilespmem:s12+$0x6860] =	vst v1  }
0x110: {  	v1 =	vld [tilespmem:s8+$0x10C80]  }
0x111: {  	v2 =	vld [tilespmem:$0xE080]  }
0x112: {  	v3 =	vld [tilespmem:s8+$0x10D00]  }
0x113: {  	v4 =	vld [tilespmem:$0xE100]  }
0x114: {  	v5 =	vld [tilespmem:s8+$0x10D80]  }
0x115: {  	v6 =	vld [tilespmem:$0xE180]  }
0x116: {  	v7 =	vld [tilespmem:s8+$0x10E00]  }
0x117: {  	v8 =	vld [tilespmem:$0xE480]  }
0x118: {  	v9 =	vld [tilespmem:s8+$0x10E80]  }
0x119: {  	v10 =	vld [tilespmem:$0xE500]  }
0x11a: {  	v11 =	vld [tilespmem:s8+$0x10F00]  }
0x11b: {  	v12 =	vld [tilespmem:$0xE580]  }
0x11c: {  	v13 =	vld [tilespmem:s8+$0x10F80]  }
0x11d: {  	v14 =	vld [tilespmem:$0xE880]  }
0x11e: {  	v15 =	vld [tilespmem:s8+$0x11000]  }
0x11f: {  	v16 =	vld [tilespmem:$0xE900]  }
0x120: {  	v17 =	vld [tilespmem:s8+$0x11080]  }
0x121: {  	v18 =	vld [tilespmem:$0xE980]  }
0x122: {  	v19 =	vld [tilespmem:s8+$0x11100]  }
0x123: {  	v20 =	vld [tilespmem:$0xEC80]  }
0x124: {  	v21 =	vld [tilespmem:s8+$0x11180]  }
0x125: {  	v22 =	vld [tilespmem:$0xED00]  }
0x126: {  	v23 =	vld [tilespmem:s8+$0x11200]  }
0x127: {  	v24 =	vld [tilespmem:$0xED80]  }
0x128: {  	v25 =	vld [tilespmem:s8+$0x11280]  }
0x129: {  	v26 =	vld [tilespmem:$0xF080]  }
0x12a: {  	v27 =	vld [tilespmem:s8+$0x11300]  }
0x12b: {  	v28 =	vld [tilespmem:$0xF100]  }
0x12c: {  	v29 =	vld [tilespmem:s8+$0x11380]  }
0x12d: {  	v30 =	vld [tilespmem:$0xF180]  }
0x12e: {  	v31 =	vld [tilespmem:s8+$0x11400]  }
0x12f: {  	v32 =	vld [tilespmem:$0xF480]  }
0x130: {  	v33 =	vld [tilespmem:s8+$0x11480]  }
0x131: {  	v34 =	vld [tilespmem:$0xF500]  }
0x132: {  	v35 =	vld [tilespmem:s8+$0x11500]  }
0x133: {  	v36 =	vld [tilespmem:$0xF580]  }
0x134: {  	v37 =	vld [tilespmem:s8+$0x11580]  }
0x135: {  	v38 =	vld [tilespmem:$0xF880]  }
0x136: {  	v39 =	vld [tilespmem:s8+$0x11600]  }
0x137: {  	v40 =	vld [tilespmem:$0xF900]  }
0x138: {  	v41 =	vld [tilespmem:s8+$0x11680]  }
0x139: {  	v42 =	vld [tilespmem:$0xF980]  }
0x13a: {  	v43 =	vld [tilespmem:s8+$0x11700]  }
0x13b: {  	v44 =	vld [tilespmem:$0xFC80]  }
0x13c: {  	s14 =	simm.s32 $0x0;
	v47 =	vld [tilespmem:s8+$0x11800]  }
0x13d: {  	s11 =	smul.u32 $0x1800, s14;
	s12 =	simm.s32 $0x0;
	v48 =	vld [tilespmem:$0xFD80]  }
0x13e: {  	v45 =	vld [tilespmem:s8+$0x11780];
	s15 =	sand.u32 $0x380, s12  }
0x13f: {  	v46 =	vld [tilespmem:$0xFD00];
	s11 =	sor.u32 s15, s11  }
0x140: {  	v49 =	vld [tilespmem:s11+$0x1470]  }
0x141: {  	v50 =	vld [tilespmem:s11+$0xC00]  }
0x142: {  	v51 =	vld [tilespmem:s11+$0xC10];
	vm0 =	vge.f32 v47, v48  }
0x143: {  	v52 =	vld [tilespmem:s11+$0xC20];
	vm1 =	vge.f32 v1, v2;
	vm6 =	vge.f32 v3, v4;
	vm7 =	vge.f32 v5, v6  }
0x144: {  	v61 =	vld [tilespmem:s11+$0xC30];
	vm8 =	vge.f32 v7, v8;
	vm9 =	vge.f32 v9, v10;
	vm10 =	vge.f32 v11, v12  }
0x145: {  	v62 =	vld [tilespmem:s11+$0xC40];
	vm11 =	vge.f32 v13, v14;
	vm12 =	vge.f32 v15, v16;
	v1 =	vsel vm1, $0x3F800000, v0  }
0x146: {  	v53 =	vld [tilespmem:s11+$0xC50];
	vm13 =	vge.f32 v17, v18;
	v3 =	vsel vm6, $0x3F800000, v0;
	v4 =	vmul.f32 v50, v1  }
0x147: {  	v59 =	vld [tilespmem:s11+$0x1020];
	vm14 =	vge.f32 v19, v20;
	vm15 =	vge.f32 v21, v22;
	v5 =	vmul.f32 v51, v3  }
0x148: {  	v60 =	vld [tilespmem:s11+$0x1030];
	vm4 =	vge.f32 v23, v24;
	vm5 =	vge.f32 v25, v26;
	[tilespmem:s11+$0x6C00] =	vst v4;
	v4 =	vsel vm7, $0x3F800000, v0  }
0x149: {  	v2 =	vsel vm0, $0x3F800000, v0;
	[tilespmem:s11+$0x6C10] =	vst v5;
	v5 =	vsel vm8, $0x3F800000, v0;
	v6 =	vmul.f32 v52, v4  }
0x14a: {  	v63 =	vld [tilespmem:s11+$0xC60];
	v12 =	vsel vm15, $0x3F800000, v0;
	v14 =	vsel vm4, $0x3F800000, v0;
	v7 =	vmul.f32 v61, v5  }
0x14b: {  	v56 =	vld [tilespmem:s11+$0xC70];
	vm6 =	vge.f32 v27, v28;
	v49 =	vmul.f32 v49, v2;
	[tilespmem:s11+$0x6C20] =	vst v6;
	v6 =	vsel vm9, $0x3F800000, v0  }
0x14c: {  	v18 =	vmul.f32 v59, v12;
	[tilespmem:s11+$0x6C30] =	vst v7;
	v7 =	vsel vm10, $0x3F800000, v0;
	v8 =	vmul.f32 v62, v6  }
0x14d: {  	v57 =	vld [tilespmem:s11+$0x1000];
	vm15 =	vge.f32 v45, v46;
	v20 =	vmul.f32 v60, v14;
	v9 =	vmul.f32 v53, v7  }
0x14e: {  	v58 =	vld [tilespmem:s11+$0x1010];
	vm7 =	vge.f32 v29, v30;
	vm8 =	vge.f32 v31, v32;
	[tilespmem:s11+$0x6C40] =	vst v8;
	v8 =	vsel vm11, $0x3F800000, v0  }
0x14f: {  	v16 =	vsel vm7, $0x3F800000, v0;
	[tilespmem:s11+$0x6C50] =	vst v9;
	v9 =	vsel vm12, $0x3F800000, v0;
	v10 =	vmul.f32 v63, v8  }
0x150: {  	[tilespmem:s11+$0x7020] =	vst v18;
	v61 =	vld [tilespmem:s11+$0x1040];
	v17 =	vsel vm8, $0x3F800000, v0;
	vm9 =	vge.f32 v33, v34;
	v11 =	vmul.f32 v56, v9  }
0x151: {  	vm10 =	vge.f32 v35, v36;
	v62 =	vld [tilespmem:s11+$0x1050];
	v19 =	vsel vm9, $0x3F800000, v0;
	[tilespmem:s11+$0x6C60] =	vst v10;
	v10 =	vsel vm13, $0x3F800000, v0  }
0x152: {  	v18 =	vsel vm10, $0x3F800000, v0;
	v63 =	vld [tilespmem:s11+$0x1060];
	[tilespmem:s11+$0x6C70] =	vst v11;
	v11 =	vsel vm14, $0x3F800000, v0;
	v13 =	vmul.f32 v57, v10  }
0x153: {  	v26 =	vld [tilespmem:s11+$0x1070];
	[tilespmem:s11+$0x7030] =	vst v20;
	vm11 =	vge.f32 v37, v38;
	vm12 =	vge.f32 v39, v40;
	v15 =	vmul.f32 v58, v11  }
0x154: {  	v25 =	vld [tilespmem:s11+$0x1400];
	v20 =	vsel vm11, $0x3F800000, v0;
	v21 =	vsel vm12, $0x3F800000, v0;
	[tilespmem:s11+$0x7000] =	vst v13;
	v13 =	vsel vm5, $0x3F800000, v0  }
0x155: {  	v27 =	vld [tilespmem:s11+$0x1410];
	vm13 =	vge.f32 v41, v42;
	[tilespmem:s11+$0x7010] =	vst v15;
	v15 =	vsel vm6, $0x3F800000, v0;
	v23 =	vmul.f32 v61, v13  }
0x156: {  	v28 =	vld [tilespmem:s11+$0x1420];
	[tilespmem:s11+$0x7470] =	vst v49;
	vm14 =	vge.f32 v43, v44;
	v24 =	vsel vm13, $0x3F800000, v0;
	v30 =	vmul.f32 v62, v15  }
0x157: {  	s13 =	simm.s32 $0x2;
	s14 =	simm.s32 $0x0;
	v29 =	vld [tilespmem:s11+$0x1430];
	v22 =	vsel vm14, $0x3F800000, v0;
	v31 =	vmul.f32 v63, v16;
	[tilespmem:s11+$0x7040] =	vst v23;
	v23 =	vsel vm15, $0x3F800000, v0  }
.LBB2_11:
0x158: {  	p1 =	sne.s32 s13, $0xF;
	s14 =	smul.u32 $0x1800, s14;
	[tilespmem:s11+$0x7050] =	vst v30;
	v26 =	vmul.f32 v26, v17;
	v30 =	vld [tilespmem:s11+$0x1440];
	s12 =	sadd.s32 $0x80, s12  }
0x159: {  	s15 =	sand.u32 $0x380, s12;
	[tilespmem:s11+$0x7060] =	vst v31;
	v25 =	vmul.f32 v25, v19;
	v31 =	vld [tilespmem:s11+$0x1450]  }
0x15a: {  	s14 =	sor.u32 s15, s14;
	[tilespmem:s11+$0x7070] =	vst v26;
	v26 =	vmul.f32 v27, v18;
	v27 =	vld [tilespmem:s11+$0x1460]  }
0x15b: {  	v32 =	vld [tilespmem:s14+$0x1470];
	[tilespmem:s11+$0x7400] =	vst v25;
	v25 =	vmul.f32 v28, v20  }
0x15c: {  	v28 =	vld [tilespmem:s14+$0xC00];
	[tilespmem:s11+$0x7410] =	vst v26;
	v26 =	vmul.f32 v29, v21  }
0x15d: {  	v29 =	vld [tilespmem:s14+$0xC10];
	[tilespmem:s11+$0x7420] =	vst v25;
	v25 =	vmul.f32 v30, v24  }
0x15e: {  	v30 =	vld [tilespmem:s14+$0xC20];
	[tilespmem:s11+$0x7430] =	vst v26;
	v26 =	vmul.f32 v31, v22  }
0x15f: {  	v31 =	vld [tilespmem:s14+$0xC30];
	[tilespmem:s11+$0x7440] =	vst v25;
	v25 =	vmul.f32 v27, v23  }
0x160: {  	v27 =	vld [tilespmem:s14+$0xC40];
	v32 =	vmul.f32 v32, v2;
	[tilespmem:s11+$0x7450] =	vst v26  }
0x161: {  	v26 =	vmul.f32 v28, v1;
	v28 =	vld [tilespmem:s14+$0xC50];
	[tilespmem:s11+$0x7460] =	vst v25;
	s11 =	smov.u32 s14  }
0x162: {  	v25 =	vmul.f32 v29, v3;
	v29 =	vld [tilespmem:s11+$0xC60];
	[tilespmem:s11+$0x7470] =	vst v32  }
0x163: {  	[tilespmem:s11+$0x6C00] =	vst v26;
	v26 =	vmul.f32 v30, v4;
	v30 =	vld [tilespmem:s11+$0xC70]  }
0x164: {  	[tilespmem:s11+$0x6C10] =	vst v25;
	v25 =	vmul.f32 v31, v5;
	v31 =	vld [tilespmem:s11+$0x1000]  }
0x165: {  	[tilespmem:s11+$0x6C20] =	vst v26;
	v26 =	vmul.f32 v27, v6;
	v27 =	vld [tilespmem:s11+$0x1010]  }
0x166: {  	[tilespmem:s11+$0x6C30] =	vst v25;
	v25 =	vmul.f32 v28, v7;
	v28 =	vld [tilespmem:s11+$0x1020]  }
0x167: {  	[tilespmem:s11+$0x6C40] =	vst v26;
	v26 =	vmul.f32 v29, v8;
	v29 =	vld [tilespmem:s11+$0x1030]  }
0x168: {  	[tilespmem:s11+$0x6C50] =	vst v25;
	v25 =	vmul.f32 v30, v9;
	v30 =	vld [tilespmem:s11+$0x1040]  }
0x169: {  	[tilespmem:s11+$0x6C60] =	vst v26;
	v26 =	vmul.f32 v31, v10;
	v31 =	vld [tilespmem:s11+$0x1050]  }
0x16a: {  	[tilespmem:s11+$0x6C70] =	vst v25;
	v25 =	vmul.f32 v27, v11;
	v32 =	vld [tilespmem:s11+$0x1060]  }
.Ltmp6:
0x16b: {  	[tilespmem:s11+$0x7000] =	vst v26;
	v27 =	vmul.f32 v28, v12;
	v26 =	vld [tilespmem:s11+$0x1070];
	(pc) =	sbr.rel @p1 .LBB2_11-.Ltmp6, $4  }
0x16c: {  	[tilespmem:s11+$0x7010] =	vst v25;
	v28 =	vmul.f32 v29, v14;
	v25 =	vld [tilespmem:s11+$0x1400]  }
0x16d: {  	[tilespmem:s11+$0x7020] =	vst v27;
	v29 =	vmul.f32 v30, v13;
	v27 =	vld [tilespmem:s11+$0x1410]  }
0x16e: {  	[tilespmem:s11+$0x7030] =	vst v28;
	v30 =	vmul.f32 v31, v15;
	v28 =	vld [tilespmem:s11+$0x1420]  }
0x16f: {  	s14 =	sshrl.u32 s13, $0x3;
	s13 =	sadd.s32 $0x1, s13;
	[tilespmem:s11+$0x7040] =	vst v29;
	v31 =	vmul.f32 v32, v16;
	v29 =	vld [tilespmem:s11+$0x1430]  }
0x170: {  	[tilespmem:s11+$0x7050] =	vst v30;
	v48 =	vld [tilespmem:s11+$0x1440];
	v26 =	vmul.f32 v26, v17;
	s13 =	smul.u32 $0x1800, s14;
	s12 =	sadd.s32 $0x80, s12  }
0x171: {  	v49 =	vld [tilespmem:s11+$0x1450];
	[tilespmem:s11+$0x7060] =	vst v31;
	s12 =	sand.u32 $0x380, s12;
	v25 =	vmul.f32 v25, v19  }
0x172: {  	v50 =	vld [tilespmem:s11+$0x1460];
	[tilespmem:s11+$0x7070] =	vst v26;
	s12 =	sor.u32 s12, s13;
	v27 =	vmul.f32 v27, v18  }
0x173: {  	v32 =	vld [tilespmem:s12+$0x1470];
	[tilespmem:s11+$0x7400] =	vst v25;
	v28 =	vmul.f32 v28, v20  }
0x174: {  	v25 =	vld [tilespmem:s12+$0xC00];
	[tilespmem:s11+$0x7410] =	vst v27;
	v29 =	vmul.f32 v29, v21  }
0x175: {  	v27 =	vld [tilespmem:s12+$0xC10];
	[tilespmem:s11+$0x7420] =	vst v28;
	v30 =	vmul.f32 v48, v24  }
0x176: {  	v31 =	vmul.f32 v49, v22;
	v28 =	vld [tilespmem:s12+$0xC20];
	[tilespmem:s11+$0x7430] =	vst v29  }
0x177: {  	v26 =	vmul.f32 v50, v23;
	v29 =	vld [tilespmem:s12+$0xC30];
	[tilespmem:s11+$0x7440] =	vst v30  }
0x178: {  	v30 =	vld [tilespmem:s12+$0xC40];
	[tilespmem:s11+$0x7450] =	vst v31;
	v2 =	vmul.f32 v32, v2  }
0x179: {  	v31 =	vld [tilespmem:s12+$0xC50];
	v1 =	vmul.f32 v25, v1;
	[tilespmem:s11+$0x7460] =	vst v26  }
0x17a: {  	v3 =	vmul.f32 v27, v3;
	v51 =	vld [tilespmem:s12+$0xC60];
	[tilespmem:s12+$0x7470] =	vst v2  }
0x17b: {  	v2 =	vld [tilespmem:s12+$0xC70];
	[tilespmem:s12+$0x6C00] =	vst v1;
	v1 =	vmul.f32 v28, v4  }
0x17c: {  	v52 =	vld [tilespmem:s12+$0x1000];
	[tilespmem:s12+$0x6C10] =	vst v3;
	v3 =	vmul.f32 v29, v5  }
0x17d: {  	v53 =	vld [tilespmem:s12+$0x1010];
	[tilespmem:s12+$0x6C20] =	vst v1;
	v1 =	vmul.f32 v30, v6  }
0x17e: {  	v54 =	vld [tilespmem:s12+$0x1020];
	[tilespmem:s12+$0x6C30] =	vst v3;
	v3 =	vmul.f32 v31, v7  }
0x17f: {  	v55 =	vld [tilespmem:s12+$0x1030];
	[tilespmem:s12+$0x6C40] =	vst v1;
	v1 =	vmul.f32 v51, v8  }
0x180: {  	v2 =	vmul.f32 v2, v9;
	[tilespmem:s12+$0x6C50] =	vst v3;
	v3 =	vld [tilespmem:s12+$0x1040]  }
0x181: {  	v56 =	vld [tilespmem:s12+$0x1050];
	[tilespmem:s12+$0x6C60] =	vst v1;
	v1 =	vmul.f32 v52, v10  }
0x182: {  	v57 =	vld [tilespmem:s12+$0x1060];
	[tilespmem:s12+$0x6C70] =	vst v2;
	v2 =	vmul.f32 v53, v11  }
0x183: {  	v58 =	vld [tilespmem:s12+$0x1070];
	[tilespmem:s12+$0x7000] =	vst v1;
	v1 =	vmul.f32 v54, v12  }
0x184: {  	v59 =	vld [tilespmem:s12+$0x1400];
	[tilespmem:s12+$0x7010] =	vst v2;
	v2 =	vmul.f32 v55, v14  }
0x185: {  	[tilespmem:s12+$0x7020] =	vst v1;
	v1 =	vmul.f32 v3, v13;
	v3 =	vld [tilespmem:s12+$0x1410]  }
0x186: {  	v60 =	vld [tilespmem:s12+$0x1420];
	[tilespmem:s12+$0x7030] =	vst v2;
	v2 =	vmul.f32 v56, v15  }
0x187: {  	v61 =	vld [tilespmem:s12+$0x1430];
	[tilespmem:s12+$0x7040] =	vst v1;
	v1 =	vmul.f32 v57, v16  }
0x188: {  	v62 =	vld [tilespmem:s12+$0x1440];
	[tilespmem:s12+$0x7050] =	vst v2;
	v2 =	vmul.f32 v58, v17  }
0x189: {  	v63 =	vld [tilespmem:s12+$0x1450];
	[tilespmem:s12+$0x7060] =	vst v1;
	v1 =	vmul.f32 v59, v19  }
0x18a: {  	[tilespmem:s12+$0x7070] =	vst v2;
	v2 =	vmul.f32 v3, v18;
	v3 =	vld [tilespmem:s12+$0x1460]  }
0x18b: {  	[tilespmem:s12+$0x7400] =	vst v1;
	v1 =	vmul.f32 v60, v20  }
0x18c: {  	[tilespmem:s12+$0x7410] =	vst v2;
	v2 =	vmul.f32 v61, v21  }
0x18d: {  	p1 =	sne.s32 s24, $0x1F;
	[tilespmem:s12+$0x7420] =	vst v1;
	v1 =	vmul.f32 v62, v24  }
.Ltmp7:
0x18e: {  	s10 =	sshrl.u32 s10, $0x3;
	[tilespmem:s12+$0x7430] =	vst v2;
	v2 =	vmul.f32 v63, v22;
	(pc) =	sbr.rel @p1 .LBB2_14-.Ltmp7, $4  }
0x18f: {  	s10 =	smul.u32 $0x300, s10;
	[tilespmem:s12+$0x7440] =	vst v1;
	v1 =	vmul.f32 v3, v23  }
0x190: {  	[tilespmem:s12+$0x7450] =	vst v2  }
0x191: {  	s15 =	sadd.s32 s3, s10;
	[tilespmem:s12+$0x7460] =	vst v1  }
0x192: {  	[hbm4b:s15+s4] =	stream.linear.scatter [tilespmem:s26], [sflag:$0x3], $0x3000, $0x38;
	[tilespmem:$0x16080] =	vst v63  }
.Ltmp8:
0x193: {  	(pc) =	sbr.rel .LBB2_15-.Ltmp8, $4  }
0x194: {  	_ = 	snop  }
0x195: {  	_ =	swait.ge [sflag:s28], $0x3000  }
0x196: {  	[sflag:s28] =	ssyncset.done $0x0  }
0x197: {  	[sflag:s28] =	ssyncadd.s32 $0xFFFFD000  }
.LBB2_14:
0x198: {  	s11 =	sadd.s32 s7, s16  }
0x199: {  	s11 =	sshrl.u32 s11, $0x3  }
0x19a: {  	s11 =	smul.u32 $0x300, s11;
	_ =	sdelay $0x1  }
.Ltmp9:
0x19b: {  	s11 =	sadd.s32 s1, s11;
	(pc) =	sbr.rel @p0 .LBB2_16-.Ltmp9, $4  }
0x19c: {  	[tilespmem:s4], [sflag:$0x1] =	stream.linear.gather [hbm4b:s11+s4], $0x3000, $0x38;
	[tilespmem:$0x16080] =	vst v63  }
0x19d: {  	_ =	swait.ge [sflag:s28], $0x3000  }
0x19e: {  	[sflag:s28] =	ssyncset.done $0x0  }
0x19f: {  	[sflag:s28] =	ssyncadd.s32 $0xFFFFD000  }
.LBB2_15:
0x1a0: {  	_ =	swait.ge [sflag:s29], $0x3000  }
0x1a1: {  	[sflag:s29] =	ssyncset.done $0x0  }
0x1a2: {  	[sflag:s29] =	ssyncadd.s32 $0xFFFFD000  }
.LBB2_16:
0x1a3: {  	v1 =	vld [tilespmem:s8+$0x10080]  }
0x1a4: {  	v2 =	vld [tilespmem:$0xC080]  }
0x1a5: {  	v3 =	vld [tilespmem:s8+$0x10100]  }
0x1a6: {  	v4 =	vld [tilespmem:$0xC100]  }
0x1a7: {  	v5 =	vld [tilespmem:s8+$0x10180]  }
0x1a8: {  	v6 =	vld [tilespmem:$0xC180]  }
0x1a9: {  	v7 =	vld [tilespmem:s8+$0x10200]  }
0x1aa: {  	v8 =	vld [tilespmem:$0xC480]  }
0x1ab: {  	v9 =	vld [tilespmem:s8+$0x10280]  }
0x1ac: {  	v10 =	vld [tilespmem:$0xC500]  }
0x1ad: {  	v11 =	vld [tilespmem:s8+$0x10300]  }
0x1ae: {  	v12 =	vld [tilespmem:$0xC580]  }
0x1af: {  	v13 =	vld [tilespmem:s8+$0x10380]  }
0x1b0: {  	v14 =	vld [tilespmem:$0xC880]  }
0x1b1: {  	v15 =	vld [tilespmem:s8+$0x10400]  }
0x1b2: {  	v16 =	vld [tilespmem:$0xC900]  }
0x1b3: {  	v17 =	vld [tilespmem:s8+$0x10480]  }
0x1b4: {  	v18 =	vld [tilespmem:$0xC980]  }
0x1b5: {  	v19 =	vld [tilespmem:s8+$0x10500]  }
0x1b6: {  	v20 =	vld [tilespmem:$0xCC80]  }
0x1b7: {  	v21 =	vld [tilespmem:s8+$0x10580]  }
0x1b8: {  	v22 =	vld [tilespmem:$0xCD00]  }
0x1b9: {  	v23 =	vld [tilespmem:s8+$0x10600]  }
0x1ba: {  	v24 =	vld [tilespmem:$0xCD80]  }
0x1bb: {  	v25 =	vld [tilespmem:s8+$0x10680]  }
0x1bc: {  	v26 =	vld [tilespmem:$0xD080]  }
0x1bd: {  	v27 =	vld [tilespmem:s8+$0x10700]  }
0x1be: {  	v28 =	vld [tilespmem:$0xD100]  }
0x1bf: {  	v29 =	vld [tilespmem:s8+$0x10780]  }
0x1c0: {  	v30 =	vld [tilespmem:$0xD180]  }
0x1c1: {  	v31 =	vld [tilespmem:s8+$0x10800]  }
0x1c2: {  	v32 =	vld [tilespmem:$0xD480]  }
0x1c3: {  	v33 =	vld [tilespmem:s8+$0x10880]  }
0x1c4: {  	v34 =	vld [tilespmem:$0xD500]  }
0x1c5: {  	v35 =	vld [tilespmem:s8+$0x10900]  }
0x1c6: {  	v36 =	vld [tilespmem:$0xD580]  }
0x1c7: {  	v37 =	vld [tilespmem:s8+$0x10980]  }
0x1c8: {  	v38 =	vld [tilespmem:$0xD880]  }
0x1c9: {  	v39 =	vld [tilespmem:s8+$0x10A00]  }
0x1ca: {  	v40 =	vld [tilespmem:$0xD900]  }
0x1cb: {  	v41 =	vld [tilespmem:s8+$0x10A80]  }
0x1cc: {  	v42 =	vld [tilespmem:$0xD980]  }
0x1cd: {  	v43 =	vld [tilespmem:s8+$0x10B00]  }
0x1ce: {  	v44 =	vld [tilespmem:$0xDC80]  }
0x1cf: {  	s11 =	simm.s32 $0x0;
	v47 =	vld [tilespmem:s8+$0x10C00]  }
0x1d0: {  	s12 =	simm.s32 $0x0;
	v48 =	vld [tilespmem:$0xDD80];
	s11 =	smul.u32 $0x1800, s11  }
0x1d1: {  	v45 =	vld [tilespmem:s8+$0x10B80];
	s13 =	sand.u32 $0x380, s12  }
0x1d2: {  	v46 =	vld [tilespmem:$0xDD00];
	s11 =	sor.u32 s13, s11  }
0x1d3: {  	v49 =	vld [tilespmem:s11+$0x3870]  }
0x1d4: {  	v50 =	vld [tilespmem:s11+$0x3000]  }
0x1d5: {  	v51 =	vld [tilespmem:s11+$0x3010];
	vm0 =	vge.f32 v47, v48  }
0x1d6: {  	v52 =	vld [tilespmem:s11+$0x3020];
	vm1 =	vge.f32 v1, v2;
	vm6 =	vge.f32 v3, v4;
	vm7 =	vge.f32 v5, v6  }
0x1d7: {  	v61 =	vld [tilespmem:s11+$0x3030];
	vm8 =	vge.f32 v7, v8;
	vm9 =	vge.f32 v9, v10;
	vm10 =	vge.f32 v11, v12  }
0x1d8: {  	v62 =	vld [tilespmem:s11+$0x3040];
	vm11 =	vge.f32 v13, v14;
	vm12 =	vge.f32 v15, v16;
	v1 =	vsel vm1, $0x3F800000, v0  }
0x1d9: {  	v53 =	vld [tilespmem:s11+$0x3050];
	vm13 =	vge.f32 v17, v18;
	v3 =	vsel vm6, $0x3F800000, v0;
	v4 =	vmul.f32 v50, v1  }
0x1da: {  	v59 =	vld [tilespmem:s11+$0x3420];
	vm14 =	vge.f32 v19, v20;
	vm15 =	vge.f32 v21, v22;
	v5 =	vmul.f32 v51, v3  }
0x1db: {  	v60 =	vld [tilespmem:s11+$0x3430];
	vm4 =	vge.f32 v23, v24;
	vm5 =	vge.f32 v25, v26;
	[tilespmem:s11+$0x9000] =	vst v4;
	v4 =	vsel vm7, $0x3F800000, v0  }
0x1dc: {  	v2 =	vsel vm0, $0x3F800000, v0;
	[tilespmem:s11+$0x9010] =	vst v5;
	v5 =	vsel vm8, $0x3F800000, v0;
	v6 =	vmul.f32 v52, v4  }
0x1dd: {  	v63 =	vld [tilespmem:s11+$0x3060];
	v12 =	vsel vm15, $0x3F800000, v0;
	v14 =	vsel vm4, $0x3F800000, v0;
	v7 =	vmul.f32 v61, v5  }
0x1de: {  	v56 =	vld [tilespmem:s11+$0x3070];
	vm6 =	vge.f32 v27, v28;
	v49 =	vmul.f32 v49, v2;
	[tilespmem:s11+$0x9020] =	vst v6;
	v6 =	vsel vm9, $0x3F800000, v0  }
0x1df: {  	v18 =	vmul.f32 v59, v12;
	[tilespmem:s11+$0x9030] =	vst v7;
	v7 =	vsel vm10, $0x3F800000, v0;
	v8 =	vmul.f32 v62, v6  }
0x1e0: {  	v57 =	vld [tilespmem:s11+$0x3400];
	vm15 =	vge.f32 v45, v46;
	v20 =	vmul.f32 v60, v14;
	v9 =	vmul.f32 v53, v7  }
0x1e1: {  	v58 =	vld [tilespmem:s11+$0x3410];
	vm7 =	vge.f32 v29, v30;
	vm8 =	vge.f32 v31, v32;
	[tilespmem:s11+$0x9040] =	vst v8;
	v8 =	vsel vm11, $0x3F800000, v0  }
0x1e2: {  	v16 =	vsel vm7, $0x3F800000, v0;
	[tilespmem:s11+$0x9050] =	vst v9;
	v9 =	vsel vm12, $0x3F800000, v0;
	v10 =	vmul.f32 v63, v8  }
0x1e3: {  	[tilespmem:s11+$0x9420] =	vst v18;
	v61 =	vld [tilespmem:s11+$0x3440];
	v17 =	vsel vm8, $0x3F800000, v0;
	vm9 =	vge.f32 v33, v34;
	v11 =	vmul.f32 v56, v9  }
0x1e4: {  	vm10 =	vge.f32 v35, v36;
	v62 =	vld [tilespmem:s11+$0x3450];
	v19 =	vsel vm9, $0x3F800000, v0;
	[tilespmem:s11+$0x9060] =	vst v10;
	v10 =	vsel vm13, $0x3F800000, v0  }
0x1e5: {  	v18 =	vsel vm10, $0x3F800000, v0;
	v63 =	vld [tilespmem:s11+$0x3460];
	[tilespmem:s11+$0x9070] =	vst v11;
	v11 =	vsel vm14, $0x3F800000, v0;
	v13 =	vmul.f32 v57, v10  }
0x1e6: {  	v26 =	vld [tilespmem:s11+$0x3470];
	[tilespmem:s11+$0x9430] =	vst v20;
	vm11 =	vge.f32 v37, v38;
	vm12 =	vge.f32 v39, v40;
	v15 =	vmul.f32 v58, v11  }
0x1e7: {  	v25 =	vld [tilespmem:s11+$0x3800];
	v20 =	vsel vm11, $0x3F800000, v0;
	v21 =	vsel vm12, $0x3F800000, v0;
	[tilespmem:s11+$0x9400] =	vst v13;
	v13 =	vsel vm5, $0x3F800000, v0  }
0x1e8: {  	v27 =	vld [tilespmem:s11+$0x3810];
	vm13 =	vge.f32 v41, v42;
	[tilespmem:s11+$0x9410] =	vst v15;
	v15 =	vsel vm6, $0x3F800000, v0;
	v24 =	vmul.f32 v61, v13  }
0x1e9: {  	v28 =	vld [tilespmem:s11+$0x3820];
	[tilespmem:s11+$0x9870] =	vst v49;
	vm14 =	vge.f32 v43, v44;
	v23 =	vsel vm13, $0x3F800000, v0;
	v30 =	vmul.f32 v62, v15  }
0x1ea: {  	s14 =	simm.s32 $0x0;
	s13 =	simm.s32 $0x2;
	v29 =	vld [tilespmem:s11+$0x3830];
	v22 =	vsel vm14, $0x3F800000, v0;
	v31 =	vmul.f32 v63, v16;
	[tilespmem:s11+$0x9440] =	vst v24;
	v24 =	vsel vm15, $0x3F800000, v0  }
.LBB2_17:
0x1eb: {  	p0 =	sne.s32 s13, $0xF;
	s14 =	smul.u32 $0x1800, s14;
	[tilespmem:s11+$0x9450] =	vst v30;
	v26 =	vmul.f32 v26, v17;
	v30 =	vld [tilespmem:s11+$0x3840];
	s12 =	sadd.s32 $0x80, s12  }
0x1ec: {  	s15 =	sand.u32 $0x380, s12;
	[tilespmem:s11+$0x9460] =	vst v31;
	v25 =	vmul.f32 v25, v19;
	v31 =	vld [tilespmem:s11+$0x3850]  }
0x1ed: {  	s14 =	sor.u32 s15, s14;
	[tilespmem:s11+$0x9470] =	vst v26;
	v26 =	vmul.f32 v27, v18;
	v27 =	vld [tilespmem:s11+$0x3860]  }
0x1ee: {  	v32 =	vld [tilespmem:s14+$0x3870];
	[tilespmem:s11+$0x9800] =	vst v25;
	v25 =	vmul.f32 v28, v20  }
0x1ef: {  	v28 =	vld [tilespmem:s14+$0x3000];
	[tilespmem:s11+$0x9810] =	vst v26;
	v26 =	vmul.f32 v29, v21  }
0x1f0: {  	v29 =	vld [tilespmem:s14+$0x3010];
	[tilespmem:s11+$0x9820] =	vst v25;
	v25 =	vmul.f32 v30, v23  }
0x1f1: {  	v30 =	vld [tilespmem:s14+$0x3020];
	[tilespmem:s11+$0x9830] =	vst v26;
	v26 =	vmul.f32 v31, v22  }
0x1f2: {  	v31 =	vld [tilespmem:s14+$0x3030];
	[tilespmem:s11+$0x9840] =	vst v25;
	v25 =	vmul.f32 v27, v24  }
0x1f3: {  	v27 =	vld [tilespmem:s14+$0x3040];
	v32 =	vmul.f32 v32, v2;
	[tilespmem:s11+$0x9850] =	vst v26  }
0x1f4: {  	v26 =	vmul.f32 v28, v1;
	v28 =	vld [tilespmem:s14+$0x3050];
	[tilespmem:s11+$0x9860] =	vst v25;
	s11 =	smov.u32 s14  }
0x1f5: {  	v25 =	vmul.f32 v29, v3;
	v29 =	vld [tilespmem:s11+$0x3060];
	[tilespmem:s11+$0x9870] =	vst v32  }
0x1f6: {  	[tilespmem:s11+$0x9000] =	vst v26;
	v26 =	vmul.f32 v30, v4;
	v30 =	vld [tilespmem:s11+$0x3070]  }
0x1f7: {  	[tilespmem:s11+$0x9010] =	vst v25;
	v25 =	vmul.f32 v31, v5;
	v31 =	vld [tilespmem:s11+$0x3400]  }
0x1f8: {  	[tilespmem:s11+$0x9020] =	vst v26;
	v26 =	vmul.f32 v27, v6;
	v27 =	vld [tilespmem:s11+$0x3410]  }
0x1f9: {  	[tilespmem:s11+$0x9030] =	vst v25;
	v25 =	vmul.f32 v28, v7;
	v28 =	vld [tilespmem:s11+$0x3420]  }
0x1fa: {  	[tilespmem:s11+$0x9040] =	vst v26;
	v26 =	vmul.f32 v29, v8;
	v29 =	vld [tilespmem:s11+$0x3430]  }
0x1fb: {  	[tilespmem:s11+$0x9050] =	vst v25;
	v25 =	vmul.f32 v30, v9;
	v30 =	vld [tilespmem:s11+$0x3440]  }
0x1fc: {  	[tilespmem:s11+$0x9060] =	vst v26;
	v26 =	vmul.f32 v31, v10;
	v31 =	vld [tilespmem:s11+$0x3450]  }
0x1fd: {  	[tilespmem:s11+$0x9070] =	vst v25;
	v25 =	vmul.f32 v27, v11;
	v32 =	vld [tilespmem:s11+$0x3460]  }
.Ltmp10:
0x1fe: {  	[tilespmem:s11+$0x9400] =	vst v26;
	v27 =	vmul.f32 v28, v12;
	v26 =	vld [tilespmem:s11+$0x3470];
	(pc) =	sbr.rel @p0 .LBB2_17-.Ltmp10, $4  }
0x1ff: {  	[tilespmem:s11+$0x9410] =	vst v25;
	v28 =	vmul.f32 v29, v14;
	v25 =	vld [tilespmem:s11+$0x3800]  }
0x200: {  	[tilespmem:s11+$0x9420] =	vst v27;
	v29 =	vmul.f32 v30, v13;
	v27 =	vld [tilespmem:s11+$0x3810]  }
0x201: {  	[tilespmem:s11+$0x9430] =	vst v28;
	v30 =	vmul.f32 v31, v15;
	v28 =	vld [tilespmem:s11+$0x3820]  }
0x202: {  	s14 =	sshrl.u32 s13, $0x3;
	s13 =	sadd.s32 $0x1, s13;
	[tilespmem:s11+$0x9440] =	vst v29;
	v31 =	vmul.f32 v32, v16;
	v29 =	vld [tilespmem:s11+$0x3830]  }
0x203: {  	[tilespmem:s11+$0x9450] =	vst v30;
	v30 =	vld [tilespmem:s11+$0x3840];
	v26 =	vmul.f32 v26, v17;
	s13 =	smul.u32 $0x1800, s14;
	s12 =	sadd.s32 $0x80, s12  }
0x204: {  	[tilespmem:s11+$0x9460] =	vst v31;
	v31 =	vld [tilespmem:s11+$0x3850];
	s12 =	sand.u32 $0x380, s12;
	v25 =	vmul.f32 v25, v19  }
0x205: {  	[tilespmem:s11+$0x9470] =	vst v26;
	s12 =	sor.u32 s12, s13;
	v26 =	vld [tilespmem:s11+$0x3860];
	v27 =	vmul.f32 v27, v18  }
0x206: {  	v32 =	vld [tilespmem:s12+$0x3870];
	[tilespmem:s11+$0x9800] =	vst v25;
	v28 =	vmul.f32 v28, v20  }
0x207: {  	v25 =	vld [tilespmem:s12+$0x3000];
	[tilespmem:s11+$0x9810] =	vst v27;
	v29 =	vmul.f32 v29, v21  }
0x208: {  	v27 =	vld [tilespmem:s12+$0x3010];
	[tilespmem:s11+$0x9820] =	vst v28;
	v30 =	vmul.f32 v30, v23  }
0x209: {  	v28 =	vld [tilespmem:s12+$0x3020];
	[tilespmem:s11+$0x9830] =	vst v29;
	v31 =	vmul.f32 v31, v22  }
0x20a: {  	v29 =	vld [tilespmem:s12+$0x3030];
	[tilespmem:s11+$0x9840] =	vst v30;
	v26 =	vmul.f32 v26, v24  }
0x20b: {  	v30 =	vld [tilespmem:s12+$0x3040];
	[tilespmem:s11+$0x9850] =	vst v31;
	v2 =	vmul.f32 v32, v2  }
0x20c: {  	v31 =	vld [tilespmem:s12+$0x3050];
	v1 =	vmul.f32 v25, v1;
	[tilespmem:s11+$0x9860] =	vst v26  }
0x20d: {  	v3 =	vmul.f32 v27, v3;
	v25 =	vld [tilespmem:s12+$0x3060];
	[tilespmem:s12+$0x9870] =	vst v2  }
0x20e: {  	v2 =	vld [tilespmem:s12+$0x3070];
	[tilespmem:s12+$0x9000] =	vst v1;
	v1 =	vmul.f32 v28, v4  }
0x20f: {  	v4 =	vld [tilespmem:s12+$0x3400];
	[tilespmem:s12+$0x9010] =	vst v3;
	v3 =	vmul.f32 v29, v5  }
0x210: {  	v5 =	vld [tilespmem:s12+$0x3410];
	[tilespmem:s12+$0x9020] =	vst v1;
	v1 =	vmul.f32 v30, v6  }
0x211: {  	v6 =	vld [tilespmem:s12+$0x3420];
	[tilespmem:s12+$0x9030] =	vst v3;
	v3 =	vmul.f32 v31, v7  }
0x212: {  	v7 =	vld [tilespmem:s12+$0x3430];
	[tilespmem:s12+$0x9040] =	vst v1;
	v1 =	vmul.f32 v25, v8  }
0x213: {  	v2 =	vmul.f32 v2, v9;
	[tilespmem:s12+$0x9050] =	vst v3;
	v3 =	vld [tilespmem:s12+$0x3440]  }
0x214: {  	[tilespmem:s12+$0x9060] =	vst v1;
	v1 =	vmul.f32 v4, v10;
	v4 =	vld [tilespmem:s12+$0x3450]  }
0x215: {  	[tilespmem:s12+$0x9070] =	vst v2;
	v2 =	vmul.f32 v5, v11;
	v5 =	vld [tilespmem:s12+$0x3460]  }
0x216: {  	[tilespmem:s12+$0x9400] =	vst v1;
	v1 =	vmul.f32 v6, v12;
	v6 =	vld [tilespmem:s12+$0x3470]  }
0x217: {  	[tilespmem:s12+$0x9410] =	vst v2;
	v2 =	vmul.f32 v7, v14;
	v7 =	vld [tilespmem:s12+$0x3800]  }
0x218: {  	[tilespmem:s12+$0x9420] =	vst v1;
	v1 =	vmul.f32 v3, v13;
	v3 =	vld [tilespmem:s12+$0x3810]  }
0x219: {  	[tilespmem:s12+$0x9430] =	vst v2;
	v2 =	vmul.f32 v4, v15;
	v4 =	vld [tilespmem:s12+$0x3820]  }
0x21a: {  	[tilespmem:s12+$0x9440] =	vst v1;
	v1 =	vmul.f32 v5, v16;
	v5 =	vld [tilespmem:s12+$0x3830]  }
0x21b: {  	[tilespmem:s12+$0x9450] =	vst v2;
	v2 =	vmul.f32 v6, v17;
	v6 =	vld [tilespmem:s12+$0x3840]  }
0x21c: {  	[tilespmem:s12+$0x9460] =	vst v1;
	v1 =	vmul.f32 v7, v19;
	v7 =	vld [tilespmem:s12+$0x3850]  }
0x21d: {  	[tilespmem:s12+$0x9470] =	vst v2;
	v2 =	vmul.f32 v3, v18;
	v3 =	vld [tilespmem:s12+$0x3860]  }
0x21e: {  	[tilespmem:s12+$0x9800] =	vst v1;
	v1 =	vmul.f32 v4, v20  }
0x21f: {  	[tilespmem:s12+$0x9810] =	vst v2;
	v2 =	vmul.f32 v5, v21  }
0x220: {  	[tilespmem:s12+$0x9820] =	vst v1;
	v1 =	vmul.f32 v6, v23  }
0x221: {  	[tilespmem:s12+$0x9830] =	vst v2;
	v2 =	vmul.f32 v7, v22  }
0x222: {  	[tilespmem:s12+$0x9840] =	vst v1;
	v1 =	vmul.f32 v3, v24  }
0x223: {  	[tilespmem:s12+$0x9850] =	vst v2  }
0x224: {  	[tilespmem:s12+$0x9860] =	vst v1  }
0x225: {  	v1 =	vld [tilespmem:s8+$0x10C80]  }
0x226: {  	v2 =	vld [tilespmem:$0xE080]  }
0x227: {  	v3 =	vld [tilespmem:s8+$0x10D00]  }
0x228: {  	v4 =	vld [tilespmem:$0xE100]  }
0x229: {  	v5 =	vld [tilespmem:s8+$0x10D80]  }
0x22a: {  	v6 =	vld [tilespmem:$0xE180]  }
0x22b: {  	v7 =	vld [tilespmem:s8+$0x10E00]  }
0x22c: {  	v8 =	vld [tilespmem:$0xE480]  }
0x22d: {  	v9 =	vld [tilespmem:s8+$0x10E80]  }
0x22e: {  	v10 =	vld [tilespmem:$0xE500]  }
0x22f: {  	v11 =	vld [tilespmem:s8+$0x10F00]  }
0x230: {  	v12 =	vld [tilespmem:$0xE580]  }
0x231: {  	v13 =	vld [tilespmem:s8+$0x10F80]  }
0x232: {  	v14 =	vld [tilespmem:$0xE880]  }
0x233: {  	v15 =	vld [tilespmem:s8+$0x11000]  }
0x234: {  	v16 =	vld [tilespmem:$0xE900]  }
0x235: {  	v17 =	vld [tilespmem:s8+$0x11080]  }
0x236: {  	v18 =	vld [tilespmem:$0xE980]  }
0x237: {  	v19 =	vld [tilespmem:s8+$0x11100]  }
0x238: {  	v20 =	vld [tilespmem:$0xEC80]  }
0x239: {  	v21 =	vld [tilespmem:s8+$0x11180]  }
0x23a: {  	v22 =	vld [tilespmem:$0xED00]  }
0x23b: {  	v23 =	vld [tilespmem:s8+$0x11200]  }
0x23c: {  	v24 =	vld [tilespmem:$0xED80]  }
0x23d: {  	v25 =	vld [tilespmem:s8+$0x11280]  }
0x23e: {  	v26 =	vld [tilespmem:$0xF080]  }
0x23f: {  	v27 =	vld [tilespmem:s8+$0x11300]  }
0x240: {  	v28 =	vld [tilespmem:$0xF100]  }
0x241: {  	v29 =	vld [tilespmem:s8+$0x11380]  }
0x242: {  	v30 =	vld [tilespmem:$0xF180]  }
0x243: {  	v31 =	vld [tilespmem:s8+$0x11400]  }
0x244: {  	v32 =	vld [tilespmem:$0xF480]  }
0x245: {  	v33 =	vld [tilespmem:s8+$0x11480]  }
0x246: {  	v34 =	vld [tilespmem:$0xF500]  }
0x247: {  	v35 =	vld [tilespmem:s8+$0x11500]  }
0x248: {  	v36 =	vld [tilespmem:$0xF580]  }
0x249: {  	v37 =	vld [tilespmem:s8+$0x11580]  }
0x24a: {  	v38 =	vld [tilespmem:$0xF880]  }
0x24b: {  	v39 =	vld [tilespmem:s8+$0x11600]  }
0x24c: {  	v40 =	vld [tilespmem:$0xF900]  }
0x24d: {  	v41 =	vld [tilespmem:s8+$0x11680]  }
0x24e: {  	v42 =	vld [tilespmem:$0xF980]  }
0x24f: {  	v43 =	vld [tilespmem:s8+$0x11700]  }
0x250: {  	v44 =	vld [tilespmem:$0xFC80]  }
0x251: {  	s14 =	simm.s32 $0x0;
	v47 =	vld [tilespmem:s8+$0x11800]  }
0x252: {  	s11 =	simm.s32 $0x0;
	s12 =	smul.u32 $0x1800, s14;
	v48 =	vld [tilespmem:$0xFD80]  }
0x253: {  	s15 =	sand.u32 $0x380, s11;
	v45 =	vld [tilespmem:s8+$0x11780]  }
0x254: {  	v46 =	vld [tilespmem:$0xFD00];
	s8 =	sor.u32 s15, s12  }
0x255: {  	v49 =	vld [tilespmem:s8+$0x4470]  }
0x256: {  	v50 =	vld [tilespmem:s8+$0x3C00]  }
0x257: {  	v51 =	vld [tilespmem:s8+$0x3C10];
	vm0 =	vge.f32 v47, v48  }
0x258: {  	v52 =	vld [tilespmem:s8+$0x3C20];
	vm1 =	vge.f32 v1, v2;
	vm6 =	vge.f32 v3, v4;
	vm7 =	vge.f32 v5, v6  }
0x259: {  	v61 =	vld [tilespmem:s8+$0x3C30];
	vm8 =	vge.f32 v7, v8;
	vm9 =	vge.f32 v9, v10;
	vm10 =	vge.f32 v11, v12  }
0x25a: {  	v62 =	vld [tilespmem:s8+$0x3C40];
	vm11 =	vge.f32 v13, v14;
	vm12 =	vge.f32 v15, v16;
	v1 =	vsel vm1, $0x3F800000, v0  }
0x25b: {  	v53 =	vld [tilespmem:s8+$0x3C50];
	vm13 =	vge.f32 v17, v18;
	v3 =	vsel vm6, $0x3F800000, v0;
	v4 =	vmul.f32 v50, v1  }
0x25c: {  	v59 =	vld [tilespmem:s8+$0x4020];
	vm14 =	vge.f32 v19, v20;
	vm15 =	vge.f32 v21, v22;
	v5 =	vmul.f32 v51, v3  }
0x25d: {  	v60 =	vld [tilespmem:s8+$0x4030];
	vm4 =	vge.f32 v23, v24;
	vm5 =	vge.f32 v25, v26;
	[tilespmem:s8+$0x9C00] =	vst v4;
	v4 =	vsel vm7, $0x3F800000, v0  }
0x25e: {  	v2 =	vsel vm0, $0x3F800000, v0;
	[tilespmem:s8+$0x9C10] =	vst v5;
	v5 =	vsel vm8, $0x3F800000, v0;
	v6 =	vmul.f32 v52, v4  }
0x25f: {  	v63 =	vld [tilespmem:s8+$0x3C60];
	v12 =	vsel vm15, $0x3F800000, v0;
	v14 =	vsel vm4, $0x3F800000, v0;
	v7 =	vmul.f32 v61, v5  }
0x260: {  	v56 =	vld [tilespmem:s8+$0x3C70];
	vm6 =	vge.f32 v27, v28;
	v49 =	vmul.f32 v49, v2;
	[tilespmem:s8+$0x9C20] =	vst v6;
	v6 =	vsel vm9, $0x3F800000, v0  }
0x261: {  	v18 =	vmul.f32 v59, v12;
	[tilespmem:s8+$0x9C30] =	vst v7;
	v7 =	vsel vm10, $0x3F800000, v0;
	v8 =	vmul.f32 v62, v6  }
0x262: {  	v57 =	vld [tilespmem:s8+$0x4000];
	vm15 =	vge.f32 v45, v46;
	v20 =	vmul.f32 v60, v14;
	v9 =	vmul.f32 v53, v7  }
0x263: {  	v58 =	vld [tilespmem:s8+$0x4010];
	vm7 =	vge.f32 v29, v30;
	vm8 =	vge.f32 v31, v32;
	[tilespmem:s8+$0x9C40] =	vst v8;
	v8 =	vsel vm11, $0x3F800000, v0  }
0x264: {  	v16 =	vsel vm7, $0x3F800000, v0;
	[tilespmem:s8+$0x9C50] =	vst v9;
	v9 =	vsel vm12, $0x3F800000, v0;
	v10 =	vmul.f32 v63, v8  }
0x265: {  	[tilespmem:s8+$0xA020] =	vst v18;
	v61 =	vld [tilespmem:s8+$0x4040];
	v17 =	vsel vm8, $0x3F800000, v0;
	vm9 =	vge.f32 v33, v34;
	v11 =	vmul.f32 v56, v9  }
0x266: {  	vm10 =	vge.f32 v35, v36;
	v62 =	vld [tilespmem:s8+$0x4050];
	v19 =	vsel vm9, $0x3F800000, v0;
	[tilespmem:s8+$0x9C60] =	vst v10;
	v10 =	vsel vm13, $0x3F800000, v0  }
0x267: {  	v18 =	vsel vm10, $0x3F800000, v0;
	v63 =	vld [tilespmem:s8+$0x4060];
	[tilespmem:s8+$0x9C70] =	vst v11;
	v11 =	vsel vm14, $0x3F800000, v0;
	v13 =	vmul.f32 v57, v10  }
0x268: {  	v26 =	vld [tilespmem:s8+$0x4070];
	[tilespmem:s8+$0xA030] =	vst v20;
	vm11 =	vge.f32 v37, v38;
	vm12 =	vge.f32 v39, v40;
	v15 =	vmul.f32 v58, v11  }
0x269: {  	v25 =	vld [tilespmem:s8+$0x4400];
	v20 =	vsel vm11, $0x3F800000, v0;
	v21 =	vsel vm12, $0x3F800000, v0;
	[tilespmem:s8+$0xA000] =	vst v13;
	v13 =	vsel vm5, $0x3F800000, v0  }
0x26a: {  	v27 =	vld [tilespmem:s8+$0x4410];
	vm13 =	vge.f32 v41, v42;
	[tilespmem:s8+$0xA010] =	vst v15;
	v15 =	vsel vm6, $0x3F800000, v0;
	v24 =	vmul.f32 v61, v13  }
0x26b: {  	v28 =	vld [tilespmem:s8+$0x4420];
	[tilespmem:s8+$0xA470] =	vst v49;
	vm14 =	vge.f32 v43, v44;
	v23 =	vsel vm13, $0x3F800000, v0;
	v30 =	vmul.f32 v62, v15  }
0x26c: {  	s13 =	simm.s32 $0x0;
	s12 =	simm.s32 $0x2;
	v29 =	vld [tilespmem:s8+$0x4430];
	v22 =	vsel vm14, $0x3F800000, v0;
	v31 =	vmul.f32 v63, v16;
	[tilespmem:s8+$0xA040] =	vst v24;
	v24 =	vsel vm15, $0x3F800000, v0  }
.LBB2_19:
0x26d: {  	p0 =	sne.s32 s12, $0xF;
	s13 =	smul.u32 $0x1800, s13;
	[tilespmem:s8+$0xA050] =	vst v30;
	v26 =	vmul.f32 v26, v17;
	v30 =	vld [tilespmem:s8+$0x4440];
	s11 =	sadd.s32 $0x80, s11  }
0x26e: {  	s14 =	sand.u32 $0x380, s11;
	[tilespmem:s8+$0xA060] =	vst v31;
	v25 =	vmul.f32 v25, v19;
	v31 =	vld [tilespmem:s8+$0x4450]  }
0x26f: {  	s13 =	sor.u32 s14, s13;
	[tilespmem:s8+$0xA070] =	vst v26;
	v26 =	vmul.f32 v27, v18;
	v27 =	vld [tilespmem:s8+$0x4460]  }
0x270: {  	v32 =	vld [tilespmem:s13+$0x4470];
	[tilespmem:s8+$0xA400] =	vst v25;
	v25 =	vmul.f32 v28, v20  }
0x271: {  	v28 =	vld [tilespmem:s13+$0x3C00];
	[tilespmem:s8+$0xA410] =	vst v26;
	v26 =	vmul.f32 v29, v21  }
0x272: {  	v29 =	vld [tilespmem:s13+$0x3C10];
	[tilespmem:s8+$0xA420] =	vst v25;
	v25 =	vmul.f32 v30, v23  }
0x273: {  	v30 =	vld [tilespmem:s13+$0x3C20];
	[tilespmem:s8+$0xA430] =	vst v26;
	v26 =	vmul.f32 v31, v22  }
0x274: {  	v31 =	vld [tilespmem:s13+$0x3C30];
	[tilespmem:s8+$0xA440] =	vst v25;
	v25 =	vmul.f32 v27, v24  }
0x275: {  	v27 =	vld [tilespmem:s13+$0x3C40];
	v32 =	vmul.f32 v32, v2;
	[tilespmem:s8+$0xA450] =	vst v26  }
0x276: {  	v26 =	vmul.f32 v28, v1;
	v28 =	vld [tilespmem:s13+$0x3C50];
	[tilespmem:s8+$0xA460] =	vst v25;
	s8 =	smov.u32 s13  }
0x277: {  	v25 =	vmul.f32 v29, v3;
	v29 =	vld [tilespmem:s8+$0x3C60];
	[tilespmem:s8+$0xA470] =	vst v32  }
0x278: {  	[tilespmem:s8+$0x9C00] =	vst v26;
	v26 =	vmul.f32 v30, v4;
	v30 =	vld [tilespmem:s8+$0x3C70]  }
0x279: {  	[tilespmem:s8+$0x9C10] =	vst v25;
	v25 =	vmul.f32 v31, v5;
	v31 =	vld [tilespmem:s8+$0x4000]  }
0x27a: {  	[tilespmem:s8+$0x9C20] =	vst v26;
	v26 =	vmul.f32 v27, v6;
	v27 =	vld [tilespmem:s8+$0x4010]  }
0x27b: {  	[tilespmem:s8+$0x9C30] =	vst v25;
	v25 =	vmul.f32 v28, v7;
	v28 =	vld [tilespmem:s8+$0x4020]  }
0x27c: {  	[tilespmem:s8+$0x9C40] =	vst v26;
	v26 =	vmul.f32 v29, v8;
	v29 =	vld [tilespmem:s8+$0x4030]  }
0x27d: {  	[tilespmem:s8+$0x9C50] =	vst v25;
	v25 =	vmul.f32 v30, v9;
	v30 =	vld [tilespmem:s8+$0x4040]  }
0x27e: {  	[tilespmem:s8+$0x9C60] =	vst v26;
	v26 =	vmul.f32 v31, v10;
	v31 =	vld [tilespmem:s8+$0x4050]  }
0x27f: {  	[tilespmem:s8+$0x9C70] =	vst v25;
	v25 =	vmul.f32 v27, v11;
	v32 =	vld [tilespmem:s8+$0x4060]  }
.Ltmp11:
0x280: {  	[tilespmem:s8+$0xA000] =	vst v26;
	v27 =	vmul.f32 v28, v12;
	v26 =	vld [tilespmem:s8+$0x4070];
	(pc) =	sbr.rel @p0 .LBB2_19-.Ltmp11, $4  }
0x281: {  	[tilespmem:s8+$0xA010] =	vst v25;
	v28 =	vmul.f32 v29, v14;
	v25 =	vld [tilespmem:s8+$0x4400]  }
0x282: {  	[tilespmem:s8+$0xA020] =	vst v27;
	v29 =	vmul.f32 v30, v13;
	v27 =	vld [tilespmem:s8+$0x4410]  }
0x283: {  	[tilespmem:s8+$0xA030] =	vst v28;
	v30 =	vmul.f32 v31, v15;
	v28 =	vld [tilespmem:s8+$0x4420]  }
0x284: {  	s13 =	sshrl.u32 s12, $0x3;
	s12 =	sadd.s32 $0x1, s12;
	[tilespmem:s8+$0xA040] =	vst v29;
	v31 =	vmul.f32 v32, v16;
	v29 =	vld [tilespmem:s8+$0x4430]  }
0x285: {  	[tilespmem:s8+$0xA050] =	vst v30;
	v48 =	vld [tilespmem:s8+$0x4440];
	v26 =	vmul.f32 v26, v17;
	s12 =	smul.u32 $0x1800, s13;
	s11 =	sadd.s32 $0x80, s11  }
0x286: {  	v49 =	vld [tilespmem:s8+$0x4450];
	[tilespmem:s8+$0xA060] =	vst v31;
	s11 =	sand.u32 $0x380, s11;
	v25 =	vmul.f32 v25, v19  }
0x287: {  	v50 =	vld [tilespmem:s8+$0x4460];
	[tilespmem:s8+$0xA070] =	vst v26;
	s11 =	sor.u32 s11, s12;
	v27 =	vmul.f32 v27, v18  }
0x288: {  	v32 =	vld [tilespmem:s11+$0x4470];
	[tilespmem:s8+$0xA400] =	vst v25;
	v28 =	vmul.f32 v28, v20  }
0x289: {  	v25 =	vld [tilespmem:s11+$0x3C00];
	[tilespmem:s8+$0xA410] =	vst v27;
	v29 =	vmul.f32 v29, v21  }
0x28a: {  	v27 =	vld [tilespmem:s11+$0x3C10];
	[tilespmem:s8+$0xA420] =	vst v28;
	v30 =	vmul.f32 v48, v23  }
0x28b: {  	v31 =	vmul.f32 v49, v22;
	v28 =	vld [tilespmem:s11+$0x3C20];
	[tilespmem:s8+$0xA430] =	vst v29  }
0x28c: {  	v26 =	vmul.f32 v50, v24;
	v29 =	vld [tilespmem:s11+$0x3C30];
	[tilespmem:s8+$0xA440] =	vst v30  }
0x28d: {  	v30 =	vld [tilespmem:s11+$0x3C40];
	[tilespmem:s8+$0xA450] =	vst v31;
	v2 =	vmul.f32 v32, v2  }
0x28e: {  	v31 =	vld [tilespmem:s11+$0x3C50];
	v1 =	vmul.f32 v25, v1;
	[tilespmem:s8+$0xA460] =	vst v26  }
0x28f: {  	v3 =	vmul.f32 v27, v3;
	v51 =	vld [tilespmem:s11+$0x3C60];
	[tilespmem:s11+$0xA470] =	vst v2  }
0x290: {  	v2 =	vld [tilespmem:s11+$0x3C70];
	[tilespmem:s11+$0x9C00] =	vst v1;
	v1 =	vmul.f32 v28, v4  }
0x291: {  	v52 =	vld [tilespmem:s11+$0x4000];
	[tilespmem:s11+$0x9C10] =	vst v3;
	v3 =	vmul.f32 v29, v5  }
0x292: {  	v53 =	vld [tilespmem:s11+$0x4010];
	[tilespmem:s11+$0x9C20] =	vst v1;
	v1 =	vmul.f32 v30, v6  }
0x293: {  	v54 =	vld [tilespmem:s11+$0x4020];
	[tilespmem:s11+$0x9C30] =	vst v3;
	v3 =	vmul.f32 v31, v7  }
0x294: {  	v55 =	vld [tilespmem:s11+$0x4030];
	[tilespmem:s11+$0x9C40] =	vst v1;
	v1 =	vmul.f32 v51, v8  }
0x295: {  	v2 =	vmul.f32 v2, v9;
	[tilespmem:s11+$0x9C50] =	vst v3;
	v3 =	vld [tilespmem:s11+$0x4040]  }
0x296: {  	v56 =	vld [tilespmem:s11+$0x4050];
	[tilespmem:s11+$0x9C60] =	vst v1;
	v1 =	vmul.f32 v52, v10  }
0x297: {  	v57 =	vld [tilespmem:s11+$0x4060];
	[tilespmem:s11+$0x9C70] =	vst v2;
	v2 =	vmul.f32 v53, v11  }
0x298: {  	v58 =	vld [tilespmem:s11+$0x4070];
	[tilespmem:s11+$0xA000] =	vst v1;
	v1 =	vmul.f32 v54, v12  }
0x299: {  	v59 =	vld [tilespmem:s11+$0x4400];
	[tilespmem:s11+$0xA010] =	vst v2;
	v2 =	vmul.f32 v55, v14  }
0x29a: {  	[tilespmem:s11+$0xA020] =	vst v1;
	v1 =	vmul.f32 v3, v13;
	v3 =	vld [tilespmem:s11+$0x4410]  }
0x29b: {  	v60 =	vld [tilespmem:s11+$0x4420];
	[tilespmem:s11+$0xA030] =	vst v2;
	v2 =	vmul.f32 v56, v15  }
0x29c: {  	v61 =	vld [tilespmem:s11+$0x4430];
	[tilespmem:s11+$0xA040] =	vst v1;
	v1 =	vmul.f32 v57, v16  }
0x29d: {  	v62 =	vld [tilespmem:s11+$0x4440];
	[tilespmem:s11+$0xA050] =	vst v2;
	v2 =	vmul.f32 v58, v17  }
0x29e: {  	v63 =	vld [tilespmem:s11+$0x4450];
	[tilespmem:s11+$0xA060] =	vst v1;
	v1 =	vmul.f32 v59, v19  }
0x29f: {  	[tilespmem:s11+$0xA070] =	vst v2;
	v2 =	vmul.f32 v3, v18;
	v3 =	vld [tilespmem:s11+$0x4460]  }
0x2a0: {  	[tilespmem:s11+$0xA400] =	vst v1;
	v1 =	vmul.f32 v60, v20  }
0x2a1: {  	[tilespmem:s11+$0xA410] =	vst v2;
	v2 =	vmul.f32 v61, v21  }
0x2a2: {  	p0 =	seq.s32 s24, $0x1F;
	[tilespmem:s11+$0xA420] =	vst v1;
	v1 =	vmul.f32 v62, v23  }
.Ltmp12:
0x2a3: {  	[tilespmem:s11+$0xA430] =	vst v2;
	v2 =	vmul.f32 v63, v22;
	(pc) =	sbr.rel @p0 .LBB2_22-.Ltmp12, $4  }
0x2a4: {  	[tilespmem:s11+$0xA440] =	vst v1;
	v1 =	vmul.f32 v3, v24  }
0x2a5: {  	[tilespmem:s11+$0xA450] =	vst v2  }
0x2a6: {  	s15 =	sadd.s32 s19, s10;
	[tilespmem:s11+$0xA460] =	vst v1  }
0x2a7: {  	[hbm4b:s15+s4] =	stream.linear.scatter [tilespmem:s30], [sflag:$0x4], $0x3000, $0x38;
	[tilespmem:$0x16080] =	vst v63  }
0x2a8: {  	s7 =	sadd.s32 s7, s17  }
.Ltmp13:
0x2a9: {  	s7 =	sshrl.u32 s7, $0x3;
	(pc) =	sbr.rel .LBB2_8-.Ltmp13, $3  }
0x2aa: {  	s7 =	smul.u32 $0x300, s7;
	_ =	sdelay $0x1  }
0x2ab: {  	s24 =	sadd.s32 $0x1, s24;
	s7 =	sadd.s32 s1, s7  }
0x2ac: {  	[tilespmem:s20], [sflag:$0x2] =	stream.linear.gather [hbm4b:s7+s4], $0x3000, $0x38;
	[tilespmem:$0x16080] =	vst v63  }
.LBB2_23:
0x2ad: {  	_ =	sfence.sel $0x180000  }
0x2ae: {  	[bflag:$0x0] =	sbarrier.arrive $0xFFFF  }
0x2af: {  	_ =	strace $0x90000047  }
0x2b0: {  	s0 =	stileid.u32;
	[bflag:$0x2] =	sbarrier.arrive $0xFFFF  }
0x2b1: {  	p0 =	sne.s32 s0, $0x0;
	s0 =	rddreg [dreg:$0x3]  }
0x2b2: {  	s0 =	sadd.s32 @!p0 $0x100000, s0  }
0x2b3: {  	[sflag:s0] =	ssyncadd.tile.s32 @!p0 $0x1;
	_ =	shalt  }
.Lfunc_end2:
_tile_overlayer_lowered:
.L_overlay_start_2:
0x2b4: {  	(tag) =	ssettag $0x2  }
0x2b5: {  	s0 =	rddreg [dreg:$0x0];
	s2 =	stileid.u32  }
0x2b6: {  	s1 =	rddreg [dreg:$0x1];
	p0 =	sne.s32 s2, $0x0  }
0x2b7: {  	s3 =	rddreg [dreg:$0x2];
	[bflag:$0x3] =	sbarrier.arrive $0xFFFF;
	s2 =	simm.s32 @!p0 $0x1C05  }
0x2b8: {  	[timem:s3], [sflag:s2] =	dma.local @!p0 [hbm:s0], s1  }
0x2b9: {  	s0 =	simm.s32 @!p0 $0x5  }
0x2ba: {  	_ =	swait.ge @!p0 [sflag:s0], s1  }
0x2bb: {  	s1 =	ssub.s32 @!p0 $0x0, s1;
	[sflag:s0] =	ssyncset.done @!p0 $0x0  }
0x2bc: {  	[sflag:s0] =	ssyncadd.s32 @!p0 s1  }
0x2bd: {  	[bflag:$0x3] =	sbarrier.arrive $0xFFFF  }
0x2be: {  	_ =	shalt  }

</sc_bundles>
